<compile_context>
chip_gen: v7x
topology: tpu7x:2x2x1
jax: 0.10.2.dev20260603
libtpu: 0.0.44.dev20260713+nightly
codegen_flags: <defaults>
</compile_context>

<pallas_src>
import functools

import jax
import jax.numpy as jnp
from jax import lax
from jax.experimental import pallas as pl
from jax.experimental.pallas import tpu as pltpu
from jax.experimental.pallas import tpu_sc as plsc

IN_F = 32768
KSEL = 8192
BATCH = 128

L = 16
NC = 2
NS = 16
NBINS = 256
SHIFTS = (0, 8, 16, 24)
CHUNK = IN_F // NS
ROWS_PER_TILE = BATCH // (NC * NS)



def _key_body(s_ref, k_ref):
    s = s_ref[...]
    m = jnp.max(s)
    u = jnp.exp(s - m)
    p = u / jnp.sum(u)
    kb = lax.bitcast_convert_type(p, jnp.int32)
    k_ref[...] = jnp.bitwise_not(kb)


def _make_keys(score, interpret=False):
    s2 = score.reshape(256, 128)
    keys = pl.pallas_call(
        _key_body,
        out_shape=jax.ShapeDtypeStruct((256, 128), jnp.int32),
        interpret=interpret,
    )(s2)
    return keys.reshape(IN_F)



def _sc_body(keys_hbm, x_hbm, out_hbm,
             ck, cp, pos, digs, rcs, lst, lh, offs, ht, rowA, rowB, idxb,
             oA, oB, spKA, spKB, spPA, spPB, sph, sem, semr, semw):
    cid = lax.axis_index("c")
    sid = lax.axis_index("s")
    iota = lax.iota(jnp.int32, L)
    t0 = sid * CHUNK
    wid = cid * NS + sid
    rows = (rowA, rowB)
    obufs = (oA, oB)

    pre0 = pltpu.async_copy(x_hbm.at[wid * ROWS_PER_TILE], rowA, semr)
    pre1 = pltpu.async_copy(x_hbm.at[wid * ROWS_PER_TILE + 1], rowB, semr)

    for pno, shift in enumerate(SHIFTS):
        srcK = (None, spKB, spKA, spKB)[pno]
        srcP = (None, spPB, spPA, spPB)[pno]
        dstK = (spKB, spKA, spKB, spKA)[pno]
        dstP = (spPB, spPA, spPB, spPA)[pno]

        if pno == 0:
            pltpu.sync_copy(keys_hbm.at[pl.ds(t0, CHUNK)], ck)
        else:
            pltpu.sync_copy(srcK.at[pl.ds(t0, CHUNK)], ck)
            pltpu.sync_copy(srcP.at[pl.ds(t0, CHUNK)], cp)

        def _aux(j, _):
            for u in range(4):
                o = j * 4 * L + u * L
                k = ck[pl.ds(o, L)]
                dig = lax.shift_right_logical(k, shift) & (NBINS - 1)
                rc, last = plsc.scan_count(dig)
                digs[pl.ds(o, L)] = dig
                rcs[pl.ds(o, L)] = rc
                lst[pl.ds(o, L)] = jnp.where(last, 1, 0)
            return 0
        lax.fori_loop(0, CHUNK // (4 * L), _aux, 0)

        def _zero(j, _):
            lh[pl.ds(j * L, L)] = jnp.zeros((L,), jnp.int32)
            return 0
        lax.fori_loop(0, NBINS // L, _zero, 0)

        def _hist(j, _):
            for u in range(4):
                o = j * 4 * L + u * L
                dig = digs[pl.ds(o, L)]
                rc = rcs[pl.ds(o, L)]
                last = lst[pl.ds(o, L)] > 0
                plsc.addupdate_scatter(lh, [dig], rc, mask=last)
            return 0
        lax.fori_loop(0, CHUNK // (4 * L), _hist, 0)

        pltpu.sync_copy(lh, sph.at[pl.ds(sid * NBINS, NBINS)])
        plsc.subcore_barrier()
        pltpu.sync_copy(sph, ht)

        def _offsets(g, carry):
            total = jnp.zeros((L,), jnp.int32)
            before = jnp.zeros((L,), jnp.int32)
            for tp in range(NS):
                v = ht[pl.ds(tp * NBINS + g * L, L)]
                total = total + v
                before = before + v * jnp.where(tp < sid, 1, 0)
            ex = plsc.cumsum(total) - total + carry
            offs[pl.ds(g * L, L)] = ex + before
            return carry + jnp.sum(total)
        lax.fori_loop(0, NBINS // L, _offsets, jnp.int32(0))

        def _pos(j, _):
            for u in range(4):
                o = j * 4 * L + u * L
                dig = digs[pl.ds(o, L)]
                rc = rcs[pl.ds(o, L)]
                last = lst[pl.ds(o, L)] > 0
                base = plsc.load_gather(offs, [dig])
                pos[pl.ds(o, L)] = base + rc - 1
                plsc.store_scatter(offs, [dig], base + rc, mask=last)
                if pno == 0:
                    cp[pl.ds(o, L)] = t0 + o + iota
            return 0
        lax.fori_loop(0, CHUNK // (4 * L), _pos, 0)

        c2 = pltpu.async_copy(cp, dstP.at[pos], sem)
        if pno < len(SHIFTS) - 1:
            c1 = pltpu.async_copy(ck, dstK.at[pos], sem)
            c1.wait()
        c2.wait()
        plsc.subcore_barrier()

    pltpu.sync_copy(spPA.at[pl.ds(0, KSEL)], idxb)
    cps = [pre0, pre1, None, None]
    outs = [None] * ROWS_PER_TILE
    for rr in range(ROWS_PER_TILE):
        b = wid * ROWS_PER_TILE + rr
        cps[rr].wait()
        if rr >= 2:
            outs[rr - 2].wait()
        rowbuf = rows[rr % 2]
        obuf = obufs[rr % 2]

        def _gather(j, _):
            for u in range(4):
                o = j * 4 * L + u * L
                idxv = idxb[pl.ds(o, L)]
                obuf[pl.ds(o, L)] = plsc.load_gather(rowbuf, [idxv])
            return 0
        lax.fori_loop(0, KSEL // (4 * L), _gather, 0)
        outs[rr] = pltpu.async_copy(obuf, out_hbm.at[b], semw)
        if rr + 2 < ROWS_PER_TILE:
            cps[rr + 2] = pltpu.async_copy(x_hbm.at[b + 2], rowbuf, semr)
    for rr in range(max(0, ROWS_PER_TILE - 2), ROWS_PER_TILE):
        outs[rr].wait()


def _make_sc_call(interpret=False):
    mesh = plsc.VectorSubcoreMesh(core_axis_name="c", subcore_axis_name="s",
                                  num_cores=NC, num_subcores=NS)
    return pl.kernel(
        _sc_body,
        out_type=jax.ShapeDtypeStruct((BATCH, KSEL), jnp.float32),
        mesh=mesh,
        scratch_types=[
            pltpu.VMEM((CHUNK,), jnp.int32),
            pltpu.VMEM((CHUNK,), jnp.int32),
            pltpu.VMEM((CHUNK,), jnp.int32),
            pltpu.VMEM((CHUNK,), jnp.int32),
            pltpu.VMEM((CHUNK,), jnp.int32),
            pltpu.VMEM((CHUNK,), jnp.int32),
            pltpu.VMEM((NBINS,), jnp.int32),
            pltpu.VMEM((NBINS,), jnp.int32),
            pltpu.VMEM((NS * NBINS,), jnp.int32),
            pltpu.VMEM((IN_F,), jnp.float32),
            pltpu.VMEM((IN_F,), jnp.float32),
            pltpu.VMEM((KSEL,), jnp.int32),
            pltpu.VMEM((KSEL,), jnp.float32),
            pltpu.VMEM((KSEL,), jnp.float32),
            pltpu.VMEM_SHARED((IN_F,), jnp.int32),
            pltpu.VMEM_SHARED((IN_F,), jnp.int32),
            pltpu.VMEM_SHARED((IN_F,), jnp.int32),
            pltpu.VMEM_SHARED((IN_F,), jnp.int32),
            pltpu.VMEM_SHARED((NS * NBINS,), jnp.int32),
            pltpu.SemaphoreType.DMA,
            pltpu.SemaphoreType.DMA,
            pltpu.SemaphoreType.DMA,
        ],
        compiler_params=pltpu.CompilerParams(needs_layout_passes=False),
        interpret=interpret,
    )


def kernel(x, score):
    keys = _make_keys(score)
    return _make_sc_call()(keys, x)

# --- scband reference (transcript-rebuilt; emitter-appended) ---
"""Pipeline reference for scband-feature-selector-65481071409786 (READ-ONLY COPY).

The authoritative reference and input builder live on the scoring server;
editing this copy changes nothing except your own understanding.
"""

import jax, jax.numpy as jnp
import numpy as np

IN_FEATURES = 32768
K = 8192
BATCH = 128

def setup_inputs(seed: int = 0) -> dict:
    key = jax.random.key(seed)
    kx, ks = jax.random.split(key)
    x = jax.random.normal(kx, (BATCH, IN_FEATURES), dtype=jnp.float32)
    score = jax.random.normal(ks, (IN_FEATURES,), dtype=jnp.float32)
    return {"x": x, "score": score}

def reference(x, score):
    # probs = softmax(score); topk(probs, k) -> indices; index_select(x, 1, idx)
    probs = jax.nn.softmax(score, axis=0)
    _, idx = jax.lax.top_k(probs, K)
    return jnp.take(x, idx, axis=1)

if __name__ == "__main__":
    import jax
    _d = setup_inputs()
    print(jax.jit(kernel)(*tuple(_d.values())))

</pallas_src>

<mosaic_0001>
#map = affine_map<(d0, d1) -> (0)>
#map1 = affine_map<(d0, d1) -> (0, 0)>
module attributes {stable_mosaic.version = 14 : i64} {
  func.func @_sc_body(%arg0: i32, %arg1: i32, %arg2: memref<32768xi32, #tpu.memory_space<hbm>>, %arg3: memref<128x32768xf32, #tpu.memory_space<hbm>>, %arg4: memref<128x8192xf32, #tpu.memory_space<hbm>>, %arg5: memref<2048xi32, #tpu.memory_space<vmem>>, %arg6: memref<2048xi32, #tpu.memory_space<vmem>>, %arg7: memref<2048xi32, #tpu.memory_space<vmem>>, %arg8: memref<2048xi32, #tpu.memory_space<vmem>>, %arg9: memref<2048xi32, #tpu.memory_space<vmem>>, %arg10: memref<2048xi32, #tpu.memory_space<vmem>>, %arg11: memref<256xi32, #tpu.memory_space<vmem>>, %arg12: memref<256xi32, #tpu.memory_space<vmem>>, %arg13: memref<4096xi32, #tpu.memory_space<vmem>>, %arg14: memref<32768xf32, #tpu.memory_space<vmem>>, %arg15: memref<32768xf32, #tpu.memory_space<vmem>>, %arg16: memref<8192xi32, #tpu.memory_space<vmem>>, %arg17: memref<8192xf32, #tpu.memory_space<vmem>>, %arg18: memref<8192xf32, #tpu.memory_space<vmem>>, %arg19: memref<32768xi32, #tpu.memory_space<vmem_shared>>, %arg20: memref<32768xi32, #tpu.memory_space<vmem_shared>>, %arg21: memref<32768xi32, #tpu.memory_space<vmem_shared>>, %arg22: memref<32768xi32, #tpu.memory_space<vmem_shared>>, %arg23: memref<4096xi32, #tpu.memory_space<vmem_shared>>, %arg24: memref<!tpu.dma_semaphore, #tpu.memory_space<semaphore_mem>>, %arg25: memref<!tpu.dma_semaphore, #tpu.memory_space<semaphore_mem>>, %arg26: memref<!tpu.dma_semaphore, #tpu.memory_space<semaphore_mem>>) attributes {dimension_semantics = [#tpu.dimension_semantics<core_parallel>, #tpu.dimension_semantics<subcore_parallel>], iteration_bounds = array<i64: 2, 16>, scalar_prefetch = 0 : i64, scratch_operands = 22 : i64, tpu.core_type = #tpu.core_type<sc_vector_subcore>, window_params = [{transform_indices = #map}, {transform_indices = #map1}, {transform_indices = #map1}]} {
    %iota3A = tpu.iota {dimensions = array<i32: 0>} : vector<16xi32>
    %mul3A = arith.constant 2048 : i32
    %mul3A_0 = arith.muli %arg1, %mul3A : i32
    %mul3A_1 = arith.constant 16 : i32
    %mul3A_2 = arith.muli %arg0, %mul3A_1 : i32
    %add3A = arith.addi %mul3A_2, %arg1 : i32
    %mul3A_3 = arith.constant 4 : i32
    %mul3A_4 = arith.muli %add3A, %mul3A_3 : i32
    %dma_start3A = arith.constant 0 : i32
    %dma_start3A_5 = tpu.memref_slice %arg3[%mul3A_4, %dma_start3A] : memref<128x32768xf32, #tpu.memory_space<hbm>> -> memref<1x32768xf32, #tpu.memory_space<hbm>>
    %dma_start3A_6 = tpu.memref_squeeze %dma_start3A_5 : memref<1x32768xf32, #tpu.memory_space<hbm>> -> memref<32768xf32, #tpu.memory_space<hbm>>
    %dma_start3A_7 = arith.constant 0 : i32
    %dma_start3A_8 = tpu.memref_slice %arg3[%mul3A_4, %dma_start3A_7] : memref<128x32768xf32, #tpu.memory_space<hbm>> -> memref<1x32768xf32, #tpu.memory_space<hbm>>
    %dma_start3A_9 = tpu.memref_squeeze %dma_start3A_8 : memref<1x32768xf32, #tpu.memory_space<hbm>> -> memref<32768xf32, #tpu.memory_space<hbm>>
    tpu.enqueue_dma source(%dma_start3A_9 : memref<32768xf32, #tpu.memory_space<hbm>>) target(%arg14 : memref<32768xf32, #tpu.memory_space<vmem>>) target_semaphore(%arg25 : memref<!tpu.dma_semaphore, #tpu.memory_space<semaphore_mem>>)
    %mul3A_10 = arith.constant 4 : i32
    %mul3A_11 = arith.muli %add3A, %mul3A_10 : i32
    %add3A_12 = arith.constant 1 : i32
    %add3A_13 = arith.addi %mul3A_11, %add3A_12 : i32
    %dma_start3A_14 = arith.constant 0 : i32
    %dma_start3A_15 = tpu.memref_slice %arg3[%add3A_13, %dma_start3A_14] : memref<128x32768xf32, #tpu.memory_space<hbm>> -> memref<1x32768xf32, #tpu.memory_space<hbm>>
    %dma_start3A_16 = tpu.memref_squeeze %dma_start3A_15 : memref<1x32768xf32, #tpu.memory_space<hbm>> -> memref<32768xf32, #tpu.memory_space<hbm>>
    %dma_start3A_17 = arith.constant 0 : i32
    %dma_start3A_18 = tpu.memref_slice %arg3[%add3A_13, %dma_start3A_17] : memref<128x32768xf32, #tpu.memory_space<hbm>> -> memref<1x32768xf32, #tpu.memory_space<hbm>>
    %dma_start3A_19 = tpu.memref_squeeze %dma_start3A_18 : memref<1x32768xf32, #tpu.memory_space<hbm>> -> memref<32768xf32, #tpu.memory_space<hbm>>
    tpu.enqueue_dma source(%dma_start3A_19 : memref<32768xf32, #tpu.memory_space<hbm>>) target(%arg15 : memref<32768xf32, #tpu.memory_space<vmem>>) target_semaphore(%arg25 : memref<!tpu.dma_semaphore, #tpu.memory_space<semaphore_mem>>)
    "tpu.region"() ({
      %run_scoped3A = tpu.sem_alloc : memref<!tpu.dma_semaphore, #tpu.memory_space<semaphore_mem>>
      %dma_start3A_333 = tpu.memref_slice %arg2[%mul3A_0] : memref<32768xi32, #tpu.memory_space<hbm>> -> memref<2048xi32, #tpu.memory_space<hbm>>
      %dma_start3A_334 = tpu.memref_slice %arg2[%mul3A_0] : memref<32768xi32, #tpu.memory_space<hbm>> -> memref<2048xi32, #tpu.memory_space<hbm>>
      tpu.enqueue_dma source(%dma_start3A_334 : memref<2048xi32, #tpu.memory_space<hbm>>) target(%arg5 : memref<2048xi32, #tpu.memory_space<vmem>>) target_semaphore(%run_scoped3A : memref<!tpu.dma_semaphore, #tpu.memory_space<semaphore_mem>>)
      %dma_wait3A_335 = tpu.memref_slice %arg2[%mul3A_0] : memref<32768xi32, #tpu.memory_space<hbm>> -> memref<2048xi32, #tpu.memory_space<hbm>>
      %dma_wait3A_336 = tpu.memref_slice %arg2[%mul3A_0] : memref<32768xi32, #tpu.memory_space<hbm>> -> memref<2048xi32, #tpu.memory_space<hbm>>
      tpu.wait_dma2 semaphore(%run_scoped3A : memref<!tpu.dma_semaphore, #tpu.memory_space<semaphore_mem>>) src(%dma_wait3A_336 : memref<2048xi32, #tpu.memory_space<hbm>>) dst(%arg5 : memref<2048xi32, #tpu.memory_space<vmem>>)
      tpu.yield
    }) : () -> ()
    %scan3A = arith.constant 0 : i32
    %scan3A_20 = arith.constant 0 : i32
    %scan3A_21 = arith.constant 32 : i32
    %scan3A_22 = arith.addi %scan3A_20, %scan3A_21 : i32
    %scan3A_23 = arith.constant 1 : i32
    %scan3A_24 = scf.for %scan3A_333 = %scan3A_20 to %scan3A_22 step %scan3A_23 iter_args(%scan3A_334 = %scan3A) -> (i32)  : i32 {
      %mul3A_335 = arith.constant 4 : i32
      %mul3A_336 = arith.muli %scan3A_333, %mul3A_335 : i32
      %mul3A_337 = arith.constant 16 : i32
      %mul3A_338 = arith.muli %mul3A_336, %mul3A_337 : i32
      %add3A_339 = arith.constant 0 : i32
      %add3A_340 = arith.addi %mul3A_338, %add3A_339 : i32
      %get3A = arith.index_cast %add3A_340 : i32 to index
      %get3A_341 = tpu.vector_load %arg5[%get3A] {strides = array<i32>} : memref<2048xi32, #tpu.memory_space<vmem>>, vector<16xi32>,
      %shift_right_logical3A = arith.constant 0 : i32
      %shift_right_logical3A_342 = vector.broadcast %shift_right_logical3A : i32 to vector<16xi32>
      %shift_right_logical3A_343 = arith.shrui %get3A_341, %shift_right_logical3A_342 : vector<16xi32>
      %and3A = arith.constant 255 : i32
      %and3A_344 = vector.broadcast %and3A : i32 to vector<16xi32>
      %and3A_345 = arith.andi %shift_right_logical3A_343, %and3A_344 : vector<16xi32>
      %broadcast_in_dim3A = arith.constant true
      %broadcast_in_dim3A_346 = vector.broadcast %broadcast_in_dim3A : i1 to vector<16xi1>
      %unique3A, %unique3A_347 = tpu.scan_count mask(%broadcast_in_dim3A_346 : vector<16xi1>) value(%and3A_345 : vector<16xi32>) : vector<16xi1>, vector<16xi32>
      %swap3A = arith.index_cast %add3A_340 : i32 to index
      %swap3A_348 = tpu.vector_load %arg8[%swap3A] {strides = array<i32>} : memref<2048xi32, #tpu.memory_space<vmem>>, vector<16xi32>,
      tpu.vector_store %arg8[%swap3A], %and3A_345 {strides = array<i32>} : memref<2048xi32, #tpu.memory_space<vmem>>, vector<16xi32>,
      %swap3A_349 = arith.index_cast %add3A_340 : i32 to index
      %swap3A_350 = tpu.vector_load %arg9[%swap3A_349] {strides = array<i32>} : memref<2048xi32, #tpu.memory_space<vmem>>, vector<16xi32>,
      tpu.vector_store %arg9[%swap3A_349], %unique3A_347 {strides = array<i32>} : memref<2048xi32, #tpu.memory_space<vmem>>, vector<16xi32>,
      %jit3A = arith.constant 1 : i32
      %jit3A_351 = arith.constant 0 : i32
      %broadcast_in_dim3A_352 = vector.broadcast %jit3A : i32 to vector<16xi32>
      %broadcast_in_dim3A_353 = vector.broadcast %jit3A_351 : i32 to vector<16xi32>
      %select_n3A = arith.select %unique3A, %broadcast_in_dim3A_352, %broadcast_in_dim3A_353 : vector<16xi1>, vector<16xi32>
      %swap3A_354 = arith.index_cast %add3A_340 : i32 to index
      %swap3A_355 = tpu.vector_load %arg10[%swap3A_354] {strides = array<i32>} : memref<2048xi32, #tpu.memory_space<vmem>>, vector<16xi32>,
      tpu.vector_store %arg10[%swap3A_354], %select_n3A {strides = array<i32>} : memref<2048xi32, #tpu.memory_space<vmem>>, vector<16xi32>,
      %mul3A_356 = arith.constant 4 : i32
      %mul3A_357 = arith.muli %scan3A_333, %mul3A_356 : i32
      %mul3A_358 = arith.constant 16 : i32
      %mul3A_359 = arith.muli %mul3A_357, %mul3A_358 : i32
      %add3A_360 = arith.constant 16 : i32
      %add3A_361 = arith.addi %mul3A_359, %add3A_360 : i32
      %get3A_362 = arith.index_cast %add3A_361 : i32 to index
      %get3A_363 = tpu.vector_load %arg5[%get3A_362] {strides = array<i32>} : memref<2048xi32, #tpu.memory_space<vmem>>, vector<16xi32>,
      %shift_right_logical3A_364 = arith.constant 0 : i32
      %shift_right_logical3A_365 = vector.broadcast %shift_right_logical3A_364 : i32 to vector<16xi32>
      %shift_right_logical3A_366 = arith.shrui %get3A_363, %shift_right_logical3A_365 : vector<16xi32>
      %and3A_367 = arith.constant 255 : i32
      %and3A_368 = vector.broadcast %and3A_367 : i32 to vector<16xi32>
      %and3A_369 = arith.andi %shift_right_logical3A_366, %and3A_368 : vector<16xi32>
      %broadcast_in_dim3A_370 = arith.constant true
      %broadcast_in_dim3A_371 = vector.broadcast %broadcast_in_dim3A_370 : i1 to vector<16xi1>
      %unique3A_372, %unique3A_373 = tpu.scan_count mask(%broadcast_in_dim3A_371 : vector<16xi1>) value(%and3A_369 : vector<16xi32>) : vector<16xi1>, vector<16xi32>
      %swap3A_374 = arith.index_cast %add3A_361 : i32 to index
      %swap3A_375 = tpu.vector_load %arg8[%swap3A_374] {strides = array<i32>} : memref<2048xi32, #tpu.memory_space<vmem>>, vector<16xi32>,
      tpu.vector_store %arg8[%swap3A_374], %and3A_369 {strides = array<i32>} : memref<2048xi32, #tpu.memory_space<vmem>>, vector<16xi32>,
      %swap3A_376 = arith.index_cast %add3A_361 : i32 to index
      %swap3A_377 = tpu.vector_load %arg9[%swap3A_376] {strides = array<i32>} : memref<2048xi32, #tpu.memory_space<vmem>>, vector<16xi32>,
      tpu.vector_store %arg9[%swap3A_376], %unique3A_373 {strides = array<i32>} : memref<2048xi32, #tpu.memory_space<vmem>>, vector<16xi32>,
      %jit3A_378 = arith.constant 1 : i32
      %jit3A_379 = arith.constant 0 : i32
      %broadcast_in_dim3A_380 = vector.broadcast %jit3A_378 : i32 to vector<16xi32>
      %broadcast_in_dim3A_381 = vector.broadcast %jit3A_379 : i32 to vector<16xi32>
      %select_n3A_382 = arith.select %unique3A_372, %broadcast_in_dim3A_380, %broadcast_in_dim3A_381 : vector<16xi1>, vector<16xi32>
      %swap3A_383 = arith.index_cast %add3A_361 : i32 to index
      %swap3A_384 = tpu.vector_load %arg10[%swap3A_383] {strides = array<i32>} : memref<2048xi32, #tpu.memory_space<vmem>>, vector<16xi32>,
      tpu.vector_store %arg10[%swap3A_383], %select_n3A_382 {strides = array<i32>} : memref<2048xi32, #tpu.memory_space<vmem>>, vector<16xi32>,
      %mul3A_385 = arith.constant 4 : i32
      %mul3A_386 = arith.muli %scan3A_333, %mul3A_385 : i32
      %mul3A_387 = arith.constant 16 : i32
      %mul3A_388 = arith.muli %mul3A_386, %mul3A_387 : i32
      %add3A_389 = arith.constant 32 : i32
      %add3A_390 = arith.addi %mul3A_388, %add3A_389 : i32
      %get3A_391 = arith.index_cast %add3A_390 : i32 to index
      %get3A_392 = tpu.vector_load %arg5[%get3A_391] {strides = array<i32>} : memref<2048xi32, #tpu.memory_space<vmem>>, vector<16xi32>,
      %shift_right_logical3A_393 = arith.constant 0 : i32
      %shift_right_logical3A_394 = vector.broadcast %shift_right_logical3A_393 : i32 to vector<16xi32>
      %shift_right_logical3A_395 = arith.shrui %get3A_392, %shift_right_logical3A_394 : vector<16xi32>
      %and3A_396 = arith.constant 255 : i32
      %and3A_397 = vector.broadcast %and3A_396 : i32 to vector<16xi32>
      %and3A_398 = arith.andi %shift_right_logical3A_395, %and3A_397 : vector<16xi32>
      %broadcast_in_dim3A_399 = arith.constant true
      %broadcast_in_dim3A_400 = vector.broadcast %broadcast_in_dim3A_399 : i1 to vector<16xi1>
      %unique3A_401, %unique3A_402 = tpu.scan_count mask(%broadcast_in_dim3A_400 : vector<16xi1>) value(%and3A_398 : vector<16xi32>) : vector<16xi1>, vector<16xi32>
      %swap3A_403 = arith.index_cast %add3A_390 : i32 to index
      %swap3A_404 = tpu.vector_load %arg8[%swap3A_403] {strides = array<i32>} : memref<2048xi32, #tpu.memory_space<vmem>>, vector<16xi32>,
      tpu.vector_store %arg8[%swap3A_403], %and3A_398 {strides = array<i32>} : memref<2048xi32, #tpu.memory_space<vmem>>, vector<16xi32>,
      %swap3A_405 = arith.index_cast %add3A_390 : i32 to index
      %swap3A_406 = tpu.vector_load %arg9[%swap3A_405] {strides = array<i32>} : memref<2048xi32, #tpu.memory_space<vmem>>, vector<16xi32>,
      tpu.vector_store %arg9[%swap3A_405], %unique3A_402 {strides = array<i32>} : memref<2048xi32, #tpu.memory_space<vmem>>, vector<16xi32>,
      %jit3A_407 = arith.constant 1 : i32
      %jit3A_408 = arith.constant 0 : i32
      %broadcast_in_dim3A_409 = vector.broadcast %jit3A_407 : i32 to vector<16xi32>
      %broadcast_in_dim3A_410 = vector.broadcast %jit3A_408 : i32 to vector<16xi32>
      %select_n3A_411 = arith.select %unique3A_401, %broadcast_in_dim3A_409, %broadcast_in_dim3A_410 : vector<16xi1>, vector<16xi32>
      %swap3A_412 = arith.index_cast %add3A_390 : i32 to index
      %swap3A_413 = tpu.vector_load %arg10[%swap3A_412] {strides = array<i32>} : memref<2048xi32, #tpu.memory_space<vmem>>, vector<16xi32>,
      tpu.vector_store %arg10[%swap3A_412], %select_n3A_411 {strides = array<i32>} : memref<2048xi32, #tpu.memory_space<vmem>>, vector<16xi32>,
      %mul3A_414 = arith.constant 4 : i32
      %mul3A_415 = arith.muli %scan3A_333, %mul3A_414 : i32
      %mul3A_416 = arith.constant 16 : i32
      %mul3A_417 = arith.muli %mul3A_415, %mul3A_416 : i32
      %add3A_418 = arith.constant 48 : i32
      %add3A_419 = arith.addi %mul3A_417, %add3A_418 : i32
      %get3A_420 = arith.index_cast %add3A_419 : i32 to index
      %get3A_421 = tpu.vector_load %arg5[%get3A_420] {strides = array<i32>} : memref<2048xi32, #tpu.memory_space<vmem>>, vector<16xi32>,
      %shift_right_logical3A_422 = arith.constant 0 : i32
      %shift_right_logical3A_423 = vector.broadcast %shift_right_logical3A_422 : i32 to vector<16xi32>
      %shift_right_logical3A_424 = arith.shrui %get3A_421, %shift_right_logical3A_423 : vector<16xi32>
      %and3A_425 = arith.constant 255 : i32
      %and3A_426 = vector.broadcast %and3A_425 : i32 to vector<16xi32>
      %and3A_427 = arith.andi %shift_right_logical3A_424, %and3A_426 : vector<16xi32>
      %broadcast_in_dim3A_428 = arith.constant true
      %broadcast_in_dim3A_429 = vector.broadcast %broadcast_in_dim3A_428 : i1 to vector<16xi1>
      %unique3A_430, %unique3A_431 = tpu.scan_count mask(%broadcast_in_dim3A_429 : vector<16xi1>) value(%and3A_427 : vector<16xi32>) : vector<16xi1>, vector<16xi32>
      %swap3A_432 = arith.index_cast %add3A_419 : i32 to index
      %swap3A_433 = tpu.vector_load %arg8[%swap3A_432] {strides = array<i32>} : memref<2048xi32, #tpu.memory_space<vmem>>, vector<16xi32>,
      tpu.vector_store %arg8[%swap3A_432], %and3A_427 {strides = array<i32>} : memref<2048xi32, #tpu.memory_space<vmem>>, vector<16xi32>,
      %swap3A_434 = arith.index_cast %add3A_419 : i32 to index
      %swap3A_435 = tpu.vector_load %arg9[%swap3A_434] {strides = array<i32>} : memref<2048xi32, #tpu.memory_space<vmem>>, vector<16xi32>,
      tpu.vector_store %arg9[%swap3A_434], %unique3A_431 {strides = array<i32>} : memref<2048xi32, #tpu.memory_space<vmem>>, vector<16xi32>,
      %jit3A_436 = arith.constant 1 : i32
      %jit3A_437 = arith.constant 0 : i32
      %broadcast_in_dim3A_438 = vector.broadcast %jit3A_436 : i32 to vector<16xi32>
      %broadcast_in_dim3A_439 = vector.broadcast %jit3A_437 : i32 to vector<16xi32>
      %select_n3A_440 = arith.select %unique3A_430, %broadcast_in_dim3A_438, %broadcast_in_dim3A_439 : vector<16xi1>, vector<16xi32>
      %swap3A_441 = arith.index_cast %add3A_419 : i32 to index
      %swap3A_442 = tpu.vector_load %arg10[%swap3A_441] {strides = array<i32>} : memref<2048xi32, #tpu.memory_space<vmem>>, vector<16xi32>,
      tpu.vector_store %arg10[%swap3A_441], %select_n3A_440 {strides = array<i32>} : memref<2048xi32, #tpu.memory_space<vmem>>, vector<16xi32>,
      %scan3A_443 = arith.constant 0 : i32
      scf.yield %scan3A_443 : i32
    }
    %scan3A_25 = arith.constant 32 : i32
    %scan3A_26 = arith.constant 0 : i32
    %scan3A_27 = arith.constant 0 : i32
    %scan3A_28 = arith.constant 16 : i32
    %scan3A_29 = arith.addi %scan3A_27, %scan3A_28 : i32
    %scan3A_30 = arith.constant 1 : i32
    %scan3A_31 = scf.for %scan3A_333 = %scan3A_27 to %scan3A_29 step %scan3A_30 iter_args(%scan3A_334 = %scan3A_26) -> (i32)  : i32 {
      %broadcast_in_dim3A = arith.constant 0 : i32
      %broadcast_in_dim3A_335 = vector.broadcast %broadcast_in_dim3A : i32 to vector<16xi32>
      %mul3A_336 = arith.constant 16 : i32
      %mul3A_337 = arith.muli %scan3A_333, %mul3A_336 : i32
      %swap3A = arith.index_cast %mul3A_337 : i32 to index
      %swap3A_338 = tpu.vector_load %arg11[%swap3A] {strides = array<i32>} : memref<256xi32, #tpu.memory_space<vmem>>, vector<16xi32>,
      tpu.vector_store %arg11[%swap3A], %broadcast_in_dim3A_335 {strides = array<i32>} : memref<256xi32, #tpu.memory_space<vmem>>, vector<16xi32>,
      %scan3A_339 = arith.constant 0 : i32
      scf.yield %scan3A_339 : i32
    }
    %scan3A_32 = arith.constant 16 : i32
    %scan3A_33 = arith.constant 0 : i32
    %scan3A_34 = arith.constant 0 : i32
    %scan3A_35 = arith.constant 32 : i32
    %scan3A_36 = arith.addi %scan3A_34, %scan3A_35 : i32
    %scan3A_37 = arith.constant 1 : i32
    %scan3A_38 = scf.for %scan3A_333 = %scan3A_34 to %scan3A_36 step %scan3A_37 iter_args(%scan3A_334 = %scan3A_33) -> (i32)  : i32 {
      %mul3A_335 = arith.constant 4 : i32
      %mul3A_336 = arith.muli %scan3A_333, %mul3A_335 : i32
      %mul3A_337 = arith.constant 16 : i32
      %mul3A_338 = arith.muli %mul3A_336, %mul3A_337 : i32
      %add3A_339 = arith.constant 0 : i32
      %add3A_340 = arith.addi %mul3A_338, %add3A_339 : i32
      %get3A = arith.index_cast %add3A_340 : i32 to index
      %get3A_341 = tpu.vector_load %arg8[%get3A] {strides = array<i32>} : memref<2048xi32, #tpu.memory_space<vmem>>, vector<16xi32>,
      %get3A_342 = arith.index_cast %add3A_340 : i32 to index
      %get3A_343 = tpu.vector_load %arg9[%get3A_342] {strides = array<i32>} : memref<2048xi32, #tpu.memory_space<vmem>>, vector<16xi32>,
      %get3A_344 = arith.index_cast %add3A_340 : i32 to index
      %get3A_345 = tpu.vector_load %arg10[%get3A_344] {strides = array<i32>} : memref<2048xi32, #tpu.memory_space<vmem>>, vector<16xi32>,
      %gt3A = arith.constant 0 : i32
      %gt3A_346 = vector.broadcast %gt3A : i32 to vector<16xi32>
      %gt3A_347 = arith.cmpi sgt, %get3A_345, %gt3A_346 : vector<16xi32>
      tpu.vector_store_idx %arg11[%get3A_341], %get3A_343 masked %gt3A_347 {add = true} : memref<256xi32, #tpu.memory_space<vmem>>[vector<16xi32>], vector<16xi32>, vector<16xi1>
      %mul3A_348 = arith.constant 4 : i32
      %mul3A_349 = arith.muli %scan3A_333, %mul3A_348 : i32
      %mul3A_350 = arith.constant 16 : i32
      %mul3A_351 = arith.muli %mul3A_349, %mul3A_350 : i32
      %add3A_352 = arith.constant 16 : i32
      %add3A_353 = arith.addi %mul3A_351, %add3A_352 : i32
      %get3A_354 = arith.index_cast %add3A_353 : i32 to index
      %get3A_355 = tpu.vector_load %arg8[%get3A_354] {strides = array<i32>} : memref<2048xi32, #tpu.memory_space<vmem>>, vector<16xi32>,
      %get3A_356 = arith.index_cast %add3A_353 : i32 to index
      %get3A_357 = tpu.vector_load %arg9[%get3A_356] {strides = array<i32>} : memref<2048xi32, #tpu.memory_space<vmem>>, vector<16xi32>,
      %get3A_358 = arith.index_cast %add3A_353 : i32 to index
      %get3A_359 = tpu.vector_load %arg10[%get3A_358] {strides = array<i32>} : memref<2048xi32, #tpu.memory_space<vmem>>, vector<16xi32>,
      %gt3A_360 = arith.constant 0 : i32
      %gt3A_361 = vector.broadcast %gt3A_360 : i32 to vector<16xi32>
      %gt3A_362 = arith.cmpi sgt, %get3A_359, %gt3A_361 : vector<16xi32>
      tpu.vector_store_idx %arg11[%get3A_355], %get3A_357 masked %gt3A_362 {add = true} : memref<256xi32, #tpu.memory_space<vmem>>[vector<16xi32>], vector<16xi32>, vector<16xi1>
      %mul3A_363 = arith.constant 4 : i32
      %mul3A_364 = arith.muli %scan3A_333, %mul3A_363 : i32
      %mul3A_365 = arith.constant 16 : i32
      %mul3A_366 = arith.muli %mul3A_364, %mul3A_365 : i32
      %add3A_367 = arith.constant 32 : i32
      %add3A_368 = arith.addi %mul3A_366, %add3A_367 : i32
      %get3A_369 = arith.index_cast %add3A_368 : i32 to index
      %get3A_370 = tpu.vector_load %arg8[%get3A_369] {strides = array<i32>} : memref<2048xi32, #tpu.memory_space<vmem>>, vector<16xi32>,
      %get3A_371 = arith.index_cast %add3A_368 : i32 to index
      %get3A_372 = tpu.vector_load %arg9[%get3A_371] {strides = array<i32>} : memref<2048xi32, #tpu.memory_space<vmem>>, vector<16xi32>,
      %get3A_373 = arith.index_cast %add3A_368 : i32 to index
      %get3A_374 = tpu.vector_load %arg10[%get3A_373] {strides = array<i32>} : memref<2048xi32, #tpu.memory_space<vmem>>, vector<16xi32>,
      %gt3A_375 = arith.constant 0 : i32
      %gt3A_376 = vector.broadcast %gt3A_375 : i32 to vector<16xi32>
      %gt3A_377 = arith.cmpi sgt, %get3A_374, %gt3A_376 : vector<16xi32>
      tpu.vector_store_idx %arg11[%get3A_370], %get3A_372 masked %gt3A_377 {add = true} : memref<256xi32, #tpu.memory_space<vmem>>[vector<16xi32>], vector<16xi32>, vector<16xi1>
      %mul3A_378 = arith.constant 4 : i32
      %mul3A_379 = arith.muli %scan3A_333, %mul3A_378 : i32
      %mul3A_380 = arith.constant 16 : i32
      %mul3A_381 = arith.muli %mul3A_379, %mul3A_380 : i32
      %add3A_382 = arith.constant 48 : i32
      %add3A_383 = arith.addi %mul3A_381, %add3A_382 : i32
      %get3A_384 = arith.index_cast %add3A_383 : i32 to index
      %get3A_385 = tpu.vector_load %arg8[%get3A_384] {strides = array<i32>} : memref<2048xi32, #tpu.memory_space<vmem>>, vector<16xi32>,
      %get3A_386 = arith.index_cast %add3A_383 : i32 to index
      %get3A_387 = tpu.vector_load %arg9[%get3A_386] {strides = array<i32>} : memref<2048xi32, #tpu.memory_space<vmem>>, vector<16xi32>,
      %get3A_388 = arith.index_cast %add3A_383 : i32 to index
      %get3A_389 = tpu.vector_load %arg10[%get3A_388] {strides = array<i32>} : memref<2048xi32, #tpu.memory_space<vmem>>, vector<16xi32>,
      %gt3A_390 = arith.constant 0 : i32
      %gt3A_391 = vector.broadcast %gt3A_390 : i32 to vector<16xi32>
      %gt3A_392 = arith.cmpi sgt, %get3A_389, %gt3A_391 : vector<16xi32>
      tpu.vector_store_idx %arg11[%get3A_385], %get3A_387 masked %gt3A_392 {add = true} : memref<256xi32, #tpu.memory_space<vmem>>[vector<16xi32>], vector<16xi32>, vector<16xi1>
      %scan3A_393 = arith.constant 0 : i32
      scf.yield %scan3A_393 : i32
    }
    %scan3A_39 = arith.constant 32 : i32
    %mul3A_40 = arith.constant 256 : i32
    %mul3A_41 = arith.muli %arg1, %mul3A_40 : i32
    "tpu.region"() ({
      %run_scoped3A = tpu.sem_alloc : memref<!tpu.dma_semaphore, #tpu.memory_space<semaphore_mem>>
      %dma_start3A_333 = tpu.memref_slice %arg23[%mul3A_41] : memref<4096xi32, #tpu.memory_space<vmem_shared>> -> memref<256xi32, #tpu.memory_space<vmem_shared>>
      %dma_start3A_334 = tpu.memref_slice %arg23[%mul3A_41] : memref<4096xi32, #tpu.memory_space<vmem_shared>> -> memref<256xi32, #tpu.memory_space<vmem_shared>>
      tpu.enqueue_dma source(%arg11 : memref<256xi32, #tpu.memory_space<vmem>>) target(%dma_start3A_334 : memref<256xi32, #tpu.memory_space<vmem_shared>>) target_semaphore(%run_scoped3A : memref<!tpu.dma_semaphore, #tpu.memory_space<semaphore_mem>>)
      %dma_wait3A_335 = tpu.memref_slice %arg23[%mul3A_41] : memref<4096xi32, #tpu.memory_space<vmem_shared>> -> memref<256xi32, #tpu.memory_space<vmem_shared>>
      %dma_wait3A_336 = tpu.memref_slice %arg23[%mul3A_41] : memref<4096xi32, #tpu.memory_space<vmem_shared>> -> memref<256xi32, #tpu.memory_space<vmem_shared>>
      tpu.wait_dma2 semaphore(%run_scoped3A : memref<!tpu.dma_semaphore, #tpu.memory_space<semaphore_mem>>) src(%arg11 : memref<256xi32, #tpu.memory_space<vmem>>) dst(%dma_wait3A_336 : memref<256xi32, #tpu.memory_space<vmem_shared>>)
      tpu.yield
    }) : () -> ()
    %barrier3A = arith.constant 0 : index
    tpu.barrier barrier_id(%barrier3A)
    "tpu.region"() ({
      %run_scoped3A = tpu.sem_alloc : memref<!tpu.dma_semaphore, #tpu.memory_space<semaphore_mem>>
      tpu.enqueue_dma source(%arg23 : memref<4096xi32, #tpu.memory_space<vmem_shared>>) target(%arg13 : memref<4096xi32, #tpu.memory_space<vmem>>) target_semaphore(%run_scoped3A : memref<!tpu.dma_semaphore, #tpu.memory_space<semaphore_mem>>)
      tpu.wait_dma2 semaphore(%run_scoped3A : memref<!tpu.dma_semaphore, #tpu.memory_space<semaphore_mem>>) src(%arg23 : memref<4096xi32, #tpu.memory_space<vmem_shared>>) dst(%arg13 : memref<4096xi32, #tpu.memory_space<vmem>>)
      tpu.yield
    }) : () -> ()
    %scan3A_42 = arith.constant 0 : i32
    %scan3A_43 = arith.constant 0 : i32
    %scan3A_44 = arith.constant 16 : i32
    %scan3A_45 = arith.addi %scan3A_43, %scan3A_44 : i32
    %scan3A_46 = arith.constant 1 : i32
    %scan3A_47 = scf.for %scan3A_333 = %scan3A_43 to %scan3A_45 step %scan3A_46 iter_args(%scan3A_334 = %scan3A_42) -> (i32)  : i32 {
      %broadcast_in_dim3A = arith.constant 0 : i32
      %broadcast_in_dim3A_335 = vector.broadcast %broadcast_in_dim3A : i32 to vector<16xi32>
      %broadcast_in_dim3A_336 = arith.constant 0 : i32
      %broadcast_in_dim3A_337 = vector.broadcast %broadcast_in_dim3A_336 : i32 to vector<16xi32>
      %mul3A_338 = arith.constant 16 : i32
      %mul3A_339 = arith.muli %scan3A_333, %mul3A_338 : i32
      %add3A_340 = arith.constant 0 : i32
      %add3A_341 = arith.addi %add3A_340, %mul3A_339 : i32
      %get3A = arith.index_cast %add3A_341 : i32 to index
      %get3A_342 = tpu.vector_load %arg13[%get3A] {strides = array<i32>} : memref<4096xi32, #tpu.memory_space<vmem>>, vector<16xi32>,
      %add3A_343 = arith.addi %broadcast_in_dim3A_335, %get3A_342 : vector<16xi32>
      %gt3A = arith.constant 0 : i32
      %gt3A_344 = arith.cmpi sgt, %arg1, %gt3A : i32
      %jit3A = arith.constant 1 : i32
      %jit3A_345 = arith.constant 0 : i32
      %select_n3A = arith.select %gt3A_344, %jit3A, %jit3A_345 : i32
      %mul3A_346 = vector.broadcast %select_n3A : i32 to vector<16xi32>
      %mul3A_347 = arith.muli %get3A_342, %mul3A_346 : vector<16xi32>
      %add3A_348 = arith.addi %broadcast_in_dim3A_337, %mul3A_347 : vector<16xi32>
      %mul3A_349 = arith.constant 16 : i32
      %mul3A_350 = arith.muli %scan3A_333, %mul3A_349 : i32
      %add3A_351 = arith.constant 256 : i32
      %add3A_352 = arith.addi %add3A_351, %mul3A_350 : i32
      %get3A_353 = arith.index_cast %add3A_352 : i32 to index
      %get3A_354 = tpu.vector_load %arg13[%get3A_353] {strides = array<i32>} : memref<4096xi32, #tpu.memory_space<vmem>>, vector<16xi32>,
      %add3A_355 = arith.addi %add3A_343, %get3A_354 : vector<16xi32>
      %gt3A_356 = arith.constant 1 : i32
      %gt3A_357 = arith.cmpi sgt, %arg1, %gt3A_356 : i32
      %jit3A_358 = arith.constant 1 : i32
      %jit3A_359 = arith.constant 0 : i32
      %select_n3A_360 = arith.select %gt3A_357, %jit3A_358, %jit3A_359 : i32
      %mul3A_361 = vector.broadcast %select_n3A_360 : i32 to vector<16xi32>
      %mul3A_362 = arith.muli %get3A_354, %mul3A_361 : vector<16xi32>
      %add3A_363 = arith.addi %add3A_348, %mul3A_362 : vector<16xi32>
      %mul3A_364 = arith.constant 16 : i32
      %mul3A_365 = arith.muli %scan3A_333, %mul3A_364 : i32
      %add3A_366 = arith.constant 512 : i32
      %add3A_367 = arith.addi %add3A_366, %mul3A_365 : i32
      %get3A_368 = arith.index_cast %add3A_367 : i32 to index
      %get3A_369 = tpu.vector_load %arg13[%get3A_368] {strides = array<i32>} : memref<4096xi32, #tpu.memory_space<vmem>>, vector<16xi32>,
      %add3A_370 = arith.addi %add3A_355, %get3A_369 : vector<16xi32>
      %gt3A_371 = arith.constant 2 : i32
      %gt3A_372 = arith.cmpi sgt, %arg1, %gt3A_371 : i32
      %jit3A_373 = arith.constant 1 : i32
      %jit3A_374 = arith.constant 0 : i32
      %select_n3A_375 = arith.select %gt3A_372, %jit3A_373, %jit3A_374 : i32
      %mul3A_376 = vector.broadcast %select_n3A_375 : i32 to vector<16xi32>
      %mul3A_377 = arith.muli %get3A_369, %mul3A_376 : vector<16xi32>
      %add3A_378 = arith.addi %add3A_363, %mul3A_377 : vector<16xi32>
      %mul3A_379 = arith.constant 16 : i32
      %mul3A_380 = arith.muli %scan3A_333, %mul3A_379 : i32
      %add3A_381 = arith.constant 768 : i32
      %add3A_382 = arith.addi %add3A_381, %mul3A_380 : i32
      %get3A_383 = arith.index_cast %add3A_382 : i32 to index
      %get3A_384 = tpu.vector_load %arg13[%get3A_383] {strides = array<i32>} : memref<4096xi32, #tpu.memory_space<vmem>>, vector<16xi32>,
      %add3A_385 = arith.addi %add3A_370, %get3A_384 : vector<16xi32>
      %gt3A_386 = arith.constant 3 : i32
      %gt3A_387 = arith.cmpi sgt, %arg1, %gt3A_386 : i32
      %jit3A_388 = arith.constant 1 : i32
      %jit3A_389 = arith.constant 0 : i32
      %select_n3A_390 = arith.select %gt3A_387, %jit3A_388, %jit3A_389 : i32
      %mul3A_391 = vector.broadcast %select_n3A_390 : i32 to vector<16xi32>
      %mul3A_392 = arith.muli %get3A_384, %mul3A_391 : vector<16xi32>
      %add3A_393 = arith.addi %add3A_378, %mul3A_392 : vector<16xi32>
      %mul3A_394 = arith.constant 16 : i32
      %mul3A_395 = arith.muli %scan3A_333, %mul3A_394 : i32
      %add3A_396 = arith.constant 1024 : i32
      %add3A_397 = arith.addi %add3A_396, %mul3A_395 : i32
      %get3A_398 = arith.index_cast %add3A_397 : i32 to index
      %get3A_399 = tpu.vector_load %arg13[%get3A_398] {strides = array<i32>} : memref<4096xi32, #tpu.memory_space<vmem>>, vector<16xi32>,
      %add3A_400 = arith.addi %add3A_385, %get3A_399 : vector<16xi32>
      %gt3A_401 = arith.constant 4 : i32
      %gt3A_402 = arith.cmpi sgt, %arg1, %gt3A_401 : i32
      %jit3A_403 = arith.constant 1 : i32
      %jit3A_404 = arith.constant 0 : i32
      %select_n3A_405 = arith.select %gt3A_402, %jit3A_403, %jit3A_404 : i32
      %mul3A_406 = vector.broadcast %select_n3A_405 : i32 to vector<16xi32>
      %mul3A_407 = arith.muli %get3A_399, %mul3A_406 : vector<16xi32>
      %add3A_408 = arith.addi %add3A_393, %mul3A_407 : vector<16xi32>
      %mul3A_409 = arith.constant 16 : i32
      %mul3A_410 = arith.muli %scan3A_333, %mul3A_409 : i32
      %add3A_411 = arith.constant 1280 : i32
      %add3A_412 = arith.addi %add3A_411, %mul3A_410 : i32
      %get3A_413 = arith.index_cast %add3A_412 : i32 to index
      %get3A_414 = tpu.vector_load %arg13[%get3A_413] {strides = array<i32>} : memref<4096xi32, #tpu.memory_space<vmem>>, vector<16xi32>,
      %add3A_415 = arith.addi %add3A_400, %get3A_414 : vector<16xi32>
      %gt3A_416 = arith.constant 5 : i32
      %gt3A_417 = arith.cmpi sgt, %arg1, %gt3A_416 : i32
      %jit3A_418 = arith.constant 1 : i32
      %jit3A_419 = arith.constant 0 : i32
      %select_n3A_420 = arith.select %gt3A_417, %jit3A_418, %jit3A_419 : i32
      %mul3A_421 = vector.broadcast %select_n3A_420 : i32 to vector<16xi32>
      %mul3A_422 = arith.muli %get3A_414, %mul3A_421 : vector<16xi32>
      %add3A_423 = arith.addi %add3A_408, %mul3A_422 : vector<16xi32>
      %mul3A_424 = arith.constant 16 : i32
      %mul3A_425 = arith.muli %scan3A_333, %mul3A_424 : i32
      %add3A_426 = arith.constant 1536 : i32
      %add3A_427 = arith.addi %add3A_426, %mul3A_425 : i32
      %get3A_428 = arith.index_cast %add3A_427 : i32 to index
      %get3A_429 = tpu.vector_load %arg13[%get3A_428] {strides = array<i32>} : memref<4096xi32, #tpu.memory_space<vmem>>, vector<16xi32>,
      %add3A_430 = arith.addi %add3A_415, %get3A_429 : vector<16xi32>
      %gt3A_431 = arith.constant 6 : i32
      %gt3A_432 = arith.cmpi sgt, %arg1, %gt3A_431 : i32
      %jit3A_433 = arith.constant 1 : i32
      %jit3A_434 = arith.constant 0 : i32
      %select_n3A_435 = arith.select %gt3A_432, %jit3A_433, %jit3A_434 : i32
      %mul3A_436 = vector.broadcast %select_n3A_435 : i32 to vector<16xi32>
      %mul3A_437 = arith.muli %get3A_429, %mul3A_436 : vector<16xi32>
      %add3A_438 = arith.addi %add3A_423, %mul3A_437 : vector<16xi32>
      %mul3A_439 = arith.constant 16 : i32
      %mul3A_440 = arith.muli %scan3A_333, %mul3A_439 : i32
      %add3A_441 = arith.constant 1792 : i32
      %add3A_442 = arith.addi %add3A_441, %mul3A_440 : i32
      %get3A_443 = arith.index_cast %add3A_442 : i32 to index
      %get3A_444 = tpu.vector_load %arg13[%get3A_443] {strides = array<i32>} : memref<4096xi32, #tpu.memory_space<vmem>>, vector<16xi32>,
      %add3A_445 = arith.addi %add3A_430, %get3A_444 : vector<16xi32>
      %gt3A_446 = arith.constant 7 : i32
      %gt3A_447 = arith.cmpi sgt, %arg1, %gt3A_446 : i32
      %jit3A_448 = arith.constant 1 : i32
      %jit3A_449 = arith.constant 0 : i32
      %select_n3A_450 = arith.select %gt3A_447, %jit3A_448, %jit3A_449 : i32
      %mul3A_451 = vector.broadcast %select_n3A_450 : i32 to vector<16xi32>
      %mul3A_452 = arith.muli %get3A_444, %mul3A_451 : vector<16xi32>
      %add3A_453 = arith.addi %add3A_438, %mul3A_452 : vector<16xi32>
      %mul3A_454 = arith.constant 16 : i32
      %mul3A_455 = arith.muli %scan3A_333, %mul3A_454 : i32
      %add3A_456 = arith.constant 2048 : i32
      %add3A_457 = arith.addi %add3A_456, %mul3A_455 : i32
      %get3A_458 = arith.index_cast %add3A_457 : i32 to index
      %get3A_459 = tpu.vector_load %arg13[%get3A_458] {strides = array<i32>} : memref<4096xi32, #tpu.memory_space<vmem>>, vector<16xi32>,
      %add3A_460 = arith.addi %add3A_445, %get3A_459 : vector<16xi32>
      %gt3A_461 = arith.constant 8 : i32
      %gt3A_462 = arith.cmpi sgt, %arg1, %gt3A_461 : i32
      %jit3A_463 = arith.constant 1 : i32
      %jit3A_464 = arith.constant 0 : i32
      %select_n3A_465 = arith.select %gt3A_462, %jit3A_463, %jit3A_464 : i32
      %mul3A_466 = vector.broadcast %select_n3A_465 : i32 to vector<16xi32>
      %mul3A_467 = arith.muli %get3A_459, %mul3A_466 : vector<16xi32>
      %add3A_468 = arith.addi %add3A_453, %mul3A_467 : vector<16xi32>
      %mul3A_469 = arith.constant 16 : i32
      %mul3A_470 = arith.muli %scan3A_333, %mul3A_469 : i32
      %add3A_471 = arith.constant 2304 : i32
      %add3A_472 = arith.addi %add3A_471, %mul3A_470 : i32
      %get3A_473 = arith.index_cast %add3A_472 : i32 to index
      %get3A_474 = tpu.vector_load %arg13[%get3A_473] {strides = array<i32>} : memref<4096xi32, #tpu.memory_space<vmem>>, vector<16xi32>,
      %add3A_475 = arith.addi %add3A_460, %get3A_474 : vector<16xi32>
      %gt3A_476 = arith.constant 9 : i32
      %gt3A_477 = arith.cmpi sgt, %arg1, %gt3A_476 : i32
      %jit3A_478 = arith.constant 1 : i32
      %jit3A_479 = arith.constant 0 : i32
      %select_n3A_480 = arith.select %gt3A_477, %jit3A_478, %jit3A_479 : i32
      %mul3A_481 = vector.broadcast %select_n3A_480 : i32 to vector<16xi32>
      %mul3A_482 = arith.muli %get3A_474, %mul3A_481 : vector<16xi32>
      %add3A_483 = arith.addi %add3A_468, %mul3A_482 : vector<16xi32>
      %mul3A_484 = arith.constant 16 : i32
      %mul3A_485 = arith.muli %scan3A_333, %mul3A_484 : i32
      %add3A_486 = arith.constant 2560 : i32
      %add3A_487 = arith.addi %add3A_486, %mul3A_485 : i32
      %get3A_488 = arith.index_cast %add3A_487 : i32 to index
      %get3A_489 = tpu.vector_load %arg13[%get3A_488] {strides = array<i32>} : memref<4096xi32, #tpu.memory_space<vmem>>, vector<16xi32>,
      %add3A_490 = arith.addi %add3A_475, %get3A_489 : vector<16xi32>
      %gt3A_491 = arith.constant 10 : i32
      %gt3A_492 = arith.cmpi sgt, %arg1, %gt3A_491 : i32
      %jit3A_493 = arith.constant 1 : i32
      %jit3A_494 = arith.constant 0 : i32
      %select_n3A_495 = arith.select %gt3A_492, %jit3A_493, %jit3A_494 : i32
      %mul3A_496 = vector.broadcast %select_n3A_495 : i32 to vector<16xi32>
      %mul3A_497 = arith.muli %get3A_489, %mul3A_496 : vector<16xi32>
      %add3A_498 = arith.addi %add3A_483, %mul3A_497 : vector<16xi32>
      %mul3A_499 = arith.constant 16 : i32
      %mul3A_500 = arith.muli %scan3A_333, %mul3A_499 : i32
      %add3A_501 = arith.constant 2816 : i32
      %add3A_502 = arith.addi %add3A_501, %mul3A_500 : i32
      %get3A_503 = arith.index_cast %add3A_502 : i32 to index
      %get3A_504 = tpu.vector_load %arg13[%get3A_503] {strides = array<i32>} : memref<4096xi32, #tpu.memory_space<vmem>>, vector<16xi32>,
      %add3A_505 = arith.addi %add3A_490, %get3A_504 : vector<16xi32>
      %gt3A_506 = arith.constant 11 : i32
      %gt3A_507 = arith.cmpi sgt, %arg1, %gt3A_506 : i32
      %jit3A_508 = arith.constant 1 : i32
      %jit3A_509 = arith.constant 0 : i32
      %select_n3A_510 = arith.select %gt3A_507, %jit3A_508, %jit3A_509 : i32
      %mul3A_511 = vector.broadcast %select_n3A_510 : i32 to vector<16xi32>
      %mul3A_512 = arith.muli %get3A_504, %mul3A_511 : vector<16xi32>
      %add3A_513 = arith.addi %add3A_498, %mul3A_512 : vector<16xi32>
      %mul3A_514 = arith.constant 16 : i32
      %mul3A_515 = arith.muli %scan3A_333, %mul3A_514 : i32
      %add3A_516 = arith.constant 3072 : i32
      %add3A_517 = arith.addi %add3A_516, %mul3A_515 : i32
      %get3A_518 = arith.index_cast %add3A_517 : i32 to index
      %get3A_519 = tpu.vector_load %arg13[%get3A_518] {strides = array<i32>} : memref<4096xi32, #tpu.memory_space<vmem>>, vector<16xi32>,
      %add3A_520 = arith.addi %add3A_505, %get3A_519 : vector<16xi32>
      %gt3A_521 = arith.constant 12 : i32
      %gt3A_522 = arith.cmpi sgt, %arg1, %gt3A_521 : i32
      %jit3A_523 = arith.constant 1 : i32
      %jit3A_524 = arith.constant 0 : i32
      %select_n3A_525 = arith.select %gt3A_522, %jit3A_523, %jit3A_524 : i32
      %mul3A_526 = vector.broadcast %select_n3A_525 : i32 to vector<16xi32>
      %mul3A_527 = arith.muli %get3A_519, %mul3A_526 : vector<16xi32>
      %add3A_528 = arith.addi %add3A_513, %mul3A_527 : vector<16xi32>
      %mul3A_529 = arith.constant 16 : i32
      %mul3A_530 = arith.muli %scan3A_333, %mul3A_529 : i32
      %add3A_531 = arith.constant 3328 : i32
      %add3A_532 = arith.addi %add3A_531, %mul3A_530 : i32
      %get3A_533 = arith.index_cast %add3A_532 : i32 to index
      %get3A_534 = tpu.vector_load %arg13[%get3A_533] {strides = array<i32>} : memref<4096xi32, #tpu.memory_space<vmem>>, vector<16xi32>,
      %add3A_535 = arith.addi %add3A_520, %get3A_534 : vector<16xi32>
      %gt3A_536 = arith.constant 13 : i32
      %gt3A_537 = arith.cmpi sgt, %arg1, %gt3A_536 : i32
      %jit3A_538 = arith.constant 1 : i32
      %jit3A_539 = arith.constant 0 : i32
      %select_n3A_540 = arith.select %gt3A_537, %jit3A_538, %jit3A_539 : i32
      %mul3A_541 = vector.broadcast %select_n3A_540 : i32 to vector<16xi32>
      %mul3A_542 = arith.muli %get3A_534, %mul3A_541 : vector<16xi32>
      %add3A_543 = arith.addi %add3A_528, %mul3A_542 : vector<16xi32>
      %mul3A_544 = arith.constant 16 : i32
      %mul3A_545 = arith.muli %scan3A_333, %mul3A_544 : i32
      %add3A_546 = arith.constant 3584 : i32
      %add3A_547 = arith.addi %add3A_546, %mul3A_545 : i32
      %get3A_548 = arith.index_cast %add3A_547 : i32 to index
      %get3A_549 = tpu.vector_load %arg13[%get3A_548] {strides = array<i32>} : memref<4096xi32, #tpu.memory_space<vmem>>, vector<16xi32>,
      %add3A_550 = arith.addi %add3A_535, %get3A_549 : vector<16xi32>
      %gt3A_551 = arith.constant 14 : i32
      %gt3A_552 = arith.cmpi sgt, %arg1, %gt3A_551 : i32
      %jit3A_553 = arith.constant 1 : i32
      %jit3A_554 = arith.constant 0 : i32
      %select_n3A_555 = arith.select %gt3A_552, %jit3A_553, %jit3A_554 : i32
      %mul3A_556 = vector.broadcast %select_n3A_555 : i32 to vector<16xi32>
      %mul3A_557 = arith.muli %get3A_549, %mul3A_556 : vector<16xi32>
      %add3A_558 = arith.addi %add3A_543, %mul3A_557 : vector<16xi32>
      %mul3A_559 = arith.constant 16 : i32
      %mul3A_560 = arith.muli %scan3A_333, %mul3A_559 : i32
      %add3A_561 = arith.constant 3840 : i32
      %add3A_562 = arith.addi %add3A_561, %mul3A_560 : i32
      %get3A_563 = arith.index_cast %add3A_562 : i32 to index
      %get3A_564 = tpu.vector_load %arg13[%get3A_563] {strides = array<i32>} : memref<4096xi32, #tpu.memory_space<vmem>>, vector<16xi32>,
      %add3A_565 = arith.addi %add3A_550, %get3A_564 : vector<16xi32>
      %gt3A_566 = arith.constant 15 : i32
      %gt3A_567 = arith.cmpi sgt, %arg1, %gt3A_566 : i32
      %jit3A_568 = arith.constant 1 : i32
      %jit3A_569 = arith.constant 0 : i32
      %select_n3A_570 = arith.select %gt3A_567, %jit3A_568, %jit3A_569 : i32
      %mul3A_571 = vector.broadcast %select_n3A_570 : i32 to vector<16xi32>
      %mul3A_572 = arith.muli %get3A_564, %mul3A_571 : vector<16xi32>
      %add3A_573 = arith.addi %add3A_558, %mul3A_572 : vector<16xi32>
      %broadcast_in_dim3A_574 = arith.constant true
      %broadcast_in_dim3A_575 = vector.broadcast %broadcast_in_dim3A_574 : i1 to vector<16xi1>
      %masked_cumsum3A = tpu.scan <sum>, %add3A_565 masked %broadcast_in_dim3A_575 : vector<16xi32>, vector<16xi1> -> vector<16xi32>
      %sub3A = arith.subi %masked_cumsum3A, %add3A_565 : vector<16xi32>
      %add3A_576 = vector.broadcast %scan3A_334 : i32 to vector<16xi32>
      %add3A_577 = arith.addi %sub3A, %add3A_576 : vector<16xi32>
      %add3A_578 = arith.addi %add3A_577, %add3A_573 : vector<16xi32>
      %mul3A_579 = arith.constant 16 : i32
      %mul3A_580 = arith.muli %scan3A_333, %mul3A_579 : i32
      %swap3A = arith.index_cast %mul3A_580 : i32 to index
      %swap3A_581 = tpu.vector_load %arg12[%swap3A] {strides = array<i32>} : memref<256xi32, #tpu.memory_space<vmem>>, vector<16xi32>,
      tpu.vector_store %arg12[%swap3A], %add3A_578 {strides = array<i32>} : memref<256xi32, #tpu.memory_space<vmem>>, vector<16xi32>,
      %reduce_sum3A = arith.constant true
      %reduce_sum3A_582 = vector.broadcast %reduce_sum3A : i1 to vector<16xi1>
      %reduce_sum3A_583 = tpu.scan <sum>, %add3A_565 masked %reduce_sum3A_582 : vector<16xi32>, vector<16xi1> -> vector<16xi32>
      %reduce_sum3A_584 = vector.extract %reduce_sum3A_583[15] : i32 from vector<16xi32>
      %add3A_585 = arith.addi %scan3A_334, %reduce_sum3A_584 : i32
      scf.yield %add3A_585 : i32
    }
    %scan3A_48 = arith.constant 16 : i32
    %scan3A_49 = arith.constant 0 : i32
    %scan3A_50 = arith.constant 0 : i32
    %scan3A_51 = arith.constant 32 : i32
    %scan3A_52 = arith.addi %scan3A_50, %scan3A_51 : i32
    %scan3A_53 = arith.constant 1 : i32
    %scan3A_54 = scf.for %scan3A_333 = %scan3A_50 to %scan3A_52 step %scan3A_53 iter_args(%scan3A_334 = %scan3A_49) -> (i32)  : i32 {
      %mul3A_335 = arith.constant 4 : i32
      %mul3A_336 = arith.muli %scan3A_333, %mul3A_335 : i32
      %mul3A_337 = arith.constant 16 : i32
      %mul3A_338 = arith.muli %mul3A_336, %mul3A_337 : i32
      %add3A_339 = arith.constant 0 : i32
      %add3A_340 = arith.addi %mul3A_338, %add3A_339 : i32
      %get3A = arith.index_cast %add3A_340 : i32 to index
      %get3A_341 = tpu.vector_load %arg8[%get3A] {strides = array<i32>} : memref<2048xi32, #tpu.memory_space<vmem>>, vector<16xi32>,
      %get3A_342 = arith.index_cast %add3A_340 : i32 to index
      %get3A_343 = tpu.vector_load %arg9[%get3A_342] {strides = array<i32>} : memref<2048xi32, #tpu.memory_space<vmem>>, vector<16xi32>,
      %get3A_344 = arith.index_cast %add3A_340 : i32 to index
      %get3A_345 = tpu.vector_load %arg10[%get3A_344] {strides = array<i32>} : memref<2048xi32, #tpu.memory_space<vmem>>, vector<16xi32>,
      %gt3A = arith.constant 0 : i32
      %gt3A_346 = vector.broadcast %gt3A : i32 to vector<16xi32>
      %gt3A_347 = arith.cmpi sgt, %get3A_345, %gt3A_346 : vector<16xi32>
      %gather3A = tpu.vector_load_idx %arg12[%get3A_341] : memref<256xi32, #tpu.memory_space<vmem>>[vector<16xi32>], vector<16xi32>,
      %add3A_348 = arith.addi %gather3A, %get3A_343 : vector<16xi32>
      %sub3A = arith.constant 1 : i32
      %sub3A_349 = vector.broadcast %sub3A : i32 to vector<16xi32>
      %sub3A_350 = arith.subi %add3A_348, %sub3A_349 : vector<16xi32>
      %swap3A = arith.index_cast %add3A_340 : i32 to index
      %swap3A_351 = tpu.vector_load %arg7[%swap3A] {strides = array<i32>} : memref<2048xi32, #tpu.memory_space<vmem>>, vector<16xi32>,
      tpu.vector_store %arg7[%swap3A], %sub3A_350 {strides = array<i32>} : memref<2048xi32, #tpu.memory_space<vmem>>, vector<16xi32>,
      %add3A_352 = arith.addi %gather3A, %get3A_343 : vector<16xi32>
      tpu.vector_store_idx %arg12[%get3A_341], %add3A_352 masked %gt3A_347 : memref<256xi32, #tpu.memory_space<vmem>>[vector<16xi32>], vector<16xi32>, vector<16xi1>
      %add3A_353 = arith.addi %mul3A_0, %add3A_340 : i32
      %add3A_354 = vector.broadcast %add3A_353 : i32 to vector<16xi32>
      %add3A_355 = arith.addi %add3A_354, %iota3A : vector<16xi32>
      %swap3A_356 = arith.index_cast %add3A_340 : i32 to index
      %swap3A_357 = tpu.vector_load %arg6[%swap3A_356] {strides = array<i32>} : memref<2048xi32, #tpu.memory_space<vmem>>, vector<16xi32>,
      tpu.vector_store %arg6[%swap3A_356], %add3A_355 {strides = array<i32>} : memref<2048xi32, #tpu.memory_space<vmem>>, vector<16xi32>,
      %mul3A_358 = arith.constant 4 : i32
      %mul3A_359 = arith.muli %scan3A_333, %mul3A_358 : i32
      %mul3A_360 = arith.constant 16 : i32
      %mul3A_361 = arith.muli %mul3A_359, %mul3A_360 : i32
      %add3A_362 = arith.constant 16 : i32
      %add3A_363 = arith.addi %mul3A_361, %add3A_362 : i32
      %get3A_364 = arith.index_cast %add3A_363 : i32 to index
      %get3A_365 = tpu.vector_load %arg8[%get3A_364] {strides = array<i32>} : memref<2048xi32, #tpu.memory_space<vmem>>, vector<16xi32>,
      %get3A_366 = arith.index_cast %add3A_363 : i32 to index
      %get3A_367 = tpu.vector_load %arg9[%get3A_366] {strides = array<i32>} : memref<2048xi32, #tpu.memory_space<vmem>>, vector<16xi32>,
      %get3A_368 = arith.index_cast %add3A_363 : i32 to index
      %get3A_369 = tpu.vector_load %arg10[%get3A_368] {strides = array<i32>} : memref<2048xi32, #tpu.memory_space<vmem>>, vector<16xi32>,
      %gt3A_370 = arith.constant 0 : i32
      %gt3A_371 = vector.broadcast %gt3A_370 : i32 to vector<16xi32>
      %gt3A_372 = arith.cmpi sgt, %get3A_369, %gt3A_371 : vector<16xi32>
      %gather3A_373 = tpu.vector_load_idx %arg12[%get3A_365] : memref<256xi32, #tpu.memory_space<vmem>>[vector<16xi32>], vector<16xi32>,
      %add3A_374 = arith.addi %gather3A_373, %get3A_367 : vector<16xi32>
      %sub3A_375 = arith.constant 1 : i32
      %sub3A_376 = vector.broadcast %sub3A_375 : i32 to vector<16xi32>
      %sub3A_377 = arith.subi %add3A_374, %sub3A_376 : vector<16xi32>
      %swap3A_378 = arith.index_cast %add3A_363 : i32 to index
      %swap3A_379 = tpu.vector_load %arg7[%swap3A_378] {strides = array<i32>} : memref<2048xi32, #tpu.memory_space<vmem>>, vector<16xi32>,
      tpu.vector_store %arg7[%swap3A_378], %sub3A_377 {strides = array<i32>} : memref<2048xi32, #tpu.memory_space<vmem>>, vector<16xi32>,
      %add3A_380 = arith.addi %gather3A_373, %get3A_367 : vector<16xi32>
      tpu.vector_store_idx %arg12[%get3A_365], %add3A_380 masked %gt3A_372 : memref<256xi32, #tpu.memory_space<vmem>>[vector<16xi32>], vector<16xi32>, vector<16xi1>
      %add3A_381 = arith.addi %mul3A_0, %add3A_363 : i32
      %add3A_382 = vector.broadcast %add3A_381 : i32 to vector<16xi32>
      %add3A_383 = arith.addi %add3A_382, %iota3A : vector<16xi32>
      %swap3A_384 = arith.index_cast %add3A_363 : i32 to index
      %swap3A_385 = tpu.vector_load %arg6[%swap3A_384] {strides = array<i32>} : memref<2048xi32, #tpu.memory_space<vmem>>, vector<16xi32>,
      tpu.vector_store %arg6[%swap3A_384], %add3A_383 {strides = array<i32>} : memref<2048xi32, #tpu.memory_space<vmem>>, vector<16xi32>,
      %mul3A_386 = arith.constant 4 : i32
      %mul3A_387 = arith.muli %scan3A_333, %mul3A_386 : i32
      %mul3A_388 = arith.constant 16 : i32
      %mul3A_389 = arith.muli %mul3A_387, %mul3A_388 : i32
      %add3A_390 = arith.constant 32 : i32
      %add3A_391 = arith.addi %mul3A_389, %add3A_390 : i32
      %get3A_392 = arith.index_cast %add3A_391 : i32 to index
      %get3A_393 = tpu.vector_load %arg8[%get3A_392] {strides = array<i32>} : memref<2048xi32, #tpu.memory_space<vmem>>, vector<16xi32>,
      %get3A_394 = arith.index_cast %add3A_391 : i32 to index
      %get3A_395 = tpu.vector_load %arg9[%get3A_394] {strides = array<i32>} : memref<2048xi32, #tpu.memory_space<vmem>>, vector<16xi32>,
      %get3A_396 = arith.index_cast %add3A_391 : i32 to index
      %get3A_397 = tpu.vector_load %arg10[%get3A_396] {strides = array<i32>} : memref<2048xi32, #tpu.memory_space<vmem>>, vector<16xi32>,
      %gt3A_398 = arith.constant 0 : i32
      %gt3A_399 = vector.broadcast %gt3A_398 : i32 to vector<16xi32>
      %gt3A_400 = arith.cmpi sgt, %get3A_397, %gt3A_399 : vector<16xi32>
      %gather3A_401 = tpu.vector_load_idx %arg12[%get3A_393] : memref<256xi32, #tpu.memory_space<vmem>>[vector<16xi32>], vector<16xi32>,
      %add3A_402 = arith.addi %gather3A_401, %get3A_395 : vector<16xi32>
      %sub3A_403 = arith.constant 1 : i32
      %sub3A_404 = vector.broadcast %sub3A_403 : i32 to vector<16xi32>
      %sub3A_405 = arith.subi %add3A_402, %sub3A_404 : vector<16xi32>
      %swap3A_406 = arith.index_cast %add3A_391 : i32 to index
      %swap3A_407 = tpu.vector_load %arg7[%swap3A_406] {strides = array<i32>} : memref<2048xi32, #tpu.memory_space<vmem>>, vector<16xi32>,
      tpu.vector_store %arg7[%swap3A_406], %sub3A_405 {strides = array<i32>} : memref<2048xi32, #tpu.memory_space<vmem>>, vector<16xi32>,
      %add3A_408 = arith.addi %gather3A_401, %get3A_395 : vector<16xi32>
      tpu.vector_store_idx %arg12[%get3A_393], %add3A_408 masked %gt3A_400 : memref<256xi32, #tpu.memory_space<vmem>>[vector<16xi32>], vector<16xi32>, vector<16xi1>
      %add3A_409 = arith.addi %mul3A_0, %add3A_391 : i32
      %add3A_410 = vector.broadcast %add3A_409 : i32 to vector<16xi32>
      %add3A_411 = arith.addi %add3A_410, %iota3A : vector<16xi32>
      %swap3A_412 = arith.index_cast %add3A_391 : i32 to index
      %swap3A_413 = tpu.vector_load %arg6[%swap3A_412] {strides = array<i32>} : memref<2048xi32, #tpu.memory_space<vmem>>, vector<16xi32>,
      tpu.vector_store %arg6[%swap3A_412], %add3A_411 {strides = array<i32>} : memref<2048xi32, #tpu.memory_space<vmem>>, vector<16xi32>,
      %mul3A_414 = arith.constant 4 : i32
      %mul3A_415 = arith.muli %scan3A_333, %mul3A_414 : i32
      %mul3A_416 = arith.constant 16 : i32
      %mul3A_417 = arith.muli %mul3A_415, %mul3A_416 : i32
      %add3A_418 = arith.constant 48 : i32
      %add3A_419 = arith.addi %mul3A_417, %add3A_418 : i32
      %get3A_420 = arith.index_cast %add3A_419 : i32 to index
      %get3A_421 = tpu.vector_load %arg8[%get3A_420] {strides = array<i32>} : memref<2048xi32, #tpu.memory_space<vmem>>, vector<16xi32>,
      %get3A_422 = arith.index_cast %add3A_419 : i32 to index
      %get3A_423 = tpu.vector_load %arg9[%get3A_422] {strides = array<i32>} : memref<2048xi32, #tpu.memory_space<vmem>>, vector<16xi32>,
      %get3A_424 = arith.index_cast %add3A_419 : i32 to index
      %get3A_425 = tpu.vector_load %arg10[%get3A_424] {strides = array<i32>} : memref<2048xi32, #tpu.memory_space<vmem>>, vector<16xi32>,
      %gt3A_426 = arith.constant 0 : i32
      %gt3A_427 = vector.broadcast %gt3A_426 : i32 to vector<16xi32>
      %gt3A_428 = arith.cmpi sgt, %get3A_425, %gt3A_427 : vector<16xi32>
      %gather3A_429 = tpu.vector_load_idx %arg12[%get3A_421] : memref<256xi32, #tpu.memory_space<vmem>>[vector<16xi32>], vector<16xi32>,
      %add3A_430 = arith.addi %gather3A_429, %get3A_423 : vector<16xi32>
      %sub3A_431 = arith.constant 1 : i32
      %sub3A_432 = vector.broadcast %sub3A_431 : i32 to vector<16xi32>
      %sub3A_433 = arith.subi %add3A_430, %sub3A_432 : vector<16xi32>
      %swap3A_434 = arith.index_cast %add3A_419 : i32 to index
      %swap3A_435 = tpu.vector_load %arg7[%swap3A_434] {strides = array<i32>} : memref<2048xi32, #tpu.memory_space<vmem>>, vector<16xi32>,
      tpu.vector_store %arg7[%swap3A_434], %sub3A_433 {strides = array<i32>} : memref<2048xi32, #tpu.memory_space<vmem>>, vector<16xi32>,
      %add3A_436 = arith.addi %gather3A_429, %get3A_423 : vector<16xi32>
      tpu.vector_store_idx %arg12[%get3A_421], %add3A_436 masked %gt3A_428 : memref<256xi32, #tpu.memory_space<vmem>>[vector<16xi32>], vector<16xi32>, vector<16xi1>
      %add3A_437 = arith.addi %mul3A_0, %add3A_419 : i32
      %add3A_438 = vector.broadcast %add3A_437 : i32 to vector<16xi32>
      %add3A_439 = arith.addi %add3A_438, %iota3A : vector<16xi32>
      %swap3A_440 = arith.index_cast %add3A_419 : i32 to index
      %swap3A_441 = tpu.vector_load %arg6[%swap3A_440] {strides = array<i32>} : memref<2048xi32, #tpu.memory_space<vmem>>, vector<16xi32>,
      tpu.vector_store %arg6[%swap3A_440], %add3A_439 {strides = array<i32>} : memref<2048xi32, #tpu.memory_space<vmem>>, vector<16xi32>,
      %scan3A_442 = arith.constant 0 : i32
      scf.yield %scan3A_442 : i32
    }
    %scan3A_55 = arith.constant 32 : i32
    %dma_start3A_56 = arith.constant 0 : i32
    %dma_start3A_57 = tpu.memref_slice %arg22[%dma_start3A_56] : memref<32768xi32, #tpu.memory_space<vmem_shared>> -> memref<32768xi32, #tpu.memory_space<vmem_shared>>
    tpu.enqueue_indirect_dma source(%arg6 : memref<2048xi32, #tpu.memory_space<vmem>>) target(%dma_start3A_57 : memref<32768xi32, #tpu.memory_space<vmem_shared>>) offsets(%arg7 : memref<2048xi32, #tpu.memory_space<vmem>>) semaphore(%arg24 : memref<!tpu.dma_semaphore, #tpu.memory_space<semaphore_mem>>)
    %dma_start3A_58 = arith.constant 0 : i32
    %dma_start3A_59 = tpu.memref_slice %arg20[%dma_start3A_58] : memref<32768xi32, #tpu.memory_space<vmem_shared>> -> memref<32768xi32, #tpu.memory_space<vmem_shared>>
    tpu.enqueue_indirect_dma source(%arg5 : memref<2048xi32, #tpu.memory_space<vmem>>) target(%dma_start3A_59 : memref<32768xi32, #tpu.memory_space<vmem_shared>>) offsets(%arg7 : memref<2048xi32, #tpu.memory_space<vmem>>) semaphore(%arg24 : memref<!tpu.dma_semaphore, #tpu.memory_space<semaphore_mem>>)
    %dma_wait3A = arith.constant 0 : i32
    %dma_wait3A_60 = tpu.memref_slice %arg20[%dma_wait3A] : memref<32768xi32, #tpu.memory_space<vmem_shared>> -> memref<32768xi32, #tpu.memory_space<vmem_shared>>
    tpu.wait_indirect_dma semaphore(%arg24 : memref<!tpu.dma_semaphore, #tpu.memory_space<semaphore_mem>>) src(%arg5 : memref<2048xi32, #tpu.memory_space<vmem>>) dst(%dma_wait3A_60 : memref<32768xi32, #tpu.memory_space<vmem_shared>>)
    %dma_wait3A_61 = arith.constant 0 : i32
    %dma_wait3A_62 = tpu.memref_slice %arg22[%dma_wait3A_61] : memref<32768xi32, #tpu.memory_space<vmem_shared>> -> memref<32768xi32, #tpu.memory_space<vmem_shared>>
    tpu.wait_indirect_dma semaphore(%arg24 : memref<!tpu.dma_semaphore, #tpu.memory_space<semaphore_mem>>) src(%arg6 : memref<2048xi32, #tpu.memory_space<vmem>>) dst(%dma_wait3A_62 : memref<32768xi32, #tpu.memory_space<vmem_shared>>)
    %barrier3A_63 = arith.constant 0 : index
    tpu.barrier barrier_id(%barrier3A_63)
    "tpu.region"() ({
      %run_scoped3A = tpu.sem_alloc : memref<!tpu.dma_semaphore, #tpu.memory_space<semaphore_mem>>
      %dma_start3A_333 = tpu.memref_slice %arg20[%mul3A_0] : memref<32768xi32, #tpu.memory_space<vmem_shared>> -> memref<2048xi32, #tpu.memory_space<vmem_shared>>
      %dma_start3A_334 = tpu.memref_slice %arg20[%mul3A_0] : memref<32768xi32, #tpu.memory_space<vmem_shared>> -> memref<2048xi32, #tpu.memory_space<vmem_shared>>
      tpu.enqueue_dma source(%dma_start3A_334 : memref<2048xi32, #tpu.memory_space<vmem_shared>>) target(%arg5 : memref<2048xi32, #tpu.memory_space<vmem>>) target_semaphore(%run_scoped3A : memref<!tpu.dma_semaphore, #tpu.memory_space<semaphore_mem>>)
      %dma_wait3A_335 = tpu.memref_slice %arg20[%mul3A_0] : memref<32768xi32, #tpu.memory_space<vmem_shared>> -> memref<2048xi32, #tpu.memory_space<vmem_shared>>
      %dma_wait3A_336 = tpu.memref_slice %arg20[%mul3A_0] : memref<32768xi32, #tpu.memory_space<vmem_shared>> -> memref<2048xi32, #tpu.memory_space<vmem_shared>>
      tpu.wait_dma2 semaphore(%run_scoped3A : memref<!tpu.dma_semaphore, #tpu.memory_space<semaphore_mem>>) src(%dma_wait3A_336 : memref<2048xi32, #tpu.memory_space<vmem_shared>>) dst(%arg5 : memref<2048xi32, #tpu.memory_space<vmem>>)
      tpu.yield
    }) : () -> ()
    "tpu.region"() ({
      %run_scoped3A = tpu.sem_alloc : memref<!tpu.dma_semaphore, #tpu.memory_space<semaphore_mem>>
      %dma_start3A_333 = tpu.memref_slice %arg22[%mul3A_0] : memref<32768xi32, #tpu.memory_space<vmem_shared>> -> memref<2048xi32, #tpu.memory_space<vmem_shared>>
      %dma_start3A_334 = tpu.memref_slice %arg22[%mul3A_0] : memref<32768xi32, #tpu.memory_space<vmem_shared>> -> memref<2048xi32, #tpu.memory_space<vmem_shared>>
      tpu.enqueue_dma source(%dma_start3A_334 : memref<2048xi32, #tpu.memory_space<vmem_shared>>) target(%arg6 : memref<2048xi32, #tpu.memory_space<vmem>>) target_semaphore(%run_scoped3A : memref<!tpu.dma_semaphore, #tpu.memory_space<semaphore_mem>>)
      %dma_wait3A_335 = tpu.memref_slice %arg22[%mul3A_0] : memref<32768xi32, #tpu.memory_space<vmem_shared>> -> memref<2048xi32, #tpu.memory_space<vmem_shared>>
      %dma_wait3A_336 = tpu.memref_slice %arg22[%mul3A_0] : memref<32768xi32, #tpu.memory_space<vmem_shared>> -> memref<2048xi32, #tpu.memory_space<vmem_shared>>
      tpu.wait_dma2 semaphore(%run_scoped3A : memref<!tpu.dma_semaphore, #tpu.memory_space<semaphore_mem>>) src(%dma_wait3A_336 : memref<2048xi32, #tpu.memory_space<vmem_shared>>) dst(%arg6 : memref<2048xi32, #tpu.memory_space<vmem>>)
      tpu.yield
    }) : () -> ()
    %scan3A_64 = arith.constant 0 : i32
    %scan3A_65 = arith.constant 0 : i32
    %scan3A_66 = arith.constant 32 : i32
    %scan3A_67 = arith.addi %scan3A_65, %scan3A_66 : i32
    %scan3A_68 = arith.constant 1 : i32
    %scan3A_69 = scf.for %scan3A_333 = %scan3A_65 to %scan3A_67 step %scan3A_68 iter_args(%scan3A_334 = %scan3A_64) -> (i32)  : i32 {
      %mul3A_335 = arith.constant 4 : i32
      %mul3A_336 = arith.muli %scan3A_333, %mul3A_335 : i32
      %mul3A_337 = arith.constant 16 : i32
      %mul3A_338 = arith.muli %mul3A_336, %mul3A_337 : i32
      %add3A_339 = arith.constant 0 : i32
      %add3A_340 = arith.addi %mul3A_338, %add3A_339 : i32
      %get3A = arith.index_cast %add3A_340 : i32 to index
      %get3A_341 = tpu.vector_load %arg5[%get3A] {strides = array<i32>} : memref<2048xi32, #tpu.memory_space<vmem>>, vector<16xi32>,
      %shift_right_logical3A = arith.constant 8 : i32
      %shift_right_logical3A_342 = vector.broadcast %shift_right_logical3A : i32 to vector<16xi32>
      %shift_right_logical3A_343 = arith.shrui %get3A_341, %shift_right_logical3A_342 : vector<16xi32>
      %and3A = arith.constant 255 : i32
      %and3A_344 = vector.broadcast %and3A : i32 to vector<16xi32>
      %and3A_345 = arith.andi %shift_right_logical3A_343, %and3A_344 : vector<16xi32>
      %broadcast_in_dim3A = arith.constant true
      %broadcast_in_dim3A_346 = vector.broadcast %broadcast_in_dim3A : i1 to vector<16xi1>
      %unique3A, %unique3A_347 = tpu.scan_count mask(%broadcast_in_dim3A_346 : vector<16xi1>) value(%and3A_345 : vector<16xi32>) : vector<16xi1>, vector<16xi32>
      %swap3A = arith.index_cast %add3A_340 : i32 to index
      %swap3A_348 = tpu.vector_load %arg8[%swap3A] {strides = array<i32>} : memref<2048xi32, #tpu.memory_space<vmem>>, vector<16xi32>,
      tpu.vector_store %arg8[%swap3A], %and3A_345 {strides = array<i32>} : memref<2048xi32, #tpu.memory_space<vmem>>, vector<16xi32>,
      %swap3A_349 = arith.index_cast %add3A_340 : i32 to index
      %swap3A_350 = tpu.vector_load %arg9[%swap3A_349] {strides = array<i32>} : memref<2048xi32, #tpu.memory_space<vmem>>, vector<16xi32>,
      tpu.vector_store %arg9[%swap3A_349], %unique3A_347 {strides = array<i32>} : memref<2048xi32, #tpu.memory_space<vmem>>, vector<16xi32>,
      %jit3A = arith.constant 1 : i32
      %jit3A_351 = arith.constant 0 : i32
      %broadcast_in_dim3A_352 = vector.broadcast %jit3A : i32 to vector<16xi32>
      %broadcast_in_dim3A_353 = vector.broadcast %jit3A_351 : i32 to vector<16xi32>
      %select_n3A = arith.select %unique3A, %broadcast_in_dim3A_352, %broadcast_in_dim3A_353 : vector<16xi1>, vector<16xi32>
      %swap3A_354 = arith.index_cast %add3A_340 : i32 to index
      %swap3A_355 = tpu.vector_load %arg10[%swap3A_354] {strides = array<i32>} : memref<2048xi32, #tpu.memory_space<vmem>>, vector<16xi32>,
      tpu.vector_store %arg10[%swap3A_354], %select_n3A {strides = array<i32>} : memref<2048xi32, #tpu.memory_space<vmem>>, vector<16xi32>,
      %mul3A_356 = arith.constant 4 : i32
      %mul3A_357 = arith.muli %scan3A_333, %mul3A_356 : i32
      %mul3A_358 = arith.constant 16 : i32
      %mul3A_359 = arith.muli %mul3A_357, %mul3A_358 : i32
      %add3A_360 = arith.constant 16 : i32
      %add3A_361 = arith.addi %mul3A_359, %add3A_360 : i32
      %get3A_362 = arith.index_cast %add3A_361 : i32 to index
      %get3A_363 = tpu.vector_load %arg5[%get3A_362] {strides = array<i32>} : memref<2048xi32, #tpu.memory_space<vmem>>, vector<16xi32>,
      %shift_right_logical3A_364 = arith.constant 8 : i32
      %shift_right_logical3A_365 = vector.broadcast %shift_right_logical3A_364 : i32 to vector<16xi32>
      %shift_right_logical3A_366 = arith.shrui %get3A_363, %shift_right_logical3A_365 : vector<16xi32>
      %and3A_367 = arith.constant 255 : i32
      %and3A_368 = vector.broadcast %and3A_367 : i32 to vector<16xi32>
      %and3A_369 = arith.andi %shift_right_logical3A_366, %and3A_368 : vector<16xi32>
      %broadcast_in_dim3A_370 = arith.constant true
      %broadcast_in_dim3A_371 = vector.broadcast %broadcast_in_dim3A_370 : i1 to vector<16xi1>
      %unique3A_372, %unique3A_373 = tpu.scan_count mask(%broadcast_in_dim3A_371 : vector<16xi1>) value(%and3A_369 : vector<16xi32>) : vector<16xi1>, vector<16xi32>
      %swap3A_374 = arith.index_cast %add3A_361 : i32 to index
      %swap3A_375 = tpu.vector_load %arg8[%swap3A_374] {strides = array<i32>} : memref<2048xi32, #tpu.memory_space<vmem>>, vector<16xi32>,
      tpu.vector_store %arg8[%swap3A_374], %and3A_369 {strides = array<i32>} : memref<2048xi32, #tpu.memory_space<vmem>>, vector<16xi32>,
      %swap3A_376 = arith.index_cast %add3A_361 : i32 to index
      %swap3A_377 = tpu.vector_load %arg9[%swap3A_376] {strides = array<i32>} : memref<2048xi32, #tpu.memory_space<vmem>>, vector<16xi32>,
      tpu.vector_store %arg9[%swap3A_376], %unique3A_373 {strides = array<i32>} : memref<2048xi32, #tpu.memory_space<vmem>>, vector<16xi32>,
      %jit3A_378 = arith.constant 1 : i32
      %jit3A_379 = arith.constant 0 : i32
      %broadcast_in_dim3A_380 = vector.broadcast %jit3A_378 : i32 to vector<16xi32>
      %broadcast_in_dim3A_381 = vector.broadcast %jit3A_379 : i32 to vector<16xi32>
      %select_n3A_382 = arith.select %unique3A_372, %broadcast_in_dim3A_380, %broadcast_in_dim3A_381 : vector<16xi1>, vector<16xi32>
      %swap3A_383 = arith.index_cast %add3A_361 : i32 to index
      %swap3A_384 = tpu.vector_load %arg10[%swap3A_383] {strides = array<i32>} : memref<2048xi32, #tpu.memory_space<vmem>>, vector<16xi32>,
      tpu.vector_store %arg10[%swap3A_383], %select_n3A_382 {strides = array<i32>} : memref<2048xi32, #tpu.memory_space<vmem>>, vector<16xi32>,
      %mul3A_385 = arith.constant 4 : i32
      %mul3A_386 = arith.muli %scan3A_333, %mul3A_385 : i32
      %mul3A_387 = arith.constant 16 : i32
      %mul3A_388 = arith.muli %mul3A_386, %mul3A_387 : i32
      %add3A_389 = arith.constant 32 : i32
      %add3A_390 = arith.addi %mul3A_388, %add3A_389 : i32
      %get3A_391 = arith.index_cast %add3A_390 : i32 to index
      %get3A_392 = tpu.vector_load %arg5[%get3A_391] {strides = array<i32>} : memref<2048xi32, #tpu.memory_space<vmem>>, vector<16xi32>,
      %shift_right_logical3A_393 = arith.constant 8 : i32
      %shift_right_logical3A_394 = vector.broadcast %shift_right_logical3A_393 : i32 to vector<16xi32>
      %shift_right_logical3A_395 = arith.shrui %get3A_392, %shift_right_logical3A_394 : vector<16xi32>
      %and3A_396 = arith.constant 255 : i32
      %and3A_397 = vector.broadcast %and3A_396 : i32 to vector<16xi32>
      %and3A_398 = arith.andi %shift_right_logical3A_395, %and3A_397 : vector<16xi32>
      %broadcast_in_dim3A_399 = arith.constant true
      %broadcast_in_dim3A_400 = vector.broadcast %broadcast_in_dim3A_399 : i1 to vector<16xi1>
      %unique3A_401, %unique3A_402 = tpu.scan_count mask(%broadcast_in_dim3A_400 : vector<16xi1>) value(%and3A_398 : vector<16xi32>) : vector<16xi1>, vector<16xi32>
      %swap3A_403 = arith.index_cast %add3A_390 : i32 to index
      %swap3A_404 = tpu.vector_load %arg8[%swap3A_403] {strides = array<i32>} : memref<2048xi32, #tpu.memory_space<vmem>>, vector<16xi32>,
      tpu.vector_store %arg8[%swap3A_403], %and3A_398 {strides = array<i32>} : memref<2048xi32, #tpu.memory_space<vmem>>, vector<16xi32>,
      %swap3A_405 = arith.index_cast %add3A_390 : i32 to index
      %swap3A_406 = tpu.vector_load %arg9[%swap3A_405] {strides = array<i32>} : memref<2048xi32, #tpu.memory_space<vmem>>, vector<16xi32>,
      tpu.vector_store %arg9[%swap3A_405], %unique3A_402 {strides = array<i32>} : memref<2048xi32, #tpu.memory_space<vmem>>, vector<16xi32>,
      %jit3A_407 = arith.constant 1 : i32
      %jit3A_408 = arith.constant 0 : i32
      %broadcast_in_dim3A_409 = vector.broadcast %jit3A_407 : i32 to vector<16xi32>
      %broadcast_in_dim3A_410 = vector.broadcast %jit3A_408 : i32 to vector<16xi32>
      %select_n3A_411 = arith.select %unique3A_401, %broadcast_in_dim3A_409, %broadcast_in_dim3A_410 : vector<16xi1>, vector<16xi32>
      %swap3A_412 = arith.index_cast %add3A_390 : i32 to index
      %swap3A_413 = tpu.vector_load %arg10[%swap3A_412] {strides = array<i32>} : memref<2048xi32, #tpu.memory_space<vmem>>, vector<16xi32>,
      tpu.vector_store %arg10[%swap3A_412], %select_n3A_411 {strides = array<i32>} : memref<2048xi32, #tpu.memory_space<vmem>>, vector<16xi32>,
      %mul3A_414 = arith.constant 4 : i32
      %mul3A_415 = arith.muli %scan3A_333, %mul3A_414 : i32
      %mul3A_416 = arith.constant 16 : i32
      %mul3A_417 = arith.muli %mul3A_415, %mul3A_416 : i32
      %add3A_418 = arith.constant 48 : i32
      %add3A_419 = arith.addi %mul3A_417, %add3A_418 : i32
      %get3A_420 = arith.index_cast %add3A_419 : i32 to index
      %get3A_421 = tpu.vector_load %arg5[%get3A_420] {strides = array<i32>} : memref<2048xi32, #tpu.memory_space<vmem>>, vector<16xi32>,
      %shift_right_logical3A_422 = arith.constant 8 : i32
      %shift_right_logical3A_423 = vector.broadcast %shift_right_logical3A_422 : i32 to vector<16xi32>
      %shift_right_logical3A_424 = arith.shrui %get3A_421, %shift_right_logical3A_423 : vector<16xi32>
      %and3A_425 = arith.constant 255 : i32
      %and3A_426 = vector.broadcast %and3A_425 : i32 to vector<16xi32>
      %and3A_427 = arith.andi %shift_right_logical3A_424, %and3A_426 : vector<16xi32>
      %broadcast_in_dim3A_428 = arith.constant true
      %broadcast_in_dim3A_429 = vector.broadcast %broadcast_in_dim3A_428 : i1 to vector<16xi1>
      %unique3A_430, %unique3A_431 = tpu.scan_count mask(%broadcast_in_dim3A_429 : vector<16xi1>) value(%and3A_427 : vector<16xi32>) : vector<16xi1>, vector<16xi32>
      %swap3A_432 = arith.index_cast %add3A_419 : i32 to index
      %swap3A_433 = tpu.vector_load %arg8[%swap3A_432] {strides = array<i32>} : memref<2048xi32, #tpu.memory_space<vmem>>, vector<16xi32>,
      tpu.vector_store %arg8[%swap3A_432], %and3A_427 {strides = array<i32>} : memref<2048xi32, #tpu.memory_space<vmem>>, vector<16xi32>,
      %swap3A_434 = arith.index_cast %add3A_419 : i32 to index
      %swap3A_435 = tpu.vector_load %arg9[%swap3A_434] {strides = array<i32>} : memref<2048xi32, #tpu.memory_space<vmem>>, vector<16xi32>,
      tpu.vector_store %arg9[%swap3A_434], %unique3A_431 {strides = array<i32>} : memref<2048xi32, #tpu.memory_space<vmem>>, vector<16xi32>,
      %jit3A_436 = arith.constant 1 : i32
      %jit3A_437 = arith.constant 0 : i32
      %broadcast_in_dim3A_438 = vector.broadcast %jit3A_436 : i32 to vector<16xi32>
      %broadcast_in_dim3A_439 = vector.broadcast %jit3A_437 : i32 to vector<16xi32>
      %select_n3A_440 = arith.select %unique3A_430, %broadcast_in_dim3A_438, %broadcast_in_dim3A_439 : vector<16xi1>, vector<16xi32>
      %swap3A_441 = arith.index_cast %add3A_419 : i32 to index
      %swap3A_442 = tpu.vector_load %arg10[%swap3A_441] {strides = array<i32>} : memref<2048xi32, #tpu.memory_space<vmem>>, vector<16xi32>,
      tpu.vector_store %arg10[%swap3A_441], %select_n3A_440 {strides = array<i32>} : memref<2048xi32, #tpu.memory_space<vmem>>, vector<16xi32>,
      %scan3A_443 = arith.constant 0 : i32
      scf.yield %scan3A_443 : i32
    }
    %scan3A_70 = arith.constant 32 : i32
    %scan3A_71 = arith.constant 0 : i32
    %scan3A_72 = arith.constant 0 : i32
    %scan3A_73 = arith.constant 16 : i32
    %scan3A_74 = arith.addi %scan3A_72, %scan3A_73 : i32
    %scan3A_75 = arith.constant 1 : i32
    %scan3A_76 = scf.for %scan3A_333 = %scan3A_72 to %scan3A_74 step %scan3A_75 iter_args(%scan3A_334 = %scan3A_71) -> (i32)  : i32 {
      %broadcast_in_dim3A = arith.constant 0 : i32
      %broadcast_in_dim3A_335 = vector.broadcast %broadcast_in_dim3A : i32 to vector<16xi32>
      %mul3A_336 = arith.constant 16 : i32
      %mul3A_337 = arith.muli %scan3A_333, %mul3A_336 : i32
      %swap3A = arith.index_cast %mul3A_337 : i32 to index
      %swap3A_338 = tpu.vector_load %arg11[%swap3A] {strides = array<i32>} : memref<256xi32, #tpu.memory_space<vmem>>, vector<16xi32>,
      tpu.vector_store %arg11[%swap3A], %broadcast_in_dim3A_335 {strides = array<i32>} : memref<256xi32, #tpu.memory_space<vmem>>, vector<16xi32>,
      %scan3A_339 = arith.constant 0 : i32
      scf.yield %scan3A_339 : i32
    }
    %scan3A_77 = arith.constant 16 : i32
    %scan3A_78 = arith.constant 0 : i32
    %scan3A_79 = arith.constant 0 : i32
    %scan3A_80 = arith.constant 32 : i32
    %scan3A_81 = arith.addi %scan3A_79, %scan3A_80 : i32
    %scan3A_82 = arith.constant 1 : i32
    %scan3A_83 = scf.for %scan3A_333 = %scan3A_79 to %scan3A_81 step %scan3A_82 iter_args(%scan3A_334 = %scan3A_78) -> (i32)  : i32 {
      %mul3A_335 = arith.constant 4 : i32
      %mul3A_336 = arith.muli %scan3A_333, %mul3A_335 : i32
      %mul3A_337 = arith.constant 16 : i32
      %mul3A_338 = arith.muli %mul3A_336, %mul3A_337 : i32
      %add3A_339 = arith.constant 0 : i32
      %add3A_340 = arith.addi %mul3A_338, %add3A_339 : i32
      %get3A = arith.index_cast %add3A_340 : i32 to index
      %get3A_341 = tpu.vector_load %arg8[%get3A] {strides = array<i32>} : memref<2048xi32, #tpu.memory_space<vmem>>, vector<16xi32>,
      %get3A_342 = arith.index_cast %add3A_340 : i32 to index
      %get3A_343 = tpu.vector_load %arg9[%get3A_342] {strides = array<i32>} : memref<2048xi32, #tpu.memory_space<vmem>>, vector<16xi32>,
      %get3A_344 = arith.index_cast %add3A_340 : i32 to index
      %get3A_345 = tpu.vector_load %arg10[%get3A_344] {strides = array<i32>} : memref<2048xi32, #tpu.memory_space<vmem>>, vector<16xi32>,
      %gt3A = arith.constant 0 : i32
      %gt3A_346 = vector.broadcast %gt3A : i32 to vector<16xi32>
      %gt3A_347 = arith.cmpi sgt, %get3A_345, %gt3A_346 : vector<16xi32>
      tpu.vector_store_idx %arg11[%get3A_341], %get3A_343 masked %gt3A_347 {add = true} : memref<256xi32, #tpu.memory_space<vmem>>[vector<16xi32>], vector<16xi32>, vector<16xi1>
      %mul3A_348 = arith.constant 4 : i32
      %mul3A_349 = arith.muli %scan3A_333, %mul3A_348 : i32
      %mul3A_350 = arith.constant 16 : i32
      %mul3A_351 = arith.muli %mul3A_349, %mul3A_350 : i32
      %add3A_352 = arith.constant 16 : i32
      %add3A_353 = arith.addi %mul3A_351, %add3A_352 : i32
      %get3A_354 = arith.index_cast %add3A_353 : i32 to index
      %get3A_355 = tpu.vector_load %arg8[%get3A_354] {strides = array<i32>} : memref<2048xi32, #tpu.memory_space<vmem>>, vector<16xi32>,
      %get3A_356 = arith.index_cast %add3A_353 : i32 to index
      %get3A_357 = tpu.vector_load %arg9[%get3A_356] {strides = array<i32>} : memref<2048xi32, #tpu.memory_space<vmem>>, vector<16xi32>,
      %get3A_358 = arith.index_cast %add3A_353 : i32 to index
      %get3A_359 = tpu.vector_load %arg10[%get3A_358] {strides = array<i32>} : memref<2048xi32, #tpu.memory_space<vmem>>, vector<16xi32>,
      %gt3A_360 = arith.constant 0 : i32
      %gt3A_361 = vector.broadcast %gt3A_360 : i32 to vector<16xi32>
      %gt3A_362 = arith.cmpi sgt, %get3A_359, %gt3A_361 : vector<16xi32>
      tpu.vector_store_idx %arg11[%get3A_355], %get3A_357 masked %gt3A_362 {add = true} : memref<256xi32, #tpu.memory_space<vmem>>[vector<16xi32>], vector<16xi32>, vector<16xi1>
      %mul3A_363 = arith.constant 4 : i32
      %mul3A_364 = arith.muli %scan3A_333, %mul3A_363 : i32
      %mul3A_365 = arith.constant 16 : i32
      %mul3A_366 = arith.muli %mul3A_364, %mul3A_365 : i32
      %add3A_367 = arith.constant 32 : i32
      %add3A_368 = arith.addi %mul3A_366, %add3A_367 : i32
      %get3A_369 = arith.index_cast %add3A_368 : i32 to index
      %get3A_370 = tpu.vector_load %arg8[%get3A_369] {strides = array<i32>} : memref<2048xi32, #tpu.memory_space<vmem>>, vector<16xi32>,
      %get3A_371 = arith.index_cast %add3A_368 : i32 to index
      %get3A_372 = tpu.vector_load %arg9[%get3A_371] {strides = array<i32>} : memref<2048xi32, #tpu.memory_space<vmem>>, vector<16xi32>,
      %get3A_373 = arith.index_cast %add3A_368 : i32 to index
      %get3A_374 = tpu.vector_load %arg10[%get3A_373] {strides = array<i32>} : memref<2048xi32, #tpu.memory_space<vmem>>, vector<16xi32>,
      %gt3A_375 = arith.constant 0 : i32
      %gt3A_376 = vector.broadcast %gt3A_375 : i32 to vector<16xi32>
      %gt3A_377 = arith.cmpi sgt, %get3A_374, %gt3A_376 : vector<16xi32>
      tpu.vector_store_idx %arg11[%get3A_370], %get3A_372 masked %gt3A_377 {add = true} : memref<256xi32, #tpu.memory_space<vmem>>[vector<16xi32>], vector<16xi32>, vector<16xi1>
      %mul3A_378 = arith.constant 4 : i32
      %mul3A_379 = arith.muli %scan3A_333, %mul3A_378 : i32
      %mul3A_380 = arith.constant 16 : i32
      %mul3A_381 = arith.muli %mul3A_379, %mul3A_380 : i32
      %add3A_382 = arith.constant 48 : i32
      %add3A_383 = arith.addi %mul3A_381, %add3A_382 : i32
      %get3A_384 = arith.index_cast %add3A_383 : i32 to index
      %get3A_385 = tpu.vector_load %arg8[%get3A_384] {strides = array<i32>} : memref<2048xi32, #tpu.memory_space<vmem>>, vector<16xi32>,
      %get3A_386 = arith.index_cast %add3A_383 : i32 to index
      %get3A_387 = tpu.vector_load %arg9[%get3A_386] {strides = array<i32>} : memref<2048xi32, #tpu.memory_space<vmem>>, vector<16xi32>,
      %get3A_388 = arith.index_cast %add3A_383 : i32 to index
      %get3A_389 = tpu.vector_load %arg10[%get3A_388] {strides = array<i32>} : memref<2048xi32, #tpu.memory_space<vmem>>, vector<16xi32>,
      %gt3A_390 = arith.constant 0 : i32
      %gt3A_391 = vector.broadcast %gt3A_390 : i32 to vector<16xi32>
      %gt3A_392 = arith.cmpi sgt, %get3A_389, %gt3A_391 : vector<16xi32>
      tpu.vector_store_idx %arg11[%get3A_385], %get3A_387 masked %gt3A_392 {add = true} : memref<256xi32, #tpu.memory_space<vmem>>[vector<16xi32>], vector<16xi32>, vector<16xi1>
      %scan3A_393 = arith.constant 0 : i32
      scf.yield %scan3A_393 : i32
    }
    %scan3A_84 = arith.constant 32 : i32
    %mul3A_85 = arith.constant 256 : i32
    %mul3A_86 = arith.muli %arg1, %mul3A_85 : i32
    "tpu.region"() ({
      %run_scoped3A = tpu.sem_alloc : memref<!tpu.dma_semaphore, #tpu.memory_space<semaphore_mem>>
      %dma_start3A_333 = tpu.memref_slice %arg23[%mul3A_86] : memref<4096xi32, #tpu.memory_space<vmem_shared>> -> memref<256xi32, #tpu.memory_space<vmem_shared>>
      %dma_start3A_334 = tpu.memref_slice %arg23[%mul3A_86] : memref<4096xi32, #tpu.memory_space<vmem_shared>> -> memref<256xi32, #tpu.memory_space<vmem_shared>>
      tpu.enqueue_dma source(%arg11 : memref<256xi32, #tpu.memory_space<vmem>>) target(%dma_start3A_334 : memref<256xi32, #tpu.memory_space<vmem_shared>>) target_semaphore(%run_scoped3A : memref<!tpu.dma_semaphore, #tpu.memory_space<semaphore_mem>>)
      %dma_wait3A_335 = tpu.memref_slice %arg23[%mul3A_86] : memref<4096xi32, #tpu.memory_space<vmem_shared>> -> memref<256xi32, #tpu.memory_space<vmem_shared>>
      %dma_wait3A_336 = tpu.memref_slice %arg23[%mul3A_86] : memref<4096xi32, #tpu.memory_space<vmem_shared>> -> memref<256xi32, #tpu.memory_space<vmem_shared>>
      tpu.wait_dma2 semaphore(%run_scoped3A : memref<!tpu.dma_semaphore, #tpu.memory_space<semaphore_mem>>) src(%arg11 : memref<256xi32, #tpu.memory_space<vmem>>) dst(%dma_wait3A_336 : memref<256xi32, #tpu.memory_space<vmem_shared>>)
      tpu.yield
    }) : () -> ()
    %barrier3A_87 = arith.constant 0 : index
    tpu.barrier barrier_id(%barrier3A_87)
    "tpu.region"() ({
      %run_scoped3A = tpu.sem_alloc : memref<!tpu.dma_semaphore, #tpu.memory_space<semaphore_mem>>
      tpu.enqueue_dma source(%arg23 : memref<4096xi32, #tpu.memory_space<vmem_shared>>) target(%arg13 : memref<4096xi32, #tpu.memory_space<vmem>>) target_semaphore(%run_scoped3A : memref<!tpu.dma_semaphore, #tpu.memory_space<semaphore_mem>>)
      tpu.wait_dma2 semaphore(%run_scoped3A : memref<!tpu.dma_semaphore, #tpu.memory_space<semaphore_mem>>) src(%arg23 : memref<4096xi32, #tpu.memory_space<vmem_shared>>) dst(%arg13 : memref<4096xi32, #tpu.memory_space<vmem>>)
      tpu.yield
    }) : () -> ()
    %scan3A_88 = arith.constant 0 : i32
    %scan3A_89 = arith.constant 0 : i32
    %scan3A_90 = arith.constant 16 : i32
    %scan3A_91 = arith.addi %scan3A_89, %scan3A_90 : i32
    %scan3A_92 = arith.constant 1 : i32
    %scan3A_93 = scf.for %scan3A_333 = %scan3A_89 to %scan3A_91 step %scan3A_92 iter_args(%scan3A_334 = %scan3A_88) -> (i32)  : i32 {
      %broadcast_in_dim3A = arith.constant 0 : i32
      %broadcast_in_dim3A_335 = vector.broadcast %broadcast_in_dim3A : i32 to vector<16xi32>
      %broadcast_in_dim3A_336 = arith.constant 0 : i32
      %broadcast_in_dim3A_337 = vector.broadcast %broadcast_in_dim3A_336 : i32 to vector<16xi32>
      %mul3A_338 = arith.constant 16 : i32
      %mul3A_339 = arith.muli %scan3A_333, %mul3A_338 : i32
      %add3A_340 = arith.constant 0 : i32
      %add3A_341 = arith.addi %add3A_340, %mul3A_339 : i32
      %get3A = arith.index_cast %add3A_341 : i32 to index
      %get3A_342 = tpu.vector_load %arg13[%get3A] {strides = array<i32>} : memref<4096xi32, #tpu.memory_space<vmem>>, vector<16xi32>,
      %add3A_343 = arith.addi %broadcast_in_dim3A_335, %get3A_342 : vector<16xi32>
      %gt3A = arith.constant 0 : i32
      %gt3A_344 = arith.cmpi sgt, %arg1, %gt3A : i32
      %jit3A = arith.constant 1 : i32
      %jit3A_345 = arith.constant 0 : i32
      %select_n3A = arith.select %gt3A_344, %jit3A, %jit3A_345 : i32
      %mul3A_346 = vector.broadcast %select_n3A : i32 to vector<16xi32>
      %mul3A_347 = arith.muli %get3A_342, %mul3A_346 : vector<16xi32>
      %add3A_348 = arith.addi %broadcast_in_dim3A_337, %mul3A_347 : vector<16xi32>
      %mul3A_349 = arith.constant 16 : i32
      %mul3A_350 = arith.muli %scan3A_333, %mul3A_349 : i32
      %add3A_351 = arith.constant 256 : i32
      %add3A_352 = arith.addi %add3A_351, %mul3A_350 : i32
      %get3A_353 = arith.index_cast %add3A_352 : i32 to index
      %get3A_354 = tpu.vector_load %arg13[%get3A_353] {strides = array<i32>} : memref<4096xi32, #tpu.memory_space<vmem>>, vector<16xi32>,
      %add3A_355 = arith.addi %add3A_343, %get3A_354 : vector<16xi32>
      %gt3A_356 = arith.constant 1 : i32
      %gt3A_357 = arith.cmpi sgt, %arg1, %gt3A_356 : i32
      %jit3A_358 = arith.constant 1 : i32
      %jit3A_359 = arith.constant 0 : i32
      %select_n3A_360 = arith.select %gt3A_357, %jit3A_358, %jit3A_359 : i32
      %mul3A_361 = vector.broadcast %select_n3A_360 : i32 to vector<16xi32>
      %mul3A_362 = arith.muli %get3A_354, %mul3A_361 : vector<16xi32>
      %add3A_363 = arith.addi %add3A_348, %mul3A_362 : vector<16xi32>
      %mul3A_364 = arith.constant 16 : i32
      %mul3A_365 = arith.muli %scan3A_333, %mul3A_364 : i32
      %add3A_366 = arith.constant 512 : i32
      %add3A_367 = arith.addi %add3A_366, %mul3A_365 : i32
      %get3A_368 = arith.index_cast %add3A_367 : i32 to index
      %get3A_369 = tpu.vector_load %arg13[%get3A_368] {strides = array<i32>} : memref<4096xi32, #tpu.memory_space<vmem>>, vector<16xi32>,
      %add3A_370 = arith.addi %add3A_355, %get3A_369 : vector<16xi32>
      %gt3A_371 = arith.constant 2 : i32
      %gt3A_372 = arith.cmpi sgt, %arg1, %gt3A_371 : i32
      %jit3A_373 = arith.constant 1 : i32
      %jit3A_374 = arith.constant 0 : i32
      %select_n3A_375 = arith.select %gt3A_372, %jit3A_373, %jit3A_374 : i32
      %mul3A_376 = vector.broadcast %select_n3A_375 : i32 to vector<16xi32>
      %mul3A_377 = arith.muli %get3A_369, %mul3A_376 : vector<16xi32>
      %add3A_378 = arith.addi %add3A_363, %mul3A_377 : vector<16xi32>
      %mul3A_379 = arith.constant 16 : i32
      %mul3A_380 = arith.muli %scan3A_333, %mul3A_379 : i32
      %add3A_381 = arith.constant 768 : i32
      %add3A_382 = arith.addi %add3A_381, %mul3A_380 : i32
      %get3A_383 = arith.index_cast %add3A_382 : i32 to index
      %get3A_384 = tpu.vector_load %arg13[%get3A_383] {strides = array<i32>} : memref<4096xi32, #tpu.memory_space<vmem>>, vector<16xi32>,
      %add3A_385 = arith.addi %add3A_370, %get3A_384 : vector<16xi32>
      %gt3A_386 = arith.constant 3 : i32
      %gt3A_387 = arith.cmpi sgt, %arg1, %gt3A_386 : i32
      %jit3A_388 = arith.constant 1 : i32
      %jit3A_389 = arith.constant 0 : i32
      %select_n3A_390 = arith.select %gt3A_387, %jit3A_388, %jit3A_389 : i32
      %mul3A_391 = vector.broadcast %select_n3A_390 : i32 to vector<16xi32>
      %mul3A_392 = arith.muli %get3A_384, %mul3A_391 : vector<16xi32>
      %add3A_393 = arith.addi %add3A_378, %mul3A_392 : vector<16xi32>
      %mul3A_394 = arith.constant 16 : i32
      %mul3A_395 = arith.muli %scan3A_333, %mul3A_394 : i32
      %add3A_396 = arith.constant 1024 : i32
      %add3A_397 = arith.addi %add3A_396, %mul3A_395 : i32
      %get3A_398 = arith.index_cast %add3A_397 : i32 to index
      %get3A_399 = tpu.vector_load %arg13[%get3A_398] {strides = array<i32>} : memref<4096xi32, #tpu.memory_space<vmem>>, vector<16xi32>,
      %add3A_400 = arith.addi %add3A_385, %get3A_399 : vector<16xi32>
      %gt3A_401 = arith.constant 4 : i32
      %gt3A_402 = arith.cmpi sgt, %arg1, %gt3A_401 : i32
      %jit3A_403 = arith.constant 1 : i32
      %jit3A_404 = arith.constant 0 : i32
      %select_n3A_405 = arith.select %gt3A_402, %jit3A_403, %jit3A_404 : i32
      %mul3A_406 = vector.broadcast %select_n3A_405 : i32 to vector<16xi32>
      %mul3A_407 = arith.muli %get3A_399, %mul3A_406 : vector<16xi32>
      %add3A_408 = arith.addi %add3A_393, %mul3A_407 : vector<16xi32>
      %mul3A_409 = arith.constant 16 : i32
      %mul3A_410 = arith.muli %scan3A_333, %mul3A_409 : i32
      %add3A_411 = arith.constant 1280 : i32
      %add3A_412 = arith.addi %add3A_411, %mul3A_410 : i32
      %get3A_413 = arith.index_cast %add3A_412 : i32 to index
      %get3A_414 = tpu.vector_load %arg13[%get3A_413] {strides = array<i32>} : memref<4096xi32, #tpu.memory_space<vmem>>, vector<16xi32>,
      %add3A_415 = arith.addi %add3A_400, %get3A_414 : vector<16xi32>
      %gt3A_416 = arith.constant 5 : i32
      %gt3A_417 = arith.cmpi sgt, %arg1, %gt3A_416 : i32
      %jit3A_418 = arith.constant 1 : i32
      %jit3A_419 = arith.constant 0 : i32
      %select_n3A_420 = arith.select %gt3A_417, %jit3A_418, %jit3A_419 : i32
      %mul3A_421 = vector.broadcast %select_n3A_420 : i32 to vector<16xi32>
      %mul3A_422 = arith.muli %get3A_414, %mul3A_421 : vector<16xi32>
      %add3A_423 = arith.addi %add3A_408, %mul3A_422 : vector<16xi32>
      %mul3A_424 = arith.constant 16 : i32
      %mul3A_425 = arith.muli %scan3A_333, %mul3A_424 : i32
      %add3A_426 = arith.constant 1536 : i32
      %add3A_427 = arith.addi %add3A_426, %mul3A_425 : i32
      %get3A_428 = arith.index_cast %add3A_427 : i32 to index
      %get3A_429 = tpu.vector_load %arg13[%get3A_428] {strides = array<i32>} : memref<4096xi32, #tpu.memory_space<vmem>>, vector<16xi32>,
      %add3A_430 = arith.addi %add3A_415, %get3A_429 : vector<16xi32>
      %gt3A_431 = arith.constant 6 : i32
      %gt3A_432 = arith.cmpi sgt, %arg1, %gt3A_431 : i32
      %jit3A_433 = arith.constant 1 : i32
      %jit3A_434 = arith.constant 0 : i32
      %select_n3A_435 = arith.select %gt3A_432, %jit3A_433, %jit3A_434 : i32
      %mul3A_436 = vector.broadcast %select_n3A_435 : i32 to vector<16xi32>
      %mul3A_437 = arith.muli %get3A_429, %mul3A_436 : vector<16xi32>
      %add3A_438 = arith.addi %add3A_423, %mul3A_437 : vector<16xi32>
      %mul3A_439 = arith.constant 16 : i32
      %mul3A_440 = arith.muli %scan3A_333, %mul3A_439 : i32
      %add3A_441 = arith.constant 1792 : i32
      %add3A_442 = arith.addi %add3A_441, %mul3A_440 : i32
      %get3A_443 = arith.index_cast %add3A_442 : i32 to index
      %get3A_444 = tpu.vector_load %arg13[%get3A_443] {strides = array<i32>} : memref<4096xi32, #tpu.memory_space<vmem>>, vector<16xi32>,
      %add3A_445 = arith.addi %add3A_430, %get3A_444 : vector<16xi32>
      %gt3A_446 = arith.constant 7 : i32
      %gt3A_447 = arith.cmpi sgt, %arg1, %gt3A_446 : i32
      %jit3A_448 = arith.constant 1 : i32
      %jit3A_449 = arith.constant 0 : i32
      %select_n3A_450 = arith.select %gt3A_447, %jit3A_448, %jit3A_449 : i32
      %mul3A_451 = vector.broadcast %select_n3A_450 : i32 to vector<16xi32>
      %mul3A_452 = arith.muli %get3A_444, %mul3A_451 : vector<16xi32>
      %add3A_453 = arith.addi %add3A_438, %mul3A_452 : vector<16xi32>
      %mul3A_454 = arith.constant 16 : i32
      %mul3A_455 = arith.muli %scan3A_333, %mul3A_454 : i32
      %add3A_456 = arith.constant 2048 : i32
      %add3A_457 = arith.addi %add3A_456, %mul3A_455 : i32
      %get3A_458 = arith.index_cast %add3A_457 : i32 to index
      %get3A_459 = tpu.vector_load %arg13[%get3A_458] {strides = array<i32>} : memref<4096xi32, #tpu.memory_space<vmem>>, vector<16xi32>,
      %add3A_460 = arith.addi %add3A_445, %get3A_459 : vector<16xi32>
      %gt3A_461 = arith.constant 8 : i32
      %gt3A_462 = arith.cmpi sgt, %arg1, %gt3A_461 : i32
      %jit3A_463 = arith.constant 1 : i32
      %jit3A_464 = arith.constant 0 : i32
      %select_n3A_465 = arith.select %gt3A_462, %jit3A_463, %jit3A_464 : i32
      %mul3A_466 = vector.broadcast %select_n3A_465 : i32 to vector<16xi32>
      %mul3A_467 = arith.muli %get3A_459, %mul3A_466 : vector<16xi32>
      %add3A_468 = arith.addi %add3A_453, %mul3A_467 : vector<16xi32>
      %mul3A_469 = arith.constant 16 : i32
      %mul3A_470 = arith.muli %scan3A_333, %mul3A_469 : i32
      %add3A_471 = arith.constant 2304 : i32
      %add3A_472 = arith.addi %add3A_471, %mul3A_470 : i32
      %get3A_473 = arith.index_cast %add3A_472 : i32 to index
      %get3A_474 = tpu.vector_load %arg13[%get3A_473] {strides = array<i32>} : memref<4096xi32, #tpu.memory_space<vmem>>, vector<16xi32>,
      %add3A_475 = arith.addi %add3A_460, %get3A_474 : vector<16xi32>
      %gt3A_476 = arith.constant 9 : i32
      %gt3A_477 = arith.cmpi sgt, %arg1, %gt3A_476 : i32
      %jit3A_478 = arith.constant 1 : i32
      %jit3A_479 = arith.constant 0 : i32
      %select_n3A_480 = arith.select %gt3A_477, %jit3A_478, %jit3A_479 : i32
      %mul3A_481 = vector.broadcast %select_n3A_480 : i32 to vector<16xi32>
      %mul3A_482 = arith.muli %get3A_474, %mul3A_481 : vector<16xi32>
      %add3A_483 = arith.addi %add3A_468, %mul3A_482 : vector<16xi32>
      %mul3A_484 = arith.constant 16 : i32
      %mul3A_485 = arith.muli %scan3A_333, %mul3A_484 : i32
      %add3A_486 = arith.constant 2560 : i32
      %add3A_487 = arith.addi %add3A_486, %mul3A_485 : i32
      %get3A_488 = arith.index_cast %add3A_487 : i32 to index
      %get3A_489 = tpu.vector_load %arg13[%get3A_488] {strides = array<i32>} : memref<4096xi32, #tpu.memory_space<vmem>>, vector<16xi32>,
      %add3A_490 = arith.addi %add3A_475, %get3A_489 : vector<16xi32>
      %gt3A_491 = arith.constant 10 : i32
      %gt3A_492 = arith.cmpi sgt, %arg1, %gt3A_491 : i32
      %jit3A_493 = arith.constant 1 : i32
      %jit3A_494 = arith.constant 0 : i32
      %select_n3A_495 = arith.select %gt3A_492, %jit3A_493, %jit3A_494 : i32
      %mul3A_496 = vector.broadcast %select_n3A_495 : i32 to vector<16xi32>
      %mul3A_497 = arith.muli %get3A_489, %mul3A_496 : vector<16xi32>
      %add3A_498 = arith.addi %add3A_483, %mul3A_497 : vector<16xi32>
      %mul3A_499 = arith.constant 16 : i32
      %mul3A_500 = arith.muli %scan3A_333, %mul3A_499 : i32
      %add3A_501 = arith.constant 2816 : i32
      %add3A_502 = arith.addi %add3A_501, %mul3A_500 : i32
      %get3A_503 = arith.index_cast %add3A_502 : i32 to index
      %get3A_504 = tpu.vector_load %arg13[%get3A_503] {strides = array<i32>} : memref<4096xi32, #tpu.memory_space<vmem>>, vector<16xi32>,
      %add3A_505 = arith.addi %add3A_490, %get3A_504 : vector<16xi32>
      %gt3A_506 = arith.constant 11 : i32
      %gt3A_507 = arith.cmpi sgt, %arg1, %gt3A_506 : i32
      %jit3A_508 = arith.constant 1 : i32
      %jit3A_509 = arith.constant 0 : i32
      %select_n3A_510 = arith.select %gt3A_507, %jit3A_508, %jit3A_509 : i32
      %mul3A_511 = vector.broadcast %select_n3A_510 : i32 to vector<16xi32>
      %mul3A_512 = arith.muli %get3A_504, %mul3A_511 : vector<16xi32>
      %add3A_513 = arith.addi %add3A_498, %mul3A_512 : vector<16xi32>
      %mul3A_514 = arith.constant 16 : i32
      %mul3A_515 = arith.muli %scan3A_333, %mul3A_514 : i32
      %add3A_516 = arith.constant 3072 : i32
      %add3A_517 = arith.addi %add3A_516, %mul3A_515 : i32
      %get3A_518 = arith.index_cast %add3A_517 : i32 to index
      %get3A_519 = tpu.vector_load %arg13[%get3A_518] {strides = array<i32>} : memref<4096xi32, #tpu.memory_space<vmem>>, vector<16xi32>,
      %add3A_520 = arith.addi %add3A_505, %get3A_519 : vector<16xi32>
      %gt3A_521 = arith.constant 12 : i32
      %gt3A_522 = arith.cmpi sgt, %arg1, %gt3A_521 : i32
      %jit3A_523 = arith.constant 1 : i32
      %jit3A_524 = arith.constant 0 : i32
      %select_n3A_525 = arith.select %gt3A_522, %jit3A_523, %jit3A_524 : i32
      %mul3A_526 = vector.broadcast %select_n3A_525 : i32 to vector<16xi32>
      %mul3A_527 = arith.muli %get3A_519, %mul3A_526 : vector<16xi32>
      %add3A_528 = arith.addi %add3A_513, %mul3A_527 : vector<16xi32>
      %mul3A_529 = arith.constant 16 : i32
      %mul3A_530 = arith.muli %scan3A_333, %mul3A_529 : i32
      %add3A_531 = arith.constant 3328 : i32
      %add3A_532 = arith.addi %add3A_531, %mul3A_530 : i32
      %get3A_533 = arith.index_cast %add3A_532 : i32 to index
      %get3A_534 = tpu.vector_load %arg13[%get3A_533] {strides = array<i32>} : memref<4096xi32, #tpu.memory_space<vmem>>, vector<16xi32>,
      %add3A_535 = arith.addi %add3A_520, %get3A_534 : vector<16xi32>
      %gt3A_536 = arith.constant 13 : i32
      %gt3A_537 = arith.cmpi sgt, %arg1, %gt3A_536 : i32
      %jit3A_538 = arith.constant 1 : i32
      %jit3A_539 = arith.constant 0 : i32
      %select_n3A_540 = arith.select %gt3A_537, %jit3A_538, %jit3A_539 : i32
      %mul3A_541 = vector.broadcast %select_n3A_540 : i32 to vector<16xi32>
      %mul3A_542 = arith.muli %get3A_534, %mul3A_541 : vector<16xi32>
      %add3A_543 = arith.addi %add3A_528, %mul3A_542 : vector<16xi32>
      %mul3A_544 = arith.constant 16 : i32
      %mul3A_545 = arith.muli %scan3A_333, %mul3A_544 : i32
      %add3A_546 = arith.constant 3584 : i32
      %add3A_547 = arith.addi %add3A_546, %mul3A_545 : i32
      %get3A_548 = arith.index_cast %add3A_547 : i32 to index
      %get3A_549 = tpu.vector_load %arg13[%get3A_548] {strides = array<i32>} : memref<4096xi32, #tpu.memory_space<vmem>>, vector<16xi32>,
      %add3A_550 = arith.addi %add3A_535, %get3A_549 : vector<16xi32>
      %gt3A_551 = arith.constant 14 : i32
      %gt3A_552 = arith.cmpi sgt, %arg1, %gt3A_551 : i32
      %jit3A_553 = arith.constant 1 : i32
      %jit3A_554 = arith.constant 0 : i32
      %select_n3A_555 = arith.select %gt3A_552, %jit3A_553, %jit3A_554 : i32
      %mul3A_556 = vector.broadcast %select_n3A_555 : i32 to vector<16xi32>
      %mul3A_557 = arith.muli %get3A_549, %mul3A_556 : vector<16xi32>
      %add3A_558 = arith.addi %add3A_543, %mul3A_557 : vector<16xi32>
      %mul3A_559 = arith.constant 16 : i32
      %mul3A_560 = arith.muli %scan3A_333, %mul3A_559 : i32
      %add3A_561 = arith.constant 3840 : i32
      %add3A_562 = arith.addi %add3A_561, %mul3A_560 : i32
      %get3A_563 = arith.index_cast %add3A_562 : i32 to index
      %get3A_564 = tpu.vector_load %arg13[%get3A_563] {strides = array<i32>} : memref<4096xi32, #tpu.memory_space<vmem>>, vector<16xi32>,
      %add3A_565 = arith.addi %add3A_550, %get3A_564 : vector<16xi32>
      %gt3A_566 = arith.constant 15 : i32
      %gt3A_567 = arith.cmpi sgt, %arg1, %gt3A_566 : i32
      %jit3A_568 = arith.constant 1 : i32
      %jit3A_569 = arith.constant 0 : i32
      %select_n3A_570 = arith.select %gt3A_567, %jit3A_568, %jit3A_569 : i32
      %mul3A_571 = vector.broadcast %select_n3A_570 : i32 to vector<16xi32>
      %mul3A_572 = arith.muli %get3A_564, %mul3A_571 : vector<16xi32>
      %add3A_573 = arith.addi %add3A_558, %mul3A_572 : vector<16xi32>
      %broadcast_in_dim3A_574 = arith.constant true
      %broadcast_in_dim3A_575 = vector.broadcast %broadcast_in_dim3A_574 : i1 to vector<16xi1>
      %masked_cumsum3A = tpu.scan <sum>, %add3A_565 masked %broadcast_in_dim3A_575 : vector<16xi32>, vector<16xi1> -> vector<16xi32>
      %sub3A = arith.subi %masked_cumsum3A, %add3A_565 : vector<16xi32>
      %add3A_576 = vector.broadcast %scan3A_334 : i32 to vector<16xi32>
      %add3A_577 = arith.addi %sub3A, %add3A_576 : vector<16xi32>
      %add3A_578 = arith.addi %add3A_577, %add3A_573 : vector<16xi32>
      %mul3A_579 = arith.constant 16 : i32
      %mul3A_580 = arith.muli %scan3A_333, %mul3A_579 : i32
      %swap3A = arith.index_cast %mul3A_580 : i32 to index
      %swap3A_581 = tpu.vector_load %arg12[%swap3A] {strides = array<i32>} : memref<256xi32, #tpu.memory_space<vmem>>, vector<16xi32>,
      tpu.vector_store %arg12[%swap3A], %add3A_578 {strides = array<i32>} : memref<256xi32, #tpu.memory_space<vmem>>, vector<16xi32>,
      %reduce_sum3A = arith.constant true
      %reduce_sum3A_582 = vector.broadcast %reduce_sum3A : i1 to vector<16xi1>
      %reduce_sum3A_583 = tpu.scan <sum>, %add3A_565 masked %reduce_sum3A_582 : vector<16xi32>, vector<16xi1> -> vector<16xi32>
      %reduce_sum3A_584 = vector.extract %reduce_sum3A_583[15] : i32 from vector<16xi32>
      %add3A_585 = arith.addi %scan3A_334, %reduce_sum3A_584 : i32
      scf.yield %add3A_585 : i32
    }
    %scan3A_94 = arith.constant 16 : i32
    %scan3A_95 = arith.constant 0 : i32
    %scan3A_96 = arith.constant 0 : i32
    %scan3A_97 = arith.constant 32 : i32
    %scan3A_98 = arith.addi %scan3A_96, %scan3A_97 : i32
    %scan3A_99 = arith.constant 1 : i32
    %scan3A_100 = scf.for %scan3A_333 = %scan3A_96 to %scan3A_98 step %scan3A_99 iter_args(%scan3A_334 = %scan3A_95) -> (i32)  : i32 {
      %mul3A_335 = arith.constant 4 : i32
      %mul3A_336 = arith.muli %scan3A_333, %mul3A_335 : i32
      %mul3A_337 = arith.constant 16 : i32
      %mul3A_338 = arith.muli %mul3A_336, %mul3A_337 : i32
      %add3A_339 = arith.constant 0 : i32
      %add3A_340 = arith.addi %mul3A_338, %add3A_339 : i32
      %get3A = arith.index_cast %add3A_340 : i32 to index
      %get3A_341 = tpu.vector_load %arg8[%get3A] {strides = array<i32>} : memref<2048xi32, #tpu.memory_space<vmem>>, vector<16xi32>,
      %get3A_342 = arith.index_cast %add3A_340 : i32 to index
      %get3A_343 = tpu.vector_load %arg9[%get3A_342] {strides = array<i32>} : memref<2048xi32, #tpu.memory_space<vmem>>, vector<16xi32>,
      %get3A_344 = arith.index_cast %add3A_340 : i32 to index
      %get3A_345 = tpu.vector_load %arg10[%get3A_344] {strides = array<i32>} : memref<2048xi32, #tpu.memory_space<vmem>>, vector<16xi32>,
      %gt3A = arith.constant 0 : i32
      %gt3A_346 = vector.broadcast %gt3A : i32 to vector<16xi32>
      %gt3A_347 = arith.cmpi sgt, %get3A_345, %gt3A_346 : vector<16xi32>
      %gather3A = tpu.vector_load_idx %arg12[%get3A_341] : memref<256xi32, #tpu.memory_space<vmem>>[vector<16xi32>], vector<16xi32>,
      %add3A_348 = arith.addi %gather3A, %get3A_343 : vector<16xi32>
      %sub3A = arith.constant 1 : i32
      %sub3A_349 = vector.broadcast %sub3A : i32 to vector<16xi32>
      %sub3A_350 = arith.subi %add3A_348, %sub3A_349 : vector<16xi32>
      %swap3A = arith.index_cast %add3A_340 : i32 to index
      %swap3A_351 = tpu.vector_load %arg7[%swap3A] {strides = array<i32>} : memref<2048xi32, #tpu.memory_space<vmem>>, vector<16xi32>,
      tpu.vector_store %arg7[%swap3A], %sub3A_350 {strides = array<i32>} : memref<2048xi32, #tpu.memory_space<vmem>>, vector<16xi32>,
      %add3A_352 = arith.addi %gather3A, %get3A_343 : vector<16xi32>
      tpu.vector_store_idx %arg12[%get3A_341], %add3A_352 masked %gt3A_347 : memref<256xi32, #tpu.memory_space<vmem>>[vector<16xi32>], vector<16xi32>, vector<16xi1>
      %mul3A_353 = arith.constant 4 : i32
      %mul3A_354 = arith.muli %scan3A_333, %mul3A_353 : i32
      %mul3A_355 = arith.constant 16 : i32
      %mul3A_356 = arith.muli %mul3A_354, %mul3A_355 : i32
      %add3A_357 = arith.constant 16 : i32
      %add3A_358 = arith.addi %mul3A_356, %add3A_357 : i32
      %get3A_359 = arith.index_cast %add3A_358 : i32 to index
      %get3A_360 = tpu.vector_load %arg8[%get3A_359] {strides = array<i32>} : memref<2048xi32, #tpu.memory_space<vmem>>, vector<16xi32>,
      %get3A_361 = arith.index_cast %add3A_358 : i32 to index
      %get3A_362 = tpu.vector_load %arg9[%get3A_361] {strides = array<i32>} : memref<2048xi32, #tpu.memory_space<vmem>>, vector<16xi32>,
      %get3A_363 = arith.index_cast %add3A_358 : i32 to index
      %get3A_364 = tpu.vector_load %arg10[%get3A_363] {strides = array<i32>} : memref<2048xi32, #tpu.memory_space<vmem>>, vector<16xi32>,
      %gt3A_365 = arith.constant 0 : i32
      %gt3A_366 = vector.broadcast %gt3A_365 : i32 to vector<16xi32>
      %gt3A_367 = arith.cmpi sgt, %get3A_364, %gt3A_366 : vector<16xi32>
      %gather3A_368 = tpu.vector_load_idx %arg12[%get3A_360] : memref<256xi32, #tpu.memory_space<vmem>>[vector<16xi32>], vector<16xi32>,
      %add3A_369 = arith.addi %gather3A_368, %get3A_362 : vector<16xi32>
      %sub3A_370 = arith.constant 1 : i32
      %sub3A_371 = vector.broadcast %sub3A_370 : i32 to vector<16xi32>
      %sub3A_372 = arith.subi %add3A_369, %sub3A_371 : vector<16xi32>
      %swap3A_373 = arith.index_cast %add3A_358 : i32 to index
      %swap3A_374 = tpu.vector_load %arg7[%swap3A_373] {strides = array<i32>} : memref<2048xi32, #tpu.memory_space<vmem>>, vector<16xi32>,
      tpu.vector_store %arg7[%swap3A_373], %sub3A_372 {strides = array<i32>} : memref<2048xi32, #tpu.memory_space<vmem>>, vector<16xi32>,
      %add3A_375 = arith.addi %gather3A_368, %get3A_362 : vector<16xi32>
      tpu.vector_store_idx %arg12[%get3A_360], %add3A_375 masked %gt3A_367 : memref<256xi32, #tpu.memory_space<vmem>>[vector<16xi32>], vector<16xi32>, vector<16xi1>
      %mul3A_376 = arith.constant 4 : i32
      %mul3A_377 = arith.muli %scan3A_333, %mul3A_376 : i32
      %mul3A_378 = arith.constant 16 : i32
      %mul3A_379 = arith.muli %mul3A_377, %mul3A_378 : i32
      %add3A_380 = arith.constant 32 : i32
      %add3A_381 = arith.addi %mul3A_379, %add3A_380 : i32
      %get3A_382 = arith.index_cast %add3A_381 : i32 to index
      %get3A_383 = tpu.vector_load %arg8[%get3A_382] {strides = array<i32>} : memref<2048xi32, #tpu.memory_space<vmem>>, vector<16xi32>,
      %get3A_384 = arith.index_cast %add3A_381 : i32 to index
      %get3A_385 = tpu.vector_load %arg9[%get3A_384] {strides = array<i32>} : memref<2048xi32, #tpu.memory_space<vmem>>, vector<16xi32>,
      %get3A_386 = arith.index_cast %add3A_381 : i32 to index
      %get3A_387 = tpu.vector_load %arg10[%get3A_386] {strides = array<i32>} : memref<2048xi32, #tpu.memory_space<vmem>>, vector<16xi32>,
      %gt3A_388 = arith.constant 0 : i32
      %gt3A_389 = vector.broadcast %gt3A_388 : i32 to vector<16xi32>
      %gt3A_390 = arith.cmpi sgt, %get3A_387, %gt3A_389 : vector<16xi32>
      %gather3A_391 = tpu.vector_load_idx %arg12[%get3A_383] : memref<256xi32, #tpu.memory_space<vmem>>[vector<16xi32>], vector<16xi32>,
      %add3A_392 = arith.addi %gather3A_391, %get3A_385 : vector<16xi32>
      %sub3A_393 = arith.constant 1 : i32
      %sub3A_394 = vector.broadcast %sub3A_393 : i32 to vector<16xi32>
      %sub3A_395 = arith.subi %add3A_392, %sub3A_394 : vector<16xi32>
      %swap3A_396 = arith.index_cast %add3A_381 : i32 to index
      %swap3A_397 = tpu.vector_load %arg7[%swap3A_396] {strides = array<i32>} : memref<2048xi32, #tpu.memory_space<vmem>>, vector<16xi32>,
      tpu.vector_store %arg7[%swap3A_396], %sub3A_395 {strides = array<i32>} : memref<2048xi32, #tpu.memory_space<vmem>>, vector<16xi32>,
      %add3A_398 = arith.addi %gather3A_391, %get3A_385 : vector<16xi32>
      tpu.vector_store_idx %arg12[%get3A_383], %add3A_398 masked %gt3A_390 : memref<256xi32, #tpu.memory_space<vmem>>[vector<16xi32>], vector<16xi32>, vector<16xi1>
      %mul3A_399 = arith.constant 4 : i32
      %mul3A_400 = arith.muli %scan3A_333, %mul3A_399 : i32
      %mul3A_401 = arith.constant 16 : i32
      %mul3A_402 = arith.muli %mul3A_400, %mul3A_401 : i32
      %add3A_403 = arith.constant 48 : i32
      %add3A_404 = arith.addi %mul3A_402, %add3A_403 : i32
      %get3A_405 = arith.index_cast %add3A_404 : i32 to index
      %get3A_406 = tpu.vector_load %arg8[%get3A_405] {strides = array<i32>} : memref<2048xi32, #tpu.memory_space<vmem>>, vector<16xi32>,
      %get3A_407 = arith.index_cast %add3A_404 : i32 to index
      %get3A_408 = tpu.vector_load %arg9[%get3A_407] {strides = array<i32>} : memref<2048xi32, #tpu.memory_space<vmem>>, vector<16xi32>,
      %get3A_409 = arith.index_cast %add3A_404 : i32 to index
      %get3A_410 = tpu.vector_load %arg10[%get3A_409] {strides = array<i32>} : memref<2048xi32, #tpu.memory_space<vmem>>, vector<16xi32>,
      %gt3A_411 = arith.constant 0 : i32
      %gt3A_412 = vector.broadcast %gt3A_411 : i32 to vector<16xi32>
      %gt3A_413 = arith.cmpi sgt, %get3A_410, %gt3A_412 : vector<16xi32>
      %gather3A_414 = tpu.vector_load_idx %arg12[%get3A_406] : memref<256xi32, #tpu.memory_space<vmem>>[vector<16xi32>], vector<16xi32>,
      %add3A_415 = arith.addi %gather3A_414, %get3A_408 : vector<16xi32>
      %sub3A_416 = arith.constant 1 : i32
      %sub3A_417 = vector.broadcast %sub3A_416 : i32 to vector<16xi32>
      %sub3A_418 = arith.subi %add3A_415, %sub3A_417 : vector<16xi32>
      %swap3A_419 = arith.index_cast %add3A_404 : i32 to index
      %swap3A_420 = tpu.vector_load %arg7[%swap3A_419] {strides = array<i32>} : memref<2048xi32, #tpu.memory_space<vmem>>, vector<16xi32>,
      tpu.vector_store %arg7[%swap3A_419], %sub3A_418 {strides = array<i32>} : memref<2048xi32, #tpu.memory_space<vmem>>, vector<16xi32>,
      %add3A_421 = arith.addi %gather3A_414, %get3A_408 : vector<16xi32>
      tpu.vector_store_idx %arg12[%get3A_406], %add3A_421 masked %gt3A_413 : memref<256xi32, #tpu.memory_space<vmem>>[vector<16xi32>], vector<16xi32>, vector<16xi1>
      %scan3A_422 = arith.constant 0 : i32
      scf.yield %scan3A_422 : i32
    }
    %scan3A_101 = arith.constant 32 : i32
    %dma_start3A_102 = arith.constant 0 : i32
    %dma_start3A_103 = tpu.memref_slice %arg21[%dma_start3A_102] : memref<32768xi32, #tpu.memory_space<vmem_shared>> -> memref<32768xi32, #tpu.memory_space<vmem_shared>>
    tpu.enqueue_indirect_dma source(%arg6 : memref<2048xi32, #tpu.memory_space<vmem>>) target(%dma_start3A_103 : memref<32768xi32, #tpu.memory_space<vmem_shared>>) offsets(%arg7 : memref<2048xi32, #tpu.memory_space<vmem>>) semaphore(%arg24 : memref<!tpu.dma_semaphore, #tpu.memory_space<semaphore_mem>>)
    %dma_start3A_104 = arith.constant 0 : i32
    %dma_start3A_105 = tpu.memref_slice %arg19[%dma_start3A_104] : memref<32768xi32, #tpu.memory_space<vmem_shared>> -> memref<32768xi32, #tpu.memory_space<vmem_shared>>
    tpu.enqueue_indirect_dma source(%arg5 : memref<2048xi32, #tpu.memory_space<vmem>>) target(%dma_start3A_105 : memref<32768xi32, #tpu.memory_space<vmem_shared>>) offsets(%arg7 : memref<2048xi32, #tpu.memory_space<vmem>>) semaphore(%arg24 : memref<!tpu.dma_semaphore, #tpu.memory_space<semaphore_mem>>)
    %dma_wait3A_106 = arith.constant 0 : i32
    %dma_wait3A_107 = tpu.memref_slice %arg19[%dma_wait3A_106] : memref<32768xi32, #tpu.memory_space<vmem_shared>> -> memref<32768xi32, #tpu.memory_space<vmem_shared>>
    tpu.wait_indirect_dma semaphore(%arg24 : memref<!tpu.dma_semaphore, #tpu.memory_space<semaphore_mem>>) src(%arg5 : memref<2048xi32, #tpu.memory_space<vmem>>) dst(%dma_wait3A_107 : memref<32768xi32, #tpu.memory_space<vmem_shared>>)
    %dma_wait3A_108 = arith.constant 0 : i32
    %dma_wait3A_109 = tpu.memref_slice %arg21[%dma_wait3A_108] : memref<32768xi32, #tpu.memory_space<vmem_shared>> -> memref<32768xi32, #tpu.memory_space<vmem_shared>>
    tpu.wait_indirect_dma semaphore(%arg24 : memref<!tpu.dma_semaphore, #tpu.memory_space<semaphore_mem>>) src(%arg6 : memref<2048xi32, #tpu.memory_space<vmem>>) dst(%dma_wait3A_109 : memref<32768xi32, #tpu.memory_space<vmem_shared>>)
    %barrier3A_110 = arith.constant 0 : index
    tpu.barrier barrier_id(%barrier3A_110)
    "tpu.region"() ({
      %run_scoped3A = tpu.sem_alloc : memref<!tpu.dma_semaphore, #tpu.memory_space<semaphore_mem>>
      %dma_start3A_333 = tpu.memref_slice %arg19[%mul3A_0] : memref<32768xi32, #tpu.memory_space<vmem_shared>> -> memref<2048xi32, #tpu.memory_space<vmem_shared>>
      %dma_start3A_334 = tpu.memref_slice %arg19[%mul3A_0] : memref<32768xi32, #tpu.memory_space<vmem_shared>> -> memref<2048xi32, #tpu.memory_space<vmem_shared>>
      tpu.enqueue_dma source(%dma_start3A_334 : memref<2048xi32, #tpu.memory_space<vmem_shared>>) target(%arg5 : memref<2048xi32, #tpu.memory_space<vmem>>) target_semaphore(%run_scoped3A : memref<!tpu.dma_semaphore, #tpu.memory_space<semaphore_mem>>)
      %dma_wait3A_335 = tpu.memref_slice %arg19[%mul3A_0] : memref<32768xi32, #tpu.memory_space<vmem_shared>> -> memref<2048xi32, #tpu.memory_space<vmem_shared>>
      %dma_wait3A_336 = tpu.memref_slice %arg19[%mul3A_0] : memref<32768xi32, #tpu.memory_space<vmem_shared>> -> memref<2048xi32, #tpu.memory_space<vmem_shared>>
      tpu.wait_dma2 semaphore(%run_scoped3A : memref<!tpu.dma_semaphore, #tpu.memory_space<semaphore_mem>>) src(%dma_wait3A_336 : memref<2048xi32, #tpu.memory_space<vmem_shared>>) dst(%arg5 : memref<2048xi32, #tpu.memory_space<vmem>>)
      tpu.yield
    }) : () -> ()
    "tpu.region"() ({
      %run_scoped3A = tpu.sem_alloc : memref<!tpu.dma_semaphore, #tpu.memory_space<semaphore_mem>>
      %dma_start3A_333 = tpu.memref_slice %arg21[%mul3A_0] : memref<32768xi32, #tpu.memory_space<vmem_shared>> -> memref<2048xi32, #tpu.memory_space<vmem_shared>>
      %dma_start3A_334 = tpu.memref_slice %arg21[%mul3A_0] : memref<32768xi32, #tpu.memory_space<vmem_shared>> -> memref<2048xi32, #tpu.memory_space<vmem_shared>>
      tpu.enqueue_dma source(%dma_start3A_334 : memref<2048xi32, #tpu.memory_space<vmem_shared>>) target(%arg6 : memref<2048xi32, #tpu.memory_space<vmem>>) target_semaphore(%run_scoped3A : memref<!tpu.dma_semaphore, #tpu.memory_space<semaphore_mem>>)
      %dma_wait3A_335 = tpu.memref_slice %arg21[%mul3A_0] : memref<32768xi32, #tpu.memory_space<vmem_shared>> -> memref<2048xi32, #tpu.memory_space<vmem_shared>>
      %dma_wait3A_336 = tpu.memref_slice %arg21[%mul3A_0] : memref<32768xi32, #tpu.memory_space<vmem_shared>> -> memref<2048xi32, #tpu.memory_space<vmem_shared>>
      tpu.wait_dma2 semaphore(%run_scoped3A : memref<!tpu.dma_semaphore, #tpu.memory_space<semaphore_mem>>) src(%dma_wait3A_336 : memref<2048xi32, #tpu.memory_space<vmem_shared>>) dst(%arg6 : memref<2048xi32, #tpu.memory_space<vmem>>)
      tpu.yield
    }) : () -> ()
    %scan3A_111 = arith.constant 0 : i32
    %scan3A_112 = arith.constant 0 : i32
    %scan3A_113 = arith.constant 32 : i32
    %scan3A_114 = arith.addi %scan3A_112, %scan3A_113 : i32
    %scan3A_115 = arith.constant 1 : i32
    %scan3A_116 = scf.for %scan3A_333 = %scan3A_112 to %scan3A_114 step %scan3A_115 iter_args(%scan3A_334 = %scan3A_111) -> (i32)  : i32 {
      %mul3A_335 = arith.constant 4 : i32
      %mul3A_336 = arith.muli %scan3A_333, %mul3A_335 : i32
      %mul3A_337 = arith.constant 16 : i32
      %mul3A_338 = arith.muli %mul3A_336, %mul3A_337 : i32
      %add3A_339 = arith.constant 0 : i32
      %add3A_340 = arith.addi %mul3A_338, %add3A_339 : i32
      %get3A = arith.index_cast %add3A_340 : i32 to index
      %get3A_341 = tpu.vector_load %arg5[%get3A] {strides = array<i32>} : memref<2048xi32, #tpu.memory_space<vmem>>, vector<16xi32>,
      %shift_right_logical3A = arith.constant 16 : i32
      %shift_right_logical3A_342 = vector.broadcast %shift_right_logical3A : i32 to vector<16xi32>
      %shift_right_logical3A_343 = arith.shrui %get3A_341, %shift_right_logical3A_342 : vector<16xi32>
      %and3A = arith.constant 255 : i32
      %and3A_344 = vector.broadcast %and3A : i32 to vector<16xi32>
      %and3A_345 = arith.andi %shift_right_logical3A_343, %and3A_344 : vector<16xi32>
      %broadcast_in_dim3A = arith.constant true
      %broadcast_in_dim3A_346 = vector.broadcast %broadcast_in_dim3A : i1 to vector<16xi1>
      %unique3A, %unique3A_347 = tpu.scan_count mask(%broadcast_in_dim3A_346 : vector<16xi1>) value(%and3A_345 : vector<16xi32>) : vector<16xi1>, vector<16xi32>
      %swap3A = arith.index_cast %add3A_340 : i32 to index
      %swap3A_348 = tpu.vector_load %arg8[%swap3A] {strides = array<i32>} : memref<2048xi32, #tpu.memory_space<vmem>>, vector<16xi32>,
      tpu.vector_store %arg8[%swap3A], %and3A_345 {strides = array<i32>} : memref<2048xi32, #tpu.memory_space<vmem>>, vector<16xi32>,
      %swap3A_349 = arith.index_cast %add3A_340 : i32 to index
      %swap3A_350 = tpu.vector_load %arg9[%swap3A_349] {strides = array<i32>} : memref<2048xi32, #tpu.memory_space<vmem>>, vector<16xi32>,
      tpu.vector_store %arg9[%swap3A_349], %unique3A_347 {strides = array<i32>} : memref<2048xi32, #tpu.memory_space<vmem>>, vector<16xi32>,
      %jit3A = arith.constant 1 : i32
      %jit3A_351 = arith.constant 0 : i32
      %broadcast_in_dim3A_352 = vector.broadcast %jit3A : i32 to vector<16xi32>
      %broadcast_in_dim3A_353 = vector.broadcast %jit3A_351 : i32 to vector<16xi32>
      %select_n3A = arith.select %unique3A, %broadcast_in_dim3A_352, %broadcast_in_dim3A_353 : vector<16xi1>, vector<16xi32>
      %swap3A_354 = arith.index_cast %add3A_340 : i32 to index
      %swap3A_355 = tpu.vector_load %arg10[%swap3A_354] {strides = array<i32>} : memref<2048xi32, #tpu.memory_space<vmem>>, vector<16xi32>,
      tpu.vector_store %arg10[%swap3A_354], %select_n3A {strides = array<i32>} : memref<2048xi32, #tpu.memory_space<vmem>>, vector<16xi32>,
      %mul3A_356 = arith.constant 4 : i32
      %mul3A_357 = arith.muli %scan3A_333, %mul3A_356 : i32
      %mul3A_358 = arith.constant 16 : i32
      %mul3A_359 = arith.muli %mul3A_357, %mul3A_358 : i32
      %add3A_360 = arith.constant 16 : i32
      %add3A_361 = arith.addi %mul3A_359, %add3A_360 : i32
      %get3A_362 = arith.index_cast %add3A_361 : i32 to index
      %get3A_363 = tpu.vector_load %arg5[%get3A_362] {strides = array<i32>} : memref<2048xi32, #tpu.memory_space<vmem>>, vector<16xi32>,
      %shift_right_logical3A_364 = arith.constant 16 : i32
      %shift_right_logical3A_365 = vector.broadcast %shift_right_logical3A_364 : i32 to vector<16xi32>
      %shift_right_logical3A_366 = arith.shrui %get3A_363, %shift_right_logical3A_365 : vector<16xi32>
      %and3A_367 = arith.constant 255 : i32
      %and3A_368 = vector.broadcast %and3A_367 : i32 to vector<16xi32>
      %and3A_369 = arith.andi %shift_right_logical3A_366, %and3A_368 : vector<16xi32>
      %broadcast_in_dim3A_370 = arith.constant true
      %broadcast_in_dim3A_371 = vector.broadcast %broadcast_in_dim3A_370 : i1 to vector<16xi1>
      %unique3A_372, %unique3A_373 = tpu.scan_count mask(%broadcast_in_dim3A_371 : vector<16xi1>) value(%and3A_369 : vector<16xi32>) : vector<16xi1>, vector<16xi32>
      %swap3A_374 = arith.index_cast %add3A_361 : i32 to index
      %swap3A_375 = tpu.vector_load %arg8[%swap3A_374] {strides = array<i32>} : memref<2048xi32, #tpu.memory_space<vmem>>, vector<16xi32>,
      tpu.vector_store %arg8[%swap3A_374], %and3A_369 {strides = array<i32>} : memref<2048xi32, #tpu.memory_space<vmem>>, vector<16xi32>,
      %swap3A_376 = arith.index_cast %add3A_361 : i32 to index
      %swap3A_377 = tpu.vector_load %arg9[%swap3A_376] {strides = array<i32>} : memref<2048xi32, #tpu.memory_space<vmem>>, vector<16xi32>,
      tpu.vector_store %arg9[%swap3A_376], %unique3A_373 {strides = array<i32>} : memref<2048xi32, #tpu.memory_space<vmem>>, vector<16xi32>,
      %jit3A_378 = arith.constant 1 : i32
      %jit3A_379 = arith.constant 0 : i32
      %broadcast_in_dim3A_380 = vector.broadcast %jit3A_378 : i32 to vector<16xi32>
      %broadcast_in_dim3A_381 = vector.broadcast %jit3A_379 : i32 to vector<16xi32>
      %select_n3A_382 = arith.select %unique3A_372, %broadcast_in_dim3A_380, %broadcast_in_dim3A_381 : vector<16xi1>, vector<16xi32>
      %swap3A_383 = arith.index_cast %add3A_361 : i32 to index
      %swap3A_384 = tpu.vector_load %arg10[%swap3A_383] {strides = array<i32>} : memref<2048xi32, #tpu.memory_space<vmem>>, vector<16xi32>,
      tpu.vector_store %arg10[%swap3A_383], %select_n3A_382 {strides = array<i32>} : memref<2048xi32, #tpu.memory_space<vmem>>, vector<16xi32>,
      %mul3A_385 = arith.constant 4 : i32
      %mul3A_386 = arith.muli %scan3A_333, %mul3A_385 : i32
      %mul3A_387 = arith.constant 16 : i32
      %mul3A_388 = arith.muli %mul3A_386, %mul3A_387 : i32
      %add3A_389 = arith.constant 32 : i32
      %add3A_390 = arith.addi %mul3A_388, %add3A_389 : i32
      %get3A_391 = arith.index_cast %add3A_390 : i32 to index
      %get3A_392 = tpu.vector_load %arg5[%get3A_391] {strides = array<i32>} : memref<2048xi32, #tpu.memory_space<vmem>>, vector<16xi32>,
      %shift_right_logical3A_393 = arith.constant 16 : i32
      %shift_right_logical3A_394 = vector.broadcast %shift_right_logical3A_393 : i32 to vector<16xi32>
      %shift_right_logical3A_395 = arith.shrui %get3A_392, %shift_right_logical3A_394 : vector<16xi32>
      %and3A_396 = arith.constant 255 : i32
      %and3A_397 = vector.broadcast %and3A_396 : i32 to vector<16xi32>
      %and3A_398 = arith.andi %shift_right_logical3A_395, %and3A_397 : vector<16xi32>
      %broadcast_in_dim3A_399 = arith.constant true
      %broadcast_in_dim3A_400 = vector.broadcast %broadcast_in_dim3A_399 : i1 to vector<16xi1>
      %unique3A_401, %unique3A_402 = tpu.scan_count mask(%broadcast_in_dim3A_400 : vector<16xi1>) value(%and3A_398 : vector<16xi32>) : vector<16xi1>, vector<16xi32>
      %swap3A_403 = arith.index_cast %add3A_390 : i32 to index
      %swap3A_404 = tpu.vector_load %arg8[%swap3A_403] {strides = array<i32>} : memref<2048xi32, #tpu.memory_space<vmem>>, vector<16xi32>,
      tpu.vector_store %arg8[%swap3A_403], %and3A_398 {strides = array<i32>} : memref<2048xi32, #tpu.memory_space<vmem>>, vector<16xi32>,
      %swap3A_405 = arith.index_cast %add3A_390 : i32 to index
      %swap3A_406 = tpu.vector_load %arg9[%swap3A_405] {strides = array<i32>} : memref<2048xi32, #tpu.memory_space<vmem>>, vector<16xi32>,
      tpu.vector_store %arg9[%swap3A_405], %unique3A_402 {strides = array<i32>} : memref<2048xi32, #tpu.memory_space<vmem>>, vector<16xi32>,
      %jit3A_407 = arith.constant 1 : i32
      %jit3A_408 = arith.constant 0 : i32
      %broadcast_in_dim3A_409 = vector.broadcast %jit3A_407 : i32 to vector<16xi32>
      %broadcast_in_dim3A_410 = vector.broadcast %jit3A_408 : i32 to vector<16xi32>
      %select_n3A_411 = arith.select %unique3A_401, %broadcast_in_dim3A_409, %broadcast_in_dim3A_410 : vector<16xi1>, vector<16xi32>
      %swap3A_412 = arith.index_cast %add3A_390 : i32 to index
      %swap3A_413 = tpu.vector_load %arg10[%swap3A_412] {strides = array<i32>} : memref<2048xi32, #tpu.memory_space<vmem>>, vector<16xi32>,
      tpu.vector_store %arg10[%swap3A_412], %select_n3A_411 {strides = array<i32>} : memref<2048xi32, #tpu.memory_space<vmem>>, vector<16xi32>,
      %mul3A_414 = arith.constant 4 : i32
      %mul3A_415 = arith.muli %scan3A_333, %mul3A_414 : i32
      %mul3A_416 = arith.constant 16 : i32
      %mul3A_417 = arith.muli %mul3A_415, %mul3A_416 : i32
      %add3A_418 = arith.constant 48 : i32
      %add3A_419 = arith.addi %mul3A_417, %add3A_418 : i32
      %get3A_420 = arith.index_cast %add3A_419 : i32 to index
      %get3A_421 = tpu.vector_load %arg5[%get3A_420] {strides = array<i32>} : memref<2048xi32, #tpu.memory_space<vmem>>, vector<16xi32>,
      %shift_right_logical3A_422 = arith.constant 16 : i32
      %shift_right_logical3A_423 = vector.broadcast %shift_right_logical3A_422 : i32 to vector<16xi32>
      %shift_right_logical3A_424 = arith.shrui %get3A_421, %shift_right_logical3A_423 : vector<16xi32>
      %and3A_425 = arith.constant 255 : i32
      %and3A_426 = vector.broadcast %and3A_425 : i32 to vector<16xi32>
      %and3A_427 = arith.andi %shift_right_logical3A_424, %and3A_426 : vector<16xi32>
      %broadcast_in_dim3A_428 = arith.constant true
      %broadcast_in_dim3A_429 = vector.broadcast %broadcast_in_dim3A_428 : i1 to vector<16xi1>
      %unique3A_430, %unique3A_431 = tpu.scan_count mask(%broadcast_in_dim3A_429 : vector<16xi1>) value(%and3A_427 : vector<16xi32>) : vector<16xi1>, vector<16xi32>
      %swap3A_432 = arith.index_cast %add3A_419 : i32 to index
      %swap3A_433 = tpu.vector_load %arg8[%swap3A_432] {strides = array<i32>} : memref<2048xi32, #tpu.memory_space<vmem>>, vector<16xi32>,
      tpu.vector_store %arg8[%swap3A_432], %and3A_427 {strides = array<i32>} : memref<2048xi32, #tpu.memory_space<vmem>>, vector<16xi32>,
      %swap3A_434 = arith.index_cast %add3A_419 : i32 to index
      %swap3A_435 = tpu.vector_load %arg9[%swap3A_434] {strides = array<i32>} : memref<2048xi32, #tpu.memory_space<vmem>>, vector<16xi32>,
      tpu.vector_store %arg9[%swap3A_434], %unique3A_431 {strides = array<i32>} : memref<2048xi32, #tpu.memory_space<vmem>>, vector<16xi32>,
      %jit3A_436 = arith.constant 1 : i32
      %jit3A_437 = arith.constant 0 : i32
      %broadcast_in_dim3A_438 = vector.broadcast %jit3A_436 : i32 to vector<16xi32>
      %broadcast_in_dim3A_439 = vector.broadcast %jit3A_437 : i32 to vector<16xi32>
      %select_n3A_440 = arith.select %unique3A_430, %broadcast_in_dim3A_438, %broadcast_in_dim3A_439 : vector<16xi1>, vector<16xi32>
      %swap3A_441 = arith.index_cast %add3A_419 : i32 to index
      %swap3A_442 = tpu.vector_load %arg10[%swap3A_441] {strides = array<i32>} : memref<2048xi32, #tpu.memory_space<vmem>>, vector<16xi32>,
      tpu.vector_store %arg10[%swap3A_441], %select_n3A_440 {strides = array<i32>} : memref<2048xi32, #tpu.memory_space<vmem>>, vector<16xi32>,
      %scan3A_443 = arith.constant 0 : i32
      scf.yield %scan3A_443 : i32
    }
    %scan3A_117 = arith.constant 32 : i32
    %scan3A_118 = arith.constant 0 : i32
    %scan3A_119 = arith.constant 0 : i32
    %scan3A_120 = arith.constant 16 : i32
    %scan3A_121 = arith.addi %scan3A_119, %scan3A_120 : i32
    %scan3A_122 = arith.constant 1 : i32
    %scan3A_123 = scf.for %scan3A_333 = %scan3A_119 to %scan3A_121 step %scan3A_122 iter_args(%scan3A_334 = %scan3A_118) -> (i32)  : i32 {
      %broadcast_in_dim3A = arith.constant 0 : i32
      %broadcast_in_dim3A_335 = vector.broadcast %broadcast_in_dim3A : i32 to vector<16xi32>
      %mul3A_336 = arith.constant 16 : i32
      %mul3A_337 = arith.muli %scan3A_333, %mul3A_336 : i32
      %swap3A = arith.index_cast %mul3A_337 : i32 to index
      %swap3A_338 = tpu.vector_load %arg11[%swap3A] {strides = array<i32>} : memref<256xi32, #tpu.memory_space<vmem>>, vector<16xi32>,
      tpu.vector_store %arg11[%swap3A], %broadcast_in_dim3A_335 {strides = array<i32>} : memref<256xi32, #tpu.memory_space<vmem>>, vector<16xi32>,
      %scan3A_339 = arith.constant 0 : i32
      scf.yield %scan3A_339 : i32
    }
    %scan3A_124 = arith.constant 16 : i32
    %scan3A_125 = arith.constant 0 : i32
    %scan3A_126 = arith.constant 0 : i32
    %scan3A_127 = arith.constant 32 : i32
    %scan3A_128 = arith.addi %scan3A_126, %scan3A_127 : i32
    %scan3A_129 = arith.constant 1 : i32
    %scan3A_130 = scf.for %scan3A_333 = %scan3A_126 to %scan3A_128 step %scan3A_129 iter_args(%scan3A_334 = %scan3A_125) -> (i32)  : i32 {
      %mul3A_335 = arith.constant 4 : i32
      %mul3A_336 = arith.muli %scan3A_333, %mul3A_335 : i32
      %mul3A_337 = arith.constant 16 : i32
      %mul3A_338 = arith.muli %mul3A_336, %mul3A_337 : i32
      %add3A_339 = arith.constant 0 : i32
      %add3A_340 = arith.addi %mul3A_338, %add3A_339 : i32
      %get3A = arith.index_cast %add3A_340 : i32 to index
      %get3A_341 = tpu.vector_load %arg8[%get3A] {strides = array<i32>} : memref<2048xi32, #tpu.memory_space<vmem>>, vector<16xi32>,
      %get3A_342 = arith.index_cast %add3A_340 : i32 to index
      %get3A_343 = tpu.vector_load %arg9[%get3A_342] {strides = array<i32>} : memref<2048xi32, #tpu.memory_space<vmem>>, vector<16xi32>,
      %get3A_344 = arith.index_cast %add3A_340 : i32 to index
      %get3A_345 = tpu.vector_load %arg10[%get3A_344] {strides = array<i32>} : memref<2048xi32, #tpu.memory_space<vmem>>, vector<16xi32>,
      %gt3A = arith.constant 0 : i32
      %gt3A_346 = vector.broadcast %gt3A : i32 to vector<16xi32>
      %gt3A_347 = arith.cmpi sgt, %get3A_345, %gt3A_346 : vector<16xi32>
      tpu.vector_store_idx %arg11[%get3A_341], %get3A_343 masked %gt3A_347 {add = true} : memref<256xi32, #tpu.memory_space<vmem>>[vector<16xi32>], vector<16xi32>, vector<16xi1>
      %mul3A_348 = arith.constant 4 : i32
      %mul3A_349 = arith.muli %scan3A_333, %mul3A_348 : i32
      %mul3A_350 = arith.constant 16 : i32
      %mul3A_351 = arith.muli %mul3A_349, %mul3A_350 : i32
      %add3A_352 = arith.constant 16 : i32
      %add3A_353 = arith.addi %mul3A_351, %add3A_352 : i32
      %get3A_354 = arith.index_cast %add3A_353 : i32 to index
      %get3A_355 = tpu.vector_load %arg8[%get3A_354] {strides = array<i32>} : memref<2048xi32, #tpu.memory_space<vmem>>, vector<16xi32>,
      %get3A_356 = arith.index_cast %add3A_353 : i32 to index
      %get3A_357 = tpu.vector_load %arg9[%get3A_356] {strides = array<i32>} : memref<2048xi32, #tpu.memory_space<vmem>>, vector<16xi32>,
      %get3A_358 = arith.index_cast %add3A_353 : i32 to index
      %get3A_359 = tpu.vector_load %arg10[%get3A_358] {strides = array<i32>} : memref<2048xi32, #tpu.memory_space<vmem>>, vector<16xi32>,
      %gt3A_360 = arith.constant 0 : i32
      %gt3A_361 = vector.broadcast %gt3A_360 : i32 to vector<16xi32>
      %gt3A_362 = arith.cmpi sgt, %get3A_359, %gt3A_361 : vector<16xi32>
      tpu.vector_store_idx %arg11[%get3A_355], %get3A_357 masked %gt3A_362 {add = true} : memref<256xi32, #tpu.memory_space<vmem>>[vector<16xi32>], vector<16xi32>, vector<16xi1>
      %mul3A_363 = arith.constant 4 : i32
      %mul3A_364 = arith.muli %scan3A_333, %mul3A_363 : i32
      %mul3A_365 = arith.constant 16 : i32
      %mul3A_366 = arith.muli %mul3A_364, %mul3A_365 : i32
      %add3A_367 = arith.constant 32 : i32
      %add3A_368 = arith.addi %mul3A_366, %add3A_367 : i32
      %get3A_369 = arith.index_cast %add3A_368 : i32 to index
      %get3A_370 = tpu.vector_load %arg8[%get3A_369] {strides = array<i32>} : memref<2048xi32, #tpu.memory_space<vmem>>, vector<16xi32>,
      %get3A_371 = arith.index_cast %add3A_368 : i32 to index
      %get3A_372 = tpu.vector_load %arg9[%get3A_371] {strides = array<i32>} : memref<2048xi32, #tpu.memory_space<vmem>>, vector<16xi32>,
      %get3A_373 = arith.index_cast %add3A_368 : i32 to index
      %get3A_374 = tpu.vector_load %arg10[%get3A_373] {strides = array<i32>} : memref<2048xi32, #tpu.memory_space<vmem>>, vector<16xi32>,
      %gt3A_375 = arith.constant 0 : i32
      %gt3A_376 = vector.broadcast %gt3A_375 : i32 to vector<16xi32>
      %gt3A_377 = arith.cmpi sgt, %get3A_374, %gt3A_376 : vector<16xi32>
      tpu.vector_store_idx %arg11[%get3A_370], %get3A_372 masked %gt3A_377 {add = true} : memref<256xi32, #tpu.memory_space<vmem>>[vector<16xi32>], vector<16xi32>, vector<16xi1>
      %mul3A_378 = arith.constant 4 : i32
      %mul3A_379 = arith.muli %scan3A_333, %mul3A_378 : i32
      %mul3A_380 = arith.constant 16 : i32
      %mul3A_381 = arith.muli %mul3A_379, %mul3A_380 : i32
      %add3A_382 = arith.constant 48 : i32
      %add3A_383 = arith.addi %mul3A_381, %add3A_382 : i32
      %get3A_384 = arith.index_cast %add3A_383 : i32 to index
      %get3A_385 = tpu.vector_load %arg8[%get3A_384] {strides = array<i32>} : memref<2048xi32, #tpu.memory_space<vmem>>, vector<16xi32>,
      %get3A_386 = arith.index_cast %add3A_383 : i32 to index
      %get3A_387 = tpu.vector_load %arg9[%get3A_386] {strides = array<i32>} : memref<2048xi32, #tpu.memory_space<vmem>>, vector<16xi32>,
      %get3A_388 = arith.index_cast %add3A_383 : i32 to index
      %get3A_389 = tpu.vector_load %arg10[%get3A_388] {strides = array<i32>} : memref<2048xi32, #tpu.memory_space<vmem>>, vector<16xi32>,
      %gt3A_390 = arith.constant 0 : i32
      %gt3A_391 = vector.broadcast %gt3A_390 : i32 to vector<16xi32>
      %gt3A_392 = arith.cmpi sgt, %get3A_389, %gt3A_391 : vector<16xi32>
      tpu.vector_store_idx %arg11[%get3A_385], %get3A_387 masked %gt3A_392 {add = true} : memref<256xi32, #tpu.memory_space<vmem>>[vector<16xi32>], vector<16xi32>, vector<16xi1>
      %scan3A_393 = arith.constant 0 : i32
      scf.yield %scan3A_393 : i32
    }
    %scan3A_131 = arith.constant 32 : i32
    %mul3A_132 = arith.constant 256 : i32
    %mul3A_133 = arith.muli %arg1, %mul3A_132 : i32
    "tpu.region"() ({
      %run_scoped3A = tpu.sem_alloc : memref<!tpu.dma_semaphore, #tpu.memory_space<semaphore_mem>>
      %dma_start3A_333 = tpu.memref_slice %arg23[%mul3A_133] : memref<4096xi32, #tpu.memory_space<vmem_shared>> -> memref<256xi32, #tpu.memory_space<vmem_shared>>
      %dma_start3A_334 = tpu.memref_slice %arg23[%mul3A_133] : memref<4096xi32, #tpu.memory_space<vmem_shared>> -> memref<256xi32, #tpu.memory_space<vmem_shared>>
      tpu.enqueue_dma source(%arg11 : memref<256xi32, #tpu.memory_space<vmem>>) target(%dma_start3A_334 : memref<256xi32, #tpu.memory_space<vmem_shared>>) target_semaphore(%run_scoped3A : memref<!tpu.dma_semaphore, #tpu.memory_space<semaphore_mem>>)
      %dma_wait3A_335 = tpu.memref_slice %arg23[%mul3A_133] : memref<4096xi32, #tpu.memory_space<vmem_shared>> -> memref<256xi32, #tpu.memory_space<vmem_shared>>
      %dma_wait3A_336 = tpu.memref_slice %arg23[%mul3A_133] : memref<4096xi32, #tpu.memory_space<vmem_shared>> -> memref<256xi32, #tpu.memory_space<vmem_shared>>
      tpu.wait_dma2 semaphore(%run_scoped3A : memref<!tpu.dma_semaphore, #tpu.memory_space<semaphore_mem>>) src(%arg11 : memref<256xi32, #tpu.memory_space<vmem>>) dst(%dma_wait3A_336 : memref<256xi32, #tpu.memory_space<vmem_shared>>)
      tpu.yield
    }) : () -> ()
    %barrier3A_134 = arith.constant 0 : index
    tpu.barrier barrier_id(%barrier3A_134)
    "tpu.region"() ({
      %run_scoped3A = tpu.sem_alloc : memref<!tpu.dma_semaphore, #tpu.memory_space<semaphore_mem>>
      tpu.enqueue_dma source(%arg23 : memref<4096xi32, #tpu.memory_space<vmem_shared>>) target(%arg13 : memref<4096xi32, #tpu.memory_space<vmem>>) target_semaphore(%run_scoped3A : memref<!tpu.dma_semaphore, #tpu.memory_space<semaphore_mem>>)
      tpu.wait_dma2 semaphore(%run_scoped3A : memref<!tpu.dma_semaphore, #tpu.memory_space<semaphore_mem>>) src(%arg23 : memref<4096xi32, #tpu.memory_space<vmem_shared>>) dst(%arg13 : memref<4096xi32, #tpu.memory_space<vmem>>)
      tpu.yield
    }) : () -> ()
    %scan3A_135 = arith.constant 0 : i32
    %scan3A_136 = arith.constant 0 : i32
    %scan3A_137 = arith.constant 16 : i32
    %scan3A_138 = arith.addi %scan3A_136, %scan3A_137 : i32
    %scan3A_139 = arith.constant 1 : i32
    %scan3A_140 = scf.for %scan3A_333 = %scan3A_136 to %scan3A_138 step %scan3A_139 iter_args(%scan3A_334 = %scan3A_135) -> (i32)  : i32 {
      %broadcast_in_dim3A = arith.constant 0 : i32
      %broadcast_in_dim3A_335 = vector.broadcast %broadcast_in_dim3A : i32 to vector<16xi32>
      %broadcast_in_dim3A_336 = arith.constant 0 : i32
      %broadcast_in_dim3A_337 = vector.broadcast %broadcast_in_dim3A_336 : i32 to vector<16xi32>
      %mul3A_338 = arith.constant 16 : i32
      %mul3A_339 = arith.muli %scan3A_333, %mul3A_338 : i32
      %add3A_340 = arith.constant 0 : i32
      %add3A_341 = arith.addi %add3A_340, %mul3A_339 : i32
      %get3A = arith.index_cast %add3A_341 : i32 to index
      %get3A_342 = tpu.vector_load %arg13[%get3A] {strides = array<i32>} : memref<4096xi32, #tpu.memory_space<vmem>>, vector<16xi32>,
      %add3A_343 = arith.addi %broadcast_in_dim3A_335, %get3A_342 : vector<16xi32>
      %gt3A = arith.constant 0 : i32
      %gt3A_344 = arith.cmpi sgt, %arg1, %gt3A : i32
      %jit3A = arith.constant 1 : i32
      %jit3A_345 = arith.constant 0 : i32
      %select_n3A = arith.select %gt3A_344, %jit3A, %jit3A_345 : i32
      %mul3A_346 = vector.broadcast %select_n3A : i32 to vector<16xi32>
      %mul3A_347 = arith.muli %get3A_342, %mul3A_346 : vector<16xi32>
      %add3A_348 = arith.addi %broadcast_in_dim3A_337, %mul3A_347 : vector<16xi32>
      %mul3A_349 = arith.constant 16 : i32
      %mul3A_350 = arith.muli %scan3A_333, %mul3A_349 : i32
      %add3A_351 = arith.constant 256 : i32
      %add3A_352 = arith.addi %add3A_351, %mul3A_350 : i32
      %get3A_353 = arith.index_cast %add3A_352 : i32 to index
      %get3A_354 = tpu.vector_load %arg13[%get3A_353] {strides = array<i32>} : memref<4096xi32, #tpu.memory_space<vmem>>, vector<16xi32>,
      %add3A_355 = arith.addi %add3A_343, %get3A_354 : vector<16xi32>
      %gt3A_356 = arith.constant 1 : i32
      %gt3A_357 = arith.cmpi sgt, %arg1, %gt3A_356 : i32
      %jit3A_358 = arith.constant 1 : i32
      %jit3A_359 = arith.constant 0 : i32
      %select_n3A_360 = arith.select %gt3A_357, %jit3A_358, %jit3A_359 : i32
      %mul3A_361 = vector.broadcast %select_n3A_360 : i32 to vector<16xi32>
      %mul3A_362 = arith.muli %get3A_354, %mul3A_361 : vector<16xi32>
      %add3A_363 = arith.addi %add3A_348, %mul3A_362 : vector<16xi32>
      %mul3A_364 = arith.constant 16 : i32
      %mul3A_365 = arith.muli %scan3A_333, %mul3A_364 : i32
      %add3A_366 = arith.constant 512 : i32
      %add3A_367 = arith.addi %add3A_366, %mul3A_365 : i32
      %get3A_368 = arith.index_cast %add3A_367 : i32 to index
      %get3A_369 = tpu.vector_load %arg13[%get3A_368] {strides = array<i32>} : memref<4096xi32, #tpu.memory_space<vmem>>, vector<16xi32>,
      %add3A_370 = arith.addi %add3A_355, %get3A_369 : vector<16xi32>
      %gt3A_371 = arith.constant 2 : i32
      %gt3A_372 = arith.cmpi sgt, %arg1, %gt3A_371 : i32
      %jit3A_373 = arith.constant 1 : i32
      %jit3A_374 = arith.constant 0 : i32
      %select_n3A_375 = arith.select %gt3A_372, %jit3A_373, %jit3A_374 : i32
      %mul3A_376 = vector.broadcast %select_n3A_375 : i32 to vector<16xi32>
      %mul3A_377 = arith.muli %get3A_369, %mul3A_376 : vector<16xi32>
      %add3A_378 = arith.addi %add3A_363, %mul3A_377 : vector<16xi32>
      %mul3A_379 = arith.constant 16 : i32
      %mul3A_380 = arith.muli %scan3A_333, %mul3A_379 : i32
      %add3A_381 = arith.constant 768 : i32
      %add3A_382 = arith.addi %add3A_381, %mul3A_380 : i32
      %get3A_383 = arith.index_cast %add3A_382 : i32 to index
      %get3A_384 = tpu.vector_load %arg13[%get3A_383] {strides = array<i32>} : memref<4096xi32, #tpu.memory_space<vmem>>, vector<16xi32>,
      %add3A_385 = arith.addi %add3A_370, %get3A_384 : vector<16xi32>
      %gt3A_386 = arith.constant 3 : i32
      %gt3A_387 = arith.cmpi sgt, %arg1, %gt3A_386 : i32
      %jit3A_388 = arith.constant 1 : i32
      %jit3A_389 = arith.constant 0 : i32
      %select_n3A_390 = arith.select %gt3A_387, %jit3A_388, %jit3A_389 : i32
      %mul3A_391 = vector.broadcast %select_n3A_390 : i32 to vector<16xi32>
      %mul3A_392 = arith.muli %get3A_384, %mul3A_391 : vector<16xi32>
      %add3A_393 = arith.addi %add3A_378, %mul3A_392 : vector<16xi32>
      %mul3A_394 = arith.constant 16 : i32
      %mul3A_395 = arith.muli %scan3A_333, %mul3A_394 : i32
      %add3A_396 = arith.constant 1024 : i32
      %add3A_397 = arith.addi %add3A_396, %mul3A_395 : i32
      %get3A_398 = arith.index_cast %add3A_397 : i32 to index
      %get3A_399 = tpu.vector_load %arg13[%get3A_398] {strides = array<i32>} : memref<4096xi32, #tpu.memory_space<vmem>>, vector<16xi32>,
      %add3A_400 = arith.addi %add3A_385, %get3A_399 : vector<16xi32>
      %gt3A_401 = arith.constant 4 : i32
      %gt3A_402 = arith.cmpi sgt, %arg1, %gt3A_401 : i32
      %jit3A_403 = arith.constant 1 : i32
      %jit3A_404 = arith.constant 0 : i32
      %select_n3A_405 = arith.select %gt3A_402, %jit3A_403, %jit3A_404 : i32
      %mul3A_406 = vector.broadcast %select_n3A_405 : i32 to vector<16xi32>
      %mul3A_407 = arith.muli %get3A_399, %mul3A_406 : vector<16xi32>
      %add3A_408 = arith.addi %add3A_393, %mul3A_407 : vector<16xi32>
      %mul3A_409 = arith.constant 16 : i32
      %mul3A_410 = arith.muli %scan3A_333, %mul3A_409 : i32
      %add3A_411 = arith.constant 1280 : i32
      %add3A_412 = arith.addi %add3A_411, %mul3A_410 : i32
      %get3A_413 = arith.index_cast %add3A_412 : i32 to index
      %get3A_414 = tpu.vector_load %arg13[%get3A_413] {strides = array<i32>} : memref<4096xi32, #tpu.memory_space<vmem>>, vector<16xi32>,
      %add3A_415 = arith.addi %add3A_400, %get3A_414 : vector<16xi32>
      %gt3A_416 = arith.constant 5 : i32
      %gt3A_417 = arith.cmpi sgt, %arg1, %gt3A_416 : i32
      %jit3A_418 = arith.constant 1 : i32
      %jit3A_419 = arith.constant 0 : i32
      %select_n3A_420 = arith.select %gt3A_417, %jit3A_418, %jit3A_419 : i32
      %mul3A_421 = vector.broadcast %select_n3A_420 : i32 to vector<16xi32>
      %mul3A_422 = arith.muli %get3A_414, %mul3A_421 : vector<16xi32>
      %add3A_423 = arith.addi %add3A_408, %mul3A_422 : vector<16xi32>
      %mul3A_424 = arith.constant 16 : i32
      %mul3A_425 = arith.muli %scan3A_333, %mul3A_424 : i32
      %add3A_426 = arith.constant 1536 : i32
      %add3A_427 = arith.addi %add3A_426, %mul3A_425 : i32
      %get3A_428 = arith.index_cast %add3A_427 : i32 to index
      %get3A_429 = tpu.vector_load %arg13[%get3A_428] {strides = array<i32>} : memref<4096xi32, #tpu.memory_space<vmem>>, vector<16xi32>,
      %add3A_430 = arith.addi %add3A_415, %get3A_429 : vector<16xi32>
      %gt3A_431 = arith.constant 6 : i32
      %gt3A_432 = arith.cmpi sgt, %arg1, %gt3A_431 : i32
      %jit3A_433 = arith.constant 1 : i32
      %jit3A_434 = arith.constant 0 : i32
      %select_n3A_435 = arith.select %gt3A_432, %jit3A_433, %jit3A_434 : i32
      %mul3A_436 = vector.broadcast %select_n3A_435 : i32 to vector<16xi32>
      %mul3A_437 = arith.muli %get3A_429, %mul3A_436 : vector<16xi32>
      %add3A_438 = arith.addi %add3A_423, %mul3A_437 : vector<16xi32>
      %mul3A_439 = arith.constant 16 : i32
      %mul3A_440 = arith.muli %scan3A_333, %mul3A_439 : i32
      %add3A_441 = arith.constant 1792 : i32
      %add3A_442 = arith.addi %add3A_441, %mul3A_440 : i32
      %get3A_443 = arith.index_cast %add3A_442 : i32 to index
      %get3A_444 = tpu.vector_load %arg13[%get3A_443] {strides = array<i32>} : memref<4096xi32, #tpu.memory_space<vmem>>, vector<16xi32>,
      %add3A_445 = arith.addi %add3A_430, %get3A_444 : vector<16xi32>
      %gt3A_446 = arith.constant 7 : i32
      %gt3A_447 = arith.cmpi sgt, %arg1, %gt3A_446 : i32
      %jit3A_448 = arith.constant 1 : i32
      %jit3A_449 = arith.constant 0 : i32
      %select_n3A_450 = arith.select %gt3A_447, %jit3A_448, %jit3A_449 : i32
      %mul3A_451 = vector.broadcast %select_n3A_450 : i32 to vector<16xi32>
      %mul3A_452 = arith.muli %get3A_444, %mul3A_451 : vector<16xi32>
      %add3A_453 = arith.addi %add3A_438, %mul3A_452 : vector<16xi32>
      %mul3A_454 = arith.constant 16 : i32
      %mul3A_455 = arith.muli %scan3A_333, %mul3A_454 : i32
      %add3A_456 = arith.constant 2048 : i32
      %add3A_457 = arith.addi %add3A_456, %mul3A_455 : i32
      %get3A_458 = arith.index_cast %add3A_457 : i32 to index
      %get3A_459 = tpu.vector_load %arg13[%get3A_458] {strides = array<i32>} : memref<4096xi32, #tpu.memory_space<vmem>>, vector<16xi32>,
      %add3A_460 = arith.addi %add3A_445, %get3A_459 : vector<16xi32>
      %gt3A_461 = arith.constant 8 : i32
      %gt3A_462 = arith.cmpi sgt, %arg1, %gt3A_461 : i32
      %jit3A_463 = arith.constant 1 : i32
      %jit3A_464 = arith.constant 0 : i32
      %select_n3A_465 = arith.select %gt3A_462, %jit3A_463, %jit3A_464 : i32
      %mul3A_466 = vector.broadcast %select_n3A_465 : i32 to vector<16xi32>
      %mul3A_467 = arith.muli %get3A_459, %mul3A_466 : vector<16xi32>
      %add3A_468 = arith.addi %add3A_453, %mul3A_467 : vector<16xi32>
      %mul3A_469 = arith.constant 16 : i32
      %mul3A_470 = arith.muli %scan3A_333, %mul3A_469 : i32
      %add3A_471 = arith.constant 2304 : i32
      %add3A_472 = arith.addi %add3A_471, %mul3A_470 : i32
      %get3A_473 = arith.index_cast %add3A_472 : i32 to index
      %get3A_474 = tpu.vector_load %arg13[%get3A_473] {strides = array<i32>} : memref<4096xi32, #tpu.memory_space<vmem>>, vector<16xi32>,
      %add3A_475 = arith.addi %add3A_460, %get3A_474 : vector<16xi32>
      %gt3A_476 = arith.constant 9 : i32
      %gt3A_477 = arith.cmpi sgt, %arg1, %gt3A_476 : i32
      %jit3A_478 = arith.constant 1 : i32
      %jit3A_479 = arith.constant 0 : i32
      %select_n3A_480 = arith.select %gt3A_477, %jit3A_478, %jit3A_479 : i32
      %mul3A_481 = vector.broadcast %select_n3A_480 : i32 to vector<16xi32>
      %mul3A_482 = arith.muli %get3A_474, %mul3A_481 : vector<16xi32>
      %add3A_483 = arith.addi %add3A_468, %mul3A_482 : vector<16xi32>
      %mul3A_484 = arith.constant 16 : i32
      %mul3A_485 = arith.muli %scan3A_333, %mul3A_484 : i32
      %add3A_486 = arith.constant 2560 : i32
      %add3A_487 = arith.addi %add3A_486, %mul3A_485 : i32
      %get3A_488 = arith.index_cast %add3A_487 : i32 to index
      %get3A_489 = tpu.vector_load %arg13[%get3A_488] {strides = array<i32>} : memref<4096xi32, #tpu.memory_space<vmem>>, vector<16xi32>,
      %add3A_490 = arith.addi %add3A_475, %get3A_489 : vector<16xi32>
      %gt3A_491 = arith.constant 10 : i32
      %gt3A_492 = arith.cmpi sgt, %arg1, %gt3A_491 : i32
      %jit3A_493 = arith.constant 1 : i32
      %jit3A_494 = arith.constant 0 : i32
      %select_n3A_495 = arith.select %gt3A_492, %jit3A_493, %jit3A_494 : i32
      %mul3A_496 = vector.broadcast %select_n3A_495 : i32 to vector<16xi32>
      %mul3A_497 = arith.muli %get3A_489, %mul3A_496 : vector<16xi32>
      %add3A_498 = arith.addi %add3A_483, %mul3A_497 : vector<16xi32>
      %mul3A_499 = arith.constant 16 : i32
      %mul3A_500 = arith.muli %scan3A_333, %mul3A_499 : i32
      %add3A_501 = arith.constant 2816 : i32
      %add3A_502 = arith.addi %add3A_501, %mul3A_500 : i32
      %get3A_503 = arith.index_cast %add3A_502 : i32 to index
      %get3A_504 = tpu.vector_load %arg13[%get3A_503] {strides = array<i32>} : memref<4096xi32, #tpu.memory_space<vmem>>, vector<16xi32>,
      %add3A_505 = arith.addi %add3A_490, %get3A_504 : vector<16xi32>
      %gt3A_506 = arith.constant 11 : i32
      %gt3A_507 = arith.cmpi sgt, %arg1, %gt3A_506 : i32
      %jit3A_508 = arith.constant 1 : i32
      %jit3A_509 = arith.constant 0 : i32
      %select_n3A_510 = arith.select %gt3A_507, %jit3A_508, %jit3A_509 : i32
      %mul3A_511 = vector.broadcast %select_n3A_510 : i32 to vector<16xi32>
      %mul3A_512 = arith.muli %get3A_504, %mul3A_511 : vector<16xi32>
      %add3A_513 = arith.addi %add3A_498, %mul3A_512 : vector<16xi32>
      %mul3A_514 = arith.constant 16 : i32
      %mul3A_515 = arith.muli %scan3A_333, %mul3A_514 : i32
      %add3A_516 = arith.constant 3072 : i32
      %add3A_517 = arith.addi %add3A_516, %mul3A_515 : i32
      %get3A_518 = arith.index_cast %add3A_517 : i32 to index
      %get3A_519 = tpu.vector_load %arg13[%get3A_518] {strides = array<i32>} : memref<4096xi32, #tpu.memory_space<vmem>>, vector<16xi32>,
      %add3A_520 = arith.addi %add3A_505, %get3A_519 : vector<16xi32>
      %gt3A_521 = arith.constant 12 : i32
      %gt3A_522 = arith.cmpi sgt, %arg1, %gt3A_521 : i32
      %jit3A_523 = arith.constant 1 : i32
      %jit3A_524 = arith.constant 0 : i32
      %select_n3A_525 = arith.select %gt3A_522, %jit3A_523, %jit3A_524 : i32
      %mul3A_526 = vector.broadcast %select_n3A_525 : i32 to vector<16xi32>
      %mul3A_527 = arith.muli %get3A_519, %mul3A_526 : vector<16xi32>
      %add3A_528 = arith.addi %add3A_513, %mul3A_527 : vector<16xi32>
      %mul3A_529 = arith.constant 16 : i32
      %mul3A_530 = arith.muli %scan3A_333, %mul3A_529 : i32
      %add3A_531 = arith.constant 3328 : i32
      %add3A_532 = arith.addi %add3A_531, %mul3A_530 : i32
      %get3A_533 = arith.index_cast %add3A_532 : i32 to index
      %get3A_534 = tpu.vector_load %arg13[%get3A_533] {strides = array<i32>} : memref<4096xi32, #tpu.memory_space<vmem>>, vector<16xi32>,
      %add3A_535 = arith.addi %add3A_520, %get3A_534 : vector<16xi32>
      %gt3A_536 = arith.constant 13 : i32
      %gt3A_537 = arith.cmpi sgt, %arg1, %gt3A_536 : i32
      %jit3A_538 = arith.constant 1 : i32
      %jit3A_539 = arith.constant 0 : i32
      %select_n3A_540 = arith.select %gt3A_537, %jit3A_538, %jit3A_539 : i32
      %mul3A_541 = vector.broadcast %select_n3A_540 : i32 to vector<16xi32>
      %mul3A_542 = arith.muli %get3A_534, %mul3A_541 : vector<16xi32>
      %add3A_543 = arith.addi %add3A_528, %mul3A_542 : vector<16xi32>
      %mul3A_544 = arith.constant 16 : i32
      %mul3A_545 = arith.muli %scan3A_333, %mul3A_544 : i32
      %add3A_546 = arith.constant 3584 : i32
      %add3A_547 = arith.addi %add3A_546, %mul3A_545 : i32
      %get3A_548 = arith.index_cast %add3A_547 : i32 to index
      %get3A_549 = tpu.vector_load %arg13[%get3A_548] {strides = array<i32>} : memref<4096xi32, #tpu.memory_space<vmem>>, vector<16xi32>,
      %add3A_550 = arith.addi %add3A_535, %get3A_549 : vector<16xi32>
      %gt3A_551 = arith.constant 14 : i32
      %gt3A_552 = arith.cmpi sgt, %arg1, %gt3A_551 : i32
      %jit3A_553 = arith.constant 1 : i32
      %jit3A_554 = arith.constant 0 : i32
      %select_n3A_555 = arith.select %gt3A_552, %jit3A_553, %jit3A_554 : i32
      %mul3A_556 = vector.broadcast %select_n3A_555 : i32 to vector<16xi32>
      %mul3A_557 = arith.muli %get3A_549, %mul3A_556 : vector<16xi32>
      %add3A_558 = arith.addi %add3A_543, %mul3A_557 : vector<16xi32>
      %mul3A_559 = arith.constant 16 : i32
      %mul3A_560 = arith.muli %scan3A_333, %mul3A_559 : i32
      %add3A_561 = arith.constant 3840 : i32
      %add3A_562 = arith.addi %add3A_561, %mul3A_560 : i32
      %get3A_563 = arith.index_cast %add3A_562 : i32 to index
      %get3A_564 = tpu.vector_load %arg13[%get3A_563] {strides = array<i32>} : memref<4096xi32, #tpu.memory_space<vmem>>, vector<16xi32>,
      %add3A_565 = arith.addi %add3A_550, %get3A_564 : vector<16xi32>
      %gt3A_566 = arith.constant 15 : i32
      %gt3A_567 = arith.cmpi sgt, %arg1, %gt3A_566 : i32
      %jit3A_568 = arith.constant 1 : i32
      %jit3A_569 = arith.constant 0 : i32
      %select_n3A_570 = arith.select %gt3A_567, %jit3A_568, %jit3A_569 : i32
      %mul3A_571 = vector.broadcast %select_n3A_570 : i32 to vector<16xi32>
      %mul3A_572 = arith.muli %get3A_564, %mul3A_571 : vector<16xi32>
      %add3A_573 = arith.addi %add3A_558, %mul3A_572 : vector<16xi32>
      %broadcast_in_dim3A_574 = arith.constant true
      %broadcast_in_dim3A_575 = vector.broadcast %broadcast_in_dim3A_574 : i1 to vector<16xi1>
      %masked_cumsum3A = tpu.scan <sum>, %add3A_565 masked %broadcast_in_dim3A_575 : vector<16xi32>, vector<16xi1> -> vector<16xi32>
      %sub3A = arith.subi %masked_cumsum3A, %add3A_565 : vector<16xi32>
      %add3A_576 = vector.broadcast %scan3A_334 : i32 to vector<16xi32>
      %add3A_577 = arith.addi %sub3A, %add3A_576 : vector<16xi32>
      %add3A_578 = arith.addi %add3A_577, %add3A_573 : vector<16xi32>
      %mul3A_579 = arith.constant 16 : i32
      %mul3A_580 = arith.muli %scan3A_333, %mul3A_579 : i32
      %swap3A = arith.index_cast %mul3A_580 : i32 to index
      %swap3A_581 = tpu.vector_load %arg12[%swap3A] {strides = array<i32>} : memref<256xi32, #tpu.memory_space<vmem>>, vector<16xi32>,
      tpu.vector_store %arg12[%swap3A], %add3A_578 {strides = array<i32>} : memref<256xi32, #tpu.memory_space<vmem>>, vector<16xi32>,
      %reduce_sum3A = arith.constant true
      %reduce_sum3A_582 = vector.broadcast %reduce_sum3A : i1 to vector<16xi1>
      %reduce_sum3A_583 = tpu.scan <sum>, %add3A_565 masked %reduce_sum3A_582 : vector<16xi32>, vector<16xi1> -> vector<16xi32>
      %reduce_sum3A_584 = vector.extract %reduce_sum3A_583[15] : i32 from vector<16xi32>
      %add3A_585 = arith.addi %scan3A_334, %reduce_sum3A_584 : i32
      scf.yield %add3A_585 : i32
    }
    %scan3A_141 = arith.constant 16 : i32
    %scan3A_142 = arith.constant 0 : i32
    %scan3A_143 = arith.constant 0 : i32
    %scan3A_144 = arith.constant 32 : i32
    %scan3A_145 = arith.addi %scan3A_143, %scan3A_144 : i32
    %scan3A_146 = arith.constant 1 : i32
    %scan3A_147 = scf.for %scan3A_333 = %scan3A_143 to %scan3A_145 step %scan3A_146 iter_args(%scan3A_334 = %scan3A_142) -> (i32)  : i32 {
      %mul3A_335 = arith.constant 4 : i32
      %mul3A_336 = arith.muli %scan3A_333, %mul3A_335 : i32
      %mul3A_337 = arith.constant 16 : i32
      %mul3A_338 = arith.muli %mul3A_336, %mul3A_337 : i32
      %add3A_339 = arith.constant 0 : i32
      %add3A_340 = arith.addi %mul3A_338, %add3A_339 : i32
      %get3A = arith.index_cast %add3A_340 : i32 to index
      %get3A_341 = tpu.vector_load %arg8[%get3A] {strides = array<i32>} : memref<2048xi32, #tpu.memory_space<vmem>>, vector<16xi32>,
      %get3A_342 = arith.index_cast %add3A_340 : i32 to index
      %get3A_343 = tpu.vector_load %arg9[%get3A_342] {strides = array<i32>} : memref<2048xi32, #tpu.memory_space<vmem>>, vector<16xi32>,
      %get3A_344 = arith.index_cast %add3A_340 : i32 to index
      %get3A_345 = tpu.vector_load %arg10[%get3A_344] {strides = array<i32>} : memref<2048xi32, #tpu.memory_space<vmem>>, vector<16xi32>,
      %gt3A = arith.constant 0 : i32
      %gt3A_346 = vector.broadcast %gt3A : i32 to vector<16xi32>
      %gt3A_347 = arith.cmpi sgt, %get3A_345, %gt3A_346 : vector<16xi32>
      %gather3A = tpu.vector_load_idx %arg12[%get3A_341] : memref<256xi32, #tpu.memory_space<vmem>>[vector<16xi32>], vector<16xi32>,
      %add3A_348 = arith.addi %gather3A, %get3A_343 : vector<16xi32>
      %sub3A = arith.constant 1 : i32
      %sub3A_349 = vector.broadcast %sub3A : i32 to vector<16xi32>
      %sub3A_350 = arith.subi %add3A_348, %sub3A_349 : vector<16xi32>
      %swap3A = arith.index_cast %add3A_340 : i32 to index
      %swap3A_351 = tpu.vector_load %arg7[%swap3A] {strides = array<i32>} : memref<2048xi32, #tpu.memory_space<vmem>>, vector<16xi32>,
      tpu.vector_store %arg7[%swap3A], %sub3A_350 {strides = array<i32>} : memref<2048xi32, #tpu.memory_space<vmem>>, vector<16xi32>,
      %add3A_352 = arith.addi %gather3A, %get3A_343 : vector<16xi32>
      tpu.vector_store_idx %arg12[%get3A_341], %add3A_352 masked %gt3A_347 : memref<256xi32, #tpu.memory_space<vmem>>[vector<16xi32>], vector<16xi32>, vector<16xi1>
      %mul3A_353 = arith.constant 4 : i32
      %mul3A_354 = arith.muli %scan3A_333, %mul3A_353 : i32
      %mul3A_355 = arith.constant 16 : i32
      %mul3A_356 = arith.muli %mul3A_354, %mul3A_355 : i32
      %add3A_357 = arith.constant 16 : i32
      %add3A_358 = arith.addi %mul3A_356, %add3A_357 : i32
      %get3A_359 = arith.index_cast %add3A_358 : i32 to index
      %get3A_360 = tpu.vector_load %arg8[%get3A_359] {strides = array<i32>} : memref<2048xi32, #tpu.memory_space<vmem>>, vector<16xi32>,
      %get3A_361 = arith.index_cast %add3A_358 : i32 to index
      %get3A_362 = tpu.vector_load %arg9[%get3A_361] {strides = array<i32>} : memref<2048xi32, #tpu.memory_space<vmem>>, vector<16xi32>,
      %get3A_363 = arith.index_cast %add3A_358 : i32 to index
      %get3A_364 = tpu.vector_load %arg10[%get3A_363] {strides = array<i32>} : memref<2048xi32, #tpu.memory_space<vmem>>, vector<16xi32>,
      %gt3A_365 = arith.constant 0 : i32
      %gt3A_366 = vector.broadcast %gt3A_365 : i32 to vector<16xi32>
      %gt3A_367 = arith.cmpi sgt, %get3A_364, %gt3A_366 : vector<16xi32>
      %gather3A_368 = tpu.vector_load_idx %arg12[%get3A_360] : memref<256xi32, #tpu.memory_space<vmem>>[vector<16xi32>], vector<16xi32>,
      %add3A_369 = arith.addi %gather3A_368, %get3A_362 : vector<16xi32>
      %sub3A_370 = arith.constant 1 : i32
      %sub3A_371 = vector.broadcast %sub3A_370 : i32 to vector<16xi32>
      %sub3A_372 = arith.subi %add3A_369, %sub3A_371 : vector<16xi32>
      %swap3A_373 = arith.index_cast %add3A_358 : i32 to index
      %swap3A_374 = tpu.vector_load %arg7[%swap3A_373] {strides = array<i32>} : memref<2048xi32, #tpu.memory_space<vmem>>, vector<16xi32>,
      tpu.vector_store %arg7[%swap3A_373], %sub3A_372 {strides = array<i32>} : memref<2048xi32, #tpu.memory_space<vmem>>, vector<16xi32>,
      %add3A_375 = arith.addi %gather3A_368, %get3A_362 : vector<16xi32>
      tpu.vector_store_idx %arg12[%get3A_360], %add3A_375 masked %gt3A_367 : memref<256xi32, #tpu.memory_space<vmem>>[vector<16xi32>], vector<16xi32>, vector<16xi1>
      %mul3A_376 = arith.constant 4 : i32
      %mul3A_377 = arith.muli %scan3A_333, %mul3A_376 : i32
      %mul3A_378 = arith.constant 16 : i32
      %mul3A_379 = arith.muli %mul3A_377, %mul3A_378 : i32
      %add3A_380 = arith.constant 32 : i32
      %add3A_381 = arith.addi %mul3A_379, %add3A_380 : i32
      %get3A_382 = arith.index_cast %add3A_381 : i32 to index
      %get3A_383 = tpu.vector_load %arg8[%get3A_382] {strides = array<i32>} : memref<2048xi32, #tpu.memory_space<vmem>>, vector<16xi32>,
      %get3A_384 = arith.index_cast %add3A_381 : i32 to index
      %get3A_385 = tpu.vector_load %arg9[%get3A_384] {strides = array<i32>} : memref<2048xi32, #tpu.memory_space<vmem>>, vector<16xi32>,
      %get3A_386 = arith.index_cast %add3A_381 : i32 to index
      %get3A_387 = tpu.vector_load %arg10[%get3A_386] {strides = array<i32>} : memref<2048xi32, #tpu.memory_space<vmem>>, vector<16xi32>,
      %gt3A_388 = arith.constant 0 : i32
      %gt3A_389 = vector.broadcast %gt3A_388 : i32 to vector<16xi32>
      %gt3A_390 = arith.cmpi sgt, %get3A_387, %gt3A_389 : vector<16xi32>
      %gather3A_391 = tpu.vector_load_idx %arg12[%get3A_383] : memref<256xi32, #tpu.memory_space<vmem>>[vector<16xi32>], vector<16xi32>,
      %add3A_392 = arith.addi %gather3A_391, %get3A_385 : vector<16xi32>
      %sub3A_393 = arith.constant 1 : i32
      %sub3A_394 = vector.broadcast %sub3A_393 : i32 to vector<16xi32>
      %sub3A_395 = arith.subi %add3A_392, %sub3A_394 : vector<16xi32>
      %swap3A_396 = arith.index_cast %add3A_381 : i32 to index
      %swap3A_397 = tpu.vector_load %arg7[%swap3A_396] {strides = array<i32>} : memref<2048xi32, #tpu.memory_space<vmem>>, vector<16xi32>,
      tpu.vector_store %arg7[%swap3A_396], %sub3A_395 {strides = array<i32>} : memref<2048xi32, #tpu.memory_space<vmem>>, vector<16xi32>,
      %add3A_398 = arith.addi %gather3A_391, %get3A_385 : vector<16xi32>
      tpu.vector_store_idx %arg12[%get3A_383], %add3A_398 masked %gt3A_390 : memref<256xi32, #tpu.memory_space<vmem>>[vector<16xi32>], vector<16xi32>, vector<16xi1>
      %mul3A_399 = arith.constant 4 : i32
      %mul3A_400 = arith.muli %scan3A_333, %mul3A_399 : i32
      %mul3A_401 = arith.constant 16 : i32
      %mul3A_402 = arith.muli %mul3A_400, %mul3A_401 : i32
      %add3A_403 = arith.constant 48 : i32
      %add3A_404 = arith.addi %mul3A_402, %add3A_403 : i32
      %get3A_405 = arith.index_cast %add3A_404 : i32 to index
      %get3A_406 = tpu.vector_load %arg8[%get3A_405] {strides = array<i32>} : memref<2048xi32, #tpu.memory_space<vmem>>, vector<16xi32>,
      %get3A_407 = arith.index_cast %add3A_404 : i32 to index
      %get3A_408 = tpu.vector_load %arg9[%get3A_407] {strides = array<i32>} : memref<2048xi32, #tpu.memory_space<vmem>>, vector<16xi32>,
      %get3A_409 = arith.index_cast %add3A_404 : i32 to index
      %get3A_410 = tpu.vector_load %arg10[%get3A_409] {strides = array<i32>} : memref<2048xi32, #tpu.memory_space<vmem>>, vector<16xi32>,
      %gt3A_411 = arith.constant 0 : i32
      %gt3A_412 = vector.broadcast %gt3A_411 : i32 to vector<16xi32>
      %gt3A_413 = arith.cmpi sgt, %get3A_410, %gt3A_412 : vector<16xi32>
      %gather3A_414 = tpu.vector_load_idx %arg12[%get3A_406] : memref<256xi32, #tpu.memory_space<vmem>>[vector<16xi32>], vector<16xi32>,
      %add3A_415 = arith.addi %gather3A_414, %get3A_408 : vector<16xi32>
      %sub3A_416 = arith.constant 1 : i32
      %sub3A_417 = vector.broadcast %sub3A_416 : i32 to vector<16xi32>
      %sub3A_418 = arith.subi %add3A_415, %sub3A_417 : vector<16xi32>
      %swap3A_419 = arith.index_cast %add3A_404 : i32 to index
      %swap3A_420 = tpu.vector_load %arg7[%swap3A_419] {strides = array<i32>} : memref<2048xi32, #tpu.memory_space<vmem>>, vector<16xi32>,
      tpu.vector_store %arg7[%swap3A_419], %sub3A_418 {strides = array<i32>} : memref<2048xi32, #tpu.memory_space<vmem>>, vector<16xi32>,
      %add3A_421 = arith.addi %gather3A_414, %get3A_408 : vector<16xi32>
      tpu.vector_store_idx %arg12[%get3A_406], %add3A_421 masked %gt3A_413 : memref<256xi32, #tpu.memory_space<vmem>>[vector<16xi32>], vector<16xi32>, vector<16xi1>
      %scan3A_422 = arith.constant 0 : i32
      scf.yield %scan3A_422 : i32
    }
    %scan3A_148 = arith.constant 32 : i32
    %dma_start3A_149 = arith.constant 0 : i32
    %dma_start3A_150 = tpu.memref_slice %arg22[%dma_start3A_149] : memref<32768xi32, #tpu.memory_space<vmem_shared>> -> memref<32768xi32, #tpu.memory_space<vmem_shared>>
    tpu.enqueue_indirect_dma source(%arg6 : memref<2048xi32, #tpu.memory_space<vmem>>) target(%dma_start3A_150 : memref<32768xi32, #tpu.memory_space<vmem_shared>>) offsets(%arg7 : memref<2048xi32, #tpu.memory_space<vmem>>) semaphore(%arg24 : memref<!tpu.dma_semaphore, #tpu.memory_space<semaphore_mem>>)
    %dma_start3A_151 = arith.constant 0 : i32
    %dma_start3A_152 = tpu.memref_slice %arg20[%dma_start3A_151] : memref<32768xi32, #tpu.memory_space<vmem_shared>> -> memref<32768xi32, #tpu.memory_space<vmem_shared>>
    tpu.enqueue_indirect_dma source(%arg5 : memref<2048xi32, #tpu.memory_space<vmem>>) target(%dma_start3A_152 : memref<32768xi32, #tpu.memory_space<vmem_shared>>) offsets(%arg7 : memref<2048xi32, #tpu.memory_space<vmem>>) semaphore(%arg24 : memref<!tpu.dma_semaphore, #tpu.memory_space<semaphore_mem>>)
    %dma_wait3A_153 = arith.constant 0 : i32
    %dma_wait3A_154 = tpu.memref_slice %arg20[%dma_wait3A_153] : memref<32768xi32, #tpu.memory_space<vmem_shared>> -> memref<32768xi32, #tpu.memory_space<vmem_shared>>
    tpu.wait_indirect_dma semaphore(%arg24 : memref<!tpu.dma_semaphore, #tpu.memory_space<semaphore_mem>>) src(%arg5 : memref<2048xi32, #tpu.memory_space<vmem>>) dst(%dma_wait3A_154 : memref<32768xi32, #tpu.memory_space<vmem_shared>>)
    %dma_wait3A_155 = arith.constant 0 : i32
    %dma_wait3A_156 = tpu.memref_slice %arg22[%dma_wait3A_155] : memref<32768xi32, #tpu.memory_space<vmem_shared>> -> memref<32768xi32, #tpu.memory_space<vmem_shared>>
    tpu.wait_indirect_dma semaphore(%arg24 : memref<!tpu.dma_semaphore, #tpu.memory_space<semaphore_mem>>) src(%arg6 : memref<2048xi32, #tpu.memory_space<vmem>>) dst(%dma_wait3A_156 : memref<32768xi32, #tpu.memory_space<vmem_shared>>)
    %barrier3A_157 = arith.constant 0 : index
    tpu.barrier barrier_id(%barrier3A_157)
    "tpu.region"() ({
      %run_scoped3A = tpu.sem_alloc : memref<!tpu.dma_semaphore, #tpu.memory_space<semaphore_mem>>
      %dma_start3A_333 = tpu.memref_slice %arg20[%mul3A_0] : memref<32768xi32, #tpu.memory_space<vmem_shared>> -> memref<2048xi32, #tpu.memory_space<vmem_shared>>
      %dma_start3A_334 = tpu.memref_slice %arg20[%mul3A_0] : memref<32768xi32, #tpu.memory_space<vmem_shared>> -> memref<2048xi32, #tpu.memory_space<vmem_shared>>
      tpu.enqueue_dma source(%dma_start3A_334 : memref<2048xi32, #tpu.memory_space<vmem_shared>>) target(%arg5 : memref<2048xi32, #tpu.memory_space<vmem>>) target_semaphore(%run_scoped3A : memref<!tpu.dma_semaphore, #tpu.memory_space<semaphore_mem>>)
      %dma_wait3A_335 = tpu.memref_slice %arg20[%mul3A_0] : memref<32768xi32, #tpu.memory_space<vmem_shared>> -> memref<2048xi32, #tpu.memory_space<vmem_shared>>
      %dma_wait3A_336 = tpu.memref_slice %arg20[%mul3A_0] : memref<32768xi32, #tpu.memory_space<vmem_shared>> -> memref<2048xi32, #tpu.memory_space<vmem_shared>>
      tpu.wait_dma2 semaphore(%run_scoped3A : memref<!tpu.dma_semaphore, #tpu.memory_space<semaphore_mem>>) src(%dma_wait3A_336 : memref<2048xi32, #tpu.memory_space<vmem_shared>>) dst(%arg5 : memref<2048xi32, #tpu.memory_space<vmem>>)
      tpu.yield
    }) : () -> ()
    "tpu.region"() ({
      %run_scoped3A = tpu.sem_alloc : memref<!tpu.dma_semaphore, #tpu.memory_space<semaphore_mem>>
      %dma_start3A_333 = tpu.memref_slice %arg22[%mul3A_0] : memref<32768xi32, #tpu.memory_space<vmem_shared>> -> memref<2048xi32, #tpu.memory_space<vmem_shared>>
      %dma_start3A_334 = tpu.memref_slice %arg22[%mul3A_0] : memref<32768xi32, #tpu.memory_space<vmem_shared>> -> memref<2048xi32, #tpu.memory_space<vmem_shared>>
      tpu.enqueue_dma source(%dma_start3A_334 : memref<2048xi32, #tpu.memory_space<vmem_shared>>) target(%arg6 : memref<2048xi32, #tpu.memory_space<vmem>>) target_semaphore(%run_scoped3A : memref<!tpu.dma_semaphore, #tpu.memory_space<semaphore_mem>>)
      %dma_wait3A_335 = tpu.memref_slice %arg22[%mul3A_0] : memref<32768xi32, #tpu.memory_space<vmem_shared>> -> memref<2048xi32, #tpu.memory_space<vmem_shared>>
      %dma_wait3A_336 = tpu.memref_slice %arg22[%mul3A_0] : memref<32768xi32, #tpu.memory_space<vmem_shared>> -> memref<2048xi32, #tpu.memory_space<vmem_shared>>
      tpu.wait_dma2 semaphore(%run_scoped3A : memref<!tpu.dma_semaphore, #tpu.memory_space<semaphore_mem>>) src(%dma_wait3A_336 : memref<2048xi32, #tpu.memory_space<vmem_shared>>) dst(%arg6 : memref<2048xi32, #tpu.memory_space<vmem>>)
      tpu.yield
    }) : () -> ()
    %scan3A_158 = arith.constant 0 : i32
    %scan3A_159 = arith.constant 0 : i32
    %scan3A_160 = arith.constant 32 : i32
    %scan3A_161 = arith.addi %scan3A_159, %scan3A_160 : i32
    %scan3A_162 = arith.constant 1 : i32
    %scan3A_163 = scf.for %scan3A_333 = %scan3A_159 to %scan3A_161 step %scan3A_162 iter_args(%scan3A_334 = %scan3A_158) -> (i32)  : i32 {
      %mul3A_335 = arith.constant 4 : i32
      %mul3A_336 = arith.muli %scan3A_333, %mul3A_335 : i32
      %mul3A_337 = arith.constant 16 : i32
      %mul3A_338 = arith.muli %mul3A_336, %mul3A_337 : i32
      %add3A_339 = arith.constant 0 : i32
      %add3A_340 = arith.addi %mul3A_338, %add3A_339 : i32
      %get3A = arith.index_cast %add3A_340 : i32 to index
      %get3A_341 = tpu.vector_load %arg5[%get3A] {strides = array<i32>} : memref<2048xi32, #tpu.memory_space<vmem>>, vector<16xi32>,
      %shift_right_logical3A = arith.constant 24 : i32
      %shift_right_logical3A_342 = vector.broadcast %shift_right_logical3A : i32 to vector<16xi32>
      %shift_right_logical3A_343 = arith.shrui %get3A_341, %shift_right_logical3A_342 : vector<16xi32>
      %and3A = arith.constant 255 : i32
      %and3A_344 = vector.broadcast %and3A : i32 to vector<16xi32>
      %and3A_345 = arith.andi %shift_right_logical3A_343, %and3A_344 : vector<16xi32>
      %broadcast_in_dim3A = arith.constant true
      %broadcast_in_dim3A_346 = vector.broadcast %broadcast_in_dim3A : i1 to vector<16xi1>
      %unique3A, %unique3A_347 = tpu.scan_count mask(%broadcast_in_dim3A_346 : vector<16xi1>) value(%and3A_345 : vector<16xi32>) : vector<16xi1>, vector<16xi32>
      %swap3A = arith.index_cast %add3A_340 : i32 to index
      %swap3A_348 = tpu.vector_load %arg8[%swap3A] {strides = array<i32>} : memref<2048xi32, #tpu.memory_space<vmem>>, vector<16xi32>,
      tpu.vector_store %arg8[%swap3A], %and3A_345 {strides = array<i32>} : memref<2048xi32, #tpu.memory_space<vmem>>, vector<16xi32>,
      %swap3A_349 = arith.index_cast %add3A_340 : i32 to index
      %swap3A_350 = tpu.vector_load %arg9[%swap3A_349] {strides = array<i32>} : memref<2048xi32, #tpu.memory_space<vmem>>, vector<16xi32>,
      tpu.vector_store %arg9[%swap3A_349], %unique3A_347 {strides = array<i32>} : memref<2048xi32, #tpu.memory_space<vmem>>, vector<16xi32>,
      %jit3A = arith.constant 1 : i32
      %jit3A_351 = arith.constant 0 : i32
      %broadcast_in_dim3A_352 = vector.broadcast %jit3A : i32 to vector<16xi32>
      %broadcast_in_dim3A_353 = vector.broadcast %jit3A_351 : i32 to vector<16xi32>
      %select_n3A = arith.select %unique3A, %broadcast_in_dim3A_352, %broadcast_in_dim3A_353 : vector<16xi1>, vector<16xi32>
      %swap3A_354 = arith.index_cast %add3A_340 : i32 to index
      %swap3A_355 = tpu.vector_load %arg10[%swap3A_354] {strides = array<i32>} : memref<2048xi32, #tpu.memory_space<vmem>>, vector<16xi32>,
      tpu.vector_store %arg10[%swap3A_354], %select_n3A {strides = array<i32>} : memref<2048xi32, #tpu.memory_space<vmem>>, vector<16xi32>,
      %mul3A_356 = arith.constant 4 : i32
      %mul3A_357 = arith.muli %scan3A_333, %mul3A_356 : i32
      %mul3A_358 = arith.constant 16 : i32
      %mul3A_359 = arith.muli %mul3A_357, %mul3A_358 : i32
      %add3A_360 = arith.constant 16 : i32
      %add3A_361 = arith.addi %mul3A_359, %add3A_360 : i32
      %get3A_362 = arith.index_cast %add3A_361 : i32 to index
      %get3A_363 = tpu.vector_load %arg5[%get3A_362] {strides = array<i32>} : memref<2048xi32, #tpu.memory_space<vmem>>, vector<16xi32>,
      %shift_right_logical3A_364 = arith.constant 24 : i32
      %shift_right_logical3A_365 = vector.broadcast %shift_right_logical3A_364 : i32 to vector<16xi32>
      %shift_right_logical3A_366 = arith.shrui %get3A_363, %shift_right_logical3A_365 : vector<16xi32>
      %and3A_367 = arith.constant 255 : i32
      %and3A_368 = vector.broadcast %and3A_367 : i32 to vector<16xi32>
      %and3A_369 = arith.andi %shift_right_logical3A_366, %and3A_368 : vector<16xi32>
      %broadcast_in_dim3A_370 = arith.constant true
      %broadcast_in_dim3A_371 = vector.broadcast %broadcast_in_dim3A_370 : i1 to vector<16xi1>
      %unique3A_372, %unique3A_373 = tpu.scan_count mask(%broadcast_in_dim3A_371 : vector<16xi1>) value(%and3A_369 : vector<16xi32>) : vector<16xi1>, vector<16xi32>
      %swap3A_374 = arith.index_cast %add3A_361 : i32 to index
      %swap3A_375 = tpu.vector_load %arg8[%swap3A_374] {strides = array<i32>} : memref<2048xi32, #tpu.memory_space<vmem>>, vector<16xi32>,
      tpu.vector_store %arg8[%swap3A_374], %and3A_369 {strides = array<i32>} : memref<2048xi32, #tpu.memory_space<vmem>>, vector<16xi32>,
      %swap3A_376 = arith.index_cast %add3A_361 : i32 to index
      %swap3A_377 = tpu.vector_load %arg9[%swap3A_376] {strides = array<i32>} : memref<2048xi32, #tpu.memory_space<vmem>>, vector<16xi32>,
      tpu.vector_store %arg9[%swap3A_376], %unique3A_373 {strides = array<i32>} : memref<2048xi32, #tpu.memory_space<vmem>>, vector<16xi32>,
      %jit3A_378 = arith.constant 1 : i32
      %jit3A_379 = arith.constant 0 : i32
      %broadcast_in_dim3A_380 = vector.broadcast %jit3A_378 : i32 to vector<16xi32>
      %broadcast_in_dim3A_381 = vector.broadcast %jit3A_379 : i32 to vector<16xi32>
      %select_n3A_382 = arith.select %unique3A_372, %broadcast_in_dim3A_380, %broadcast_in_dim3A_381 : vector<16xi1>, vector<16xi32>
      %swap3A_383 = arith.index_cast %add3A_361 : i32 to index
      %swap3A_384 = tpu.vector_load %arg10[%swap3A_383] {strides = array<i32>} : memref<2048xi32, #tpu.memory_space<vmem>>, vector<16xi32>,
      tpu.vector_store %arg10[%swap3A_383], %select_n3A_382 {strides = array<i32>} : memref<2048xi32, #tpu.memory_space<vmem>>, vector<16xi32>,
      %mul3A_385 = arith.constant 4 : i32
      %mul3A_386 = arith.muli %scan3A_333, %mul3A_385 : i32
      %mul3A_387 = arith.constant 16 : i32
      %mul3A_388 = arith.muli %mul3A_386, %mul3A_387 : i32
      %add3A_389 = arith.constant 32 : i32
      %add3A_390 = arith.addi %mul3A_388, %add3A_389 : i32
      %get3A_391 = arith.index_cast %add3A_390 : i32 to index
      %get3A_392 = tpu.vector_load %arg5[%get3A_391] {strides = array<i32>} : memref<2048xi32, #tpu.memory_space<vmem>>, vector<16xi32>,
      %shift_right_logical3A_393 = arith.constant 24 : i32
      %shift_right_logical3A_394 = vector.broadcast %shift_right_logical3A_393 : i32 to vector<16xi32>
      %shift_right_logical3A_395 = arith.shrui %get3A_392, %shift_right_logical3A_394 : vector<16xi32>
      %and3A_396 = arith.constant 255 : i32
      %and3A_397 = vector.broadcast %and3A_396 : i32 to vector<16xi32>
      %and3A_398 = arith.andi %shift_right_logical3A_395, %and3A_397 : vector<16xi32>
      %broadcast_in_dim3A_399 = arith.constant true
      %broadcast_in_dim3A_400 = vector.broadcast %broadcast_in_dim3A_399 : i1 to vector<16xi1>
      %unique3A_401, %unique3A_402 = tpu.scan_count mask(%broadcast_in_dim3A_400 : vector<16xi1>) value(%and3A_398 : vector<16xi32>) : vector<16xi1>, vector<16xi32>
      %swap3A_403 = arith.index_cast %add3A_390 : i32 to index
      %swap3A_404 = tpu.vector_load %arg8[%swap3A_403] {strides = array<i32>} : memref<2048xi32, #tpu.memory_space<vmem>>, vector<16xi32>,
      tpu.vector_store %arg8[%swap3A_403], %and3A_398 {strides = array<i32>} : memref<2048xi32, #tpu.memory_space<vmem>>, vector<16xi32>,
      %swap3A_405 = arith.index_cast %add3A_390 : i32 to index
      %swap3A_406 = tpu.vector_load %arg9[%swap3A_405] {strides = array<i32>} : memref<2048xi32, #tpu.memory_space<vmem>>, vector<16xi32>,
      tpu.vector_store %arg9[%swap3A_405], %unique3A_402 {strides = array<i32>} : memref<2048xi32, #tpu.memory_space<vmem>>, vector<16xi32>,
      %jit3A_407 = arith.constant 1 : i32
      %jit3A_408 = arith.constant 0 : i32
      %broadcast_in_dim3A_409 = vector.broadcast %jit3A_407 : i32 to vector<16xi32>
      %broadcast_in_dim3A_410 = vector.broadcast %jit3A_408 : i32 to vector<16xi32>
      %select_n3A_411 = arith.select %unique3A_401, %broadcast_in_dim3A_409, %broadcast_in_dim3A_410 : vector<16xi1>, vector<16xi32>
      %swap3A_412 = arith.index_cast %add3A_390 : i32 to index
      %swap3A_413 = tpu.vector_load %arg10[%swap3A_412] {strides = array<i32>} : memref<2048xi32, #tpu.memory_space<vmem>>, vector<16xi32>,
      tpu.vector_store %arg10[%swap3A_412], %select_n3A_411 {strides = array<i32>} : memref<2048xi32, #tpu.memory_space<vmem>>, vector<16xi32>,
      %mul3A_414 = arith.constant 4 : i32
      %mul3A_415 = arith.muli %scan3A_333, %mul3A_414 : i32
      %mul3A_416 = arith.constant 16 : i32
      %mul3A_417 = arith.muli %mul3A_415, %mul3A_416 : i32
      %add3A_418 = arith.constant 48 : i32
      %add3A_419 = arith.addi %mul3A_417, %add3A_418 : i32
      %get3A_420 = arith.index_cast %add3A_419 : i32 to index
      %get3A_421 = tpu.vector_load %arg5[%get3A_420] {strides = array<i32>} : memref<2048xi32, #tpu.memory_space<vmem>>, vector<16xi32>,
      %shift_right_logical3A_422 = arith.constant 24 : i32
      %shift_right_logical3A_423 = vector.broadcast %shift_right_logical3A_422 : i32 to vector<16xi32>
      %shift_right_logical3A_424 = arith.shrui %get3A_421, %shift_right_logical3A_423 : vector<16xi32>
      %and3A_425 = arith.constant 255 : i32
      %and3A_426 = vector.broadcast %and3A_425 : i32 to vector<16xi32>
      %and3A_427 = arith.andi %shift_right_logical3A_424, %and3A_426 : vector<16xi32>
      %broadcast_in_dim3A_428 = arith.constant true
      %broadcast_in_dim3A_429 = vector.broadcast %broadcast_in_dim3A_428 : i1 to vector<16xi1>
      %unique3A_430, %unique3A_431 = tpu.scan_count mask(%broadcast_in_dim3A_429 : vector<16xi1>) value(%and3A_427 : vector<16xi32>) : vector<16xi1>, vector<16xi32>
      %swap3A_432 = arith.index_cast %add3A_419 : i32 to index
      %swap3A_433 = tpu.vector_load %arg8[%swap3A_432] {strides = array<i32>} : memref<2048xi32, #tpu.memory_space<vmem>>, vector<16xi32>,
      tpu.vector_store %arg8[%swap3A_432], %and3A_427 {strides = array<i32>} : memref<2048xi32, #tpu.memory_space<vmem>>, vector<16xi32>,
      %swap3A_434 = arith.index_cast %add3A_419 : i32 to index
      %swap3A_435 = tpu.vector_load %arg9[%swap3A_434] {strides = array<i32>} : memref<2048xi32, #tpu.memory_space<vmem>>, vector<16xi32>,
      tpu.vector_store %arg9[%swap3A_434], %unique3A_431 {strides = array<i32>} : memref<2048xi32, #tpu.memory_space<vmem>>, vector<16xi32>,
      %jit3A_436 = arith.constant 1 : i32
      %jit3A_437 = arith.constant 0 : i32
      %broadcast_in_dim3A_438 = vector.broadcast %jit3A_436 : i32 to vector<16xi32>
      %broadcast_in_dim3A_439 = vector.broadcast %jit3A_437 : i32 to vector<16xi32>
      %select_n3A_440 = arith.select %unique3A_430, %broadcast_in_dim3A_438, %broadcast_in_dim3A_439 : vector<16xi1>, vector<16xi32>
      %swap3A_441 = arith.index_cast %add3A_419 : i32 to index
      %swap3A_442 = tpu.vector_load %arg10[%swap3A_441] {strides = array<i32>} : memref<2048xi32, #tpu.memory_space<vmem>>, vector<16xi32>,
      tpu.vector_store %arg10[%swap3A_441], %select_n3A_440 {strides = array<i32>} : memref<2048xi32, #tpu.memory_space<vmem>>, vector<16xi32>,
      %scan3A_443 = arith.constant 0 : i32
      scf.yield %scan3A_443 : i32
    }
    %scan3A_164 = arith.constant 32 : i32
    %scan3A_165 = arith.constant 0 : i32
    %scan3A_166 = arith.constant 0 : i32
    %scan3A_167 = arith.constant 16 : i32
    %scan3A_168 = arith.addi %scan3A_166, %scan3A_167 : i32
    %scan3A_169 = arith.constant 1 : i32
    %scan3A_170 = scf.for %scan3A_333 = %scan3A_166 to %scan3A_168 step %scan3A_169 iter_args(%scan3A_334 = %scan3A_165) -> (i32)  : i32 {
      %broadcast_in_dim3A = arith.constant 0 : i32
      %broadcast_in_dim3A_335 = vector.broadcast %broadcast_in_dim3A : i32 to vector<16xi32>
      %mul3A_336 = arith.constant 16 : i32
      %mul3A_337 = arith.muli %scan3A_333, %mul3A_336 : i32
      %swap3A = arith.index_cast %mul3A_337 : i32 to index
      %swap3A_338 = tpu.vector_load %arg11[%swap3A] {strides = array<i32>} : memref<256xi32, #tpu.memory_space<vmem>>, vector<16xi32>,
      tpu.vector_store %arg11[%swap3A], %broadcast_in_dim3A_335 {strides = array<i32>} : memref<256xi32, #tpu.memory_space<vmem>>, vector<16xi32>,
      %scan3A_339 = arith.constant 0 : i32
      scf.yield %scan3A_339 : i32
    }
    %scan3A_171 = arith.constant 16 : i32
    %scan3A_172 = arith.constant 0 : i32
    %scan3A_173 = arith.constant 0 : i32
    %scan3A_174 = arith.constant 32 : i32
    %scan3A_175 = arith.addi %scan3A_173, %scan3A_174 : i32
    %scan3A_176 = arith.constant 1 : i32
    %scan3A_177 = scf.for %scan3A_333 = %scan3A_173 to %scan3A_175 step %scan3A_176 iter_args(%scan3A_334 = %scan3A_172) -> (i32)  : i32 {
      %mul3A_335 = arith.constant 4 : i32
      %mul3A_336 = arith.muli %scan3A_333, %mul3A_335 : i32
      %mul3A_337 = arith.constant 16 : i32
      %mul3A_338 = arith.muli %mul3A_336, %mul3A_337 : i32
      %add3A_339 = arith.constant 0 : i32
      %add3A_340 = arith.addi %mul3A_338, %add3A_339 : i32
      %get3A = arith.index_cast %add3A_340 : i32 to index
      %get3A_341 = tpu.vector_load %arg8[%get3A] {strides = array<i32>} : memref<2048xi32, #tpu.memory_space<vmem>>, vector<16xi32>,
      %get3A_342 = arith.index_cast %add3A_340 : i32 to index
      %get3A_343 = tpu.vector_load %arg9[%get3A_342] {strides = array<i32>} : memref<2048xi32, #tpu.memory_space<vmem>>, vector<16xi32>,
      %get3A_344 = arith.index_cast %add3A_340 : i32 to index
      %get3A_345 = tpu.vector_load %arg10[%get3A_344] {strides = array<i32>} : memref<2048xi32, #tpu.memory_space<vmem>>, vector<16xi32>,
      %gt3A = arith.constant 0 : i32
      %gt3A_346 = vector.broadcast %gt3A : i32 to vector<16xi32>
      %gt3A_347 = arith.cmpi sgt, %get3A_345, %gt3A_346 : vector<16xi32>
      tpu.vector_store_idx %arg11[%get3A_341], %get3A_343 masked %gt3A_347 {add = true} : memref<256xi32, #tpu.memory_space<vmem>>[vector<16xi32>], vector<16xi32>, vector<16xi1>
      %mul3A_348 = arith.constant 4 : i32
      %mul3A_349 = arith.muli %scan3A_333, %mul3A_348 : i32
      %mul3A_350 = arith.constant 16 : i32
      %mul3A_351 = arith.muli %mul3A_349, %mul3A_350 : i32
      %add3A_352 = arith.constant 16 : i32
      %add3A_353 = arith.addi %mul3A_351, %add3A_352 : i32
      %get3A_354 = arith.index_cast %add3A_353 : i32 to index
      %get3A_355 = tpu.vector_load %arg8[%get3A_354] {strides = array<i32>} : memref<2048xi32, #tpu.memory_space<vmem>>, vector<16xi32>,
      %get3A_356 = arith.index_cast %add3A_353 : i32 to index
      %get3A_357 = tpu.vector_load %arg9[%get3A_356] {strides = array<i32>} : memref<2048xi32, #tpu.memory_space<vmem>>, vector<16xi32>,
      %get3A_358 = arith.index_cast %add3A_353 : i32 to index
      %get3A_359 = tpu.vector_load %arg10[%get3A_358] {strides = array<i32>} : memref<2048xi32, #tpu.memory_space<vmem>>, vector<16xi32>,
      %gt3A_360 = arith.constant 0 : i32
      %gt3A_361 = vector.broadcast %gt3A_360 : i32 to vector<16xi32>
      %gt3A_362 = arith.cmpi sgt, %get3A_359, %gt3A_361 : vector<16xi32>
      tpu.vector_store_idx %arg11[%get3A_355], %get3A_357 masked %gt3A_362 {add = true} : memref<256xi32, #tpu.memory_space<vmem>>[vector<16xi32>], vector<16xi32>, vector<16xi1>
      %mul3A_363 = arith.constant 4 : i32
      %mul3A_364 = arith.muli %scan3A_333, %mul3A_363 : i32
      %mul3A_365 = arith.constant 16 : i32
      %mul3A_366 = arith.muli %mul3A_364, %mul3A_365 : i32
      %add3A_367 = arith.constant 32 : i32
      %add3A_368 = arith.addi %mul3A_366, %add3A_367 : i32
      %get3A_369 = arith.index_cast %add3A_368 : i32 to index
      %get3A_370 = tpu.vector_load %arg8[%get3A_369] {strides = array<i32>} : memref<2048xi32, #tpu.memory_space<vmem>>, vector<16xi32>,
      %get3A_371 = arith.index_cast %add3A_368 : i32 to index
      %get3A_372 = tpu.vector_load %arg9[%get3A_371] {strides = array<i32>} : memref<2048xi32, #tpu.memory_space<vmem>>, vector<16xi32>,
      %get3A_373 = arith.index_cast %add3A_368 : i32 to index
      %get3A_374 = tpu.vector_load %arg10[%get3A_373] {strides = array<i32>} : memref<2048xi32, #tpu.memory_space<vmem>>, vector<16xi32>,
      %gt3A_375 = arith.constant 0 : i32
      %gt3A_376 = vector.broadcast %gt3A_375 : i32 to vector<16xi32>
      %gt3A_377 = arith.cmpi sgt, %get3A_374, %gt3A_376 : vector<16xi32>
      tpu.vector_store_idx %arg11[%get3A_370], %get3A_372 masked %gt3A_377 {add = true} : memref<256xi32, #tpu.memory_space<vmem>>[vector<16xi32>], vector<16xi32>, vector<16xi1>
      %mul3A_378 = arith.constant 4 : i32
      %mul3A_379 = arith.muli %scan3A_333, %mul3A_378 : i32
      %mul3A_380 = arith.constant 16 : i32
      %mul3A_381 = arith.muli %mul3A_379, %mul3A_380 : i32
      %add3A_382 = arith.constant 48 : i32
      %add3A_383 = arith.addi %mul3A_381, %add3A_382 : i32
      %get3A_384 = arith.index_cast %add3A_383 : i32 to index
      %get3A_385 = tpu.vector_load %arg8[%get3A_384] {strides = array<i32>} : memref<2048xi32, #tpu.memory_space<vmem>>, vector<16xi32>,
      %get3A_386 = arith.index_cast %add3A_383 : i32 to index
      %get3A_387 = tpu.vector_load %arg9[%get3A_386] {strides = array<i32>} : memref<2048xi32, #tpu.memory_space<vmem>>, vector<16xi32>,
      %get3A_388 = arith.index_cast %add3A_383 : i32 to index
      %get3A_389 = tpu.vector_load %arg10[%get3A_388] {strides = array<i32>} : memref<2048xi32, #tpu.memory_space<vmem>>, vector<16xi32>,
      %gt3A_390 = arith.constant 0 : i32
      %gt3A_391 = vector.broadcast %gt3A_390 : i32 to vector<16xi32>
      %gt3A_392 = arith.cmpi sgt, %get3A_389, %gt3A_391 : vector<16xi32>
      tpu.vector_store_idx %arg11[%get3A_385], %get3A_387 masked %gt3A_392 {add = true} : memref<256xi32, #tpu.memory_space<vmem>>[vector<16xi32>], vector<16xi32>, vector<16xi1>
      %scan3A_393 = arith.constant 0 : i32
      scf.yield %scan3A_393 : i32
    }
    %scan3A_178 = arith.constant 32 : i32
    %mul3A_179 = arith.constant 256 : i32
    %mul3A_180 = arith.muli %arg1, %mul3A_179 : i32
    "tpu.region"() ({
      %run_scoped3A = tpu.sem_alloc : memref<!tpu.dma_semaphore, #tpu.memory_space<semaphore_mem>>
      %dma_start3A_333 = tpu.memref_slice %arg23[%mul3A_180] : memref<4096xi32, #tpu.memory_space<vmem_shared>> -> memref<256xi32, #tpu.memory_space<vmem_shared>>
      %dma_start3A_334 = tpu.memref_slice %arg23[%mul3A_180] : memref<4096xi32, #tpu.memory_space<vmem_shared>> -> memref<256xi32, #tpu.memory_space<vmem_shared>>
      tpu.enqueue_dma source(%arg11 : memref<256xi32, #tpu.memory_space<vmem>>) target(%dma_start3A_334 : memref<256xi32, #tpu.memory_space<vmem_shared>>) target_semaphore(%run_scoped3A : memref<!tpu.dma_semaphore, #tpu.memory_space<semaphore_mem>>)
      %dma_wait3A_335 = tpu.memref_slice %arg23[%mul3A_180] : memref<4096xi32, #tpu.memory_space<vmem_shared>> -> memref<256xi32, #tpu.memory_space<vmem_shared>>
      %dma_wait3A_336 = tpu.memref_slice %arg23[%mul3A_180] : memref<4096xi32, #tpu.memory_space<vmem_shared>> -> memref<256xi32, #tpu.memory_space<vmem_shared>>
      tpu.wait_dma2 semaphore(%run_scoped3A : memref<!tpu.dma_semaphore, #tpu.memory_space<semaphore_mem>>) src(%arg11 : memref<256xi32, #tpu.memory_space<vmem>>) dst(%dma_wait3A_336 : memref<256xi32, #tpu.memory_space<vmem_shared>>)
      tpu.yield
    }) : () -> ()
    %barrier3A_181 = arith.constant 0 : index
    tpu.barrier barrier_id(%barrier3A_181)
    "tpu.region"() ({
      %run_scoped3A = tpu.sem_alloc : memref<!tpu.dma_semaphore, #tpu.memory_space<semaphore_mem>>
      tpu.enqueue_dma source(%arg23 : memref<4096xi32, #tpu.memory_space<vmem_shared>>) target(%arg13 : memref<4096xi32, #tpu.memory_space<vmem>>) target_semaphore(%run_scoped3A : memref<!tpu.dma_semaphore, #tpu.memory_space<semaphore_mem>>)
      tpu.wait_dma2 semaphore(%run_scoped3A : memref<!tpu.dma_semaphore, #tpu.memory_space<semaphore_mem>>) src(%arg23 : memref<4096xi32, #tpu.memory_space<vmem_shared>>) dst(%arg13 : memref<4096xi32, #tpu.memory_space<vmem>>)
      tpu.yield
    }) : () -> ()
    %scan3A_182 = arith.constant 0 : i32
    %scan3A_183 = arith.constant 0 : i32
    %scan3A_184 = arith.constant 16 : i32
    %scan3A_185 = arith.addi %scan3A_183, %scan3A_184 : i32
    %scan3A_186 = arith.constant 1 : i32
    %scan3A_187 = scf.for %scan3A_333 = %scan3A_183 to %scan3A_185 step %scan3A_186 iter_args(%scan3A_334 = %scan3A_182) -> (i32)  : i32 {
      %broadcast_in_dim3A = arith.constant 0 : i32
      %broadcast_in_dim3A_335 = vector.broadcast %broadcast_in_dim3A : i32 to vector<16xi32>
      %broadcast_in_dim3A_336 = arith.constant 0 : i32
      %broadcast_in_dim3A_337 = vector.broadcast %broadcast_in_dim3A_336 : i32 to vector<16xi32>
      %mul3A_338 = arith.constant 16 : i32
      %mul3A_339 = arith.muli %scan3A_333, %mul3A_338 : i32
      %add3A_340 = arith.constant 0 : i32
      %add3A_341 = arith.addi %add3A_340, %mul3A_339 : i32
      %get3A = arith.index_cast %add3A_341 : i32 to index
      %get3A_342 = tpu.vector_load %arg13[%get3A] {strides = array<i32>} : memref<4096xi32, #tpu.memory_space<vmem>>, vector<16xi32>,
      %add3A_343 = arith.addi %broadcast_in_dim3A_335, %get3A_342 : vector<16xi32>
      %gt3A = arith.constant 0 : i32
      %gt3A_344 = arith.cmpi sgt, %arg1, %gt3A : i32
      %jit3A = arith.constant 1 : i32
      %jit3A_345 = arith.constant 0 : i32
      %select_n3A = arith.select %gt3A_344, %jit3A, %jit3A_345 : i32
      %mul3A_346 = vector.broadcast %select_n3A : i32 to vector<16xi32>
      %mul3A_347 = arith.muli %get3A_342, %mul3A_346 : vector<16xi32>
      %add3A_348 = arith.addi %broadcast_in_dim3A_337, %mul3A_347 : vector<16xi32>
      %mul3A_349 = arith.constant 16 : i32
      %mul3A_350 = arith.muli %scan3A_333, %mul3A_349 : i32
      %add3A_351 = arith.constant 256 : i32
      %add3A_352 = arith.addi %add3A_351, %mul3A_350 : i32
      %get3A_353 = arith.index_cast %add3A_352 : i32 to index
      %get3A_354 = tpu.vector_load %arg13[%get3A_353] {strides = array<i32>} : memref<4096xi32, #tpu.memory_space<vmem>>, vector<16xi32>,
      %add3A_355 = arith.addi %add3A_343, %get3A_354 : vector<16xi32>
      %gt3A_356 = arith.constant 1 : i32
      %gt3A_357 = arith.cmpi sgt, %arg1, %gt3A_356 : i32
      %jit3A_358 = arith.constant 1 : i32
      %jit3A_359 = arith.constant 0 : i32
      %select_n3A_360 = arith.select %gt3A_357, %jit3A_358, %jit3A_359 : i32
      %mul3A_361 = vector.broadcast %select_n3A_360 : i32 to vector<16xi32>
      %mul3A_362 = arith.muli %get3A_354, %mul3A_361 : vector<16xi32>
      %add3A_363 = arith.addi %add3A_348, %mul3A_362 : vector<16xi32>
      %mul3A_364 = arith.constant 16 : i32
      %mul3A_365 = arith.muli %scan3A_333, %mul3A_364 : i32
      %add3A_366 = arith.constant 512 : i32
      %add3A_367 = arith.addi %add3A_366, %mul3A_365 : i32
      %get3A_368 = arith.index_cast %add3A_367 : i32 to index
      %get3A_369 = tpu.vector_load %arg13[%get3A_368] {strides = array<i32>} : memref<4096xi32, #tpu.memory_space<vmem>>, vector<16xi32>,
      %add3A_370 = arith.addi %add3A_355, %get3A_369 : vector<16xi32>
      %gt3A_371 = arith.constant 2 : i32
      %gt3A_372 = arith.cmpi sgt, %arg1, %gt3A_371 : i32
      %jit3A_373 = arith.constant 1 : i32
      %jit3A_374 = arith.constant 0 : i32
      %select_n3A_375 = arith.select %gt3A_372, %jit3A_373, %jit3A_374 : i32
      %mul3A_376 = vector.broadcast %select_n3A_375 : i32 to vector<16xi32>
      %mul3A_377 = arith.muli %get3A_369, %mul3A_376 : vector<16xi32>
      %add3A_378 = arith.addi %add3A_363, %mul3A_377 : vector<16xi32>
      %mul3A_379 = arith.constant 16 : i32
      %mul3A_380 = arith.muli %scan3A_333, %mul3A_379 : i32
      %add3A_381 = arith.constant 768 : i32
      %add3A_382 = arith.addi %add3A_381, %mul3A_380 : i32
      %get3A_383 = arith.index_cast %add3A_382 : i32 to index
      %get3A_384 = tpu.vector_load %arg13[%get3A_383] {strides = array<i32>} : memref<4096xi32, #tpu.memory_space<vmem>>, vector<16xi32>,
      %add3A_385 = arith.addi %add3A_370, %get3A_384 : vector<16xi32>
      %gt3A_386 = arith.constant 3 : i32
      %gt3A_387 = arith.cmpi sgt, %arg1, %gt3A_386 : i32
      %jit3A_388 = arith.constant 1 : i32
      %jit3A_389 = arith.constant 0 : i32
      %select_n3A_390 = arith.select %gt3A_387, %jit3A_388, %jit3A_389 : i32
      %mul3A_391 = vector.broadcast %select_n3A_390 : i32 to vector<16xi32>
      %mul3A_392 = arith.muli %get3A_384, %mul3A_391 : vector<16xi32>
      %add3A_393 = arith.addi %add3A_378, %mul3A_392 : vector<16xi32>
      %mul3A_394 = arith.constant 16 : i32
      %mul3A_395 = arith.muli %scan3A_333, %mul3A_394 : i32
      %add3A_396 = arith.constant 1024 : i32
      %add3A_397 = arith.addi %add3A_396, %mul3A_395 : i32
      %get3A_398 = arith.index_cast %add3A_397 : i32 to index
      %get3A_399 = tpu.vector_load %arg13[%get3A_398] {strides = array<i32>} : memref<4096xi32, #tpu.memory_space<vmem>>, vector<16xi32>,
      %add3A_400 = arith.addi %add3A_385, %get3A_399 : vector<16xi32>
      %gt3A_401 = arith.constant 4 : i32
      %gt3A_402 = arith.cmpi sgt, %arg1, %gt3A_401 : i32
      %jit3A_403 = arith.constant 1 : i32
      %jit3A_404 = arith.constant 0 : i32
      %select_n3A_405 = arith.select %gt3A_402, %jit3A_403, %jit3A_404 : i32
      %mul3A_406 = vector.broadcast %select_n3A_405 : i32 to vector<16xi32>
      %mul3A_407 = arith.muli %get3A_399, %mul3A_406 : vector<16xi32>
      %add3A_408 = arith.addi %add3A_393, %mul3A_407 : vector<16xi32>
      %mul3A_409 = arith.constant 16 : i32
      %mul3A_410 = arith.muli %scan3A_333, %mul3A_409 : i32
      %add3A_411 = arith.constant 1280 : i32
      %add3A_412 = arith.addi %add3A_411, %mul3A_410 : i32
      %get3A_413 = arith.index_cast %add3A_412 : i32 to index
      %get3A_414 = tpu.vector_load %arg13[%get3A_413] {strides = array<i32>} : memref<4096xi32, #tpu.memory_space<vmem>>, vector<16xi32>,
      %add3A_415 = arith.addi %add3A_400, %get3A_414 : vector<16xi32>
      %gt3A_416 = arith.constant 5 : i32
      %gt3A_417 = arith.cmpi sgt, %arg1, %gt3A_416 : i32
      %jit3A_418 = arith.constant 1 : i32
      %jit3A_419 = arith.constant 0 : i32
      %select_n3A_420 = arith.select %gt3A_417, %jit3A_418, %jit3A_419 : i32
      %mul3A_421 = vector.broadcast %select_n3A_420 : i32 to vector<16xi32>
      %mul3A_422 = arith.muli %get3A_414, %mul3A_421 : vector<16xi32>
      %add3A_423 = arith.addi %add3A_408, %mul3A_422 : vector<16xi32>
      %mul3A_424 = arith.constant 16 : i32
      %mul3A_425 = arith.muli %scan3A_333, %mul3A_424 : i32
      %add3A_426 = arith.constant 1536 : i32
      %add3A_427 = arith.addi %add3A_426, %mul3A_425 : i32
      %get3A_428 = arith.index_cast %add3A_427 : i32 to index
      %get3A_429 = tpu.vector_load %arg13[%get3A_428] {strides = array<i32>} : memref<4096xi32, #tpu.memory_space<vmem>>, vector<16xi32>,
      %add3A_430 = arith.addi %add3A_415, %get3A_429 : vector<16xi32>
      %gt3A_431 = arith.constant 6 : i32
      %gt3A_432 = arith.cmpi sgt, %arg1, %gt3A_431 : i32
      %jit3A_433 = arith.constant 1 : i32
      %jit3A_434 = arith.constant 0 : i32
      %select_n3A_435 = arith.select %gt3A_432, %jit3A_433, %jit3A_434 : i32
      %mul3A_436 = vector.broadcast %select_n3A_435 : i32 to vector<16xi32>
      %mul3A_437 = arith.muli %get3A_429, %mul3A_436 : vector<16xi32>
      %add3A_438 = arith.addi %add3A_423, %mul3A_437 : vector<16xi32>
      %mul3A_439 = arith.constant 16 : i32
      %mul3A_440 = arith.muli %scan3A_333, %mul3A_439 : i32
      %add3A_441 = arith.constant 1792 : i32
      %add3A_442 = arith.addi %add3A_441, %mul3A_440 : i32
      %get3A_443 = arith.index_cast %add3A_442 : i32 to index
      %get3A_444 = tpu.vector_load %arg13[%get3A_443] {strides = array<i32>} : memref<4096xi32, #tpu.memory_space<vmem>>, vector<16xi32>,
      %add3A_445 = arith.addi %add3A_430, %get3A_444 : vector<16xi32>
      %gt3A_446 = arith.constant 7 : i32
      %gt3A_447 = arith.cmpi sgt, %arg1, %gt3A_446 : i32
      %jit3A_448 = arith.constant 1 : i32
      %jit3A_449 = arith.constant 0 : i32
      %select_n3A_450 = arith.select %gt3A_447, %jit3A_448, %jit3A_449 : i32
      %mul3A_451 = vector.broadcast %select_n3A_450 : i32 to vector<16xi32>
      %mul3A_452 = arith.muli %get3A_444, %mul3A_451 : vector<16xi32>
      %add3A_453 = arith.addi %add3A_438, %mul3A_452 : vector<16xi32>
      %mul3A_454 = arith.constant 16 : i32
      %mul3A_455 = arith.muli %scan3A_333, %mul3A_454 : i32
      %add3A_456 = arith.constant 2048 : i32
      %add3A_457 = arith.addi %add3A_456, %mul3A_455 : i32
      %get3A_458 = arith.index_cast %add3A_457 : i32 to index
      %get3A_459 = tpu.vector_load %arg13[%get3A_458] {strides = array<i32>} : memref<4096xi32, #tpu.memory_space<vmem>>, vector<16xi32>,
      %add3A_460 = arith.addi %add3A_445, %get3A_459 : vector<16xi32>
      %gt3A_461 = arith.constant 8 : i32
      %gt3A_462 = arith.cmpi sgt, %arg1, %gt3A_461 : i32
      %jit3A_463 = arith.constant 1 : i32
      %jit3A_464 = arith.constant 0 : i32
      %select_n3A_465 = arith.select %gt3A_462, %jit3A_463, %jit3A_464 : i32
      %mul3A_466 = vector.broadcast %select_n3A_465 : i32 to vector<16xi32>
      %mul3A_467 = arith.muli %get3A_459, %mul3A_466 : vector<16xi32>
      %add3A_468 = arith.addi %add3A_453, %mul3A_467 : vector<16xi32>
      %mul3A_469 = arith.constant 16 : i32
      %mul3A_470 = arith.muli %scan3A_333, %mul3A_469 : i32
      %add3A_471 = arith.constant 2304 : i32
      %add3A_472 = arith.addi %add3A_471, %mul3A_470 : i32
      %get3A_473 = arith.index_cast %add3A_472 : i32 to index
      %get3A_474 = tpu.vector_load %arg13[%get3A_473] {strides = array<i32>} : memref<4096xi32, #tpu.memory_space<vmem>>, vector<16xi32>,
      %add3A_475 = arith.addi %add3A_460, %get3A_474 : vector<16xi32>
      %gt3A_476 = arith.constant 9 : i32
      %gt3A_477 = arith.cmpi sgt, %arg1, %gt3A_476 : i32
      %jit3A_478 = arith.constant 1 : i32
      %jit3A_479 = arith.constant 0 : i32
      %select_n3A_480 = arith.select %gt3A_477, %jit3A_478, %jit3A_479 : i32
      %mul3A_481 = vector.broadcast %select_n3A_480 : i32 to vector<16xi32>
      %mul3A_482 = arith.muli %get3A_474, %mul3A_481 : vector<16xi32>
      %add3A_483 = arith.addi %add3A_468, %mul3A_482 : vector<16xi32>
      %mul3A_484 = arith.constant 16 : i32
      %mul3A_485 = arith.muli %scan3A_333, %mul3A_484 : i32
      %add3A_486 = arith.constant 2560 : i32
      %add3A_487 = arith.addi %add3A_486, %mul3A_485 : i32
      %get3A_488 = arith.index_cast %add3A_487 : i32 to index
      %get3A_489 = tpu.vector_load %arg13[%get3A_488] {strides = array<i32>} : memref<4096xi32, #tpu.memory_space<vmem>>, vector<16xi32>,
      %add3A_490 = arith.addi %add3A_475, %get3A_489 : vector<16xi32>
      %gt3A_491 = arith.constant 10 : i32
      %gt3A_492 = arith.cmpi sgt, %arg1, %gt3A_491 : i32
      %jit3A_493 = arith.constant 1 : i32
      %jit3A_494 = arith.constant 0 : i32
      %select_n3A_495 = arith.select %gt3A_492, %jit3A_493, %jit3A_494 : i32
      %mul3A_496 = vector.broadcast %select_n3A_495 : i32 to vector<16xi32>
      %mul3A_497 = arith.muli %get3A_489, %mul3A_496 : vector<16xi32>
      %add3A_498 = arith.addi %add3A_483, %mul3A_497 : vector<16xi32>
      %mul3A_499 = arith.constant 16 : i32
      %mul3A_500 = arith.muli %scan3A_333, %mul3A_499 : i32
      %add3A_501 = arith.constant 2816 : i32
      %add3A_502 = arith.addi %add3A_501, %mul3A_500 : i32
      %get3A_503 = arith.index_cast %add3A_502 : i32 to index
      %get3A_504 = tpu.vector_load %arg13[%get3A_503] {strides = array<i32>} : memref<4096xi32, #tpu.memory_space<vmem>>, vector<16xi32>,
      %add3A_505 = arith.addi %add3A_490, %get3A_504 : vector<16xi32>
      %gt3A_506 = arith.constant 11 : i32
      %gt3A_507 = arith.cmpi sgt, %arg1, %gt3A_506 : i32
      %jit3A_508 = arith.constant 1 : i32
      %jit3A_509 = arith.constant 0 : i32
      %select_n3A_510 = arith.select %gt3A_507, %jit3A_508, %jit3A_509 : i32
      %mul3A_511 = vector.broadcast %select_n3A_510 : i32 to vector<16xi32>
      %mul3A_512 = arith.muli %get3A_504, %mul3A_511 : vector<16xi32>
      %add3A_513 = arith.addi %add3A_498, %mul3A_512 : vector<16xi32>
      %mul3A_514 = arith.constant 16 : i32
      %mul3A_515 = arith.muli %scan3A_333, %mul3A_514 : i32
      %add3A_516 = arith.constant 3072 : i32
      %add3A_517 = arith.addi %add3A_516, %mul3A_515 : i32
      %get3A_518 = arith.index_cast %add3A_517 : i32 to index
      %get3A_519 = tpu.vector_load %arg13[%get3A_518] {strides = array<i32>} : memref<4096xi32, #tpu.memory_space<vmem>>, vector<16xi32>,
      %add3A_520 = arith.addi %add3A_505, %get3A_519 : vector<16xi32>
      %gt3A_521 = arith.constant 12 : i32
      %gt3A_522 = arith.cmpi sgt, %arg1, %gt3A_521 : i32
      %jit3A_523 = arith.constant 1 : i32
      %jit3A_524 = arith.constant 0 : i32
      %select_n3A_525 = arith.select %gt3A_522, %jit3A_523, %jit3A_524 : i32
      %mul3A_526 = vector.broadcast %select_n3A_525 : i32 to vector<16xi32>
      %mul3A_527 = arith.muli %get3A_519, %mul3A_526 : vector<16xi32>
      %add3A_528 = arith.addi %add3A_513, %mul3A_527 : vector<16xi32>
      %mul3A_529 = arith.constant 16 : i32
      %mul3A_530 = arith.muli %scan3A_333, %mul3A_529 : i32
      %add3A_531 = arith.constant 3328 : i32
      %add3A_532 = arith.addi %add3A_531, %mul3A_530 : i32
      %get3A_533 = arith.index_cast %add3A_532 : i32 to index
      %get3A_534 = tpu.vector_load %arg13[%get3A_533] {strides = array<i32>} : memref<4096xi32, #tpu.memory_space<vmem>>, vector<16xi32>,
      %add3A_535 = arith.addi %add3A_520, %get3A_534 : vector<16xi32>
      %gt3A_536 = arith.constant 13 : i32
      %gt3A_537 = arith.cmpi sgt, %arg1, %gt3A_536 : i32
      %jit3A_538 = arith.constant 1 : i32
      %jit3A_539 = arith.constant 0 : i32
      %select_n3A_540 = arith.select %gt3A_537, %jit3A_538, %jit3A_539 : i32
      %mul3A_541 = vector.broadcast %select_n3A_540 : i32 to vector<16xi32>
      %mul3A_542 = arith.muli %get3A_534, %mul3A_541 : vector<16xi32>
      %add3A_543 = arith.addi %add3A_528, %mul3A_542 : vector<16xi32>
      %mul3A_544 = arith.constant 16 : i32
      %mul3A_545 = arith.muli %scan3A_333, %mul3A_544 : i32
      %add3A_546 = arith.constant 3584 : i32
      %add3A_547 = arith.addi %add3A_546, %mul3A_545 : i32
      %get3A_548 = arith.index_cast %add3A_547 : i32 to index
      %get3A_549 = tpu.vector_load %arg13[%get3A_548] {strides = array<i32>} : memref<4096xi32, #tpu.memory_space<vmem>>, vector<16xi32>,
      %add3A_550 = arith.addi %add3A_535, %get3A_549 : vector<16xi32>
      %gt3A_551 = arith.constant 14 : i32
      %gt3A_552 = arith.cmpi sgt, %arg1, %gt3A_551 : i32
      %jit3A_553 = arith.constant 1 : i32
      %jit3A_554 = arith.constant 0 : i32
      %select_n3A_555 = arith.select %gt3A_552, %jit3A_553, %jit3A_554 : i32
      %mul3A_556 = vector.broadcast %select_n3A_555 : i32 to vector<16xi32>
      %mul3A_557 = arith.muli %get3A_549, %mul3A_556 : vector<16xi32>
      %add3A_558 = arith.addi %add3A_543, %mul3A_557 : vector<16xi32>
      %mul3A_559 = arith.constant 16 : i32
      %mul3A_560 = arith.muli %scan3A_333, %mul3A_559 : i32
      %add3A_561 = arith.constant 3840 : i32
      %add3A_562 = arith.addi %add3A_561, %mul3A_560 : i32
      %get3A_563 = arith.index_cast %add3A_562 : i32 to index
      %get3A_564 = tpu.vector_load %arg13[%get3A_563] {strides = array<i32>} : memref<4096xi32, #tpu.memory_space<vmem>>, vector<16xi32>,
      %add3A_565 = arith.addi %add3A_550, %get3A_564 : vector<16xi32>
      %gt3A_566 = arith.constant 15 : i32
      %gt3A_567 = arith.cmpi sgt, %arg1, %gt3A_566 : i32
      %jit3A_568 = arith.constant 1 : i32
      %jit3A_569 = arith.constant 0 : i32
      %select_n3A_570 = arith.select %gt3A_567, %jit3A_568, %jit3A_569 : i32
      %mul3A_571 = vector.broadcast %select_n3A_570 : i32 to vector<16xi32>
      %mul3A_572 = arith.muli %get3A_564, %mul3A_571 : vector<16xi32>
      %add3A_573 = arith.addi %add3A_558, %mul3A_572 : vector<16xi32>
      %broadcast_in_dim3A_574 = arith.constant true
      %broadcast_in_dim3A_575 = vector.broadcast %broadcast_in_dim3A_574 : i1 to vector<16xi1>
      %masked_cumsum3A = tpu.scan <sum>, %add3A_565 masked %broadcast_in_dim3A_575 : vector<16xi32>, vector<16xi1> -> vector<16xi32>
      %sub3A = arith.subi %masked_cumsum3A, %add3A_565 : vector<16xi32>
      %add3A_576 = vector.broadcast %scan3A_334 : i32 to vector<16xi32>
      %add3A_577 = arith.addi %sub3A, %add3A_576 : vector<16xi32>
      %add3A_578 = arith.addi %add3A_577, %add3A_573 : vector<16xi32>
      %mul3A_579 = arith.constant 16 : i32
      %mul3A_580 = arith.muli %scan3A_333, %mul3A_579 : i32
      %swap3A = arith.index_cast %mul3A_580 : i32 to index
      %swap3A_581 = tpu.vector_load %arg12[%swap3A] {strides = array<i32>} : memref<256xi32, #tpu.memory_space<vmem>>, vector<16xi32>,
      tpu.vector_store %arg12[%swap3A], %add3A_578 {strides = array<i32>} : memref<256xi32, #tpu.memory_space<vmem>>, vector<16xi32>,
      %reduce_sum3A = arith.constant true
      %reduce_sum3A_582 = vector.broadcast %reduce_sum3A : i1 to vector<16xi1>
      %reduce_sum3A_583 = tpu.scan <sum>, %add3A_565 masked %reduce_sum3A_582 : vector<16xi32>, vector<16xi1> -> vector<16xi32>
      %reduce_sum3A_584 = vector.extract %reduce_sum3A_583[15] : i32 from vector<16xi32>
      %add3A_585 = arith.addi %scan3A_334, %reduce_sum3A_584 : i32
      scf.yield %add3A_585 : i32
    }
    %scan3A_188 = arith.constant 16 : i32
    %scan3A_189 = arith.constant 0 : i32
    %scan3A_190 = arith.constant 0 : i32
    %scan3A_191 = arith.constant 32 : i32
    %scan3A_192 = arith.addi %scan3A_190, %scan3A_191 : i32
    %scan3A_193 = arith.constant 1 : i32
    %scan3A_194 = scf.for %scan3A_333 = %scan3A_190 to %scan3A_192 step %scan3A_193 iter_args(%scan3A_334 = %scan3A_189) -> (i32)  : i32 {
      %mul3A_335 = arith.constant 4 : i32
      %mul3A_336 = arith.muli %scan3A_333, %mul3A_335 : i32
      %mul3A_337 = arith.constant 16 : i32
      %mul3A_338 = arith.muli %mul3A_336, %mul3A_337 : i32
      %add3A_339 = arith.constant 0 : i32
      %add3A_340 = arith.addi %mul3A_338, %add3A_339 : i32
      %get3A = arith.index_cast %add3A_340 : i32 to index
      %get3A_341 = tpu.vector_load %arg8[%get3A] {strides = array<i32>} : memref<2048xi32, #tpu.memory_space<vmem>>, vector<16xi32>,
      %get3A_342 = arith.index_cast %add3A_340 : i32 to index
      %get3A_343 = tpu.vector_load %arg9[%get3A_342] {strides = array<i32>} : memref<2048xi32, #tpu.memory_space<vmem>>, vector<16xi32>,
      %get3A_344 = arith.index_cast %add3A_340 : i32 to index
      %get3A_345 = tpu.vector_load %arg10[%get3A_344] {strides = array<i32>} : memref<2048xi32, #tpu.memory_space<vmem>>, vector<16xi32>,
      %gt3A = arith.constant 0 : i32
      %gt3A_346 = vector.broadcast %gt3A : i32 to vector<16xi32>
      %gt3A_347 = arith.cmpi sgt, %get3A_345, %gt3A_346 : vector<16xi32>
      %gather3A = tpu.vector_load_idx %arg12[%get3A_341] : memref<256xi32, #tpu.memory_space<vmem>>[vector<16xi32>], vector<16xi32>,
      %add3A_348 = arith.addi %gather3A, %get3A_343 : vector<16xi32>
      %sub3A = arith.constant 1 : i32
      %sub3A_349 = vector.broadcast %sub3A : i32 to vector<16xi32>
      %sub3A_350 = arith.subi %add3A_348, %sub3A_349 : vector<16xi32>
      %swap3A = arith.index_cast %add3A_340 : i32 to index
      %swap3A_351 = tpu.vector_load %arg7[%swap3A] {strides = array<i32>} : memref<2048xi32, #tpu.memory_space<vmem>>, vector<16xi32>,
      tpu.vector_store %arg7[%swap3A], %sub3A_350 {strides = array<i32>} : memref<2048xi32, #tpu.memory_space<vmem>>, vector<16xi32>,
      %add3A_352 = arith.addi %gather3A, %get3A_343 : vector<16xi32>
      tpu.vector_store_idx %arg12[%get3A_341], %add3A_352 masked %gt3A_347 : memref<256xi32, #tpu.memory_space<vmem>>[vector<16xi32>], vector<16xi32>, vector<16xi1>
      %mul3A_353 = arith.constant 4 : i32
      %mul3A_354 = arith.muli %scan3A_333, %mul3A_353 : i32
      %mul3A_355 = arith.constant 16 : i32
      %mul3A_356 = arith.muli %mul3A_354, %mul3A_355 : i32
      %add3A_357 = arith.constant 16 : i32
      %add3A_358 = arith.addi %mul3A_356, %add3A_357 : i32
      %get3A_359 = arith.index_cast %add3A_358 : i32 to index
      %get3A_360 = tpu.vector_load %arg8[%get3A_359] {strides = array<i32>} : memref<2048xi32, #tpu.memory_space<vmem>>, vector<16xi32>,
      %get3A_361 = arith.index_cast %add3A_358 : i32 to index
      %get3A_362 = tpu.vector_load %arg9[%get3A_361] {strides = array<i32>} : memref<2048xi32, #tpu.memory_space<vmem>>, vector<16xi32>,
      %get3A_363 = arith.index_cast %add3A_358 : i32 to index
      %get3A_364 = tpu.vector_load %arg10[%get3A_363] {strides = array<i32>} : memref<2048xi32, #tpu.memory_space<vmem>>, vector<16xi32>,
      %gt3A_365 = arith.constant 0 : i32
      %gt3A_366 = vector.broadcast %gt3A_365 : i32 to vector<16xi32>
      %gt3A_367 = arith.cmpi sgt, %get3A_364, %gt3A_366 : vector<16xi32>
      %gather3A_368 = tpu.vector_load_idx %arg12[%get3A_360] : memref<256xi32, #tpu.memory_space<vmem>>[vector<16xi32>], vector<16xi32>,
      %add3A_369 = arith.addi %gather3A_368, %get3A_362 : vector<16xi32>
      %sub3A_370 = arith.constant 1 : i32
      %sub3A_371 = vector.broadcast %sub3A_370 : i32 to vector<16xi32>
      %sub3A_372 = arith.subi %add3A_369, %sub3A_371 : vector<16xi32>
      %swap3A_373 = arith.index_cast %add3A_358 : i32 to index
      %swap3A_374 = tpu.vector_load %arg7[%swap3A_373] {strides = array<i32>} : memref<2048xi32, #tpu.memory_space<vmem>>, vector<16xi32>,
      tpu.vector_store %arg7[%swap3A_373], %sub3A_372 {strides = array<i32>} : memref<2048xi32, #tpu.memory_space<vmem>>, vector<16xi32>,
      %add3A_375 = arith.addi %gather3A_368, %get3A_362 : vector<16xi32>
      tpu.vector_store_idx %arg12[%get3A_360], %add3A_375 masked %gt3A_367 : memref<256xi32, #tpu.memory_space<vmem>>[vector<16xi32>], vector<16xi32>, vector<16xi1>
      %mul3A_376 = arith.constant 4 : i32
      %mul3A_377 = arith.muli %scan3A_333, %mul3A_376 : i32
      %mul3A_378 = arith.constant 16 : i32
      %mul3A_379 = arith.muli %mul3A_377, %mul3A_378 : i32
      %add3A_380 = arith.constant 32 : i32
      %add3A_381 = arith.addi %mul3A_379, %add3A_380 : i32
      %get3A_382 = arith.index_cast %add3A_381 : i32 to index
      %get3A_383 = tpu.vector_load %arg8[%get3A_382] {strides = array<i32>} : memref<2048xi32, #tpu.memory_space<vmem>>, vector<16xi32>,
      %get3A_384 = arith.index_cast %add3A_381 : i32 to index
      %get3A_385 = tpu.vector_load %arg9[%get3A_384] {strides = array<i32>} : memref<2048xi32, #tpu.memory_space<vmem>>, vector<16xi32>,
      %get3A_386 = arith.index_cast %add3A_381 : i32 to index
      %get3A_387 = tpu.vector_load %arg10[%get3A_386] {strides = array<i32>} : memref<2048xi32, #tpu.memory_space<vmem>>, vector<16xi32>,
      %gt3A_388 = arith.constant 0 : i32
      %gt3A_389 = vector.broadcast %gt3A_388 : i32 to vector<16xi32>
      %gt3A_390 = arith.cmpi sgt, %get3A_387, %gt3A_389 : vector<16xi32>
      %gather3A_391 = tpu.vector_load_idx %arg12[%get3A_383] : memref<256xi32, #tpu.memory_space<vmem>>[vector<16xi32>], vector<16xi32>,
      %add3A_392 = arith.addi %gather3A_391, %get3A_385 : vector<16xi32>
      %sub3A_393 = arith.constant 1 : i32
      %sub3A_394 = vector.broadcast %sub3A_393 : i32 to vector<16xi32>
      %sub3A_395 = arith.subi %add3A_392, %sub3A_394 : vector<16xi32>
      %swap3A_396 = arith.index_cast %add3A_381 : i32 to index
      %swap3A_397 = tpu.vector_load %arg7[%swap3A_396] {strides = array<i32>} : memref<2048xi32, #tpu.memory_space<vmem>>, vector<16xi32>,
      tpu.vector_store %arg7[%swap3A_396], %sub3A_395 {strides = array<i32>} : memref<2048xi32, #tpu.memory_space<vmem>>, vector<16xi32>,
      %add3A_398 = arith.addi %gather3A_391, %get3A_385 : vector<16xi32>
      tpu.vector_store_idx %arg12[%get3A_383], %add3A_398 masked %gt3A_390 : memref<256xi32, #tpu.memory_space<vmem>>[vector<16xi32>], vector<16xi32>, vector<16xi1>
      %mul3A_399 = arith.constant 4 : i32
      %mul3A_400 = arith.muli %scan3A_333, %mul3A_399 : i32
      %mul3A_401 = arith.constant 16 : i32
      %mul3A_402 = arith.muli %mul3A_400, %mul3A_401 : i32
      %add3A_403 = arith.constant 48 : i32
      %add3A_404 = arith.addi %mul3A_402, %add3A_403 : i32
      %get3A_405 = arith.index_cast %add3A_404 : i32 to index
      %get3A_406 = tpu.vector_load %arg8[%get3A_405] {strides = array<i32>} : memref<2048xi32, #tpu.memory_space<vmem>>, vector<16xi32>,
      %get3A_407 = arith.index_cast %add3A_404 : i32 to index
      %get3A_408 = tpu.vector_load %arg9[%get3A_407] {strides = array<i32>} : memref<2048xi32, #tpu.memory_space<vmem>>, vector<16xi32>,
      %get3A_409 = arith.index_cast %add3A_404 : i32 to index
      %get3A_410 = tpu.vector_load %arg10[%get3A_409] {strides = array<i32>} : memref<2048xi32, #tpu.memory_space<vmem>>, vector<16xi32>,
      %gt3A_411 = arith.constant 0 : i32
      %gt3A_412 = vector.broadcast %gt3A_411 : i32 to vector<16xi32>
      %gt3A_413 = arith.cmpi sgt, %get3A_410, %gt3A_412 : vector<16xi32>
      %gather3A_414 = tpu.vector_load_idx %arg12[%get3A_406] : memref<256xi32, #tpu.memory_space<vmem>>[vector<16xi32>], vector<16xi32>,
      %add3A_415 = arith.addi %gather3A_414, %get3A_408 : vector<16xi32>
      %sub3A_416 = arith.constant 1 : i32
      %sub3A_417 = vector.broadcast %sub3A_416 : i32 to vector<16xi32>
      %sub3A_418 = arith.subi %add3A_415, %sub3A_417 : vector<16xi32>
      %swap3A_419 = arith.index_cast %add3A_404 : i32 to index
      %swap3A_420 = tpu.vector_load %arg7[%swap3A_419] {strides = array<i32>} : memref<2048xi32, #tpu.memory_space<vmem>>, vector<16xi32>,
      tpu.vector_store %arg7[%swap3A_419], %sub3A_418 {strides = array<i32>} : memref<2048xi32, #tpu.memory_space<vmem>>, vector<16xi32>,
      %add3A_421 = arith.addi %gather3A_414, %get3A_408 : vector<16xi32>
      tpu.vector_store_idx %arg12[%get3A_406], %add3A_421 masked %gt3A_413 : memref<256xi32, #tpu.memory_space<vmem>>[vector<16xi32>], vector<16xi32>, vector<16xi1>
      %scan3A_422 = arith.constant 0 : i32
      scf.yield %scan3A_422 : i32
    }
    %scan3A_195 = arith.constant 32 : i32
    %dma_start3A_196 = arith.constant 0 : i32
    %dma_start3A_197 = tpu.memref_slice %arg21[%dma_start3A_196] : memref<32768xi32, #tpu.memory_space<vmem_shared>> -> memref<32768xi32, #tpu.memory_space<vmem_shared>>
    tpu.enqueue_indirect_dma source(%arg6 : memref<2048xi32, #tpu.memory_space<vmem>>) target(%dma_start3A_197 : memref<32768xi32, #tpu.memory_space<vmem_shared>>) offsets(%arg7 : memref<2048xi32, #tpu.memory_space<vmem>>) semaphore(%arg24 : memref<!tpu.dma_semaphore, #tpu.memory_space<semaphore_mem>>)
    %dma_wait3A_198 = arith.constant 0 : i32
    %dma_wait3A_199 = tpu.memref_slice %arg21[%dma_wait3A_198] : memref<32768xi32, #tpu.memory_space<vmem_shared>> -> memref<32768xi32, #tpu.memory_space<vmem_shared>>
    tpu.wait_indirect_dma semaphore(%arg24 : memref<!tpu.dma_semaphore, #tpu.memory_space<semaphore_mem>>) src(%arg6 : memref<2048xi32, #tpu.memory_space<vmem>>) dst(%dma_wait3A_199 : memref<32768xi32, #tpu.memory_space<vmem_shared>>)
    %barrier3A_200 = arith.constant 0 : index
    tpu.barrier barrier_id(%barrier3A_200)
    "tpu.region"() ({
      %run_scoped3A = tpu.sem_alloc : memref<!tpu.dma_semaphore, #tpu.memory_space<semaphore_mem>>
      %dma_start3A_333 = arith.constant 0 : i32
      %dma_start3A_334 = tpu.memref_slice %arg21[%dma_start3A_333] : memref<32768xi32, #tpu.memory_space<vmem_shared>> -> memref<8192xi32, #tpu.memory_space<vmem_shared>>
      %dma_start3A_335 = arith.constant 0 : i32
      %dma_start3A_336 = tpu.memref_slice %arg21[%dma_start3A_335] : memref<32768xi32, #tpu.memory_space<vmem_shared>> -> memref<8192xi32, #tpu.memory_space<vmem_shared>>
      tpu.enqueue_dma source(%dma_start3A_336 : memref<8192xi32, #tpu.memory_space<vmem_shared>>) target(%arg16 : memref<8192xi32, #tpu.memory_space<vmem>>) target_semaphore(%run_scoped3A : memref<!tpu.dma_semaphore, #tpu.memory_space<semaphore_mem>>)
      %dma_wait3A_337 = arith.constant 0 : i32
      %dma_wait3A_338 = tpu.memref_slice %arg21[%dma_wait3A_337] : memref<32768xi32, #tpu.memory_space<vmem_shared>> -> memref<8192xi32, #tpu.memory_space<vmem_shared>>
      %dma_wait3A_339 = arith.constant 0 : i32
      %dma_wait3A_340 = tpu.memref_slice %arg21[%dma_wait3A_339] : memref<32768xi32, #tpu.memory_space<vmem_shared>> -> memref<8192xi32, #tpu.memory_space<vmem_shared>>
      tpu.wait_dma2 semaphore(%run_scoped3A : memref<!tpu.dma_semaphore, #tpu.memory_space<semaphore_mem>>) src(%dma_wait3A_340 : memref<8192xi32, #tpu.memory_space<vmem_shared>>) dst(%arg16 : memref<8192xi32, #tpu.memory_space<vmem>>)
      tpu.yield
    }) : () -> ()
    %mul3A_201 = arith.constant 4 : i32
    %mul3A_202 = arith.muli %add3A, %mul3A_201 : i32
    %add3A_203 = arith.constant 0 : i32
    %add3A_204 = arith.addi %mul3A_202, %add3A_203 : i32
    %dma_wait3A_205 = arith.constant 0 : i32
    %dma_wait3A_206 = tpu.memref_slice %arg3[%mul3A_4, %dma_wait3A_205] : memref<128x32768xf32, #tpu.memory_space<hbm>> -> memref<1x32768xf32, #tpu.memory_space<hbm>>
    %dma_wait3A_207 = tpu.memref_squeeze %dma_wait3A_206 : memref<1x32768xf32, #tpu.memory_space<hbm>> -> memref<32768xf32, #tpu.memory_space<hbm>>
    %dma_wait3A_208 = arith.constant 0 : i32
    %dma_wait3A_209 = tpu.memref_slice %arg3[%mul3A_4, %dma_wait3A_208] : memref<128x32768xf32, #tpu.memory_space<hbm>> -> memref<1x32768xf32, #tpu.memory_space<hbm>>
    %dma_wait3A_210 = tpu.memref_squeeze %dma_wait3A_209 : memref<1x32768xf32, #tpu.memory_space<hbm>> -> memref<32768xf32, #tpu.memory_space<hbm>>
    tpu.wait_dma2 semaphore(%arg25 : memref<!tpu.dma_semaphore, #tpu.memory_space<semaphore_mem>>) src(%dma_wait3A_210 : memref<32768xf32, #tpu.memory_space<hbm>>) dst(%arg14 : memref<32768xf32, #tpu.memory_space<vmem>>)
    %scan3A_211 = arith.constant 0 : i32
    %scan3A_212 = arith.constant 0 : i32
    %scan3A_213 = arith.constant 128 : i32
    %scan3A_214 = arith.addi %scan3A_212, %scan3A_213 : i32
    %scan3A_215 = arith.constant 1 : i32
    %scan3A_216 = scf.for %scan3A_333 = %scan3A_212 to %scan3A_214 step %scan3A_215 iter_args(%scan3A_334 = %scan3A_211) -> (i32)  : i32 {
      %mul3A_335 = arith.constant 4 : i32
      %mul3A_336 = arith.muli %scan3A_333, %mul3A_335 : i32
      %mul3A_337 = arith.constant 16 : i32
      %mul3A_338 = arith.muli %mul3A_336, %mul3A_337 : i32
      %add3A_339 = arith.constant 0 : i32
      %add3A_340 = arith.addi %mul3A_338, %add3A_339 : i32
      %get3A = arith.index_cast %add3A_340 : i32 to index
      %get3A_341 = tpu.vector_load %arg16[%get3A] {strides = array<i32>} : memref<8192xi32, #tpu.memory_space<vmem>>, vector<16xi32>,
      %gather3A = tpu.vector_load_idx %arg14[%get3A_341] : memref<32768xf32, #tpu.memory_space<vmem>>[vector<16xi32>], vector<16xf32>,
      %swap3A = arith.index_cast %add3A_340 : i32 to index
      %swap3A_342 = tpu.vector_load %arg17[%swap3A] {strides = array<i32>} : memref<8192xf32, #tpu.memory_space<vmem>>, vector<16xf32>,
      tpu.vector_store %arg17[%swap3A], %gather3A {strides = array<i32>} : memref<8192xf32, #tpu.memory_space<vmem>>, vector<16xf32>,
      %mul3A_343 = arith.constant 4 : i32
      %mul3A_344 = arith.muli %scan3A_333, %mul3A_343 : i32
      %mul3A_345 = arith.constant 16 : i32
      %mul3A_346 = arith.muli %mul3A_344, %mul3A_345 : i32
      %add3A_347 = arith.constant 16 : i32
      %add3A_348 = arith.addi %mul3A_346, %add3A_347 : i32
      %get3A_349 = arith.index_cast %add3A_348 : i32 to index
      %get3A_350 = tpu.vector_load %arg16[%get3A_349] {strides = array<i32>} : memref<8192xi32, #tpu.memory_space<vmem>>, vector<16xi32>,
      %gather3A_351 = tpu.vector_load_idx %arg14[%get3A_350] : memref<32768xf32, #tpu.memory_space<vmem>>[vector<16xi32>], vector<16xf32>,
      %swap3A_352 = arith.index_cast %add3A_348 : i32 to index
      %swap3A_353 = tpu.vector_load %arg17[%swap3A_352] {strides = array<i32>} : memref<8192xf32, #tpu.memory_space<vmem>>, vector<16xf32>,
      tpu.vector_store %arg17[%swap3A_352], %gather3A_351 {strides = array<i32>} : memref<8192xf32, #tpu.memory_space<vmem>>, vector<16xf32>,
      %mul3A_354 = arith.constant 4 : i32
      %mul3A_355 = arith.muli %scan3A_333, %mul3A_354 : i32
      %mul3A_356 = arith.constant 16 : i32
      %mul3A_357 = arith.muli %mul3A_355, %mul3A_356 : i32
      %add3A_358 = arith.constant 32 : i32
      %add3A_359 = arith.addi %mul3A_357, %add3A_358 : i32
      %get3A_360 = arith.index_cast %add3A_359 : i32 to index
      %get3A_361 = tpu.vector_load %arg16[%get3A_360] {strides = array<i32>} : memref<8192xi32, #tpu.memory_space<vmem>>, vector<16xi32>,
      %gather3A_362 = tpu.vector_load_idx %arg14[%get3A_361] : memref<32768xf32, #tpu.memory_space<vmem>>[vector<16xi32>], vector<16xf32>,
      %swap3A_363 = arith.index_cast %add3A_359 : i32 to index
      %swap3A_364 = tpu.vector_load %arg17[%swap3A_363] {strides = array<i32>} : memref<8192xf32, #tpu.memory_space<vmem>>, vector<16xf32>,
      tpu.vector_store %arg17[%swap3A_363], %gather3A_362 {strides = array<i32>} : memref<8192xf32, #tpu.memory_space<vmem>>, vector<16xf32>,
      %mul3A_365 = arith.constant 4 : i32
      %mul3A_366 = arith.muli %scan3A_333, %mul3A_365 : i32
      %mul3A_367 = arith.constant 16 : i32
      %mul3A_368 = arith.muli %mul3A_366, %mul3A_367 : i32
      %add3A_369 = arith.constant 48 : i32
      %add3A_370 = arith.addi %mul3A_368, %add3A_369 : i32
      %get3A_371 = arith.index_cast %add3A_370 : i32 to index
      %get3A_372 = tpu.vector_load %arg16[%get3A_371] {strides = array<i32>} : memref<8192xi32, #tpu.memory_space<vmem>>, vector<16xi32>,
      %gather3A_373 = tpu.vector_load_idx %arg14[%get3A_372] : memref<32768xf32, #tpu.memory_space<vmem>>[vector<16xi32>], vector<16xf32>,
      %swap3A_374 = arith.index_cast %add3A_370 : i32 to index
      %swap3A_375 = tpu.vector_load %arg17[%swap3A_374] {strides = array<i32>} : memref<8192xf32, #tpu.memory_space<vmem>>, vector<16xf32>,
      tpu.vector_store %arg17[%swap3A_374], %gather3A_373 {strides = array<i32>} : memref<8192xf32, #tpu.memory_space<vmem>>, vector<16xf32>,
      %scan3A_376 = arith.constant 0 : i32
      scf.yield %scan3A_376 : i32
    }
    %scan3A_217 = arith.constant 128 : i32
    %dma_start3A_218 = arith.constant 0 : i32
    %dma_start3A_219 = tpu.memref_slice %arg4[%add3A_204, %dma_start3A_218] : memref<128x8192xf32, #tpu.memory_space<hbm>> -> memref<1x8192xf32, #tpu.memory_space<hbm>>
    %dma_start3A_220 = tpu.memref_squeeze %dma_start3A_219 : memref<1x8192xf32, #tpu.memory_space<hbm>> -> memref<8192xf32, #tpu.memory_space<hbm>>
    %dma_start3A_221 = arith.constant 0 : i32
    %dma_start3A_222 = tpu.memref_slice %arg4[%add3A_204, %dma_start3A_221] : memref<128x8192xf32, #tpu.memory_space<hbm>> -> memref<1x8192xf32, #tpu.memory_space<hbm>>
    %dma_start3A_223 = tpu.memref_squeeze %dma_start3A_222 : memref<1x8192xf32, #tpu.memory_space<hbm>> -> memref<8192xf32, #tpu.memory_space<hbm>>
    tpu.enqueue_dma source(%arg17 : memref<8192xf32, #tpu.memory_space<vmem>>) target(%dma_start3A_223 : memref<8192xf32, #tpu.memory_space<hbm>>) target_semaphore(%arg26 : memref<!tpu.dma_semaphore, #tpu.memory_space<semaphore_mem>>)
    %add3A_224 = arith.constant 2 : i32
    %add3A_225 = arith.addi %add3A_204, %add3A_224 : i32
    %dma_start3A_226 = arith.constant 0 : i32
    %dma_start3A_227 = tpu.memref_slice %arg3[%add3A_225, %dma_start3A_226] : memref<128x32768xf32, #tpu.memory_space<hbm>> -> memref<1x32768xf32, #tpu.memory_space<hbm>>
    %dma_start3A_228 = tpu.memref_squeeze %dma_start3A_227 : memref<1x32768xf32, #tpu.memory_space<hbm>> -> memref<32768xf32, #tpu.memory_space<hbm>>
    %dma_start3A_229 = arith.constant 0 : i32
    %dma_start3A_230 = tpu.memref_slice %arg3[%add3A_225, %dma_start3A_229] : memref<128x32768xf32, #tpu.memory_space<hbm>> -> memref<1x32768xf32, #tpu.memory_space<hbm>>
    %dma_start3A_231 = tpu.memref_squeeze %dma_start3A_230 : memref<1x32768xf32, #tpu.memory_space<hbm>> -> memref<32768xf32, #tpu.memory_space<hbm>>
    tpu.enqueue_dma source(%dma_start3A_231 : memref<32768xf32, #tpu.memory_space<hbm>>) target(%arg14 : memref<32768xf32, #tpu.memory_space<vmem>>) target_semaphore(%arg25 : memref<!tpu.dma_semaphore, #tpu.memory_space<semaphore_mem>>)
    %mul3A_232 = arith.constant 4 : i32
    %mul3A_233 = arith.muli %add3A, %mul3A_232 : i32
    %add3A_234 = arith.constant 1 : i32
    %add3A_235 = arith.addi %mul3A_233, %add3A_234 : i32
    %dma_wait3A_236 = arith.constant 0 : i32
    %dma_wait3A_237 = tpu.memref_slice %arg3[%add3A_13, %dma_wait3A_236] : memref<128x32768xf32, #tpu.memory_space<hbm>> -> memref<1x32768xf32, #tpu.memory_space<hbm>>
    %dma_wait3A_238 = tpu.memref_squeeze %dma_wait3A_237 : memref<1x32768xf32, #tpu.memory_space<hbm>> -> memref<32768xf32, #tpu.memory_space<hbm>>
    %dma_wait3A_239 = arith.constant 0 : i32
    %dma_wait3A_240 = tpu.memref_slice %arg3[%add3A_13, %dma_wait3A_239] : memref<128x32768xf32, #tpu.memory_space<hbm>> -> memref<1x32768xf32, #tpu.memory_space<hbm>>
    %dma_wait3A_241 = tpu.memref_squeeze %dma_wait3A_240 : memref<1x32768xf32, #tpu.memory_space<hbm>> -> memref<32768xf32, #tpu.memory_space<hbm>>
    tpu.wait_dma2 semaphore(%arg25 : memref<!tpu.dma_semaphore, #tpu.memory_space<semaphore_mem>>) src(%dma_wait3A_241 : memref<32768xf32, #tpu.memory_space<hbm>>) dst(%arg15 : memref<32768xf32, #tpu.memory_space<vmem>>)
    %scan3A_242 = arith.constant 0 : i32
    %scan3A_243 = arith.constant 0 : i32
    %scan3A_244 = arith.constant 128 : i32
    %scan3A_245 = arith.addi %scan3A_243, %scan3A_244 : i32
    %scan3A_246 = arith.constant 1 : i32
    %scan3A_247 = scf.for %scan3A_333 = %scan3A_243 to %scan3A_245 step %scan3A_246 iter_args(%scan3A_334 = %scan3A_242) -> (i32)  : i32 {
      %mul3A_335 = arith.constant 4 : i32
      %mul3A_336 = arith.muli %scan3A_333, %mul3A_335 : i32
      %mul3A_337 = arith.constant 16 : i32
      %mul3A_338 = arith.muli %mul3A_336, %mul3A_337 : i32
      %add3A_339 = arith.constant 0 : i32
      %add3A_340 = arith.addi %mul3A_338, %add3A_339 : i32
      %get3A = arith.index_cast %add3A_340 : i32 to index
      %get3A_341 = tpu.vector_load %arg16[%get3A] {strides = array<i32>} : memref<8192xi32, #tpu.memory_space<vmem>>, vector<16xi32>,
      %gather3A = tpu.vector_load_idx %arg15[%get3A_341] : memref<32768xf32, #tpu.memory_space<vmem>>[vector<16xi32>], vector<16xf32>,
      %swap3A = arith.index_cast %add3A_340 : i32 to index
      %swap3A_342 = tpu.vector_load %arg18[%swap3A] {strides = array<i32>} : memref<8192xf32, #tpu.memory_space<vmem>>, vector<16xf32>,
      tpu.vector_store %arg18[%swap3A], %gather3A {strides = array<i32>} : memref<8192xf32, #tpu.memory_space<vmem>>, vector<16xf32>,
      %mul3A_343 = arith.constant 4 : i32
      %mul3A_344 = arith.muli %scan3A_333, %mul3A_343 : i32
      %mul3A_345 = arith.constant 16 : i32
      %mul3A_346 = arith.muli %mul3A_344, %mul3A_345 : i32
      %add3A_347 = arith.constant 16 : i32
      %add3A_348 = arith.addi %mul3A_346, %add3A_347 : i32
      %get3A_349 = arith.index_cast %add3A_348 : i32 to index
      %get3A_350 = tpu.vector_load %arg16[%get3A_349] {strides = array<i32>} : memref<8192xi32, #tpu.memory_space<vmem>>, vector<16xi32>,
      %gather3A_351 = tpu.vector_load_idx %arg15[%get3A_350] : memref<32768xf32, #tpu.memory_space<vmem>>[vector<16xi32>], vector<16xf32>,
      %swap3A_352 = arith.index_cast %add3A_348 : i32 to index
      %swap3A_353 = tpu.vector_load %arg18[%swap3A_352] {strides = array<i32>} : memref<8192xf32, #tpu.memory_space<vmem>>, vector<16xf32>,
      tpu.vector_store %arg18[%swap3A_352], %gather3A_351 {strides = array<i32>} : memref<8192xf32, #tpu.memory_space<vmem>>, vector<16xf32>,
      %mul3A_354 = arith.constant 4 : i32
      %mul3A_355 = arith.muli %scan3A_333, %mul3A_354 : i32
      %mul3A_356 = arith.constant 16 : i32
      %mul3A_357 = arith.muli %mul3A_355, %mul3A_356 : i32
      %add3A_358 = arith.constant 32 : i32
      %add3A_359 = arith.addi %mul3A_357, %add3A_358 : i32
      %get3A_360 = arith.index_cast %add3A_359 : i32 to index
      %get3A_361 = tpu.vector_load %arg16[%get3A_360] {strides = array<i32>} : memref<8192xi32, #tpu.memory_space<vmem>>, vector<16xi32>,
      %gather3A_362 = tpu.vector_load_idx %arg15[%get3A_361] : memref<32768xf32, #tpu.memory_space<vmem>>[vector<16xi32>], vector<16xf32>,
      %swap3A_363 = arith.index_cast %add3A_359 : i32 to index
      %swap3A_364 = tpu.vector_load %arg18[%swap3A_363] {strides = array<i32>} : memref<8192xf32, #tpu.memory_space<vmem>>, vector<16xf32>,
      tpu.vector_store %arg18[%swap3A_363], %gather3A_362 {strides = array<i32>} : memref<8192xf32, #tpu.memory_space<vmem>>, vector<16xf32>,
      %mul3A_365 = arith.constant 4 : i32
      %mul3A_366 = arith.muli %scan3A_333, %mul3A_365 : i32
      %mul3A_367 = arith.constant 16 : i32
      %mul3A_368 = arith.muli %mul3A_366, %mul3A_367 : i32
      %add3A_369 = arith.constant 48 : i32
      %add3A_370 = arith.addi %mul3A_368, %add3A_369 : i32
      %get3A_371 = arith.index_cast %add3A_370 : i32 to index
      %get3A_372 = tpu.vector_load %arg16[%get3A_371] {strides = array<i32>} : memref<8192xi32, #tpu.memory_space<vmem>>, vector<16xi32>,
      %gather3A_373 = tpu.vector_load_idx %arg15[%get3A_372] : memref<32768xf32, #tpu.memory_space<vmem>>[vector<16xi32>], vector<16xf32>,
      %swap3A_374 = arith.index_cast %add3A_370 : i32 to index
      %swap3A_375 = tpu.vector_load %arg18[%swap3A_374] {strides = array<i32>} : memref<8192xf32, #tpu.memory_space<vmem>>, vector<16xf32>,
      tpu.vector_store %arg18[%swap3A_374], %gather3A_373 {strides = array<i32>} : memref<8192xf32, #tpu.memory_space<vmem>>, vector<16xf32>,
      %scan3A_376 = arith.constant 0 : i32
      scf.yield %scan3A_376 : i32
    }
    %scan3A_248 = arith.constant 128 : i32
    %dma_start3A_249 = arith.constant 0 : i32
    %dma_start3A_250 = tpu.memref_slice %arg4[%add3A_235, %dma_start3A_249] : memref<128x8192xf32, #tpu.memory_space<hbm>> -> memref<1x8192xf32, #tpu.memory_space<hbm>>
    %dma_start3A_251 = tpu.memref_squeeze %dma_start3A_250 : memref<1x8192xf32, #tpu.memory_space<hbm>> -> memref<8192xf32, #tpu.memory_space<hbm>>
    %dma_start3A_252 = arith.constant 0 : i32
    %dma_start3A_253 = tpu.memref_slice %arg4[%add3A_235, %dma_start3A_252] : memref<128x8192xf32, #tpu.memory_space<hbm>> -> memref<1x8192xf32, #tpu.memory_space<hbm>>
    %dma_start3A_254 = tpu.memref_squeeze %dma_start3A_253 : memref<1x8192xf32, #tpu.memory_space<hbm>> -> memref<8192xf32, #tpu.memory_space<hbm>>
    tpu.enqueue_dma source(%arg18 : memref<8192xf32, #tpu.memory_space<vmem>>) target(%dma_start3A_254 : memref<8192xf32, #tpu.memory_space<hbm>>) target_semaphore(%arg26 : memref<!tpu.dma_semaphore, #tpu.memory_space<semaphore_mem>>)
    %add3A_255 = arith.constant 2 : i32
    %add3A_256 = arith.addi %add3A_235, %add3A_255 : i32
    %dma_start3A_257 = arith.constant 0 : i32
    %dma_start3A_258 = tpu.memref_slice %arg3[%add3A_256, %dma_start3A_257] : memref<128x32768xf32, #tpu.memory_space<hbm>> -> memref<1x32768xf32, #tpu.memory_space<hbm>>
    %dma_start3A_259 = tpu.memref_squeeze %dma_start3A_258 : memref<1x32768xf32, #tpu.memory_space<hbm>> -> memref<32768xf32, #tpu.memory_space<hbm>>
    %dma_start3A_260 = arith.constant 0 : i32
    %dma_start3A_261 = tpu.memref_slice %arg3[%add3A_256, %dma_start3A_260] : memref<128x32768xf32, #tpu.memory_space<hbm>> -> memref<1x32768xf32, #tpu.memory_space<hbm>>
    %dma_start3A_262 = tpu.memref_squeeze %dma_start3A_261 : memref<1x32768xf32, #tpu.memory_space<hbm>> -> memref<32768xf32, #tpu.memory_space<hbm>>
    tpu.enqueue_dma source(%dma_start3A_262 : memref<32768xf32, #tpu.memory_space<hbm>>) target(%arg15 : memref<32768xf32, #tpu.memory_space<vmem>>) target_semaphore(%arg25 : memref<!tpu.dma_semaphore, #tpu.memory_space<semaphore_mem>>)
    %mul3A_263 = arith.constant 4 : i32
    %mul3A_264 = arith.muli %add3A, %mul3A_263 : i32
    %add3A_265 = arith.constant 2 : i32
    %add3A_266 = arith.addi %mul3A_264, %add3A_265 : i32
    %dma_wait3A_267 = arith.constant 0 : i32
    %dma_wait3A_268 = tpu.memref_slice %arg3[%add3A_225, %dma_wait3A_267] : memref<128x32768xf32, #tpu.memory_space<hbm>> -> memref<1x32768xf32, #tpu.memory_space<hbm>>
    %dma_wait3A_269 = tpu.memref_squeeze %dma_wait3A_268 : memref<1x32768xf32, #tpu.memory_space<hbm>> -> memref<32768xf32, #tpu.memory_space<hbm>>
    %dma_wait3A_270 = arith.constant 0 : i32
    %dma_wait3A_271 = tpu.memref_slice %arg3[%add3A_225, %dma_wait3A_270] : memref<128x32768xf32, #tpu.memory_space<hbm>> -> memref<1x32768xf32, #tpu.memory_space<hbm>>
    %dma_wait3A_272 = tpu.memref_squeeze %dma_wait3A_271 : memref<1x32768xf32, #tpu.memory_space<hbm>> -> memref<32768xf32, #tpu.memory_space<hbm>>
    tpu.wait_dma2 semaphore(%arg25 : memref<!tpu.dma_semaphore, #tpu.memory_space<semaphore_mem>>) src(%dma_wait3A_272 : memref<32768xf32, #tpu.memory_space<hbm>>) dst(%arg14 : memref<32768xf32, #tpu.memory_space<vmem>>)
    %dma_wait3A_273 = arith.constant 0 : i32
    %dma_wait3A_274 = tpu.memref_slice %arg4[%add3A_204, %dma_wait3A_273] : memref<128x8192xf32, #tpu.memory_space<hbm>> -> memref<1x8192xf32, #tpu.memory_space<hbm>>
    %dma_wait3A_275 = tpu.memref_squeeze %dma_wait3A_274 : memref<1x8192xf32, #tpu.memory_space<hbm>> -> memref<8192xf32, #tpu.memory_space<hbm>>
    %dma_wait3A_276 = arith.constant 0 : i32
    %dma_wait3A_277 = tpu.memref_slice %arg4[%add3A_204, %dma_wait3A_276] : memref<128x8192xf32, #tpu.memory_space<hbm>> -> memref<1x8192xf32, #tpu.memory_space<hbm>>
    %dma_wait3A_278 = tpu.memref_squeeze %dma_wait3A_277 : memref<1x8192xf32, #tpu.memory_space<hbm>> -> memref<8192xf32, #tpu.memory_space<hbm>>
    tpu.wait_dma2 semaphore(%arg26 : memref<!tpu.dma_semaphore, #tpu.memory_space<semaphore_mem>>) src(%arg17 : memref<8192xf32, #tpu.memory_space<vmem>>) dst(%dma_wait3A_278 : memref<8192xf32, #tpu.memory_space<hbm>>)
    %scan3A_279 = arith.constant 0 : i32
    %scan3A_280 = arith.constant 0 : i32
    %scan3A_281 = arith.constant 128 : i32
    %scan3A_282 = arith.addi %scan3A_280, %scan3A_281 : i32
    %scan3A_283 = arith.constant 1 : i32
    %scan3A_284 = scf.for %scan3A_333 = %scan3A_280 to %scan3A_282 step %scan3A_283 iter_args(%scan3A_334 = %scan3A_279) -> (i32)  : i32 {
      %mul3A_335 = arith.constant 4 : i32
      %mul3A_336 = arith.muli %scan3A_333, %mul3A_335 : i32
      %mul3A_337 = arith.constant 16 : i32
      %mul3A_338 = arith.muli %mul3A_336, %mul3A_337 : i32
      %add3A_339 = arith.constant 0 : i32
      %add3A_340 = arith.addi %mul3A_338, %add3A_339 : i32
      %get3A = arith.index_cast %add3A_340 : i32 to index
      %get3A_341 = tpu.vector_load %arg16[%get3A] {strides = array<i32>} : memref<8192xi32, #tpu.memory_space<vmem>>, vector<16xi32>,
      %gather3A = tpu.vector_load_idx %arg14[%get3A_341] : memref<32768xf32, #tpu.memory_space<vmem>>[vector<16xi32>], vector<16xf32>,
      %swap3A = arith.index_cast %add3A_340 : i32 to index
      %swap3A_342 = tpu.vector_load %arg17[%swap3A] {strides = array<i32>} : memref<8192xf32, #tpu.memory_space<vmem>>, vector<16xf32>,
      tpu.vector_store %arg17[%swap3A], %gather3A {strides = array<i32>} : memref<8192xf32, #tpu.memory_space<vmem>>, vector<16xf32>,
      %mul3A_343 = arith.constant 4 : i32
      %mul3A_344 = arith.muli %scan3A_333, %mul3A_343 : i32
      %mul3A_345 = arith.constant 16 : i32
      %mul3A_346 = arith.muli %mul3A_344, %mul3A_345 : i32
      %add3A_347 = arith.constant 16 : i32
      %add3A_348 = arith.addi %mul3A_346, %add3A_347 : i32
      %get3A_349 = arith.index_cast %add3A_348 : i32 to index
      %get3A_350 = tpu.vector_load %arg16[%get3A_349] {strides = array<i32>} : memref<8192xi32, #tpu.memory_space<vmem>>, vector<16xi32>,
      %gather3A_351 = tpu.vector_load_idx %arg14[%get3A_350] : memref<32768xf32, #tpu.memory_space<vmem>>[vector<16xi32>], vector<16xf32>,
      %swap3A_352 = arith.index_cast %add3A_348 : i32 to index
      %swap3A_353 = tpu.vector_load %arg17[%swap3A_352] {strides = array<i32>} : memref<8192xf32, #tpu.memory_space<vmem>>, vector<16xf32>,
      tpu.vector_store %arg17[%swap3A_352], %gather3A_351 {strides = array<i32>} : memref<8192xf32, #tpu.memory_space<vmem>>, vector<16xf32>,
      %mul3A_354 = arith.constant 4 : i32
      %mul3A_355 = arith.muli %scan3A_333, %mul3A_354 : i32
      %mul3A_356 = arith.constant 16 : i32
      %mul3A_357 = arith.muli %mul3A_355, %mul3A_356 : i32
      %add3A_358 = arith.constant 32 : i32
      %add3A_359 = arith.addi %mul3A_357, %add3A_358 : i32
      %get3A_360 = arith.index_cast %add3A_359 : i32 to index
      %get3A_361 = tpu.vector_load %arg16[%get3A_360] {strides = array<i32>} : memref<8192xi32, #tpu.memory_space<vmem>>, vector<16xi32>,
      %gather3A_362 = tpu.vector_load_idx %arg14[%get3A_361] : memref<32768xf32, #tpu.memory_space<vmem>>[vector<16xi32>], vector<16xf32>,
      %swap3A_363 = arith.index_cast %add3A_359 : i32 to index
      %swap3A_364 = tpu.vector_load %arg17[%swap3A_363] {strides = array<i32>} : memref<8192xf32, #tpu.memory_space<vmem>>, vector<16xf32>,
      tpu.vector_store %arg17[%swap3A_363], %gather3A_362 {strides = array<i32>} : memref<8192xf32, #tpu.memory_space<vmem>>, vector<16xf32>,
      %mul3A_365 = arith.constant 4 : i32
      %mul3A_366 = arith.muli %scan3A_333, %mul3A_365 : i32
      %mul3A_367 = arith.constant 16 : i32
      %mul3A_368 = arith.muli %mul3A_366, %mul3A_367 : i32
      %add3A_369 = arith.constant 48 : i32
      %add3A_370 = arith.addi %mul3A_368, %add3A_369 : i32
      %get3A_371 = arith.index_cast %add3A_370 : i32 to index
      %get3A_372 = tpu.vector_load %arg16[%get3A_371] {strides = array<i32>} : memref<8192xi32, #tpu.memory_space<vmem>>, vector<16xi32>,
      %gather3A_373 = tpu.vector_load_idx %arg14[%get3A_372] : memref<32768xf32, #tpu.memory_space<vmem>>[vector<16xi32>], vector<16xf32>,
      %swap3A_374 = arith.index_cast %add3A_370 : i32 to index
      %swap3A_375 = tpu.vector_load %arg17[%swap3A_374] {strides = array<i32>} : memref<8192xf32, #tpu.memory_space<vmem>>, vector<16xf32>,
      tpu.vector_store %arg17[%swap3A_374], %gather3A_373 {strides = array<i32>} : memref<8192xf32, #tpu.memory_space<vmem>>, vector<16xf32>,
      %scan3A_376 = arith.constant 0 : i32
      scf.yield %scan3A_376 : i32
    }
    %scan3A_285 = arith.constant 128 : i32
    %dma_start3A_286 = arith.constant 0 : i32
    %dma_start3A_287 = tpu.memref_slice %arg4[%add3A_266, %dma_start3A_286] : memref<128x8192xf32, #tpu.memory_space<hbm>> -> memref<1x8192xf32, #tpu.memory_space<hbm>>
    %dma_start3A_288 = tpu.memref_squeeze %dma_start3A_287 : memref<1x8192xf32, #tpu.memory_space<hbm>> -> memref<8192xf32, #tpu.memory_space<hbm>>
    %dma_start3A_289 = arith.constant 0 : i32
    %dma_start3A_290 = tpu.memref_slice %arg4[%add3A_266, %dma_start3A_289] : memref<128x8192xf32, #tpu.memory_space<hbm>> -> memref<1x8192xf32, #tpu.memory_space<hbm>>
    %dma_start3A_291 = tpu.memref_squeeze %dma_start3A_290 : memref<1x8192xf32, #tpu.memory_space<hbm>> -> memref<8192xf32, #tpu.memory_space<hbm>>
    tpu.enqueue_dma source(%arg17 : memref<8192xf32, #tpu.memory_space<vmem>>) target(%dma_start3A_291 : memref<8192xf32, #tpu.memory_space<hbm>>) target_semaphore(%arg26 : memref<!tpu.dma_semaphore, #tpu.memory_space<semaphore_mem>>)
    %mul3A_292 = arith.constant 4 : i32
    %mul3A_293 = arith.muli %add3A, %mul3A_292 : i32
    %add3A_294 = arith.constant 3 : i32
    %add3A_295 = arith.addi %mul3A_293, %add3A_294 : i32
    %dma_wait3A_296 = arith.constant 0 : i32
    %dma_wait3A_297 = tpu.memref_slice %arg3[%add3A_256, %dma_wait3A_296] : memref<128x32768xf32, #tpu.memory_space<hbm>> -> memref<1x32768xf32, #tpu.memory_space<hbm>>
    %dma_wait3A_298 = tpu.memref_squeeze %dma_wait3A_297 : memref<1x32768xf32, #tpu.memory_space<hbm>> -> memref<32768xf32, #tpu.memory_space<hbm>>
    %dma_wait3A_299 = arith.constant 0 : i32
    %dma_wait3A_300 = tpu.memref_slice %arg3[%add3A_256, %dma_wait3A_299] : memref<128x32768xf32, #tpu.memory_space<hbm>> -> memref<1x32768xf32, #tpu.memory_space<hbm>>
    %dma_wait3A_301 = tpu.memref_squeeze %dma_wait3A_300 : memref<1x32768xf32, #tpu.memory_space<hbm>> -> memref<32768xf32, #tpu.memory_space<hbm>>
    tpu.wait_dma2 semaphore(%arg25 : memref<!tpu.dma_semaphore, #tpu.memory_space<semaphore_mem>>) src(%dma_wait3A_301 : memref<32768xf32, #tpu.memory_space<hbm>>) dst(%arg15 : memref<32768xf32, #tpu.memory_space<vmem>>)
    %dma_wait3A_302 = arith.constant 0 : i32
    %dma_wait3A_303 = tpu.memref_slice %arg4[%add3A_235, %dma_wait3A_302] : memref<128x8192xf32, #tpu.memory_space<hbm>> -> memref<1x8192xf32, #tpu.memory_space<hbm>>
    %dma_wait3A_304 = tpu.memref_squeeze %dma_wait3A_303 : memref<1x8192xf32, #tpu.memory_space<hbm>> -> memref<8192xf32, #tpu.memory_space<hbm>>
    %dma_wait3A_305 = arith.constant 0 : i32
    %dma_wait3A_306 = tpu.memref_slice %arg4[%add3A_235, %dma_wait3A_305] : memref<128x8192xf32, #tpu.memory_space<hbm>> -> memref<1x8192xf32, #tpu.memory_space<hbm>>
    %dma_wait3A_307 = tpu.memref_squeeze %dma_wait3A_306 : memref<1x8192xf32, #tpu.memory_space<hbm>> -> memref<8192xf32, #tpu.memory_space<hbm>>
    tpu.wait_dma2 semaphore(%arg26 : memref<!tpu.dma_semaphore, #tpu.memory_space<semaphore_mem>>) src(%arg18 : memref<8192xf32, #tpu.memory_space<vmem>>) dst(%dma_wait3A_307 : memref<8192xf32, #tpu.memory_space<hbm>>)
    %scan3A_308 = arith.constant 0 : i32
    %scan3A_309 = arith.constant 0 : i32
    %scan3A_310 = arith.constant 128 : i32
    %scan3A_311 = arith.addi %scan3A_309, %scan3A_310 : i32
    %scan3A_312 = arith.constant 1 : i32
    %scan3A_313 = scf.for %scan3A_333 = %scan3A_309 to %scan3A_311 step %scan3A_312 iter_args(%scan3A_334 = %scan3A_308) -> (i32)  : i32 {
      %mul3A_335 = arith.constant 4 : i32
      %mul3A_336 = arith.muli %scan3A_333, %mul3A_335 : i32
      %mul3A_337 = arith.constant 16 : i32
      %mul3A_338 = arith.muli %mul3A_336, %mul3A_337 : i32
      %add3A_339 = arith.constant 0 : i32
      %add3A_340 = arith.addi %mul3A_338, %add3A_339 : i32
      %get3A = arith.index_cast %add3A_340 : i32 to index
      %get3A_341 = tpu.vector_load %arg16[%get3A] {strides = array<i32>} : memref<8192xi32, #tpu.memory_space<vmem>>, vector<16xi32>,
      %gather3A = tpu.vector_load_idx %arg15[%get3A_341] : memref<32768xf32, #tpu.memory_space<vmem>>[vector<16xi32>], vector<16xf32>,
      %swap3A = arith.index_cast %add3A_340 : i32 to index
      %swap3A_342 = tpu.vector_load %arg18[%swap3A] {strides = array<i32>} : memref<8192xf32, #tpu.memory_space<vmem>>, vector<16xf32>,
      tpu.vector_store %arg18[%swap3A], %gather3A {strides = array<i32>} : memref<8192xf32, #tpu.memory_space<vmem>>, vector<16xf32>,
      %mul3A_343 = arith.constant 4 : i32
      %mul3A_344 = arith.muli %scan3A_333, %mul3A_343 : i32
      %mul3A_345 = arith.constant 16 : i32
      %mul3A_346 = arith.muli %mul3A_344, %mul3A_345 : i32
      %add3A_347 = arith.constant 16 : i32
      %add3A_348 = arith.addi %mul3A_346, %add3A_347 : i32
      %get3A_349 = arith.index_cast %add3A_348 : i32 to index
      %get3A_350 = tpu.vector_load %arg16[%get3A_349] {strides = array<i32>} : memref<8192xi32, #tpu.memory_space<vmem>>, vector<16xi32>,
      %gather3A_351 = tpu.vector_load_idx %arg15[%get3A_350] : memref<32768xf32, #tpu.memory_space<vmem>>[vector<16xi32>], vector<16xf32>,
      %swap3A_352 = arith.index_cast %add3A_348 : i32 to index
      %swap3A_353 = tpu.vector_load %arg18[%swap3A_352] {strides = array<i32>} : memref<8192xf32, #tpu.memory_space<vmem>>, vector<16xf32>,
      tpu.vector_store %arg18[%swap3A_352], %gather3A_351 {strides = array<i32>} : memref<8192xf32, #tpu.memory_space<vmem>>, vector<16xf32>,
      %mul3A_354 = arith.constant 4 : i32
      %mul3A_355 = arith.muli %scan3A_333, %mul3A_354 : i32
      %mul3A_356 = arith.constant 16 : i32
      %mul3A_357 = arith.muli %mul3A_355, %mul3A_356 : i32
      %add3A_358 = arith.constant 32 : i32
      %add3A_359 = arith.addi %mul3A_357, %add3A_358 : i32
      %get3A_360 = arith.index_cast %add3A_359 : i32 to index
      %get3A_361 = tpu.vector_load %arg16[%get3A_360] {strides = array<i32>} : memref<8192xi32, #tpu.memory_space<vmem>>, vector<16xi32>,
      %gather3A_362 = tpu.vector_load_idx %arg15[%get3A_361] : memref<32768xf32, #tpu.memory_space<vmem>>[vector<16xi32>], vector<16xf32>,
      %swap3A_363 = arith.index_cast %add3A_359 : i32 to index
      %swap3A_364 = tpu.vector_load %arg18[%swap3A_363] {strides = array<i32>} : memref<8192xf32, #tpu.memory_space<vmem>>, vector<16xf32>,
      tpu.vector_store %arg18[%swap3A_363], %gather3A_362 {strides = array<i32>} : memref<8192xf32, #tpu.memory_space<vmem>>, vector<16xf32>,
      %mul3A_365 = arith.constant 4 : i32
      %mul3A_366 = arith.muli %scan3A_333, %mul3A_365 : i32
      %mul3A_367 = arith.constant 16 : i32
      %mul3A_368 = arith.muli %mul3A_366, %mul3A_367 : i32
      %add3A_369 = arith.constant 48 : i32
      %add3A_370 = arith.addi %mul3A_368, %add3A_369 : i32
      %get3A_371 = arith.index_cast %add3A_370 : i32 to index
      %get3A_372 = tpu.vector_load %arg16[%get3A_371] {strides = array<i32>} : memref<8192xi32, #tpu.memory_space<vmem>>, vector<16xi32>,
      %gather3A_373 = tpu.vector_load_idx %arg15[%get3A_372] : memref<32768xf32, #tpu.memory_space<vmem>>[vector<16xi32>], vector<16xf32>,
      %swap3A_374 = arith.index_cast %add3A_370 : i32 to index
      %swap3A_375 = tpu.vector_load %arg18[%swap3A_374] {strides = array<i32>} : memref<8192xf32, #tpu.memory_space<vmem>>, vector<16xf32>,
      tpu.vector_store %arg18[%swap3A_374], %gather3A_373 {strides = array<i32>} : memref<8192xf32, #tpu.memory_space<vmem>>, vector<16xf32>,
      %scan3A_376 = arith.constant 0 : i32
      scf.yield %scan3A_376 : i32
    }
    %scan3A_314 = arith.constant 128 : i32
    %dma_start3A_315 = arith.constant 0 : i32
    %dma_start3A_316 = tpu.memref_slice %arg4[%add3A_295, %dma_start3A_315] : memref<128x8192xf32, #tpu.memory_space<hbm>> -> memref<1x8192xf32, #tpu.memory_space<hbm>>
    %dma_start3A_317 = tpu.memref_squeeze %dma_start3A_316 : memref<1x8192xf32, #tpu.memory_space<hbm>> -> memref<8192xf32, #tpu.memory_space<hbm>>
    %dma_start3A_318 = arith.constant 0 : i32
    %dma_start3A_319 = tpu.memref_slice %arg4[%add3A_295, %dma_start3A_318] : memref<128x8192xf32, #tpu.memory_space<hbm>> -> memref<1x8192xf32, #tpu.memory_space<hbm>>
    %dma_start3A_320 = tpu.memref_squeeze %dma_start3A_319 : memref<1x8192xf32, #tpu.memory_space<hbm>> -> memref<8192xf32, #tpu.memory_space<hbm>>
    tpu.enqueue_dma source(%arg18 : memref<8192xf32, #tpu.memory_space<vmem>>) target(%dma_start3A_320 : memref<8192xf32, #tpu.memory_space<hbm>>) target_semaphore(%arg26 : memref<!tpu.dma_semaphore, #tpu.memory_space<semaphore_mem>>)
    %dma_wait3A_321 = arith.constant 0 : i32
    %dma_wait3A_322 = tpu.memref_slice %arg4[%add3A_266, %dma_wait3A_321] : memref<128x8192xf32, #tpu.memory_space<hbm>> -> memref<1x8192xf32, #tpu.memory_space<hbm>>
    %dma_wait3A_323 = tpu.memref_squeeze %dma_wait3A_322 : memref<1x8192xf32, #tpu.memory_space<hbm>> -> memref<8192xf32, #tpu.memory_space<hbm>>
    %dma_wait3A_324 = arith.constant 0 : i32
    %dma_wait3A_325 = tpu.memref_slice %arg4[%add3A_266, %dma_wait3A_324] : memref<128x8192xf32, #tpu.memory_space<hbm>> -> memref<1x8192xf32, #tpu.memory_space<hbm>>
    %dma_wait3A_326 = tpu.memref_squeeze %dma_wait3A_325 : memref<1x8192xf32, #tpu.memory_space<hbm>> -> memref<8192xf32, #tpu.memory_space<hbm>>
    tpu.wait_dma2 semaphore(%arg26 : memref<!tpu.dma_semaphore, #tpu.memory_space<semaphore_mem>>) src(%arg17 : memref<8192xf32, #tpu.memory_space<vmem>>) dst(%dma_wait3A_326 : memref<8192xf32, #tpu.memory_space<hbm>>)
    %dma_wait3A_327 = arith.constant 0 : i32
    %dma_wait3A_328 = tpu.memref_slice %arg4[%add3A_295, %dma_wait3A_327] : memref<128x8192xf32, #tpu.memory_space<hbm>> -> memref<1x8192xf32, #tpu.memory_space<hbm>>
    %dma_wait3A_329 = tpu.memref_squeeze %dma_wait3A_328 : memref<1x8192xf32, #tpu.memory_space<hbm>> -> memref<8192xf32, #tpu.memory_space<hbm>>
    %dma_wait3A_330 = arith.constant 0 : i32
    %dma_wait3A_331 = tpu.memref_slice %arg4[%add3A_295, %dma_wait3A_330] : memref<128x8192xf32, #tpu.memory_space<hbm>> -> memref<1x8192xf32, #tpu.memory_space<hbm>>
    %dma_wait3A_332 = tpu.memref_squeeze %dma_wait3A_331 : memref<1x8192xf32, #tpu.memory_space<hbm>> -> memref<8192xf32, #tpu.memory_space<hbm>>
    tpu.wait_dma2 semaphore(%arg26 : memref<!tpu.dma_semaphore, #tpu.memory_space<semaphore_mem>>) src(%arg18 : memref<8192xf32, #tpu.memory_space<vmem>>) dst(%dma_wait3A_332 : memref<8192xf32, #tpu.memory_space<hbm>>)
    return
  }
}

module attributes {stable_mosaic.version = 14 : i64} {
  func.func @_key_body(%arg0: memref<256x128xf32, #tpu.memory_space<vmem>>, %arg1: memref<256x128xi32, #tpu.memory_space<vmem>>) attributes {dimension_semantics = [], scalar_prefetch = 0 : i64, scratch_operands = 0 : i64, tpu.core_type = #tpu.core_type<tc>} {
    %get3A = arith.constant 0 : index
    %get3A_0 = arith.constant 0 : index
    %get3A_1 = vector.load %arg0[%get3A, %get3A_0] : memref<256x128xf32, #tpu.memory_space<vmem>>, vector<256x128xf32>
    %reduce_max3A = vector.shape_cast %get3A_1 : vector<256x128xf32> to vector<1x256x128xf32>
    %reduce_max3A_2 = arith.constant dense<0xFF800000> : vector<1xf32>
    %reduce_max3A_3 = vector.multi_reduction <maximumf>, %reduce_max3A, %reduce_max3A_2 [1, 2] : vector<1x256x128xf32> to vector<1xf32>
    %reduce_max3A_4 = vector.shape_cast %reduce_max3A_3 : vector<1xf32> to vector<1x1x1xf32>
    %reduce_max3A_5 = vector.extract %reduce_max3A_4[0, 0, 0] : f32 from vector<1x1x1xf32>
    %sub3A = vector.broadcast %reduce_max3A_5 : f32 to vector<256x128xf32>
    %sub3A_6 = arith.subf %get3A_1, %sub3A : vector<256x128xf32>
    %exp3A = math.exp %sub3A_6 : vector<256x128xf32>
    %reduce_sum3A = vector.shape_cast %exp3A : vector<256x128xf32> to vector<1x256x128xf32>
    %reduce_sum3A_7 = arith.constant dense<0.000000e+00> : vector<1xf32>
    %reduce_sum3A_8 = vector.multi_reduction <add>, %reduce_sum3A, %reduce_sum3A_7 [1, 2] : vector<1x256x128xf32> to vector<1xf32>
    %reduce_sum3A_9 = vector.shape_cast %reduce_sum3A_8 : vector<1xf32> to vector<1x1x1xf32>
    %reduce_sum3A_10 = vector.extract %reduce_sum3A_9[0, 0, 0] : f32 from vector<1x1x1xf32>
    %div3A = vector.broadcast %reduce_sum3A_10 : f32 to vector<256x128xf32>
    %div3A_11 = arith.divf %exp3A, %div3A : vector<256x128xf32>
    %bitcast_convert_type3A = tpu.bitcast %div3A_11 : vector<256x128xf32> -> vector<256x128xi32>
    %not3A = arith.constant dense<-1> : vector<256x128xi32>
    %not3A_12 = arith.xori %bitcast_convert_type3A, %not3A : vector<256x128xi32>
    %swap3A = arith.constant 0 : index
    %swap3A_13 = arith.constant 0 : index
    %swap3A_14 = vector.load %arg1[%swap3A, %swap3A_13] : memref<256x128xi32, #tpu.memory_space<vmem>>, vector<256x128xi32>
    tpu.vector_store %arg1[%swap3A, %swap3A_13], %not3A_12 {strides = array<i32>} : memref<256x128xi32, #tpu.memory_space<vmem>>, vector<256x128xi32>,
    return
  }
}

</mosaic_0001>

<sc_bundles>
// kernel: kernel.4.cloned.1.call-start
scs
__scs_entry_jumppad:
0x0: {  	(pc) =	sbr.rel $0x88, $3  }
0x1: {  	(tag) =	ssettag $0x0;
	lr =	simm.s32 $0x1  }
0x2: {  	[smem:$0x3F9F] =	sst lr;
	_ =	strace $0xD0000000  }
0x3: {  	_ = 	snop  }
0x4: {  	_ = 	snop  }
0x5: {  	_ = 	snop  }
0x6: {  	_ = 	snop  }
0x7: {  	_ = 	snop  }
__scs_overlays_trampoline_lowered:
0x8: {  	[smem:$0x3FAE] =	sst s0  }
0x9: {  	[smem:$0x3FAF] =	sst s1  }
0xa: {  	[smem:$0x3FB0] =	sst s2  }
0xb: {  	[smem:$0x3FB1] =	sst s3  }
0xc: {  	[smem:$0x3FB2] =	sst s4  }
0xd: {  	[smem:$0x3FB3] =	sst s5  }
0xe: {  	[smem:$0x3FB4] =	sst s6  }
0xf: {  	[smem:$0x3FB5] =	sst s7  }
0x10: {  	[smem:$0x3FB6] =	sst s8  }
0x11: {  	[smem:$0x3FB7] =	sst s9;
	s0 =	simm.s32 @!p0 $0x0  }
0x12: {  	s1 =	sld [smem:$0x3F9D];
	s0 =	simm.s32 @p0 $0x1  }
0x13: {  	[smem:$0x3FB8] =	sst s0;
	s0 =	simm.s32 @!p1 $0x0  }
0x14: {  	s2 =	sld [smem:$0x3F9C];
	s0 =	simm.s32 @p1 $0x1  }
0x15: {  	[smem:$0x3FB9] =	sst s0;
	s0 =	simm.s32 @!p2 $0x0  }
0x16: {  	s3 =	sld [smem:$0x3FDB];
	s0 =	simm.s32 @p2 $0x1  }
0x17: {  	s4 =	simm.s32 $0x1BF5;
	[smem:$0x3FBB] =	sst s0  }
0x18: {  	s0 =	sld [smem:$0x3F9E];
	_ =	swait.ge [sflag:s4], $0x0  }
0x19: {  	s7 =	sld [smem:$0x3F9F]  }
0x1a: {  	s8 =	sadd.s32 $0xFFFFE003, lr  }
0x1b: {  	s9 =	sadd.s32 $0xFFFFFEF7, lr;
	s5 =	simm.s32 $0xFFFFFFFF;
	p2 =	slt.u32 s8, $0xFFFFF086  }
0x1c: {  	p1 =	slt.u32 s9, $0xF7A;
	s5 =	simm.s32 @!p2 $0x0  }
0x1d: {  	s5 =	simm.s32 @p1 $0x1;
	p0 =	seq.s32 s7, s2  }
0x1e: {  	s7 =	smul.u32 @!p0 $0xF7A, s2;
	p2 =	seq.s32 @!p0 s5, $0x0  }
0x1f: {  	s9 =	smul.u32 $0xF7A, s1;
	s8 =	simm.s32 @!p0 $0x1BF5;
	p2 =	por !p2, p0  }
0x20: {  	[sflag:s8] =	ssyncset.s32 @!p0 $0xFFFFF086;
	s6 =	sadd.s32 @!p0 s3, s7;
	s7 =	simm.s32 @!p0 $0x108  }
0x21: {  	s3 =	sadd.s32 s3, s9;
	s6 =	sadd.s32 @!p0 $0x88, s6;
	s7 =	simm.s32 @p2 $0x1082  }
0x22: {  	[simem:s7], [sflag:s8] =	dma.local @!p0 [hbm:s6], $0xF7A  }
0x23: {  	s9 =	sor.u32 $0xD0000000, s2;
	s6 =	simm.s32 $0x108;
	_ =	swait.ge @!p0 [sflag:s8], $0x0  }
0x24: {  	s3 =	sadd.s32 $0x88, s3;
	s6 =	simm.s32 @!p1 $0x1082;
	[sflag:s4] =	ssyncset.s32 $0xFFFFF086  }
0x25: {  	[simem:s6], [sflag:s4] =	dma.local [hbm:s3], $0xF7A  }
0x26: {  	[smem:$0x3F9F] =	sst s1;
	(tag) =	ssettag s2;
	_ =	strace s9  }
0x27: {  	s1 =	sld [smem:$0x3FAF]  }
0x28: {  	s2 =	sld [smem:$0x3FB0]  }
0x29: {  	s4 =	sld [smem:$0x3FB2]  }
0x2a: {  	p0 =	seq.s32 s5, $0x0;
	s5 =	sld [smem:$0x3FB3]  }
0x2b: {  	s6 =	sld [smem:$0x3FB4]  }
0x2c: {  	s7 =	sld [smem:$0x3FB5]  }
0x2d: {  	s3 =	simm.s32 $0x108;
	s8 =	sld [smem:$0x3FB6]  }
0x2e: {  	s3 =	simm.s32 @!p0 $0x1082;
	s9 =	sld [smem:$0x3FB7]  }
0x2f: {  	lr =	sadd.s32 s0, s3;
	s0 =	sld [smem:$0x3FAE]  }
0x30: {  	s3 =	sld [smem:$0x3FB1]  }
0x31: {  	[smem:$0x3FBA] =	sst s10  }
0x32: {  	s10 =	sld [smem:$0x3FB8];
	_ =	sdelay $0x3  }
0x33: {  	p0 =	seq.s32 s10, $0x1;
	s10 =	sld [smem:$0x3FBA];
	_ =	sdelay $0x3  }
0x34: {  	[smem:$0x3FBA] =	sst s10  }
0x35: {  	s10 =	sld [smem:$0x3FB9];
	_ =	sdelay $0x3  }
0x36: {  	p1 =	seq.s32 s10, $0x1;
	s10 =	sld [smem:$0x3FBA];
	_ =	sdelay $0x3  }
0x37: {  	[smem:$0x3FBA] =	sst s10  }
0x38: {  	s10 =	sld [smem:$0x3FBB]  }
0x39: {  	_ = 	snop;
	(pc) =	sbr.ind lr, $3  }
0x3a: {  	_ = 	snop  }
0x3b: {  	_ = 	snop  }
0x3c: {  	p2 =	seq.s32 s10, $0x1;
	s10 =	sld [smem:$0x3FBA]  }
0x3d: {  	_ =	shalt  }
0x3e: {  	_ =	shalt  }
0x3f: {  	_ =	shalt  }
0x40: {  	_ =	shalt  }
0x41: {  	_ =	shalt  }
0x42: {  	_ =	shalt  }
0x43: {  	_ =	shalt  }
0x44: {  	_ =	shalt  }
0x45: {  	_ =	shalt  }
0x46: {  	_ =	shalt  }
0x47: {  	_ =	shalt  }
0x48: {  	_ =	shalt  }
0x49: {  	_ =	shalt  }
0x4a: {  	_ =	shalt  }
0x4b: {  	_ =	shalt  }
0x4c: {  	_ =	shalt  }
0x4d: {  	_ =	shalt  }
0x4e: {  	_ =	shalt  }
0x4f: {  	_ =	shalt  }
0x50: {  	_ =	shalt  }
0x51: {  	_ =	shalt  }
0x52: {  	_ =	shalt  }
0x53: {  	_ =	shalt  }
0x54: {  	_ =	shalt  }
0x55: {  	_ =	shalt  }
0x56: {  	_ =	shalt  }
0x57: {  	_ =	shalt  }
0x58: {  	_ =	shalt  }
0x59: {  	_ =	shalt  }
0x5a: {  	_ =	shalt  }
0x5b: {  	_ =	shalt  }
0x5c: {  	_ =	shalt  }
0x5d: {  	_ =	shalt  }
0x5e: {  	_ =	shalt  }
0x5f: {  	_ =	shalt  }
0x60: {  	_ =	shalt  }
0x61: {  	_ =	shalt  }
0x62: {  	_ =	shalt  }
0x63: {  	_ =	shalt  }
0x64: {  	_ =	shalt  }
0x65: {  	_ =	shalt  }
0x66: {  	_ =	shalt  }
0x67: {  	_ =	shalt  }
0x68: {  	_ =	shalt  }
0x69: {  	_ =	shalt  }
0x6a: {  	_ =	shalt  }
0x6b: {  	_ =	shalt  }
0x6c: {  	_ =	shalt  }
0x6d: {  	_ =	shalt  }
0x6e: {  	_ =	shalt  }
0x6f: {  	_ =	shalt  }
0x70: {  	_ =	shalt  }
0x71: {  	_ =	shalt  }
0x72: {  	_ =	shalt  }
0x73: {  	_ =	shalt  }
0x74: {  	_ =	shalt  }
0x75: {  	_ =	shalt  }
0x76: {  	_ =	shalt  }
0x77: {  	_ =	shalt  }
0x78: {  	_ =	shalt  }
0x79: {  	_ =	shalt  }
0x7a: {  	_ =	shalt  }
0x7b: {  	_ =	shalt  }
0x7c: {  	_ =	shalt  }
0x7d: {  	_ =	shalt  }
0x7e: {  	_ =	shalt  }
0x7f: {  	_ =	shalt  }
0x80: {  	_ =	shalt  }
0x81: {  	_ =	shalt  }
0x82: {  	_ =	shalt  }
0x83: {  	_ =	shalt  }
0x84: {  	_ =	shalt  }
0x85: {  	_ =	shalt  }
0x86: {  	_ =	shalt  }
0x87: {  	_ =	shalt  }
.Lfunc_end0:
.L_simem_size_0:
called_computation_lowered:
.L_overlay_start_0:
0x88: {  	s2 =	sld [smem:$0x3FD9]  }
0x89: {  	s3 =	sld [smem:$0x3FFE];
	_ =	sdelay $0x1  }
0x8a: {  	s1 =	srdreg.scid  }
0x8b: {  	s0 =	sand.u32 $0x1, s1  }
0x8c: {  	s17 =	sshll.u32 s0, $0xA;
	s2 =	sadd.s32 s3, s2  }
0x8d: {  	s2 =	sadd.s32 s2, s17  }
0x8e: {  	[smem:$0x3FC6] =	sst s2  }
0x8f: {  	_ = 	snop  }
0x90: {  	s2 =	sld [smem:$0x3FC9]  }
0x91: {  	s18 =	sld [smem:$0x3FD0];
	(tm) =	ssettm $0x1  }
0x92: {  	s4 =	sld [smem:$0x3FFB];
	_ =	sdelay $0x3  }
0x93: {  	_ =	strace s4  }
0x94: {  	s4 =	sld [smem:$0x3FFC];
	_ =	sdelay $0x3  }
0x95: {  	_ =	strace s4  }
0x96: {  	s4 =	sld [smem:$0x3FFD];
	_ =	sdelay $0x3  }
0x97: {  	_ =	strace s4  }
0x98: {  	_ =	strace $0x8FFFFFFF  }
0x99: {  	s19 =	sld [smem:$0x3FDB];
	_ =	sdelay $0x1  }
0x9a: {  	s5 =	simm.s32 $_scs_section_size  }
0x9b: {  	s6 =	simm.s32 $_size__tile_overlayer_lowered;
	s7 =	simm.s32 $_tile_overlayer_lowered  }
0x9c: {  	s22 =	simm.s32 $0x1BFF;
	s21 =	sshll.u32 s7, $0x1;
	s4 =	sadd.s32 s5, s19  }
0x9d: {  	s8 =	simm.s32 $0x0;
	s20 =	sshll.u32 s6, $0x1;
	s6 =	sadd.s32 s21, s4  }
0x9e: {  	[timem:s8], [sflag:s22] =	dma.local [hbm:s6], s20  }
0x9f: {  	_ =	swait.ge [sflag:s22], s20  }
0xa0: {  	s5 =	ssub.s32 $0x0, s20;
	[sflag:s22] =	ssyncset.done $0x0  }
0xa1: {  	[sflag:s22] =	ssyncadd.s32 s5;
	_ =	sdelay $0x1  }
0xa2: {  	s23 =	simm.s32 $0x1B8B  }
0xa3: {  	_ =	swait.ge [sflag:s23], $0x1  }
0xa4: {  	[sflag:s23] =	ssyncset.done $0x0  }
0xa5: {  	s25 =	simm.s32 $0x1B8E;
	s24 =	sld [smem:$0x3FFE];
	[sflag:s23] =	ssyncadd.s32 $0xFFFFFFFF  }
0xa6: {  	s26 =	simm.s32 $execute0_lowered;
	[smem:$0x3FD2] =	sst s25  }
0xa7: {  	s6 =	sshll.u32 s26, $0x1;
	_ =	strace $0x80000046;
	[dreg:$0x1] =	wrdreg $0xFFFFFFFF  }
0xa8: {  	s28 =	simm.s32 $_size_execute0_lowered;
	s4 =	sadd.s32 s4, s6;
	[dreg:$0x0] =	wrdreg $0x0  }
0xa9: {  	s6 =	sshll.u32 s28, $0x1;
	[dreg:$0x2] =	wrdreg s4  }
0xaa: {  	[dreg:$0x3] =	wrdreg s6  }
0xab: {  	[dreg:$0x4] =	wrdreg $0xC0  }
0xac: {  	_ =	task [dreg:s8], $0x5FFFF  }
0xad: {  	[dreg:$0x1] =	wrdreg $0xFFFFFFFF  }
0xae: {  	[dreg:$0x0] =	wrdreg $0x60  }
0xaf: {  	[dreg:$0x2] =	wrdreg s24  }
0xb0: {  	[dreg:$0x3] =	wrdreg s2  }
0xb1: {  	[dreg:$0x4] =	wrdreg s18  }
0xb2: {  	[dreg:$0x5] =	wrdreg $0x1C2000  }
0xb3: {  	[dreg:$0x6] =	wrdreg $0x1BA000  }
0xb4: {  	[dreg:$0x7] =	wrdreg $0x1AA000  }
0xb5: {  	[dreg:$0x8] =	wrdreg $0x1B2000  }
0xb6: {  	[dreg:$0x9] =	wrdreg $0x1A2000  }
0xb7: {  	[dreg:$0xa] =	wrdreg $0x9  }
0xb8: {  	_ =	task.clear_ibuf [dreg:s8], $0xBFFFF;
	_ =	strace $0x90000046  }
0xb9: {  	s29 =	simm.s32 $0x9;
	_ =	strace $0x80000048  }
0xba: {  	_ =	swait.ge [sflag:s29], $0x1  }
0xbb: {  	[sflag:s29] =	ssyncadd.s32 $0xFFFFFFFF  }
0xbc: {  	_ =	strace $0x90000048  }
0xbd: {  	_ =	sfence  }
0xbe: {  	s30 =	sld [smem:$0x0];
	_ =	sdelay $0x2  }
0xbf: {  	s31 =	sshll.u32 s1, $0xD;
	s1 =	sshrl.u32 s1, $0x2  }
0xc0: {  	s3 =	sand.u32 $0x4000, s31;
	s1 =	sadd.s32 s1, s30  }
0xc1: {  	s0 =	sor.u32 s3, s0;
	s1 =	sshll.u32 s1, $0x11  }
0xc2: {  	s0 =	sor.u32 s1, s0  }
0xc3: {  	s0 =	sadd.s32 $0x8F2B, s0  }
0xc4: {  	[sflag:s0] =	ssyncadd.remote.s32 $0x1  }
0xc5: {  	_ =	sfence.sel $0xFFFF  }
0xc6: {  	[dreg:$0x0] =	wrdreg $0xFFFFFFFF;
	(pc) =	sbr.abs _section_cstart, $3  }
0xc7: {  	[dreg:$0x1] =	wrdreg $0xFFFFFFFF  }
0xc8: {  	_ =	task.clear_ibuf [dreg:s8], $0x2FFFF;
	_ =	strace $0x9FFFFFFF  }
0xc9: {  	(tm) =	ssettm $0x7FFFFFFF  }
tec
execute0_lowered:
.L_overlay_start_1:
0x0: {  	(tag) =	ssettag $0x1  }
0x1: {  	s4 =	rddreg [dreg:$0x0]  }
0x2: {  	s11 =	rddreg [dreg:$0x1]  }
0x3: {  	s8 =	rddreg [dreg:$0x2]  }
0x4: {  	s0 =	rddreg [dreg:$0x3]  }
0x5: {  	s21 =	rddreg [dreg:$0x4]  }
0x6: {  	s20 =	rddreg [dreg:$0x5]  }
0x7: {  	s2 =	srdreg.scid;
	s3 =	rddreg [dreg:$0x6]  }
0x8: {  	s1 =	stileid.u32;
	s23 =	rddreg [dreg:$0x7];
	s7 =	simm.s32 $0x0  }
0x9: {  	s28 =	simm.s32 $0x1;
	s29 =	simm.s32 $0x4;
	s30 =	simm.s32 $0x3000  }
0xa: {  	s31 =	simm.s32 $0x3100;
	s5 =	sand.u32 $0x1, s2;
	s6 =	sshll.u32 s1, $0x2  }
0xb: {  	[smem:$0x7FF] =	sst s7;
	s25 =	sshll.u32 s1, $0x9;
	s26 =	sshll.u32 s1, $0x8  }
0xc: {  	p0 =	sgt.u32 s1, $0x1;
	p1 =	sgt.u32 s1, $0x3;
	s7 =	simm.s32 $0x1  }
0xd: {  	s2 =	sshll.u32 s5, $0x6;
	_ =	strace $0x80000047;
	s13 =	sand.u32 $0x200, s25  }
0xe: {  	s5 =	ssub.s32 $0x2, s5;
	s9 =	sadd.s32 s26, s4;
	s7 =	simm.s32 @!p1 $0x0  }
0xf: {  	p1 =	sgt.u32 s1, $0x5;
	s2 =	sor.u32 s6, s2;
	s15 =	sshrl.u32 s5, $0x1  }
0x10: {  	s25 =	sadd.s32 $0x800, s9;
	s9 =	simm.s32 $0x1;
	v3 =	vmov s7;
	s7 =	simm.s32 $0x3  }
0x11: {  	s12 =	sshrl.u32 s2, $0x3;
	s4 =	ssub.s32 s5, s15;
	s15 =	sor.u32 $0x80, s13  }
0x12: {  	s5 =	simm.s32 $0x1;
	[dreg:$0x11] =	wrdreg s25;
	s14 =	sshll.u32 s12, $0x12  }
0x13: {  	s25 =	simm.s32 $0x400;
	s5 =	simm.s32 @!p0 $0x0;
	s10 =	sor.u32 s13, s14  }
0x14: {  	p0 =	sgt.u32 s1, $0x2;
	s17 =	sor.u32 s15, s14;
	s6 =	sshrl.u32 s10, $0x3  }
0x15: {  	s12 =	sshll.u32 s12, $0x10;
	s10 =	sshrl.u32 s17, $0x3;
	s16 =	sadd.s32 s11, s6  }
0x16: {  	v1 =	vmov s5;
	s5 =	simm.s32 $0x800;
	s10 =	sadd.s32 s11, s10;
	[dreg:$0x9] =	wrdreg s16  }
0x17: {  	s17 =	sor.u32 $0x180, s13;
	s6 =	simm.s32 $0x1;
	[dreg:$0xa] =	wrdreg s10  }
0x18: {  	s6 =	simm.s32 @!p0 $0x0;
	p0 =	sgt.u32 s1, $0x4;
	s16 =	sor.u32 $0x100, s13  }
0x19: {  	s10 =	simm.s32 $0x1;
	s13 =	sor.u32 s13, s12;
	s18 =	sor.u32 s16, s14  }
0x1a: {  	s14 =	sor.u32 s17, s14;
	s10 =	simm.s32 @!p0 $0x0;
	s19 =	sor.u32 s16, s12  }
0x1b: {  	p0 =	sne.s32 s1, $0x0;
	s13 =	sshrl.u32 s13, $0x3;
	s16 =	simm.s32 $0x1  }
0x1c: {  	v2 =	vmov s6;
	s6 =	simm.s32 $0x2;
	s18 =	sshrl.u32 s18, $0x3;
	s14 =	sshrl.u32 s14, $0x3  }
0x1d: {  	s13 =	sadd.s32 s8, s13;
	s24 =	sshrl.u32 s19, $0x3;
	s9 =	simm.s32 @!p0 $0x0  }
0x1e: {  	s19 =	simm.s32 $0x1;
	s18 =	sadd.s32 s11, s18;
	[dreg:$0xd] =	wrdreg s13  }
0x1f: {  	s11 =	sadd.s32 s11, s14;
	s14 =	simm.s32 $0x1;
	[dreg:$0xb] =	wrdreg s18  }
0x20: {  	v0 =	vmov s9;
	s9 =	smov.u32 s21;
	[dreg:$0xc] =	wrdreg s11;
	s11 =	simm.s32 $0x1  }
0x21: {  	s18 =	sor.u32 s15, s12;
	s12 =	sor.u32 s17, s12;
	s15 =	sshll.u32 s1, $0xB  }
0x22: {  	s17 =	sadd.s32 s26, s0;
	s26 =	smax.u32 s4, $0x1;
	s4 =	simm.s32 $0x1000  }
0x23: {  	s11 =	simm.s32 @!p1 $0x0;
	p1 =	sgt.u32 s1, $0x6;
	s22 =	sshrl.u32 s18, $0x3  }
0x24: {  	s12 =	sshrl.u32 s12, $0x3;
	s18 =	simm.s32 $0x1;
	[dreg:$0x12] =	wrdreg s26  }
0x25: {  	s20 =	sadd.s32 s15, s20;
	s21 =	sadd.s32 s15, s21;
	s2 =	sadd.s32 s15, s23  }
0x26: {  	s28 =	simm.s32 @!p1 $0x0;
	p1 =	sgt.u32 s1, $0x7;
	s13 =	sadd.s32 s8, s22  }
0x27: {  	[dreg:$0xe] =	wrdreg s13;
	s13 =	sadd.s32 s8, s24;
	s8 =	sadd.s32 s8, s12  }
0x28: {  	s12 =	simm.s32 $0x1;
	[dreg:$0x10] =	wrdreg s8;
	s8 =	simm.s32 $0x1  }
0x29: {  	[dreg:$0xf] =	wrdreg s13;
	s8 =	simm.s32 @!p1 $0x0;
	p1 =	sgt.u32 s1, $0x8  }
0x2a: {  	s13 =	simm.s32 $0x1;
	s12 =	simm.s32 @!p1 $0x0;
	p1 =	sgt.u32 s1, $0x9  }
0x2b: {  	s23 =	sadd.s32 s15, s3;
	s13 =	simm.s32 @!p1 $0x0;
	p1 =	sgt.u32 s1, $0xA  }
0x2c: {  	s26 =	simm.s32 $0x4200;
	s14 =	simm.s32 @!p1 $0x0;
	p1 =	sgt.u32 s1, $0xB  }
0x2d: {  	v15 =	vimm.s32 $0x0;
	s22 =	simm.s32 $0x1;
	s16 =	simm.s32 @!p1 $0x0;
	p1 =	sgt.u32 s1, $0xC  }
0x2e: {  	v16 =	vlaneseq.u32;
	v4 =	vmov s10;
	v5 =	vmov s11;
	s24 =	simm.s32 $0x80;
	s18 =	simm.s32 @!p1 $0x0;
	p1 =	sgt.u32 s1, $0xD  }
0x2f: {  	v6 =	vmov s28;
	v7 =	vmov s8;
	v8 =	vmov s12;
	s22 =	simm.s32 @!p1 $0x0;
	p1 =	seq.s32 s1, $0xF;
	s1 =	simm.s32 $0x1  }
0x30: {  	s28 =	simm.s32 $0xC200;
	s8 =	simm.s32 $0x0;
	v9 =	vmov s13;
	v10 =	vmov s14;
	v11 =	vmov s16;
	s1 =	simm.s32 @!p1 $0x0  }
0x31: {  	s16 =	simm.s32 $0x16200;
	v12 =	vmov s18;
	s18 =	simm.s32 $0x18200;
	v13 =	vmov s22;
	s22 =	smov.u32 s9;
	v14 =	vmov s1  }
.LBB2_1:
0x32: {  	s1 =	rddreg [dreg:$0x9]  }
0x33: {  	[tilespmem:s26], [sflag:$0x2] =	stream.strided.gather [hbm4b:s1+s24], $0x8000, s25, s24, $0x38;
	[tilespmem:$0x1C300] =	vst v63  }
0x34: {  	s13 =	rddreg [dreg:$0xa]  }
0x35: {  	[tilespmem:s28], [sflag:$0x2] =	stream.strided.gather [hbm4b:s13+s24], $0x8000, s25, s24, $0x38;
	[tilespmem:$0x1C300] =	vst v63  }
0x36: {  	s14 =	simm.s32 $0x0;
	s9 =	rddreg [dreg:$0x11]  }
0x37: {  	[tilespmem:s14], [sflag:$0x4] =	stream.linear.gather [hbm4b:s9+s14], $0x800, $0x38;
	[tilespmem:$0x1C300] =	vst v63  }
0x38: {  	_ =	swait.ge [sflag:s29], $0x800  }
0x39: {  	[sflag:s29] =	ssyncset.done $0x0  }
0x3a: {  	s10 =	simm.s32 $0x0;
	[sflag:s29] =	ssyncadd.s32 $0xFFFFF800  }
0x3b: {  	v17 =	vld [tilespmem:s10+$0x30];
	_ =	sdelay $0x1  }
0x3c: {  	v18 =	vld [tilespmem:s10+$0x0]  }
0x3d: {  	v19 =	vld [tilespmem:s10+$0x10];
	_ =	sdelay $0x1  }
0x3e: {  	v20 =	vld [tilespmem:s10+$0x20];
	v17 =	vand.u32 $0xFF, v17  }
0x3f: {  	(xrf1) =	vunique.msk.u32 $0xffff, v17  }
0x40: {  	v18 =	vand.u32 $0xFF, v18  }
0x41: {  	v19 =	vand.u32 $0xFF, v19;
	[tilespmem:s10+$0x1830] =	vst v17;
	(xrf1) =	vunique.msk.u32 $0xffff, v18  }
0x42: {  	[tilespmem:s10+$0x1800] =	vst v18;
	(xrf1) =	vunique.msk.u32 $0xffff, v19  }
0x43: {  	s9 =	simm.s32 $0x40;
	v20 =	vand.u32 $0xFF, v20;
	[tilespmem:s10+$0x1810] =	vst v19  }
0x44: {  	v17 =	vld [tilespmem:s9+$0x30];
	(xrf1) =	vunique.msk.u32 $0xffff, v20;
	_ =	sdelay $0x1  }
0x45: {  	v18 =	vld [tilespmem:s9+$0x0]  }
0x46: {  	v19 =	vld [tilespmem:s9+$0x10];
	_ =	sdelay $0x1  }
0x47: {  	v17 =	vand.u32 $0xFF, v17  }
0x48: {  	v21 =	vld [tilespmem:s9+$0x20]  }
0x49: {  	[tilespmem:s10+$0x1820] =	vst v20;
	v18 =	vand.u32 $0xFF, v18  }
0x4a: {  	[tilespmem:s9+$0x1830] =	vst v17;
	v19 =	vand.u32 $0xFF, v19  }
0x4b: {  	[tilespmem:s9+$0x1800] =	vst v18;
	(xrf1) =	vunique.msk.u32 $0xffff, v17;
	_, v17, vm0 =	vpop (xrf1)  }
0x4c: {  	[tilespmem:s9+$0x1810] =	vst v19;
	(xrf1) =	vunique.msk.u32 $0xffff, v18;
	v20 =	vsel vm0, $0x1, v15  }
0x4d: {  	[tilespmem:s10+$0x2030] =	vst v17;
	_, v18, vm0 =	vpop (xrf1);
	v17 =	vand.u32 $0xFF, v21;
	(xrf1) =	vunique.msk.u32 $0xffff, v19  }
0x4e: {  	v21 =	vsel vm0, $0x1, v15;
	_, v19, vm0 =	vpop (xrf1);
	(xrf1) =	vunique.msk.u32 $0xffff, v17  }
0x4f: {  	[tilespmem:s10+$0x2830] =	vst v20  }
0x50: {  	s11 =	simm.s32 $0x80;
	s12 =	simm.s32 $0x300;
	[tilespmem:s10+$0x2800] =	vst v21;
	v21 =	vsel vm0, $0x1, v15;
	_, v20, vm0 =	vpop (xrf1)  }
.LBB2_2:
0x51: {  	p1 =	sne.s32 s12, $0x1F00;
	v22 =	vld [tilespmem:s11+$0x30];
	[tilespmem:s10+$0x2810] =	vst v21;
	v21 =	vsel vm0, $0x1, v15  }
0x52: {  	v23 =	vld [tilespmem:s11+$0x0];
	[tilespmem:s10+$0x2820] =	vst v21  }
0x53: {  	v21 =	vld [tilespmem:s11+$0x10];
	[tilespmem:s10+$0x2000] =	vst v18  }
0x54: {  	v18 =	vld [tilespmem:s11+$0x20];
	[tilespmem:s10+$0x2010] =	vst v19  }
0x55: {  	[tilespmem:s10+$0x2020] =	vst v20;
	s10 =	smov.u32 s9;
	s9 =	smov.u32 s11  }
0x56: {  	v19 =	vand.u32 $0xFF, v22;
	[tilespmem:s10+$0x1820] =	vst v17  }
0x57: {  	v17 =	vand.u32 $0xFF, v23;
	[tilespmem:s9+$0x1830] =	vst v19;
	(xrf1) =	vunique.msk.u32 $0xffff, v19  }
.Ltmp0:
0x58: {  	[tilespmem:s9+$0x1800] =	vst v17;
	v20 =	vand.u32 $0xFF, v21;
	(xrf1) =	vunique.msk.u32 $0xffff, v17;
	(pc) =	sbr.rel @p1 .LBB2_2-.Ltmp0, $4  }
0x59: {  	[tilespmem:s9+$0x1810] =	vst v20;
	v17 =	vand.u32 $0xFF, v18;
	(xrf1) =	vunique.msk.u32 $0xffff, v20;
	_, v18, vm0 =	vpop (xrf1)  }
0x5a: {  	(xrf1) =	vunique.msk.u32 $0xffff, v17;
	[tilespmem:s10+$0x2030] =	vst v18;
	v21 =	vsel vm0, $0x1, v15;
	_, v18, vm0 =	vpop (xrf1)  }
0x5b: {  	v22 =	vsel vm0, $0x1, v15;
	[tilespmem:s10+$0x2830] =	vst v21;
	_, v19, vm0 =	vpop (xrf1)  }
0x5c: {  	s11 =	sshra.s32 s12, $0x2;
	s12 =	sadd.s32 $0x100, s12;
	[tilespmem:s10+$0x2800] =	vst v22;
	v21 =	vsel vm0, $0x1, v15;
	_, v20, vm0 =	vpop (xrf1)  }
0x5d: {  	v22 =	vld [tilespmem:s11+$0x30];
	_ =	sdelay $0x1  }
0x5e: {  	[tilespmem:s10+$0x2810] =	vst v21;
	v57 =	vsel vm0, $0x1, v15  }
0x5f: {  	v23 =	vld [tilespmem:s11+$0x0];
	[tilespmem:s10+$0x2820] =	vst v57  }
0x60: {  	v21 =	vld [tilespmem:s11+$0x10];
	[tilespmem:s10+$0x2000] =	vst v18  }
0x61: {  	v18 =	vld [tilespmem:s11+$0x20];
	[tilespmem:s10+$0x2010] =	vst v19;
	v22 =	vand.u32 $0xFF, v22  }
0x62: {  	[tilespmem:s10+$0x2020] =	vst v20;
	(xrf1) =	vunique.msk.u32 $0xffff, v22  }
0x63: {  	[tilespmem:s9+$0x1820] =	vst v17  }
0x64: {  	v19 =	vand.u32 $0xFF, v23;
	[tilespmem:s11+$0x1830] =	vst v22  }
0x65: {  	v58 =	vand.u32 $0xFF, v21;
	(xrf1) =	vunique.msk.u32 $0xffff, v19;
	[tilespmem:s11+$0x1800] =	vst v19  }
0x66: {  	v17 =	vand.u32 $0xFF, v18;
	_, v18, vm8 =	vpop (xrf1);
	[tilespmem:s11+$0x1810] =	vst v58  }
0x67: {  	(xrf1) =	vunique.msk.u32 $0xffff, v58;
	[tilespmem:s9+$0x2030] =	vst v18;
	v18 =	vsel vm8, $0x1, v15;
	_ =	sdelay $0x1  }
0x68: {  	(xrf1) =	vunique.msk.u32 $0xffff, v17;
	_, v19, vm9 =	vpop (xrf1);
	[tilespmem:s9+$0x2830] =	vst v18  }
0x69: {  	v59 =	vsel vm9, $0x1, v15;
	[tilespmem:s9+$0x2000] =	vst v19  }
0x6a: {  	[tilespmem:s9+$0x2800] =	vst v59;
	_, v18, vm10 =	vpop (xrf1)  }
0x6b: {  	v60 =	vsel vm10, $0x1, v15;
	[tilespmem:s9+$0x2010] =	vst v18  }
0x6c: {  	_, v61, vm11 =	vpop (xrf1);
	[tilespmem:s9+$0x2810] =	vst v60  }
0x6d: {  	v62 =	vsel vm11, $0x1, v15;
	[tilespmem:s9+$0x2020] =	vst v61  }
0x6e: {  	[tilespmem:s9+$0x2820] =	vst v62  }
0x6f: {  	[tilespmem:s11+$0x1820] =	vst v17;
	_, v17, vm12 =	vpop (xrf1)  }
0x70: {  	[tilespmem:s11+$0x2030] =	vst v17;
	v17 =	vsel vm12, $0x1, v15;
	_ =	sdelay $0x1  }
0x71: {  	_, v18, vm13 =	vpop (xrf1);
	[tilespmem:s11+$0x2830] =	vst v17  }
0x72: {  	v19 =	vsel vm13, $0x1, v15;
	[tilespmem:s11+$0x2000] =	vst v18  }
0x73: {  	[tilespmem:s11+$0x2800] =	vst v19;
	_, v17, vm14 =	vpop (xrf1)  }
0x74: {  	v19 =	vsel vm14, $0x1, v15;
	[tilespmem:s11+$0x2010] =	vst v17  }
0x75: {  	_, v63, vm15 =	vpop (xrf1);
	[tilespmem:s11+$0x2810] =	vst v19  }
0x76: {  	v19 =	vsel vm15, $0x1, v15;
	[tilespmem:s11+$0x2020] =	vst v63  }
0x77: {  	[tilespmem:s11+$0x2820] =	vst v19  }
0x78: {  	[tilespmem:$0x3000] =	vst v15  }
0x79: {  	[tilespmem:$0x3010] =	vst v15  }
0x7a: {  	[tilespmem:$0x3020] =	vst v15  }
0x7b: {  	[tilespmem:$0x3030] =	vst v15  }
0x7c: {  	[tilespmem:$0x3040] =	vst v15  }
0x7d: {  	[tilespmem:$0x3050] =	vst v15  }
0x7e: {  	[tilespmem:$0x3060] =	vst v15  }
0x7f: {  	[tilespmem:$0x3070] =	vst v15  }
0x80: {  	[tilespmem:$0x3080] =	vst v15  }
0x81: {  	[tilespmem:$0x3090] =	vst v15  }
0x82: {  	[tilespmem:$0x30A0] =	vst v15  }
0x83: {  	[tilespmem:$0x30B0] =	vst v15  }
0x84: {  	[tilespmem:$0x30C0] =	vst v15  }
0x85: {  	[tilespmem:$0x30D0] =	vst v15  }
0x86: {  	[tilespmem:$0x30E0] =	vst v15  }
0x87: {  	s9 =	simm.s32 $0x0;
	[tilespmem:$0x30F0] =	vst v15  }
.LBB2_4:
0x88: {  	s1 =	sshra.s32 s9, $0x2  }
0x89: {  	v17 =	vld [tilespmem:s1+$0x2800];
	_ =	sdelay $0x2  }
0x8a: {  	v18 =	vld [tilespmem:s1+$0x1800];
	_ =	sdelay $0x1  }
0x8b: {  	vm0 =	vgt.s32 v17, $0x0  }
0x8c: {  	v17 =	vld [tilespmem:s1+$0x2000];
	_ =	sdelay $0x4  }
0x8d: {  	[tilespmem:v18+s30+$0x0] =	vst.idx.add.s32.msk vm0, v17  }
0x8e: {  	v17 =	vld [tilespmem:s1+$0x2810];
	_ =	sdelay $0x2  }
0x8f: {  	v18 =	vld [tilespmem:s1+$0x1810];
	_ =	sdelay $0x1  }
0x90: {  	vm13 =	vgt.s32 v17, $0x0  }
0x91: {  	v17 =	vld [tilespmem:s1+$0x2010];
	_ =	sdelay $0x4  }
0x92: {  	[tilespmem:v18+s30+$0x0] =	vst.idx.add.s32.msk vm13, v17  }
0x93: {  	v17 =	vld [tilespmem:s1+$0x2820];
	_ =	sdelay $0x2  }
0x94: {  	v18 =	vld [tilespmem:s1+$0x1820];
	_ =	sdelay $0x1  }
0x95: {  	vm14 =	vgt.s32 v17, $0x0  }
0x96: {  	v17 =	vld [tilespmem:s1+$0x2020];
	_ =	sdelay $0x4  }
0x97: {  	[tilespmem:v18+s30+$0x0] =	vst.idx.add.s32.msk vm14, v17  }
0x98: {  	v17 =	vld [tilespmem:s1+$0x2830];
	_ =	sdelay $0x2  }
0x99: {  	v18 =	vld [tilespmem:s1+$0x1830];
	_ =	sdelay $0x1  }
0x9a: {  	vm15 =	vgt.s32 v17, $0x0  }
0x9b: {  	p1 =	sne.s32 s9, $0x1F00;
	v17 =	vld [tilespmem:s1+$0x2030]  }
.Ltmp1:
0x9c: {  	_ = 	snop;
	(pc) =	sbr.rel @p1 .LBB2_4-.Ltmp1, $2  }
0x9d: {  	_ =	sdelay $0x2  }
0x9e: {  	s9 =	sadd.s32 $0x100, s9;
	[tilespmem:v18+s30+$0x0] =	vst.idx.add.s32.msk vm15, v17  }
0x9f: {  	[spmem:s17] =	stream.linear.scatter [tilespmem:s30], [sflag:$0x4], $0x100, $0x38;
	[tilespmem:$0x1C300] =	vst v63  }
0xa0: {  	_ =	swait.ge [sflag:s29], $0x100  }
0xa1: {  	[sflag:s29] =	ssyncset.done $0x0  }
0xa2: {  	[sflag:s29] =	ssyncadd.s32 $0xFFFFFF00  }
0xa3: {  	s1 =	simm.s32 $0x3200;
	[bflag:$0x0] =	sbarrier.arrive $0xFFFF  }
0xa4: {  	[tilespmem:s1], [sflag:$0x4] =	stream.linear.gather [spmem:s0], $0x1000, $0x38;
	[tilespmem:$0x1C300] =	vst v63  }
0xa5: {  	_ =	swait.ge [sflag:s29], $0x1000  }
0xa6: {  	s9 =	simm.s32 $0x0;
	[sflag:s29] =	ssyncset.done $0x0  }
0xa7: {  	s10 =	sand.u32 $0xF0, s9;
	[sflag:s29] =	ssyncadd.s32 $0xFFFFF000  }
0xa8: {  	v17 =	vld [tilespmem:s10+$0x3300]  }
0xa9: {  	v18 =	vld [tilespmem:s1+$0x0]  }
0xaa: {  	v19 =	vld [tilespmem:s10+$0x3400]  }
0xab: {  	v20 =	vld [tilespmem:s10+$0x3500]  }
0xac: {  	v21 =	vld [tilespmem:s10+$0x3600]  }
0xad: {  	v22 =	vld [tilespmem:s10+$0x3700]  }
0xae: {  	v24 =	vld [tilespmem:s10+$0x3800];
	v23 =	vadd.s32 v18, v17  }
0xaf: {  	v25 =	vld [tilespmem:s10+$0x3900];
	v23 =	vadd.s32 v19, v23  }
0xb0: {  	v26 =	vld [tilespmem:s10+$0x3A00];
	v23 =	vadd.s32 v20, v23  }
0xb1: {  	v27 =	vld [tilespmem:s10+$0x3B00];
	v23 =	vadd.s32 v21, v23  }
0xb2: {  	v28 =	vld [tilespmem:s10+$0x3C00];
	v23 =	vadd.s32 v22, v23  }
0xb3: {  	v29 =	vld [tilespmem:s10+$0x3D00];
	v18 =	vmul.u32 v0, v18;
	v23 =	vadd.s32 v24, v23  }
0xb4: {  	v30 =	vld [tilespmem:s10+$0x3E00];
	v17 =	vmul.u32 v1, v17;
	v23 =	vadd.s32 v25, v23  }
0xb5: {  	v31 =	vld [tilespmem:s10+$0x3F00];
	v19 =	vmul.u32 v2, v19;
	v18 =	vadd.s32 s9, v18;
	v23 =	vadd.s32 v26, v23  }
0xb6: {  	v59 =	vld [tilespmem:s10+$0x4000];
	v20 =	vmul.u32 v3, v20;
	v17 =	vadd.s32 v17, v18;
	v58 =	vadd.s32 v27, v23  }
0xb7: {  	v60 =	vld [tilespmem:s10+$0x4100];
	v18 =	vmul.u32 v4, v21;
	v17 =	vadd.s32 v19, v17;
	v21 =	vadd.s32 v28, v58  }
0xb8: {  	v19 =	vmul.u32 v5, v22;
	v17 =	vadd.s32 v20, v17;
	v21 =	vadd.s32 v29, v21  }
0xb9: {  	v61 =	vmul.u32 v6, v24;
	v17 =	vadd.s32 v18, v17;
	v21 =	vadd.s32 v30, v21  }
0xba: {  	v18 =	vmul.u32 v7, v25;
	v17 =	vadd.s32 v19, v17;
	v21 =	vadd.s32 v31, v21  }
0xbb: {  	v19 =	vmul.u32 v8, v26;
	v17 =	vadd.s32 v61, v17;
	v21 =	vadd.s32 v59, v21  }
0xbc: {  	v62 =	vmul.u32 v9, v27;
	v17 =	vadd.s32 v18, v17;
	v21 =	vadd.s32 v60, v21  }
0xbd: {  	v18 =	vmul.u32 v10, v28;
	v17 =	vadd.s32 v19, v17;
	(xrf0) =	vadd.scan.msk.s32 $0xffff, v21  }
0xbe: {  	v17 =	vadd.s32 v62, v17  }
0xbf: {  	v19 =	vmul.u32 v11, v29;
	v17 =	vadd.s32 v18, v17;
	v18 =	vmul.u32 v13, v31  }
0xc0: {  	v63 =	vmul.u32 v12, v30  }
0xc1: {  	v17 =	vadd.s32 v19, v17  }
0xc2: {  	v19 =	vmul.u32 v14, v59;
	v17 =	vadd.s32 v63, v17  }
0xc3: {  	v17 =	vadd.s32 v18, v17;
	v18, _, _ =	vpop (xrf0)  }
0xc4: {  	v17 =	vadd.s32 v19, v17;
	(v2sf) =	vpush v18, $0xF  }
0xc5: {  	v17 =	vsub.s32 v17, v21  }
0xc6: {  	s14 =	simm.s32 $0x10;
	s10 =	simm.s32 $0x3100;
	v17 =	vadd.s32 v18, v17  }
0xc7: {  	s14 =	sand.u32 $0xF0, s14;
	[tilespmem:s10+$0x0] =	vst v17  }
0xc8: {  	s13 =	simm.s32 $0x20;
	s12 =	simm.s32 $0x3210;
	s11 =	simm.s32 $0x0;
	v17 =	vld [tilespmem:s14+$0x3300]  }
.LBB2_6:
0xc9: {  	p1 =	sne.s32 s13, $0xF0;
	v18 =	vld [tilespmem:s12+$0x0]  }
0xca: {  	v19 =	vld [tilespmem:s14+$0x3400]  }
0xcb: {  	v20 =	vld [tilespmem:s14+$0x3500]  }
0xcc: {  	v21 =	vld [tilespmem:s14+$0x3600]  }
0xcd: {  	v22 =	vmul.u32 v1, v17;
	v23 =	vld [tilespmem:s14+$0x3700]  }
0xce: {  	v24 =	vmul.u32 v0, v18;
	v17 =	vadd.s32 v18, v17;
	v18 =	vld [tilespmem:s14+$0x3800]  }
0xcf: {  	v17 =	vadd.s32 v19, v17;
	v19 =	vmul.u32 v2, v19;
	v25 =	vld [tilespmem:s14+$0x3900]  }
0xd0: {  	v17 =	vadd.s32 v20, v17;
	v20 =	vmul.u32 v3, v20;
	v26 =	vld [tilespmem:s14+$0x3A00]  }
0xd1: {  	v17 =	vadd.s32 v21, v17;
	v21 =	vmul.u32 v4, v21;
	v27 =	vld [tilespmem:s14+$0x3B00]  }
0xd2: {  	v17 =	vadd.s32 v23, v17;
	v23 =	vmul.u32 v5, v23;
	v28 =	vld [tilespmem:s14+$0x3C00]  }
0xd3: {  	v17 =	vadd.s32 v18, v17;
	v18 =	vmul.u32 v6, v18;
	v29 =	vld [tilespmem:s14+$0x3D00];
	s1 =	spop (v2sf)  }
0xd4: {  	v17 =	vadd.s32 v25, v17;
	v25 =	vmul.u32 v7, v25;
	v30 =	vld [tilespmem:s14+$0x3E00];
	s11 =	sadd.s32 s11, s1  }
0xd5: {  	v17 =	vadd.s32 v26, v17;
	v26 =	vmul.u32 v8, v26;
	v31 =	vld [tilespmem:s14+$0x3F00];
	v24 =	vadd.s32 s11, v24  }
0xd6: {  	v17 =	vadd.s32 v27, v17;
	v27 =	vmul.u32 v9, v27;
	v32 =	vld [tilespmem:s14+$0x4000];
	v22 =	vadd.s32 v22, v24  }
0xd7: {  	v17 =	vadd.s32 v28, v17;
	v24 =	vmul.u32 v10, v28;
	v28 =	vld [tilespmem:s14+$0x4100];
	v19 =	vadd.s32 v19, v22  }
0xd8: {  	v17 =	vadd.s32 v29, v17;
	v22 =	vmul.u32 v11, v29;
	v19 =	vadd.s32 v20, v19  }
0xd9: {  	v17 =	vadd.s32 v30, v17;
	v20 =	vmul.u32 v12, v30;
	v19 =	vadd.s32 v21, v19  }
0xda: {  	v17 =	vadd.s32 v31, v17;
	v21 =	vmul.u32 v13, v31;
	v19 =	vadd.s32 v23, v19  }
0xdb: {  	v17 =	vadd.s32 v32, v17;
	v23 =	vmul.u32 v14, v32;
	v18 =	vadd.s32 v18, v19  }
0xdc: {  	v17 =	vadd.s32 v28, v17;
	v18 =	vadd.s32 v25, v18  }
0xdd: {  	v18 =	vadd.s32 v26, v18;
	(xrf0) =	vadd.scan.msk.s32 $0xffff, v17  }
0xde: {  	v18 =	vadd.s32 v27, v18  }
0xdf: {  	v18 =	vadd.s32 v24, v18  }
0xe0: {  	v18 =	vadd.s32 v22, v18  }
0xe1: {  	v18 =	vadd.s32 v20, v18  }
0xe2: {  	v18 =	vadd.s32 v21, v18  }
0xe3: {  	v18 =	vadd.s32 v23, v18;
	v19, _, _ =	vpop (xrf0)  }
.Ltmp2:
0xe4: {  	v17 =	vsub.s32 v18, v17;
	(v2sf) =	vpush v19, $0xF;
	(pc) =	sbr.rel @p1 .LBB2_6-.Ltmp2, $4  }
0xe5: {  	s10 =	sadd.s32 $0x10, s10;
	v17 =	vadd.s32 v19, v17  }
0xe6: {  	[tilespmem:s10+$0x0] =	vst v17  }
0xe7: {  	s14 =	sand.u32 $0xF0, s13  }
0xe8: {  	s12 =	sadd.s32 $0x10, s12;
	s13 =	sadd.s32 $0x10, s13;
	v17 =	vld [tilespmem:s14+$0x3300]  }
0xe9: {  	v18 =	vld [tilespmem:s12+$0x0]  }
0xea: {  	v19 =	vld [tilespmem:s14+$0x3400]  }
0xeb: {  	v20 =	vld [tilespmem:s14+$0x3500]  }
0xec: {  	v21 =	vld [tilespmem:s14+$0x3600]  }
0xed: {  	v22 =	vld [tilespmem:s14+$0x3700]  }
0xee: {  	v24 =	vld [tilespmem:s14+$0x3800];
	v23 =	vadd.s32 v18, v17  }
0xef: {  	v25 =	vld [tilespmem:s14+$0x3900];
	v23 =	vadd.s32 v19, v23  }
0xf0: {  	v26 =	vld [tilespmem:s14+$0x3A00];
	v23 =	vadd.s32 v20, v23  }
0xf1: {  	v27 =	vld [tilespmem:s14+$0x3B00];
	v23 =	vadd.s32 v21, v23  }
0xf2: {  	v28 =	vld [tilespmem:s14+$0x3C00];
	v23 =	vadd.s32 v22, v23  }
0xf3: {  	v29 =	vld [tilespmem:s14+$0x3D00];
	v23 =	vadd.s32 v24, v23  }
0xf4: {  	v30 =	vld [tilespmem:s14+$0x3E00];
	v23 =	vadd.s32 v25, v23  }
0xf5: {  	v31 =	vld [tilespmem:s14+$0x3F00];
	v23 =	vadd.s32 v26, v23  }
0xf6: {  	v32 =	vld [tilespmem:s14+$0x4000];
	v23 =	vadd.s32 v27, v23  }
0xf7: {  	v33 =	vld [tilespmem:s14+$0x4100];
	v23 =	vadd.s32 v28, v23  }
0xf8: {  	v23 =	vadd.s32 v29, v23  }
0xf9: {  	v23 =	vadd.s32 v30, v23  }
0xfa: {  	v23 =	vadd.s32 v31, v23  }
0xfb: {  	v23 =	vadd.s32 v32, v23  }
0xfc: {  	v23 =	vadd.s32 v33, v23  }
0xfd: {  	(xrf0) =	vadd.scan.msk.s32 $0xffff, v23  }
0xfe: {  	v18 =	vmul.u32 v0, v18;
	s1 =	spop (v2sf)  }
0xff: {  	s1 =	sadd.s32 s11, s1  }
0x100: {  	v18 =	vadd.s32 s1, v18  }
0x101: {  	v17 =	vmul.u32 v1, v17  }
0x102: {  	v19 =	vmul.u32 v2, v19  }
0x103: {  	v20 =	vmul.u32 v3, v20;
	v17 =	vadd.s32 v17, v18;
	v18, _, _ =	vpop (xrf0)  }
0x104: {  	v21 =	vmul.u32 v4, v21;
	v17 =	vadd.s32 v19, v17;
	(v2sf) =	vpush v18, $0xF  }
0x105: {  	v19 =	vmul.u32 v5, v22;
	v17 =	vadd.s32 v20, v17  }
0x106: {  	v58 =	vmul.u32 v6, v24;
	v17 =	vadd.s32 v21, v17  }
0x107: {  	v59 =	vmul.u32 v7, v25;
	v17 =	vadd.s32 v19, v17  }
0x108: {  	v19 =	vmul.u32 v8, v26;
	v17 =	vadd.s32 v58, v17  }
0x109: {  	v60 =	vmul.u32 v9, v27;
	v17 =	vadd.s32 v59, v17  }
0x10a: {  	v61 =	vmul.u32 v10, v28;
	v17 =	vadd.s32 v19, v17  }
0x10b: {  	v19 =	vmul.u32 v11, v29;
	v17 =	vadd.s32 v60, v17  }
0x10c: {  	v62 =	vmul.u32 v12, v30;
	v17 =	vadd.s32 v61, v17  }
0x10d: {  	v63 =	vmul.u32 v13, v31;
	v17 =	vadd.s32 v19, v17  }
0x10e: {  	v19 =	vmul.u32 v14, v32;
	v17 =	vadd.s32 v62, v17  }
0x10f: {  	v17 =	vadd.s32 v63, v17  }
0x110: {  	v17 =	vadd.s32 v19, v17  }
0x111: {  	v17 =	vsub.s32 v17, v23  }
0x112: {  	s13 =	sadd.s32 $0x10, s10;
	v17 =	vadd.s32 v18, v17  }
0x113: {  	s10 =	smov.u32 s15;
	[tilespmem:s13+$0x0] =	vst v17;
	s14 =	spop (v2sf)  }
.LBB2_8:
0x114: {  	s1 =	sshra.s32 s9, $0x2  }
0x115: {  	v17 =	vld [tilespmem:s1+$0x1800];
	_ =	sdelay $0x4  }
0x116: {  	v18 =	vld [tilespmem:s1+$0x2800];
	_ =	sdelay $0x1  }
0x117: {  	v19 =	vld [tilespmem:s1+$0x2000]  }
0x118: {  	v20 =	vld.idx.msk [tilespmem:v17+s31+$0x0], $0xffff;
	_ =	sdelay $0x1  }
0x119: {  	vm0 =	vgt.s32 v18, $0x0;
	_ =	sdelay $0x2  }
0x11a: {  	v18 =	vadd.s32 v19, v20  }
0x11b: {  	v19 =	vadd.s32 $0xFFFFFFFF, v18  }
0x11c: {  	[tilespmem:s1+$0x1000] =	vst v19  }
0x11d: {  	[tilespmem:v17+s31+$0x0] =	vst.idx.msk vm0, v18  }
0x11e: {  	v17 =	vld [tilespmem:s1+$0x1810];
	_ =	sdelay $0x4  }
0x11f: {  	v18 =	vld [tilespmem:s1+$0x2810]  }
0x120: {  	v19 =	vor.u32 s10, v16  }
0x121: {  	[tilespmem:s1+$0x800] =	vst v19;
	v19 =	vld [tilespmem:s1+$0x2010]  }
0x122: {  	v61 =	vld.idx.msk [tilespmem:v17+s31+$0x0], $0xffff;
	_ =	sdelay $0x1  }
0x123: {  	vm13 =	vgt.s32 v18, $0x0;
	_ =	sdelay $0x2  }
0x124: {  	v18 =	vadd.s32 v19, v61  }
0x125: {  	v19 =	vadd.s32 $0xFFFFFFFF, v18  }
0x126: {  	[tilespmem:s1+$0x1010] =	vst v19  }
0x127: {  	[tilespmem:v17+s31+$0x0] =	vst.idx.msk vm13, v18  }
0x128: {  	v17 =	vld [tilespmem:s1+$0x1820];
	_ =	sdelay $0x4  }
0x129: {  	s11 =	sadd.s32 $0x10, s10;
	v18 =	vld [tilespmem:s1+$0x2820]  }
0x12a: {  	v19 =	vor.u32 s11, v16  }
0x12b: {  	[tilespmem:s1+$0x810] =	vst v19;
	v19 =	vld [tilespmem:s1+$0x2020]  }
0x12c: {  	v62 =	vld.idx.msk [tilespmem:v17+s31+$0x0], $0xffff;
	_ =	sdelay $0x1  }
0x12d: {  	vm14 =	vgt.s32 v18, $0x0;
	_ =	sdelay $0x2  }
0x12e: {  	v18 =	vadd.s32 v19, v62  }
0x12f: {  	v19 =	vadd.s32 $0xFFFFFFFF, v18  }
0x130: {  	[tilespmem:s1+$0x1020] =	vst v19  }
0x131: {  	[tilespmem:v17+s31+$0x0] =	vst.idx.msk vm14, v18  }
0x132: {  	v17 =	vld [tilespmem:s1+$0x1830];
	_ =	sdelay $0x4  }
0x133: {  	s13 =	sadd.s32 $0x20, s10;
	v18 =	vld [tilespmem:s1+$0x2830]  }
0x134: {  	v19 =	vor.u32 s13, v16  }
0x135: {  	[tilespmem:s1+$0x820] =	vst v19;
	v19 =	vld [tilespmem:s1+$0x2030]  }
0x136: {  	v63 =	vld.idx.msk [tilespmem:v17+s31+$0x0], $0xffff;
	_ =	sdelay $0x1  }
0x137: {  	vm15 =	vgt.s32 v18, $0x0;
	_ =	sdelay $0x1  }
0x138: {  	p1 =	sne.s32 s9, $0x1F00  }
.Ltmp3:
0x139: {  	v18 =	vadd.s32 v19, v63;
	(pc) =	sbr.rel @p1 .LBB2_8-.Ltmp3, $4  }
0x13a: {  	v19 =	vadd.s32 $0xFFFFFFFF, v18  }
0x13b: {  	s14 =	sadd.s32 $0x30, s10;
	[tilespmem:s1+$0x1030] =	vst v19  }
0x13c: {  	[tilespmem:v17+s31+$0x0] =	vst.idx.msk vm15, v18;
	v17 =	vor.u32 s14, v16  }
0x13d: {  	s9 =	sadd.s32 $0x100, s9;
	s10 =	sadd.s32 $0x40, s10;
	[tilespmem:s1+$0x830] =	vst v17  }
0x13e: {  	[spmem:s22] =	stream.indirect.scatter [tilespmem:s5], [sflag:$0x1], $0x1, s4, s5, $0xb8;
	[tilespmem:$0x1C300] =	vst v63  }
0x13f: {  	s1 =	simm.s32 $0x0;
	s9 =	rddreg [dreg:$0x5]  }
0x140: {  	[spmem:s9] =	stream.indirect.scatter [tilespmem:s1], [sflag:$0x1], $0x1, s4, s5, $0xb8;
	[tilespmem:$0x1C300] =	vst v63  }
0x141: {  	_ =	swait.ge [sflag:s19], $0x800  }
0x142: {  	[sflag:s19] =	ssyncset.done $0x0  }
0x143: {  	[sflag:s19] =	ssyncadd.s32 $0xFFFFF800  }
0x144: {  	_ =	swait.ge [sflag:s19], $0x800  }
0x145: {  	[sflag:s19] =	ssyncset.done $0x0  }
0x146: {  	[sflag:s19] =	ssyncadd.s32 $0xFFFFF800  }
0x147: {  	[bflag:$0x0] =	sbarrier.arrive $0xFFFF  }
0x148: {  	[tilespmem:s1], [sflag:$0x4] =	stream.linear.gather [spmem:s20], $0x800, $0x38;
	[tilespmem:$0x1C300] =	vst v63  }
0x149: {  	_ =	swait.ge [sflag:s29], $0x800  }
0x14a: {  	[sflag:s29] =	ssyncset.done $0x0  }
0x14b: {  	[sflag:s29] =	ssyncadd.s32 $0xFFFFF800  }
0x14c: {  	[tilespmem:s5], [sflag:$0x4] =	stream.linear.gather [spmem:s21], $0x800, $0x38;
	[tilespmem:$0x1C300] =	vst v63  }
0x14d: {  	_ =	swait.ge [sflag:s29], $0x800  }
0x14e: {  	[sflag:s29] =	ssyncset.done $0x0  }
0x14f: {  	s10 =	simm.s32 $0x0;
	[sflag:s29] =	ssyncadd.s32 $0xFFFFF800  }
0x150: {  	v17 =	vld [tilespmem:s10+$0x30];
	_ =	sdelay $0x1  }
0x151: {  	v18 =	vld [tilespmem:s10+$0x0]  }
0x152: {  	v19 =	vld [tilespmem:s10+$0x10];
	_ =	sdelay $0x1  }
0x153: {  	v17 =	vshrl.u32 v17, $0x8  }
0x154: {  	v20 =	vld [tilespmem:s10+$0x20];
	v17 =	vand.u32 $0xFF, v17  }
0x155: {  	v18 =	vshrl.u32 v18, $0x8;
	(xrf1) =	vunique.msk.u32 $0xffff, v17  }
0x156: {  	v19 =	vshrl.u32 v19, $0x8;
	v18 =	vand.u32 $0xFF, v18;
	[tilespmem:s10+$0x1830] =	vst v17  }
0x157: {  	v19 =	vand.u32 $0xFF, v19;
	[tilespmem:s10+$0x1800] =	vst v18  }
0x158: {  	s9 =	simm.s32 $0x40;
	[tilespmem:s10+$0x1810] =	vst v19  }
0x159: {  	v20 =	vshrl.u32 v20, $0x8;
	(xrf1) =	vunique.msk.u32 $0xffff, v18;
	v18 =	vld [tilespmem:s9+$0x0]  }
0x15a: {  	v20 =	vand.u32 $0xFF, v20;
	(xrf1) =	vunique.msk.u32 $0xffff, v19  }
0x15b: {  	v17 =	vld [tilespmem:s9+$0x30];
	(xrf1) =	vunique.msk.u32 $0xffff, v20;
	_ =	sdelay $0x1  }
0x15c: {  	v19 =	vld [tilespmem:s9+$0x10]  }
0x15d: {  	v18 =	vshrl.u32 v18, $0x8  }
0x15e: {  	v21 =	vld [tilespmem:s9+$0x20];
	v18 =	vand.u32 $0xFF, v18  }
0x15f: {  	v17 =	vshrl.u32 v17, $0x8  }
0x160: {  	[tilespmem:s10+$0x1820] =	vst v20;
	v17 =	vand.u32 $0xFF, v17  }
0x161: {  	v19 =	vshrl.u32 v19, $0x8;
	[tilespmem:s9+$0x1830] =	vst v17;
	(xrf1) =	vunique.msk.u32 $0xffff, v17  }
0x162: {  	[tilespmem:s9+$0x1800] =	vst v18;
	v19 =	vand.u32 $0xFF, v19;
	(xrf1) =	vunique.msk.u32 $0xffff, v18;
	_, v18, vm0 =	vpop (xrf1)  }
0x163: {  	v17 =	vshrl.u32 v21, $0x8;
	[tilespmem:s9+$0x1810] =	vst v19;
	(xrf1) =	vunique.msk.u32 $0xffff, v19;
	v19 =	vsel vm0, $0x1, v15  }
0x164: {  	v17 =	vand.u32 $0xFF, v17  }
0x165: {  	(xrf1) =	vunique.msk.u32 $0xffff, v17  }
0x166: {  	[tilespmem:s10+$0x2030] =	vst v18;
	_, v18, vm0 =	vpop (xrf1)  }
0x167: {  	s11 =	simm.s32 $0x80;
	s12 =	simm.s32 $0x300;
	v20 =	vsel vm0, $0x1, v15;
	[tilespmem:s10+$0x2830] =	vst v19;
	_, v19, vm0 =	vpop (xrf1)  }
.LBB2_10:
0x168: {  	p1 =	sne.s32 s12, $0x1F00;
	v21 =	vld [tilespmem:s11+$0x30];
	[tilespmem:s10+$0x2800] =	vst v20;
	v20 =	vsel vm0, $0x1, v15;
	_, v22, vm0 =	vpop (xrf1)  }
0x169: {  	v23 =	vld [tilespmem:s11+$0x0];
	[tilespmem:s10+$0x2810] =	vst v20;
	v20 =	vsel vm0, $0x1, v15  }
0x16a: {  	v24 =	vld [tilespmem:s11+$0x10];
	[tilespmem:s10+$0x2820] =	vst v20  }
0x16b: {  	v20 =	vld [tilespmem:s11+$0x20];
	[tilespmem:s10+$0x2000] =	vst v18  }
0x16c: {  	[tilespmem:s10+$0x2010] =	vst v19  }
0x16d: {  	v18 =	vshrl.u32 v21, $0x8;
	[tilespmem:s10+$0x2020] =	vst v22;
	s10 =	smov.u32 s9;
	s9 =	smov.u32 s11  }
0x16e: {  	v19 =	vshrl.u32 v23, $0x8;
	v22 =	vand.u32 $0xFF, v18;
	[tilespmem:s10+$0x1820] =	vst v17  }
.Ltmp4:
0x16f: {  	v17 =	vand.u32 $0xFF, v19;
	v19 =	vshrl.u32 v24, $0x8;
	[tilespmem:s9+$0x1830] =	vst v22;
	(xrf1) =	vunique.msk.u32 $0xffff, v22;
	(pc) =	sbr.rel @p1 .LBB2_10-.Ltmp4, $4  }
0x170: {  	[tilespmem:s9+$0x1800] =	vst v17;
	v21 =	vand.u32 $0xFF, v19;
	v22 =	vshrl.u32 v20, $0x8;
	(xrf1) =	vunique.msk.u32 $0xffff, v17  }
0x171: {  	[tilespmem:s9+$0x1810] =	vst v21;
	v17 =	vand.u32 $0xFF, v22;
	(xrf1) =	vunique.msk.u32 $0xffff, v21;
	_, v18, vm0 =	vpop (xrf1)  }
0x172: {  	(xrf1) =	vunique.msk.u32 $0xffff, v17;
	[tilespmem:s10+$0x2030] =	vst v18;
	v21 =	vsel vm0, $0x1, v15;
	_, v18, vm0 =	vpop (xrf1)  }
0x173: {  	s11 =	sshra.s32 s12, $0x2;
	s12 =	sadd.s32 $0x100, s12;
	v20 =	vsel vm0, $0x1, v15;
	[tilespmem:s10+$0x2830] =	vst v21;
	_, v19, vm0 =	vpop (xrf1)  }
0x174: {  	v21 =	vld [tilespmem:s11+$0x30];
	[tilespmem:s10+$0x2800] =	vst v20  }
0x175: {  	v22 =	vld [tilespmem:s11+$0x0]  }
0x176: {  	v57 =	vsel vm0, $0x1, v15;
	_, v23, vm7 =	vpop (xrf1)  }
0x177: {  	[tilespmem:s10+$0x2810] =	vst v57;
	v58 =	vsel vm7, $0x1, v15  }
0x178: {  	v24 =	vld [tilespmem:s11+$0x10];
	[tilespmem:s10+$0x2820] =	vst v58  }
0x179: {  	v20 =	vld [tilespmem:s11+$0x20];
	[tilespmem:s10+$0x2000] =	vst v18;
	v21 =	vshrl.u32 v21, $0x8  }
0x17a: {  	[tilespmem:s10+$0x2010] =	vst v19;
	v18 =	vshrl.u32 v22, $0x8;
	v21 =	vand.u32 $0xFF, v21  }
0x17b: {  	[tilespmem:s10+$0x2020] =	vst v23;
	v18 =	vand.u32 $0xFF, v18;
	(xrf1) =	vunique.msk.u32 $0xffff, v21  }
0x17c: {  	[tilespmem:s9+$0x1820] =	vst v17  }
0x17d: {  	v19 =	vshrl.u32 v24, $0x8;
	[tilespmem:s11+$0x1830] =	vst v21  }
0x17e: {  	v19 =	vand.u32 $0xFF, v19;
	(xrf1) =	vunique.msk.u32 $0xffff, v18;
	[tilespmem:s11+$0x1800] =	vst v18  }
0x17f: {  	[tilespmem:s11+$0x1810] =	vst v19;
	_, v18, vm8 =	vpop (xrf1)  }
0x180: {  	v20 =	vshrl.u32 v20, $0x8;
	(xrf1) =	vunique.msk.u32 $0xffff, v19;
	[tilespmem:s9+$0x2030] =	vst v18;
	v18 =	vsel vm8, $0x1, v15  }
0x181: {  	v17 =	vand.u32 $0xFF, v20  }
0x182: {  	(xrf1) =	vunique.msk.u32 $0xffff, v17;
	_, v19, vm9 =	vpop (xrf1);
	[tilespmem:s9+$0x2830] =	vst v18  }
0x183: {  	v59 =	vsel vm9, $0x1, v15;
	[tilespmem:s9+$0x2000] =	vst v19  }
0x184: {  	[tilespmem:s9+$0x2800] =	vst v59;
	_, v18, vm10 =	vpop (xrf1)  }
0x185: {  	v60 =	vsel vm10, $0x1, v15;
	[tilespmem:s9+$0x2010] =	vst v18  }
0x186: {  	_, v61, vm11 =	vpop (xrf1);
	[tilespmem:s9+$0x2810] =	vst v60  }
0x187: {  	v62 =	vsel vm11, $0x1, v15;
	[tilespmem:s9+$0x2020] =	vst v61  }
0x188: {  	[tilespmem:s9+$0x2820] =	vst v62  }
0x189: {  	[tilespmem:s11+$0x1820] =	vst v17;
	_, v17, vm12 =	vpop (xrf1)  }
0x18a: {  	[tilespmem:s11+$0x2030] =	vst v17;
	v17 =	vsel vm12, $0x1, v15;
	_ =	sdelay $0x1  }
0x18b: {  	_, v18, vm13 =	vpop (xrf1);
	[tilespmem:s11+$0x2830] =	vst v17  }
0x18c: {  	v19 =	vsel vm13, $0x1, v15;
	[tilespmem:s11+$0x2000] =	vst v18  }
0x18d: {  	[tilespmem:s11+$0x2800] =	vst v19;
	_, v17, vm14 =	vpop (xrf1)  }
0x18e: {  	v19 =	vsel vm14, $0x1, v15;
	[tilespmem:s11+$0x2010] =	vst v17  }
0x18f: {  	_, v63, vm15 =	vpop (xrf1);
	[tilespmem:s11+$0x2810] =	vst v19  }
0x190: {  	v19 =	vsel vm15, $0x1, v15;
	[tilespmem:s11+$0x2020] =	vst v63  }
0x191: {  	[tilespmem:s11+$0x2820] =	vst v19  }
0x192: {  	[tilespmem:$0x3000] =	vst v15  }
0x193: {  	[tilespmem:$0x3010] =	vst v15  }
0x194: {  	[tilespmem:$0x3020] =	vst v15  }
0x195: {  	[tilespmem:$0x3030] =	vst v15  }
0x196: {  	[tilespmem:$0x3040] =	vst v15  }
0x197: {  	[tilespmem:$0x3050] =	vst v15  }
0x198: {  	[tilespmem:$0x3060] =	vst v15  }
0x199: {  	[tilespmem:$0x3070] =	vst v15  }
0x19a: {  	[tilespmem:$0x3080] =	vst v15  }
0x19b: {  	[tilespmem:$0x3090] =	vst v15  }
0x19c: {  	[tilespmem:$0x30A0] =	vst v15  }
0x19d: {  	[tilespmem:$0x30B0] =	vst v15  }
0x19e: {  	[tilespmem:$0x30C0] =	vst v15  }
0x19f: {  	[tilespmem:$0x30D0] =	vst v15  }
0x1a0: {  	[tilespmem:$0x30E0] =	vst v15  }
0x1a1: {  	s9 =	simm.s32 $0x0;
	[tilespmem:$0x30F0] =	vst v15  }
.LBB2_12:
0x1a2: {  	s1 =	sshra.s32 s9, $0x2  }
0x1a3: {  	v17 =	vld [tilespmem:s1+$0x2800];
	_ =	sdelay $0x2  }
0x1a4: {  	v18 =	vld [tilespmem:s1+$0x1800];
	_ =	sdelay $0x1  }
0x1a5: {  	vm0 =	vgt.s32 v17, $0x0  }
0x1a6: {  	v17 =	vld [tilespmem:s1+$0x2000];
	_ =	sdelay $0x4  }
0x1a7: {  	[tilespmem:v18+s30+$0x0] =	vst.idx.add.s32.msk vm0, v17  }
0x1a8: {  	v17 =	vld [tilespmem:s1+$0x2810];
	_ =	sdelay $0x2  }
0x1a9: {  	v18 =	vld [tilespmem:s1+$0x1810];
	_ =	sdelay $0x1  }
0x1aa: {  	vm13 =	vgt.s32 v17, $0x0  }
0x1ab: {  	v17 =	vld [tilespmem:s1+$0x2010];
	_ =	sdelay $0x4  }
0x1ac: {  	[tilespmem:v18+s30+$0x0] =	vst.idx.add.s32.msk vm13, v17  }
0x1ad: {  	v17 =	vld [tilespmem:s1+$0x2820];
	_ =	sdelay $0x2  }
0x1ae: {  	v18 =	vld [tilespmem:s1+$0x1820];
	_ =	sdelay $0x1  }
0x1af: {  	vm14 =	vgt.s32 v17, $0x0  }
0x1b0: {  	v17 =	vld [tilespmem:s1+$0x2020];
	_ =	sdelay $0x4  }
0x1b1: {  	[tilespmem:v18+s30+$0x0] =	vst.idx.add.s32.msk vm14, v17  }
0x1b2: {  	v17 =	vld [tilespmem:s1+$0x2830];
	_ =	sdelay $0x2  }
0x1b3: {  	v18 =	vld [tilespmem:s1+$0x1830];
	_ =	sdelay $0x1  }
0x1b4: {  	vm15 =	vgt.s32 v17, $0x0  }
0x1b5: {  	p1 =	sne.s32 s9, $0x1F00;
	v17 =	vld [tilespmem:s1+$0x2030]  }
.Ltmp5:
0x1b6: {  	_ = 	snop;
	(pc) =	sbr.rel @p1 .LBB2_12-.Ltmp5, $2  }
0x1b7: {  	_ =	sdelay $0x2  }
0x1b8: {  	s9 =	sadd.s32 $0x100, s9;
	[tilespmem:v18+s30+$0x0] =	vst.idx.add.s32.msk vm15, v17  }
0x1b9: {  	[spmem:s17] =	stream.linear.scatter [tilespmem:s30], [sflag:$0x4], $0x100, $0x38;
	[tilespmem:$0x1C300] =	vst v63  }
0x1ba: {  	_ =	swait.ge [sflag:s29], $0x100  }
0x1bb: {  	[sflag:s29] =	ssyncset.done $0x0  }
0x1bc: {  	[sflag:s29] =	ssyncadd.s32 $0xFFFFFF00  }
0x1bd: {  	s1 =	simm.s32 $0x3200;
	[bflag:$0x0] =	sbarrier.arrive $0xFFFF  }
0x1be: {  	[tilespmem:s1], [sflag:$0x4] =	stream.linear.gather [spmem:s0], $0x1000, $0x38;
	[tilespmem:$0x1C300] =	vst v63  }
0x1bf: {  	_ =	swait.ge [sflag:s29], $0x1000  }
0x1c0: {  	s9 =	simm.s32 $0x0;
	[sflag:s29] =	ssyncset.done $0x0  }
0x1c1: {  	s10 =	sand.u32 $0xF0, s9;
	[sflag:s29] =	ssyncadd.s32 $0xFFFFF000  }
0x1c2: {  	v17 =	vld [tilespmem:s10+$0x3300]  }
0x1c3: {  	v18 =	vld [tilespmem:s1+$0x0]  }
0x1c4: {  	v19 =	vld [tilespmem:s10+$0x3400]  }
0x1c5: {  	v20 =	vld [tilespmem:s10+$0x3500]  }
0x1c6: {  	v21 =	vld [tilespmem:s10+$0x3600]  }
0x1c7: {  	v22 =	vld [tilespmem:s10+$0x3700]  }
0x1c8: {  	v24 =	vld [tilespmem:s10+$0x3800];
	v23 =	vadd.s32 v18, v17  }
0x1c9: {  	v25 =	vld [tilespmem:s10+$0x3900];
	v23 =	vadd.s32 v19, v23  }
0x1ca: {  	v26 =	vld [tilespmem:s10+$0x3A00];
	v23 =	vadd.s32 v20, v23  }
0x1cb: {  	v27 =	vld [tilespmem:s10+$0x3B00];
	v23 =	vadd.s32 v21, v23  }
0x1cc: {  	v28 =	vld [tilespmem:s10+$0x3C00];
	v23 =	vadd.s32 v22, v23  }
0x1cd: {  	v29 =	vld [tilespmem:s10+$0x3D00];
	v18 =	vmul.u32 v0, v18;
	v23 =	vadd.s32 v24, v23  }
0x1ce: {  	v30 =	vld [tilespmem:s10+$0x3E00];
	v17 =	vmul.u32 v1, v17;
	v23 =	vadd.s32 v25, v23  }
0x1cf: {  	v31 =	vld [tilespmem:s10+$0x3F00];
	v19 =	vmul.u32 v2, v19;
	v18 =	vadd.s32 s9, v18;
	v23 =	vadd.s32 v26, v23  }
0x1d0: {  	v59 =	vld [tilespmem:s10+$0x4000];
	v20 =	vmul.u32 v3, v20;
	v17 =	vadd.s32 v17, v18;
	v58 =	vadd.s32 v27, v23  }
0x1d1: {  	v60 =	vld [tilespmem:s10+$0x4100];
	v18 =	vmul.u32 v4, v21;
	v17 =	vadd.s32 v19, v17;
	v21 =	vadd.s32 v28, v58  }
0x1d2: {  	v19 =	vmul.u32 v5, v22;
	v17 =	vadd.s32 v20, v17;
	v21 =	vadd.s32 v29, v21  }
0x1d3: {  	v61 =	vmul.u32 v6, v24;
	v17 =	vadd.s32 v18, v17;
	v21 =	vadd.s32 v30, v21  }
0x1d4: {  	v18 =	vmul.u32 v7, v25;
	v17 =	vadd.s32 v19, v17;
	v21 =	vadd.s32 v31, v21  }
0x1d5: {  	v19 =	vmul.u32 v8, v26;
	v17 =	vadd.s32 v61, v17;
	v21 =	vadd.s32 v59, v21  }
0x1d6: {  	v62 =	vmul.u32 v9, v27;
	v17 =	vadd.s32 v18, v17;
	v21 =	vadd.s32 v60, v21  }
0x1d7: {  	v18 =	vmul.u32 v10, v28;
	v17 =	vadd.s32 v19, v17;
	(xrf0) =	vadd.scan.msk.s32 $0xffff, v21  }
0x1d8: {  	v17 =	vadd.s32 v62, v17  }
0x1d9: {  	v19 =	vmul.u32 v11, v29;
	v17 =	vadd.s32 v18, v17;
	v18 =	vmul.u32 v13, v31  }
0x1da: {  	v63 =	vmul.u32 v12, v30  }
0x1db: {  	v17 =	vadd.s32 v19, v17  }
0x1dc: {  	v19 =	vmul.u32 v14, v59;
	v17 =	vadd.s32 v63, v17  }
0x1dd: {  	v17 =	vadd.s32 v18, v17;
	v18, _, _ =	vpop (xrf0)  }
0x1de: {  	v17 =	vadd.s32 v19, v17;
	(v2sf) =	vpush v18, $0xF  }
0x1df: {  	v17 =	vsub.s32 v17, v21  }
0x1e0: {  	s14 =	simm.s32 $0x10;
	s10 =	simm.s32 $0x3100;
	v17 =	vadd.s32 v18, v17  }
0x1e1: {  	s14 =	sand.u32 $0xF0, s14;
	[tilespmem:s10+$0x0] =	vst v17  }
0x1e2: {  	s13 =	simm.s32 $0x20;
	s12 =	simm.s32 $0x3210;
	s11 =	simm.s32 $0x0;
	v17 =	vld [tilespmem:s14+$0x3300]  }
.LBB2_14:
0x1e3: {  	p1 =	sne.s32 s13, $0xF0;
	v18 =	vld [tilespmem:s12+$0x0]  }
0x1e4: {  	v19 =	vld [tilespmem:s14+$0x3400]  }
0x1e5: {  	v20 =	vld [tilespmem:s14+$0x3500]  }
0x1e6: {  	v21 =	vld [tilespmem:s14+$0x3600]  }
0x1e7: {  	v22 =	vmul.u32 v1, v17;
	v23 =	vld [tilespmem:s14+$0x3700]  }
0x1e8: {  	v24 =	vmul.u32 v0, v18;
	v17 =	vadd.s32 v18, v17;
	v18 =	vld [tilespmem:s14+$0x3800]  }
0x1e9: {  	v17 =	vadd.s32 v19, v17;
	v19 =	vmul.u32 v2, v19;
	v25 =	vld [tilespmem:s14+$0x3900]  }
0x1ea: {  	v17 =	vadd.s32 v20, v17;
	v20 =	vmul.u32 v3, v20;
	v26 =	vld [tilespmem:s14+$0x3A00]  }
0x1eb: {  	v17 =	vadd.s32 v21, v17;
	v21 =	vmul.u32 v4, v21;
	v27 =	vld [tilespmem:s14+$0x3B00]  }
0x1ec: {  	v17 =	vadd.s32 v23, v17;
	v23 =	vmul.u32 v5, v23;
	v28 =	vld [tilespmem:s14+$0x3C00]  }
0x1ed: {  	v17 =	vadd.s32 v18, v17;
	v18 =	vmul.u32 v6, v18;
	v29 =	vld [tilespmem:s14+$0x3D00];
	s1 =	spop (v2sf)  }
0x1ee: {  	v17 =	vadd.s32 v25, v17;
	v25 =	vmul.u32 v7, v25;
	v30 =	vld [tilespmem:s14+$0x3E00];
	s11 =	sadd.s32 s11, s1  }
0x1ef: {  	v17 =	vadd.s32 v26, v17;
	v26 =	vmul.u32 v8, v26;
	v31 =	vld [tilespmem:s14+$0x3F00];
	v24 =	vadd.s32 s11, v24  }
0x1f0: {  	v17 =	vadd.s32 v27, v17;
	v27 =	vmul.u32 v9, v27;
	v32 =	vld [tilespmem:s14+$0x4000];
	v22 =	vadd.s32 v22, v24  }
0x1f1: {  	v17 =	vadd.s32 v28, v17;
	v24 =	vmul.u32 v10, v28;
	v28 =	vld [tilespmem:s14+$0x4100];
	v19 =	vadd.s32 v19, v22  }
0x1f2: {  	v17 =	vadd.s32 v29, v17;
	v22 =	vmul.u32 v11, v29;
	v19 =	vadd.s32 v20, v19  }
0x1f3: {  	v17 =	vadd.s32 v30, v17;
	v20 =	vmul.u32 v12, v30;
	v19 =	vadd.s32 v21, v19  }
0x1f4: {  	v17 =	vadd.s32 v31, v17;
	v21 =	vmul.u32 v13, v31;
	v19 =	vadd.s32 v23, v19  }
0x1f5: {  	v17 =	vadd.s32 v32, v17;
	v23 =	vmul.u32 v14, v32;
	v18 =	vadd.s32 v18, v19  }
0x1f6: {  	v17 =	vadd.s32 v28, v17;
	v18 =	vadd.s32 v25, v18  }
0x1f7: {  	v18 =	vadd.s32 v26, v18;
	(xrf0) =	vadd.scan.msk.s32 $0xffff, v17  }
0x1f8: {  	v18 =	vadd.s32 v27, v18  }
0x1f9: {  	v18 =	vadd.s32 v24, v18  }
0x1fa: {  	v18 =	vadd.s32 v22, v18  }
0x1fb: {  	v18 =	vadd.s32 v20, v18  }
0x1fc: {  	v18 =	vadd.s32 v21, v18  }
0x1fd: {  	v18 =	vadd.s32 v23, v18;
	v19, _, _ =	vpop (xrf0)  }
.Ltmp6:
0x1fe: {  	v17 =	vsub.s32 v18, v17;
	(v2sf) =	vpush v19, $0xF;
	(pc) =	sbr.rel @p1 .LBB2_14-.Ltmp6, $4  }
0x1ff: {  	s10 =	sadd.s32 $0x10, s10;
	v17 =	vadd.s32 v19, v17  }
0x200: {  	[tilespmem:s10+$0x0] =	vst v17  }
0x201: {  	s14 =	sand.u32 $0xF0, s13  }
0x202: {  	s12 =	sadd.s32 $0x10, s12;
	s13 =	sadd.s32 $0x10, s13;
	v17 =	vld [tilespmem:s14+$0x3300]  }
0x203: {  	v18 =	vld [tilespmem:s12+$0x0]  }
0x204: {  	v19 =	vld [tilespmem:s14+$0x3400]  }
0x205: {  	v20 =	vld [tilespmem:s14+$0x3500]  }
0x206: {  	v21 =	vld [tilespmem:s14+$0x3600]  }
0x207: {  	v22 =	vld [tilespmem:s14+$0x3700]  }
0x208: {  	v24 =	vld [tilespmem:s14+$0x3800];
	v23 =	vadd.s32 v18, v17  }
0x209: {  	v25 =	vld [tilespmem:s14+$0x3900];
	v23 =	vadd.s32 v19, v23  }
0x20a: {  	v26 =	vld [tilespmem:s14+$0x3A00];
	v23 =	vadd.s32 v20, v23  }
0x20b: {  	v27 =	vld [tilespmem:s14+$0x3B00];
	v23 =	vadd.s32 v21, v23  }
0x20c: {  	v28 =	vld [tilespmem:s14+$0x3C00];
	v23 =	vadd.s32 v22, v23  }
0x20d: {  	v29 =	vld [tilespmem:s14+$0x3D00];
	v23 =	vadd.s32 v24, v23  }
0x20e: {  	v30 =	vld [tilespmem:s14+$0x3E00];
	v23 =	vadd.s32 v25, v23  }
0x20f: {  	v31 =	vld [tilespmem:s14+$0x3F00];
	v23 =	vadd.s32 v26, v23  }
0x210: {  	v32 =	vld [tilespmem:s14+$0x4000];
	v23 =	vadd.s32 v27, v23  }
0x211: {  	v33 =	vld [tilespmem:s14+$0x4100];
	v23 =	vadd.s32 v28, v23  }
0x212: {  	v23 =	vadd.s32 v29, v23  }
0x213: {  	v23 =	vadd.s32 v30, v23  }
0x214: {  	v23 =	vadd.s32 v31, v23  }
0x215: {  	v23 =	vadd.s32 v32, v23  }
0x216: {  	v23 =	vadd.s32 v33, v23  }
0x217: {  	(xrf0) =	vadd.scan.msk.s32 $0xffff, v23  }
0x218: {  	v18 =	vmul.u32 v0, v18;
	s1 =	spop (v2sf)  }
0x219: {  	s1 =	sadd.s32 s11, s1  }
0x21a: {  	v18 =	vadd.s32 s1, v18  }
0x21b: {  	v17 =	vmul.u32 v1, v17  }
0x21c: {  	v19 =	vmul.u32 v2, v19  }
0x21d: {  	v20 =	vmul.u32 v3, v20;
	v17 =	vadd.s32 v17, v18;
	v18, _, _ =	vpop (xrf0)  }
0x21e: {  	v21 =	vmul.u32 v4, v21;
	v17 =	vadd.s32 v19, v17;
	(v2sf) =	vpush v18, $0xF  }
0x21f: {  	v19 =	vmul.u32 v5, v22;
	v17 =	vadd.s32 v20, v17  }
0x220: {  	v58 =	vmul.u32 v6, v24;
	v17 =	vadd.s32 v21, v17  }
0x221: {  	v59 =	vmul.u32 v7, v25;
	v17 =	vadd.s32 v19, v17  }
0x222: {  	v19 =	vmul.u32 v8, v26;
	v17 =	vadd.s32 v58, v17  }
0x223: {  	v60 =	vmul.u32 v9, v27;
	v17 =	vadd.s32 v59, v17  }
0x224: {  	v61 =	vmul.u32 v10, v28;
	v17 =	vadd.s32 v19, v17  }
0x225: {  	v19 =	vmul.u32 v11, v29;
	v17 =	vadd.s32 v60, v17  }
0x226: {  	v62 =	vmul.u32 v12, v30;
	v17 =	vadd.s32 v61, v17  }
0x227: {  	v63 =	vmul.u32 v13, v31;
	v17 =	vadd.s32 v19, v17  }
0x228: {  	v19 =	vmul.u32 v14, v32;
	v17 =	vadd.s32 v62, v17  }
0x229: {  	v17 =	vadd.s32 v63, v17  }
0x22a: {  	v17 =	vadd.s32 v19, v17  }
0x22b: {  	v17 =	vsub.s32 v17, v23  }
0x22c: {  	s13 =	sadd.s32 $0x10, s10;
	v17 =	vadd.s32 v18, v17  }
0x22d: {  	[tilespmem:s13+$0x0] =	vst v17;
	s14 =	spop (v2sf)  }
.LBB2_16:
0x22e: {  	s1 =	sshra.s32 s9, $0x2  }
0x22f: {  	v17 =	vld [tilespmem:s1+$0x1800];
	_ =	sdelay $0x4  }
0x230: {  	v18 =	vld [tilespmem:s1+$0x2800];
	_ =	sdelay $0x1  }
0x231: {  	v19 =	vld [tilespmem:s1+$0x2000]  }
0x232: {  	v20 =	vld.idx.msk [tilespmem:v17+s31+$0x0], $0xffff;
	_ =	sdelay $0x1  }
0x233: {  	vm0 =	vgt.s32 v18, $0x0;
	_ =	sdelay $0x2  }
0x234: {  	v18 =	vadd.s32 v19, v20  }
0x235: {  	v19 =	vadd.s32 $0xFFFFFFFF, v18  }
0x236: {  	[tilespmem:s1+$0x1000] =	vst v19  }
0x237: {  	[tilespmem:v17+s31+$0x0] =	vst.idx.msk vm0, v18  }
0x238: {  	v17 =	vld [tilespmem:s1+$0x1810];
	_ =	sdelay $0x4  }
0x239: {  	v18 =	vld [tilespmem:s1+$0x2810];
	_ =	sdelay $0x1  }
0x23a: {  	v19 =	vld [tilespmem:s1+$0x2010]  }
0x23b: {  	v61 =	vld.idx.msk [tilespmem:v17+s31+$0x0], $0xffff;
	_ =	sdelay $0x1  }
0x23c: {  	vm13 =	vgt.s32 v18, $0x0;
	_ =	sdelay $0x2  }
0x23d: {  	v18 =	vadd.s32 v19, v61  }
0x23e: {  	v19 =	vadd.s32 $0xFFFFFFFF, v18  }
0x23f: {  	[tilespmem:s1+$0x1010] =	vst v19  }
0x240: {  	[tilespmem:v17+s31+$0x0] =	vst.idx.msk vm13, v18  }
0x241: {  	v17 =	vld [tilespmem:s1+$0x1820];
	_ =	sdelay $0x4  }
0x242: {  	v18 =	vld [tilespmem:s1+$0x2820];
	_ =	sdelay $0x1  }
0x243: {  	v19 =	vld [tilespmem:s1+$0x2020]  }
0x244: {  	v62 =	vld.idx.msk [tilespmem:v17+s31+$0x0], $0xffff;
	_ =	sdelay $0x1  }
0x245: {  	vm14 =	vgt.s32 v18, $0x0;
	_ =	sdelay $0x2  }
0x246: {  	v18 =	vadd.s32 v19, v62  }
0x247: {  	v19 =	vadd.s32 $0xFFFFFFFF, v18  }
0x248: {  	[tilespmem:s1+$0x1020] =	vst v19  }
0x249: {  	[tilespmem:v17+s31+$0x0] =	vst.idx.msk vm14, v18  }
0x24a: {  	v17 =	vld [tilespmem:s1+$0x1830];
	_ =	sdelay $0x4  }
0x24b: {  	v18 =	vld [tilespmem:s1+$0x2830];
	_ =	sdelay $0x1  }
0x24c: {  	v19 =	vld [tilespmem:s1+$0x2030]  }
0x24d: {  	v63 =	vld.idx.msk [tilespmem:v17+s31+$0x0], $0xffff;
	_ =	sdelay $0x1  }
0x24e: {  	vm15 =	vgt.s32 v18, $0x0  }
0x24f: {  	p1 =	sne.s32 s9, $0x1F00  }
.Ltmp7:
0x250: {  	_ = 	snop;
	(pc) =	sbr.rel @p1 .LBB2_16-.Ltmp7, $4  }
0x251: {  	v18 =	vadd.s32 v19, v63  }
0x252: {  	v19 =	vadd.s32 $0xFFFFFFFF, v18  }
0x253: {  	[tilespmem:s1+$0x1030] =	vst v19  }
0x254: {  	s9 =	sadd.s32 $0x100, s9;
	[tilespmem:v17+s31+$0x0] =	vst.idx.msk vm15, v18  }
0x255: {  	[spmem:s3] =	stream.indirect.scatter [tilespmem:s5], [sflag:$0x1], $0x1, s4, s5, $0xb8;
	[tilespmem:$0x1C300] =	vst v63  }
0x256: {  	s1 =	simm.s32 $0x0;
	s9 =	rddreg [dreg:$0x7]  }
0x257: {  	[spmem:s9] =	stream.indirect.scatter [tilespmem:s1], [sflag:$0x1], $0x1, s4, s5, $0xb8;
	[tilespmem:$0x1C300] =	vst v63  }
0x258: {  	_ =	swait.ge [sflag:s19], $0x800  }
0x259: {  	[sflag:s19] =	ssyncset.done $0x0  }
0x25a: {  	[sflag:s19] =	ssyncadd.s32 $0xFFFFF800  }
0x25b: {  	_ =	swait.ge [sflag:s19], $0x800  }
0x25c: {  	[sflag:s19] =	ssyncset.done $0x0  }
0x25d: {  	[sflag:s19] =	ssyncadd.s32 $0xFFFFF800  }
0x25e: {  	[bflag:$0x0] =	sbarrier.arrive $0xFFFF  }
0x25f: {  	[tilespmem:s1], [sflag:$0x4] =	stream.linear.gather [spmem:s2], $0x800, $0x38;
	[tilespmem:$0x1C300] =	vst v63  }
0x260: {  	_ =	swait.ge [sflag:s29], $0x800  }
0x261: {  	[sflag:s29] =	ssyncset.done $0x0  }
0x262: {  	[sflag:s29] =	ssyncadd.s32 $0xFFFFF800  }
0x263: {  	[tilespmem:s5], [sflag:$0x4] =	stream.linear.gather [spmem:s23], $0x800, $0x38;
	[tilespmem:$0x1C300] =	vst v63  }
0x264: {  	_ =	swait.ge [sflag:s29], $0x800  }
0x265: {  	[sflag:s29] =	ssyncset.done $0x0  }
0x266: {  	s10 =	simm.s32 $0x0;
	[sflag:s29] =	ssyncadd.s32 $0xFFFFF800  }
0x267: {  	v17 =	vld [tilespmem:s10+$0x30];
	_ =	sdelay $0x1  }
0x268: {  	v18 =	vld [tilespmem:s10+$0x0]  }
0x269: {  	v19 =	vld [tilespmem:s10+$0x10];
	_ =	sdelay $0x1  }
0x26a: {  	v17 =	vshrl.u32 v17, $0x10  }
0x26b: {  	v20 =	vld [tilespmem:s10+$0x20];
	v17 =	vand.u32 $0xFF, v17  }
0x26c: {  	v18 =	vshrl.u32 v18, $0x10;
	(xrf1) =	vunique.msk.u32 $0xffff, v17  }
0x26d: {  	v19 =	vshrl.u32 v19, $0x10;
	v18 =	vand.u32 $0xFF, v18;
	[tilespmem:s10+$0x1830] =	vst v17  }
0x26e: {  	v19 =	vand.u32 $0xFF, v19;
	[tilespmem:s10+$0x1800] =	vst v18  }
0x26f: {  	s9 =	simm.s32 $0x40;
	[tilespmem:s10+$0x1810] =	vst v19  }
0x270: {  	v20 =	vshrl.u32 v20, $0x10;
	(xrf1) =	vunique.msk.u32 $0xffff, v18;
	v18 =	vld [tilespmem:s9+$0x0]  }
0x271: {  	v20 =	vand.u32 $0xFF, v20;
	(xrf1) =	vunique.msk.u32 $0xffff, v19  }
0x272: {  	v17 =	vld [tilespmem:s9+$0x30];
	(xrf1) =	vunique.msk.u32 $0xffff, v20;
	_ =	sdelay $0x1  }
0x273: {  	v19 =	vld [tilespmem:s9+$0x10]  }
0x274: {  	v18 =	vshrl.u32 v18, $0x10  }
0x275: {  	v21 =	vld [tilespmem:s9+$0x20];
	v18 =	vand.u32 $0xFF, v18  }
0x276: {  	v17 =	vshrl.u32 v17, $0x10  }
0x277: {  	[tilespmem:s10+$0x1820] =	vst v20;
	v17 =	vand.u32 $0xFF, v17  }
0x278: {  	v19 =	vshrl.u32 v19, $0x10;
	[tilespmem:s9+$0x1830] =	vst v17;
	(xrf1) =	vunique.msk.u32 $0xffff, v17  }
0x279: {  	[tilespmem:s9+$0x1800] =	vst v18;
	v19 =	vand.u32 $0xFF, v19;
	(xrf1) =	vunique.msk.u32 $0xffff, v18;
	_, v18, vm0 =	vpop (xrf1)  }
0x27a: {  	v17 =	vshrl.u32 v21, $0x10;
	[tilespmem:s9+$0x1810] =	vst v19;
	(xrf1) =	vunique.msk.u32 $0xffff, v19;
	v19 =	vsel vm0, $0x1, v15  }
0x27b: {  	v17 =	vand.u32 $0xFF, v17  }
0x27c: {  	(xrf1) =	vunique.msk.u32 $0xffff, v17  }
0x27d: {  	[tilespmem:s10+$0x2030] =	vst v18;
	_, v18, vm0 =	vpop (xrf1)  }
0x27e: {  	s11 =	simm.s32 $0x80;
	s12 =	simm.s32 $0x300;
	v20 =	vsel vm0, $0x1, v15;
	[tilespmem:s10+$0x2830] =	vst v19;
	_, v19, vm0 =	vpop (xrf1)  }
.LBB2_18:
0x27f: {  	p1 =	sne.s32 s12, $0x1F00;
	v21 =	vld [tilespmem:s11+$0x30];
	[tilespmem:s10+$0x2800] =	vst v20;
	v20 =	vsel vm0, $0x1, v15;
	_, v22, vm0 =	vpop (xrf1)  }
0x280: {  	v23 =	vld [tilespmem:s11+$0x0];
	[tilespmem:s10+$0x2810] =	vst v20;
	v20 =	vsel vm0, $0x1, v15  }
0x281: {  	v24 =	vld [tilespmem:s11+$0x10];
	[tilespmem:s10+$0x2820] =	vst v20  }
0x282: {  	v20 =	vld [tilespmem:s11+$0x20];
	[tilespmem:s10+$0x2000] =	vst v18  }
0x283: {  	[tilespmem:s10+$0x2010] =	vst v19  }
0x284: {  	v18 =	vshrl.u32 v21, $0x10;
	[tilespmem:s10+$0x2020] =	vst v22;
	s10 =	smov.u32 s9;
	s9 =	smov.u32 s11  }
0x285: {  	v19 =	vshrl.u32 v23, $0x10;
	v22 =	vand.u32 $0xFF, v18;
	[tilespmem:s10+$0x1820] =	vst v17  }
.Ltmp8:
0x286: {  	v17 =	vand.u32 $0xFF, v19;
	v19 =	vshrl.u32 v24, $0x10;
	[tilespmem:s9+$0x1830] =	vst v22;
	(xrf1) =	vunique.msk.u32 $0xffff, v22;
	(pc) =	sbr.rel @p1 .LBB2_18-.Ltmp8, $4  }
0x287: {  	[tilespmem:s9+$0x1800] =	vst v17;
	v21 =	vand.u32 $0xFF, v19;
	v22 =	vshrl.u32 v20, $0x10;
	(xrf1) =	vunique.msk.u32 $0xffff, v17  }
0x288: {  	[tilespmem:s9+$0x1810] =	vst v21;
	v17 =	vand.u32 $0xFF, v22;
	(xrf1) =	vunique.msk.u32 $0xffff, v21;
	_, v18, vm0 =	vpop (xrf1)  }
0x289: {  	(xrf1) =	vunique.msk.u32 $0xffff, v17;
	[tilespmem:s10+$0x2030] =	vst v18;
	v21 =	vsel vm0, $0x1, v15;
	_, v18, vm0 =	vpop (xrf1)  }
0x28a: {  	s11 =	sshra.s32 s12, $0x2;
	s12 =	sadd.s32 $0x100, s12;
	v20 =	vsel vm0, $0x1, v15;
	[tilespmem:s10+$0x2830] =	vst v21;
	_, v19, vm0 =	vpop (xrf1)  }
0x28b: {  	v21 =	vld [tilespmem:s11+$0x30];
	[tilespmem:s10+$0x2800] =	vst v20  }
0x28c: {  	v22 =	vld [tilespmem:s11+$0x0]  }
0x28d: {  	v57 =	vsel vm0, $0x1, v15;
	_, v23, vm7 =	vpop (xrf1)  }
0x28e: {  	[tilespmem:s10+$0x2810] =	vst v57;
	v58 =	vsel vm7, $0x1, v15  }
0x28f: {  	v24 =	vld [tilespmem:s11+$0x10];
	[tilespmem:s10+$0x2820] =	vst v58  }
0x290: {  	v20 =	vld [tilespmem:s11+$0x20];
	[tilespmem:s10+$0x2000] =	vst v18;
	v21 =	vshrl.u32 v21, $0x10  }
0x291: {  	[tilespmem:s10+$0x2010] =	vst v19;
	v18 =	vshrl.u32 v22, $0x10;
	v21 =	vand.u32 $0xFF, v21  }
0x292: {  	[tilespmem:s10+$0x2020] =	vst v23;
	v18 =	vand.u32 $0xFF, v18;
	(xrf1) =	vunique.msk.u32 $0xffff, v21  }
0x293: {  	[tilespmem:s9+$0x1820] =	vst v17  }
0x294: {  	v19 =	vshrl.u32 v24, $0x10;
	[tilespmem:s11+$0x1830] =	vst v21  }
0x295: {  	v19 =	vand.u32 $0xFF, v19;
	(xrf1) =	vunique.msk.u32 $0xffff, v18;
	[tilespmem:s11+$0x1800] =	vst v18  }
0x296: {  	[tilespmem:s11+$0x1810] =	vst v19;
	_, v18, vm8 =	vpop (xrf1)  }
0x297: {  	v20 =	vshrl.u32 v20, $0x10;
	(xrf1) =	vunique.msk.u32 $0xffff, v19;
	[tilespmem:s9+$0x2030] =	vst v18;
	v18 =	vsel vm8, $0x1, v15  }
0x298: {  	v17 =	vand.u32 $0xFF, v20  }
0x299: {  	(xrf1) =	vunique.msk.u32 $0xffff, v17;
	_, v19, vm9 =	vpop (xrf1);
	[tilespmem:s9+$0x2830] =	vst v18  }
0x29a: {  	v59 =	vsel vm9, $0x1, v15;
	[tilespmem:s9+$0x2000] =	vst v19  }
0x29b: {  	[tilespmem:s9+$0x2800] =	vst v59;
	_, v18, vm10 =	vpop (xrf1)  }
0x29c: {  	v60 =	vsel vm10, $0x1, v15;
	[tilespmem:s9+$0x2010] =	vst v18  }
0x29d: {  	_, v61, vm11 =	vpop (xrf1);
	[tilespmem:s9+$0x2810] =	vst v60  }
0x29e: {  	v62 =	vsel vm11, $0x1, v15;
	[tilespmem:s9+$0x2020] =	vst v61  }
0x29f: {  	[tilespmem:s9+$0x2820] =	vst v62  }
0x2a0: {  	[tilespmem:s11+$0x1820] =	vst v17;
	_, v17, vm12 =	vpop (xrf1)  }
0x2a1: {  	[tilespmem:s11+$0x2030] =	vst v17;
	v17 =	vsel vm12, $0x1, v15;
	_ =	sdelay $0x1  }
0x2a2: {  	_, v18, vm13 =	vpop (xrf1);
	[tilespmem:s11+$0x2830] =	vst v17  }
0x2a3: {  	v19 =	vsel vm13, $0x1, v15;
	[tilespmem:s11+$0x2000] =	vst v18  }
0x2a4: {  	[tilespmem:s11+$0x2800] =	vst v19;
	_, v17, vm14 =	vpop (xrf1)  }
0x2a5: {  	v19 =	vsel vm14, $0x1, v15;
	[tilespmem:s11+$0x2010] =	vst v17  }
0x2a6: {  	_, v63, vm15 =	vpop (xrf1);
	[tilespmem:s11+$0x2810] =	vst v19  }
0x2a7: {  	v19 =	vsel vm15, $0x1, v15;
	[tilespmem:s11+$0x2020] =	vst v63  }
0x2a8: {  	[tilespmem:s11+$0x2820] =	vst v19  }
0x2a9: {  	[tilespmem:$0x3000] =	vst v15  }
0x2aa: {  	[tilespmem:$0x3010] =	vst v15  }
0x2ab: {  	[tilespmem:$0x3020] =	vst v15  }
0x2ac: {  	[tilespmem:$0x3030] =	vst v15  }
0x2ad: {  	[tilespmem:$0x3040] =	vst v15  }
0x2ae: {  	[tilespmem:$0x3050] =	vst v15  }
0x2af: {  	[tilespmem:$0x3060] =	vst v15  }
0x2b0: {  	[tilespmem:$0x3070] =	vst v15  }
0x2b1: {  	[tilespmem:$0x3080] =	vst v15  }
0x2b2: {  	[tilespmem:$0x3090] =	vst v15  }
0x2b3: {  	[tilespmem:$0x30A0] =	vst v15  }
0x2b4: {  	[tilespmem:$0x30B0] =	vst v15  }
0x2b5: {  	[tilespmem:$0x30C0] =	vst v15  }
0x2b6: {  	[tilespmem:$0x30D0] =	vst v15  }
0x2b7: {  	[tilespmem:$0x30E0] =	vst v15  }
0x2b8: {  	s9 =	simm.s32 $0x0;
	[tilespmem:$0x30F0] =	vst v15  }
.LBB2_20:
0x2b9: {  	s1 =	sshra.s32 s9, $0x2  }
0x2ba: {  	v17 =	vld [tilespmem:s1+$0x2800];
	_ =	sdelay $0x2  }
0x2bb: {  	v18 =	vld [tilespmem:s1+$0x1800];
	_ =	sdelay $0x1  }
0x2bc: {  	vm0 =	vgt.s32 v17, $0x0  }
0x2bd: {  	v17 =	vld [tilespmem:s1+$0x2000];
	_ =	sdelay $0x4  }
0x2be: {  	[tilespmem:v18+s30+$0x0] =	vst.idx.add.s32.msk vm0, v17  }
0x2bf: {  	v17 =	vld [tilespmem:s1+$0x2810];
	_ =	sdelay $0x2  }
0x2c0: {  	v18 =	vld [tilespmem:s1+$0x1810];
	_ =	sdelay $0x1  }
0x2c1: {  	vm13 =	vgt.s32 v17, $0x0  }
0x2c2: {  	v17 =	vld [tilespmem:s1+$0x2010];
	_ =	sdelay $0x4  }
0x2c3: {  	[tilespmem:v18+s30+$0x0] =	vst.idx.add.s32.msk vm13, v17  }
0x2c4: {  	v17 =	vld [tilespmem:s1+$0x2820];
	_ =	sdelay $0x2  }
0x2c5: {  	v18 =	vld [tilespmem:s1+$0x1820];
	_ =	sdelay $0x1  }
0x2c6: {  	vm14 =	vgt.s32 v17, $0x0  }
0x2c7: {  	v17 =	vld [tilespmem:s1+$0x2020];
	_ =	sdelay $0x4  }
0x2c8: {  	[tilespmem:v18+s30+$0x0] =	vst.idx.add.s32.msk vm14, v17  }
0x2c9: {  	v17 =	vld [tilespmem:s1+$0x2830];
	_ =	sdelay $0x2  }
0x2ca: {  	v18 =	vld [tilespmem:s1+$0x1830];
	_ =	sdelay $0x1  }
0x2cb: {  	vm15 =	vgt.s32 v17, $0x0  }
0x2cc: {  	p1 =	sne.s32 s9, $0x1F00;
	v17 =	vld [tilespmem:s1+$0x2030]  }
.Ltmp9:
0x2cd: {  	_ = 	snop;
	(pc) =	sbr.rel @p1 .LBB2_20-.Ltmp9, $2  }
0x2ce: {  	_ =	sdelay $0x2  }
0x2cf: {  	s9 =	sadd.s32 $0x100, s9;
	[tilespmem:v18+s30+$0x0] =	vst.idx.add.s32.msk vm15, v17  }
0x2d0: {  	[spmem:s17] =	stream.linear.scatter [tilespmem:s30], [sflag:$0x4], $0x100, $0x38;
	[tilespmem:$0x1C300] =	vst v63  }
0x2d1: {  	_ =	swait.ge [sflag:s29], $0x100  }
0x2d2: {  	[sflag:s29] =	ssyncset.done $0x0  }
0x2d3: {  	[sflag:s29] =	ssyncadd.s32 $0xFFFFFF00  }
0x2d4: {  	s1 =	simm.s32 $0x3200;
	[bflag:$0x0] =	sbarrier.arrive $0xFFFF  }
0x2d5: {  	[tilespmem:s1], [sflag:$0x4] =	stream.linear.gather [spmem:s0], $0x1000, $0x38;
	[tilespmem:$0x1C300] =	vst v63  }
0x2d6: {  	_ =	swait.ge [sflag:s29], $0x1000  }
0x2d7: {  	s9 =	simm.s32 $0x0;
	[sflag:s29] =	ssyncset.done $0x0  }
0x2d8: {  	s10 =	sand.u32 $0xF0, s9;
	[sflag:s29] =	ssyncadd.s32 $0xFFFFF000  }
0x2d9: {  	v17 =	vld [tilespmem:s10+$0x3300]  }
0x2da: {  	v18 =	vld [tilespmem:s1+$0x0]  }
0x2db: {  	v19 =	vld [tilespmem:s10+$0x3400]  }
0x2dc: {  	v20 =	vld [tilespmem:s10+$0x3500]  }
0x2dd: {  	v21 =	vld [tilespmem:s10+$0x3600]  }
0x2de: {  	v22 =	vld [tilespmem:s10+$0x3700]  }
0x2df: {  	v24 =	vld [tilespmem:s10+$0x3800];
	v23 =	vadd.s32 v18, v17  }
0x2e0: {  	v25 =	vld [tilespmem:s10+$0x3900];
	v23 =	vadd.s32 v19, v23  }
0x2e1: {  	v26 =	vld [tilespmem:s10+$0x3A00];
	v23 =	vadd.s32 v20, v23  }
0x2e2: {  	v27 =	vld [tilespmem:s10+$0x3B00];
	v23 =	vadd.s32 v21, v23  }
0x2e3: {  	v28 =	vld [tilespmem:s10+$0x3C00];
	v23 =	vadd.s32 v22, v23  }
0x2e4: {  	v29 =	vld [tilespmem:s10+$0x3D00];
	v18 =	vmul.u32 v0, v18;
	v23 =	vadd.s32 v24, v23  }
0x2e5: {  	v30 =	vld [tilespmem:s10+$0x3E00];
	v17 =	vmul.u32 v1, v17;
	v23 =	vadd.s32 v25, v23  }
0x2e6: {  	v31 =	vld [tilespmem:s10+$0x3F00];
	v19 =	vmul.u32 v2, v19;
	v18 =	vadd.s32 s9, v18;
	v23 =	vadd.s32 v26, v23  }
0x2e7: {  	v59 =	vld [tilespmem:s10+$0x4000];
	v20 =	vmul.u32 v3, v20;
	v17 =	vadd.s32 v17, v18;
	v58 =	vadd.s32 v27, v23  }
0x2e8: {  	v60 =	vld [tilespmem:s10+$0x4100];
	v18 =	vmul.u32 v4, v21;
	v17 =	vadd.s32 v19, v17;
	v21 =	vadd.s32 v28, v58  }
0x2e9: {  	v19 =	vmul.u32 v5, v22;
	v17 =	vadd.s32 v20, v17;
	v21 =	vadd.s32 v29, v21  }
0x2ea: {  	v61 =	vmul.u32 v6, v24;
	v17 =	vadd.s32 v18, v17;
	v21 =	vadd.s32 v30, v21  }
0x2eb: {  	v18 =	vmul.u32 v7, v25;
	v17 =	vadd.s32 v19, v17;
	v21 =	vadd.s32 v31, v21  }
0x2ec: {  	v19 =	vmul.u32 v8, v26;
	v17 =	vadd.s32 v61, v17;
	v21 =	vadd.s32 v59, v21  }
0x2ed: {  	v62 =	vmul.u32 v9, v27;
	v17 =	vadd.s32 v18, v17;
	v21 =	vadd.s32 v60, v21  }
0x2ee: {  	v18 =	vmul.u32 v10, v28;
	v17 =	vadd.s32 v19, v17;
	(xrf0) =	vadd.scan.msk.s32 $0xffff, v21  }
0x2ef: {  	v17 =	vadd.s32 v62, v17  }
0x2f0: {  	v19 =	vmul.u32 v11, v29;
	v17 =	vadd.s32 v18, v17;
	v18 =	vmul.u32 v13, v31  }
0x2f1: {  	v63 =	vmul.u32 v12, v30  }
0x2f2: {  	v17 =	vadd.s32 v19, v17  }
0x2f3: {  	v19 =	vmul.u32 v14, v59;
	v17 =	vadd.s32 v63, v17  }
0x2f4: {  	v17 =	vadd.s32 v18, v17;
	v18, _, _ =	vpop (xrf0)  }
0x2f5: {  	v17 =	vadd.s32 v19, v17;
	(v2sf) =	vpush v18, $0xF  }
0x2f6: {  	v17 =	vsub.s32 v17, v21  }
0x2f7: {  	s14 =	simm.s32 $0x10;
	s10 =	simm.s32 $0x3100;
	v17 =	vadd.s32 v18, v17  }
0x2f8: {  	s14 =	sand.u32 $0xF0, s14;
	[tilespmem:s10+$0x0] =	vst v17  }
0x2f9: {  	s13 =	simm.s32 $0x20;
	s12 =	simm.s32 $0x3210;
	s11 =	simm.s32 $0x0;
	v17 =	vld [tilespmem:s14+$0x3300]  }
.LBB2_22:
0x2fa: {  	p1 =	sne.s32 s13, $0xF0;
	v18 =	vld [tilespmem:s12+$0x0]  }
0x2fb: {  	v19 =	vld [tilespmem:s14+$0x3400]  }
0x2fc: {  	v20 =	vld [tilespmem:s14+$0x3500]  }
0x2fd: {  	v21 =	vld [tilespmem:s14+$0x3600]  }
0x2fe: {  	v22 =	vmul.u32 v1, v17;
	v23 =	vld [tilespmem:s14+$0x3700]  }
0x2ff: {  	v24 =	vmul.u32 v0, v18;
	v17 =	vadd.s32 v18, v17;
	v18 =	vld [tilespmem:s14+$0x3800]  }
0x300: {  	v17 =	vadd.s32 v19, v17;
	v19 =	vmul.u32 v2, v19;
	v25 =	vld [tilespmem:s14+$0x3900]  }
0x301: {  	v17 =	vadd.s32 v20, v17;
	v20 =	vmul.u32 v3, v20;
	v26 =	vld [tilespmem:s14+$0x3A00]  }
0x302: {  	v17 =	vadd.s32 v21, v17;
	v21 =	vmul.u32 v4, v21;
	v27 =	vld [tilespmem:s14+$0x3B00]  }
0x303: {  	v17 =	vadd.s32 v23, v17;
	v23 =	vmul.u32 v5, v23;
	v28 =	vld [tilespmem:s14+$0x3C00]  }
0x304: {  	v17 =	vadd.s32 v18, v17;
	v18 =	vmul.u32 v6, v18;
	v29 =	vld [tilespmem:s14+$0x3D00];
	s1 =	spop (v2sf)  }
0x305: {  	v17 =	vadd.s32 v25, v17;
	v25 =	vmul.u32 v7, v25;
	v30 =	vld [tilespmem:s14+$0x3E00];
	s11 =	sadd.s32 s11, s1  }
0x306: {  	v17 =	vadd.s32 v26, v17;
	v26 =	vmul.u32 v8, v26;
	v31 =	vld [tilespmem:s14+$0x3F00];
	v24 =	vadd.s32 s11, v24  }
0x307: {  	v17 =	vadd.s32 v27, v17;
	v27 =	vmul.u32 v9, v27;
	v32 =	vld [tilespmem:s14+$0x4000];
	v22 =	vadd.s32 v22, v24  }
0x308: {  	v17 =	vadd.s32 v28, v17;
	v24 =	vmul.u32 v10, v28;
	v28 =	vld [tilespmem:s14+$0x4100];
	v19 =	vadd.s32 v19, v22  }
0x309: {  	v17 =	vadd.s32 v29, v17;
	v22 =	vmul.u32 v11, v29;
	v19 =	vadd.s32 v20, v19  }
0x30a: {  	v17 =	vadd.s32 v30, v17;
	v20 =	vmul.u32 v12, v30;
	v19 =	vadd.s32 v21, v19  }
0x30b: {  	v17 =	vadd.s32 v31, v17;
	v21 =	vmul.u32 v13, v31;
	v19 =	vadd.s32 v23, v19  }
0x30c: {  	v17 =	vadd.s32 v32, v17;
	v23 =	vmul.u32 v14, v32;
	v18 =	vadd.s32 v18, v19  }
0x30d: {  	v17 =	vadd.s32 v28, v17;
	v18 =	vadd.s32 v25, v18  }
0x30e: {  	v18 =	vadd.s32 v26, v18;
	(xrf0) =	vadd.scan.msk.s32 $0xffff, v17  }
0x30f: {  	v18 =	vadd.s32 v27, v18  }
0x310: {  	v18 =	vadd.s32 v24, v18  }
0x311: {  	v18 =	vadd.s32 v22, v18  }
0x312: {  	v18 =	vadd.s32 v20, v18  }
0x313: {  	v18 =	vadd.s32 v21, v18  }
0x314: {  	v18 =	vadd.s32 v23, v18;
	v19, _, _ =	vpop (xrf0)  }
.Ltmp10:
0x315: {  	v17 =	vsub.s32 v18, v17;
	(v2sf) =	vpush v19, $0xF;
	(pc) =	sbr.rel @p1 .LBB2_22-.Ltmp10, $4  }
0x316: {  	s10 =	sadd.s32 $0x10, s10;
	v17 =	vadd.s32 v19, v17  }
0x317: {  	[tilespmem:s10+$0x0] =	vst v17  }
0x318: {  	s14 =	sand.u32 $0xF0, s13  }
0x319: {  	s12 =	sadd.s32 $0x10, s12;
	s13 =	sadd.s32 $0x10, s13;
	v17 =	vld [tilespmem:s14+$0x3300]  }
0x31a: {  	v18 =	vld [tilespmem:s12+$0x0]  }
0x31b: {  	v19 =	vld [tilespmem:s14+$0x3400]  }
0x31c: {  	v20 =	vld [tilespmem:s14+$0x3500]  }
0x31d: {  	v21 =	vld [tilespmem:s14+$0x3600]  }
0x31e: {  	v22 =	vld [tilespmem:s14+$0x3700]  }
0x31f: {  	v24 =	vld [tilespmem:s14+$0x3800];
	v23 =	vadd.s32 v18, v17  }
0x320: {  	v25 =	vld [tilespmem:s14+$0x3900];
	v23 =	vadd.s32 v19, v23  }
0x321: {  	v26 =	vld [tilespmem:s14+$0x3A00];
	v23 =	vadd.s32 v20, v23  }
0x322: {  	v27 =	vld [tilespmem:s14+$0x3B00];
	v23 =	vadd.s32 v21, v23  }
0x323: {  	v28 =	vld [tilespmem:s14+$0x3C00];
	v23 =	vadd.s32 v22, v23  }
0x324: {  	v29 =	vld [tilespmem:s14+$0x3D00];
	v23 =	vadd.s32 v24, v23  }
0x325: {  	v30 =	vld [tilespmem:s14+$0x3E00];
	v23 =	vadd.s32 v25, v23  }
0x326: {  	v31 =	vld [tilespmem:s14+$0x3F00];
	v23 =	vadd.s32 v26, v23  }
0x327: {  	v32 =	vld [tilespmem:s14+$0x4000];
	v23 =	vadd.s32 v27, v23  }
0x328: {  	v33 =	vld [tilespmem:s14+$0x4100];
	v23 =	vadd.s32 v28, v23  }
0x329: {  	v23 =	vadd.s32 v29, v23  }
0x32a: {  	v23 =	vadd.s32 v30, v23  }
0x32b: {  	v23 =	vadd.s32 v31, v23  }
0x32c: {  	v23 =	vadd.s32 v32, v23  }
0x32d: {  	v23 =	vadd.s32 v33, v23  }
0x32e: {  	(xrf0) =	vadd.scan.msk.s32 $0xffff, v23  }
0x32f: {  	v18 =	vmul.u32 v0, v18;
	s1 =	spop (v2sf)  }
0x330: {  	s1 =	sadd.s32 s11, s1  }
0x331: {  	v18 =	vadd.s32 s1, v18  }
0x332: {  	v17 =	vmul.u32 v1, v17  }
0x333: {  	v19 =	vmul.u32 v2, v19  }
0x334: {  	v20 =	vmul.u32 v3, v20;
	v17 =	vadd.s32 v17, v18;
	v18, _, _ =	vpop (xrf0)  }
0x335: {  	v21 =	vmul.u32 v4, v21;
	v17 =	vadd.s32 v19, v17;
	(v2sf) =	vpush v18, $0xF  }
0x336: {  	v19 =	vmul.u32 v5, v22;
	v17 =	vadd.s32 v20, v17  }
0x337: {  	v58 =	vmul.u32 v6, v24;
	v17 =	vadd.s32 v21, v17  }
0x338: {  	v59 =	vmul.u32 v7, v25;
	v17 =	vadd.s32 v19, v17  }
0x339: {  	v19 =	vmul.u32 v8, v26;
	v17 =	vadd.s32 v58, v17  }
0x33a: {  	v60 =	vmul.u32 v9, v27;
	v17 =	vadd.s32 v59, v17  }
0x33b: {  	v61 =	vmul.u32 v10, v28;
	v17 =	vadd.s32 v19, v17  }
0x33c: {  	v19 =	vmul.u32 v11, v29;
	v17 =	vadd.s32 v60, v17  }
0x33d: {  	v62 =	vmul.u32 v12, v30;
	v17 =	vadd.s32 v61, v17  }
0x33e: {  	v63 =	vmul.u32 v13, v31;
	v17 =	vadd.s32 v19, v17  }
0x33f: {  	v19 =	vmul.u32 v14, v32;
	v17 =	vadd.s32 v62, v17  }
0x340: {  	v17 =	vadd.s32 v63, v17  }
0x341: {  	v17 =	vadd.s32 v19, v17  }
0x342: {  	v17 =	vsub.s32 v17, v23  }
0x343: {  	s13 =	sadd.s32 $0x10, s10;
	v17 =	vadd.s32 v18, v17  }
0x344: {  	[tilespmem:s13+$0x0] =	vst v17;
	s14 =	spop (v2sf)  }
.LBB2_24:
0x345: {  	s1 =	sshra.s32 s9, $0x2  }
0x346: {  	v17 =	vld [tilespmem:s1+$0x1800];
	_ =	sdelay $0x4  }
0x347: {  	v18 =	vld [tilespmem:s1+$0x2800];
	_ =	sdelay $0x1  }
0x348: {  	v19 =	vld [tilespmem:s1+$0x2000]  }
0x349: {  	v20 =	vld.idx.msk [tilespmem:v17+s31+$0x0], $0xffff;
	_ =	sdelay $0x1  }
0x34a: {  	vm0 =	vgt.s32 v18, $0x0;
	_ =	sdelay $0x2  }
0x34b: {  	v18 =	vadd.s32 v19, v20  }
0x34c: {  	v19 =	vadd.s32 $0xFFFFFFFF, v18  }
0x34d: {  	[tilespmem:s1+$0x1000] =	vst v19  }
0x34e: {  	[tilespmem:v17+s31+$0x0] =	vst.idx.msk vm0, v18  }
0x34f: {  	v17 =	vld [tilespmem:s1+$0x1810];
	_ =	sdelay $0x4  }
0x350: {  	v18 =	vld [tilespmem:s1+$0x2810];
	_ =	sdelay $0x1  }
0x351: {  	v19 =	vld [tilespmem:s1+$0x2010]  }
0x352: {  	v61 =	vld.idx.msk [tilespmem:v17+s31+$0x0], $0xffff;
	_ =	sdelay $0x1  }
0x353: {  	vm13 =	vgt.s32 v18, $0x0;
	_ =	sdelay $0x2  }
0x354: {  	v18 =	vadd.s32 v19, v61  }
0x355: {  	v19 =	vadd.s32 $0xFFFFFFFF, v18  }
0x356: {  	[tilespmem:s1+$0x1010] =	vst v19  }
0x357: {  	[tilespmem:v17+s31+$0x0] =	vst.idx.msk vm13, v18  }
0x358: {  	v17 =	vld [tilespmem:s1+$0x1820];
	_ =	sdelay $0x4  }
0x359: {  	v18 =	vld [tilespmem:s1+$0x2820];
	_ =	sdelay $0x1  }
0x35a: {  	v19 =	vld [tilespmem:s1+$0x2020]  }
0x35b: {  	v62 =	vld.idx.msk [tilespmem:v17+s31+$0x0], $0xffff;
	_ =	sdelay $0x1  }
0x35c: {  	vm14 =	vgt.s32 v18, $0x0;
	_ =	sdelay $0x2  }
0x35d: {  	v18 =	vadd.s32 v19, v62  }
0x35e: {  	v19 =	vadd.s32 $0xFFFFFFFF, v18  }
0x35f: {  	[tilespmem:s1+$0x1020] =	vst v19  }
0x360: {  	[tilespmem:v17+s31+$0x0] =	vst.idx.msk vm14, v18  }
0x361: {  	v17 =	vld [tilespmem:s1+$0x1830];
	_ =	sdelay $0x4  }
0x362: {  	v18 =	vld [tilespmem:s1+$0x2830];
	_ =	sdelay $0x1  }
0x363: {  	v19 =	vld [tilespmem:s1+$0x2030]  }
0x364: {  	v63 =	vld.idx.msk [tilespmem:v17+s31+$0x0], $0xffff;
	_ =	sdelay $0x1  }
0x365: {  	vm15 =	vgt.s32 v18, $0x0  }
0x366: {  	p1 =	sne.s32 s9, $0x1F00  }
.Ltmp11:
0x367: {  	_ = 	snop;
	(pc) =	sbr.rel @p1 .LBB2_24-.Ltmp11, $4  }
0x368: {  	v18 =	vadd.s32 v19, v63  }
0x369: {  	v19 =	vadd.s32 $0xFFFFFFFF, v18  }
0x36a: {  	[tilespmem:s1+$0x1030] =	vst v19  }
0x36b: {  	s9 =	sadd.s32 $0x100, s9;
	[tilespmem:v17+s31+$0x0] =	vst.idx.msk vm15, v18  }
0x36c: {  	[spmem:s22] =	stream.indirect.scatter [tilespmem:s5], [sflag:$0x1], $0x1, s4, s5, $0xb8;
	[tilespmem:$0x1C300] =	vst v63  }
0x36d: {  	s1 =	simm.s32 $0x0;
	s9 =	rddreg [dreg:$0x5]  }
0x36e: {  	[spmem:s9] =	stream.indirect.scatter [tilespmem:s1], [sflag:$0x1], $0x1, s4, s5, $0xb8;
	[tilespmem:$0x1C300] =	vst v63  }
0x36f: {  	_ =	swait.ge [sflag:s19], $0x800  }
0x370: {  	[sflag:s19] =	ssyncset.done $0x0  }
0x371: {  	[sflag:s19] =	ssyncadd.s32 $0xFFFFF800  }
0x372: {  	_ =	swait.ge [sflag:s19], $0x800  }
0x373: {  	[sflag:s19] =	ssyncset.done $0x0  }
0x374: {  	[sflag:s19] =	ssyncadd.s32 $0xFFFFF800  }
0x375: {  	[bflag:$0x0] =	sbarrier.arrive $0xFFFF  }
0x376: {  	[tilespmem:s1], [sflag:$0x4] =	stream.linear.gather [spmem:s20], $0x800, $0x38;
	[tilespmem:$0x1C300] =	vst v63  }
0x377: {  	_ =	swait.ge [sflag:s29], $0x800  }
0x378: {  	[sflag:s29] =	ssyncset.done $0x0  }
0x379: {  	[sflag:s29] =	ssyncadd.s32 $0xFFFFF800  }
0x37a: {  	[tilespmem:s5], [sflag:$0x4] =	stream.linear.gather [spmem:s21], $0x800, $0x38;
	[tilespmem:$0x1C300] =	vst v63  }
0x37b: {  	_ =	swait.ge [sflag:s29], $0x800  }
0x37c: {  	[sflag:s29] =	ssyncset.done $0x0  }
0x37d: {  	s10 =	simm.s32 $0x0;
	[sflag:s29] =	ssyncadd.s32 $0xFFFFF800  }
0x37e: {  	v17 =	vld [tilespmem:s10+$0x30];
	_ =	sdelay $0x1  }
0x37f: {  	v18 =	vld [tilespmem:s10+$0x0]  }
0x380: {  	v19 =	vld [tilespmem:s10+$0x10];
	_ =	sdelay $0x1  }
0x381: {  	v20 =	vld [tilespmem:s10+$0x20];
	v17 =	vshrl.u32 v17, $0x18  }
0x382: {  	(xrf1) =	vunique.msk.u32 $0xffff, v17  }
0x383: {  	v18 =	vshrl.u32 v18, $0x18  }
0x384: {  	v19 =	vshrl.u32 v19, $0x18;
	[tilespmem:s10+$0x1830] =	vst v17;
	(xrf1) =	vunique.msk.u32 $0xffff, v18  }
0x385: {  	[tilespmem:s10+$0x1800] =	vst v18;
	(xrf1) =	vunique.msk.u32 $0xffff, v19  }
0x386: {  	s9 =	simm.s32 $0x40;
	v20 =	vshrl.u32 v20, $0x18;
	[tilespmem:s10+$0x1810] =	vst v19  }
0x387: {  	v17 =	vld [tilespmem:s9+$0x30];
	(xrf1) =	vunique.msk.u32 $0xffff, v20;
	_ =	sdelay $0x1  }
0x388: {  	v18 =	vld [tilespmem:s9+$0x0]  }
0x389: {  	v19 =	vld [tilespmem:s9+$0x10];
	_ =	sdelay $0x1  }
0x38a: {  	v17 =	vshrl.u32 v17, $0x18  }
0x38b: {  	v21 =	vld [tilespmem:s9+$0x20]  }
0x38c: {  	[tilespmem:s10+$0x1820] =	vst v20;
	v18 =	vshrl.u32 v18, $0x18  }
0x38d: {  	[tilespmem:s9+$0x1830] =	vst v17;
	v19 =	vshrl.u32 v19, $0x18  }
0x38e: {  	[tilespmem:s9+$0x1800] =	vst v18;
	(xrf1) =	vunique.msk.u32 $0xffff, v17;
	_, v17, vm0 =	vpop (xrf1)  }
0x38f: {  	[tilespmem:s9+$0x1810] =	vst v19;
	(xrf1) =	vunique.msk.u32 $0xffff, v18;
	v20 =	vsel vm0, $0x1, v15  }
0x390: {  	[tilespmem:s10+$0x2030] =	vst v17;
	_, v18, vm0 =	vpop (xrf1);
	v17 =	vshrl.u32 v21, $0x18;
	(xrf1) =	vunique.msk.u32 $0xffff, v19  }
0x391: {  	v21 =	vsel vm0, $0x1, v15;
	_, v19, vm0 =	vpop (xrf1);
	(xrf1) =	vunique.msk.u32 $0xffff, v17  }
0x392: {  	[tilespmem:s10+$0x2830] =	vst v20  }
0x393: {  	s11 =	simm.s32 $0x80;
	s12 =	simm.s32 $0x300;
	[tilespmem:s10+$0x2800] =	vst v21;
	v21 =	vsel vm0, $0x1, v15;
	_, v20, vm0 =	vpop (xrf1)  }
.LBB2_26:
0x394: {  	p1 =	sne.s32 s12, $0x1F00;
	v22 =	vld [tilespmem:s11+$0x30];
	[tilespmem:s10+$0x2810] =	vst v21;
	v21 =	vsel vm0, $0x1, v15  }
0x395: {  	v23 =	vld [tilespmem:s11+$0x0];
	[tilespmem:s10+$0x2820] =	vst v21  }
0x396: {  	v21 =	vld [tilespmem:s11+$0x10];
	[tilespmem:s10+$0x2000] =	vst v18  }
0x397: {  	v18 =	vld [tilespmem:s11+$0x20];
	[tilespmem:s10+$0x2010] =	vst v19  }
0x398: {  	[tilespmem:s10+$0x2020] =	vst v20;
	s10 =	smov.u32 s9;
	s9 =	smov.u32 s11  }
0x399: {  	v19 =	vshrl.u32 v22, $0x18;
	[tilespmem:s10+$0x1820] =	vst v17  }
0x39a: {  	v17 =	vshrl.u32 v23, $0x18;
	[tilespmem:s9+$0x1830] =	vst v19;
	(xrf1) =	vunique.msk.u32 $0xffff, v19  }
.Ltmp12:
0x39b: {  	[tilespmem:s9+$0x1800] =	vst v17;
	v20 =	vshrl.u32 v21, $0x18;
	(xrf1) =	vunique.msk.u32 $0xffff, v17;
	(pc) =	sbr.rel @p1 .LBB2_26-.Ltmp12, $4  }
0x39c: {  	[tilespmem:s9+$0x1810] =	vst v20;
	v17 =	vshrl.u32 v18, $0x18;
	(xrf1) =	vunique.msk.u32 $0xffff, v20;
	_, v18, vm0 =	vpop (xrf1)  }
0x39d: {  	(xrf1) =	vunique.msk.u32 $0xffff, v17;
	[tilespmem:s10+$0x2030] =	vst v18;
	v21 =	vsel vm0, $0x1, v15;
	_, v18, vm0 =	vpop (xrf1)  }
0x39e: {  	v22 =	vsel vm0, $0x1, v15;
	[tilespmem:s10+$0x2830] =	vst v21;
	_, v19, vm0 =	vpop (xrf1)  }
0x39f: {  	s11 =	sshra.s32 s12, $0x2;
	s12 =	sadd.s32 $0x100, s12;
	[tilespmem:s10+$0x2800] =	vst v22;
	v21 =	vsel vm0, $0x1, v15;
	_, v20, vm0 =	vpop (xrf1)  }
0x3a0: {  	v22 =	vld [tilespmem:s11+$0x30];
	_ =	sdelay $0x1  }
0x3a1: {  	[tilespmem:s10+$0x2810] =	vst v21;
	v57 =	vsel vm0, $0x1, v15  }
0x3a2: {  	v23 =	vld [tilespmem:s11+$0x0];
	[tilespmem:s10+$0x2820] =	vst v57  }
0x3a3: {  	v21 =	vld [tilespmem:s11+$0x10];
	[tilespmem:s10+$0x2000] =	vst v18  }
0x3a4: {  	v18 =	vld [tilespmem:s11+$0x20];
	[tilespmem:s10+$0x2010] =	vst v19;
	v22 =	vshrl.u32 v22, $0x18  }
0x3a5: {  	[tilespmem:s10+$0x2020] =	vst v20;
	(xrf1) =	vunique.msk.u32 $0xffff, v22  }
0x3a6: {  	[tilespmem:s9+$0x1820] =	vst v17  }
0x3a7: {  	v19 =	vshrl.u32 v23, $0x18;
	[tilespmem:s11+$0x1830] =	vst v22  }
0x3a8: {  	v58 =	vshrl.u32 v21, $0x18;
	(xrf1) =	vunique.msk.u32 $0xffff, v19;
	[tilespmem:s11+$0x1800] =	vst v19  }
0x3a9: {  	v17 =	vshrl.u32 v18, $0x18;
	_, v18, vm8 =	vpop (xrf1);
	[tilespmem:s11+$0x1810] =	vst v58  }
0x3aa: {  	(xrf1) =	vunique.msk.u32 $0xffff, v58;
	[tilespmem:s9+$0x2030] =	vst v18;
	v18 =	vsel vm8, $0x1, v15;
	_ =	sdelay $0x1  }
0x3ab: {  	(xrf1) =	vunique.msk.u32 $0xffff, v17;
	_, v19, vm9 =	vpop (xrf1);
	[tilespmem:s9+$0x2830] =	vst v18  }
0x3ac: {  	v59 =	vsel vm9, $0x1, v15;
	[tilespmem:s9+$0x2000] =	vst v19  }
0x3ad: {  	[tilespmem:s9+$0x2800] =	vst v59;
	_, v18, vm10 =	vpop (xrf1)  }
0x3ae: {  	v60 =	vsel vm10, $0x1, v15;
	[tilespmem:s9+$0x2010] =	vst v18  }
0x3af: {  	_, v61, vm11 =	vpop (xrf1);
	[tilespmem:s9+$0x2810] =	vst v60  }
0x3b0: {  	v62 =	vsel vm11, $0x1, v15;
	[tilespmem:s9+$0x2020] =	vst v61  }
0x3b1: {  	[tilespmem:s9+$0x2820] =	vst v62  }
0x3b2: {  	[tilespmem:s11+$0x1820] =	vst v17;
	_, v17, vm12 =	vpop (xrf1)  }
0x3b3: {  	[tilespmem:s11+$0x2030] =	vst v17;
	v17 =	vsel vm12, $0x1, v15;
	_ =	sdelay $0x1  }
0x3b4: {  	_, v18, vm13 =	vpop (xrf1);
	[tilespmem:s11+$0x2830] =	vst v17  }
0x3b5: {  	v19 =	vsel vm13, $0x1, v15;
	[tilespmem:s11+$0x2000] =	vst v18  }
0x3b6: {  	[tilespmem:s11+$0x2800] =	vst v19;
	_, v17, vm14 =	vpop (xrf1)  }
0x3b7: {  	v19 =	vsel vm14, $0x1, v15;
	[tilespmem:s11+$0x2010] =	vst v17  }
0x3b8: {  	_, v63, vm15 =	vpop (xrf1);
	[tilespmem:s11+$0x2810] =	vst v19  }
0x3b9: {  	v19 =	vsel vm15, $0x1, v15;
	[tilespmem:s11+$0x2020] =	vst v63  }
0x3ba: {  	[tilespmem:s11+$0x2820] =	vst v19  }
0x3bb: {  	[tilespmem:$0x3000] =	vst v15  }
0x3bc: {  	[tilespmem:$0x3010] =	vst v15  }
0x3bd: {  	[tilespmem:$0x3020] =	vst v15  }
0x3be: {  	[tilespmem:$0x3030] =	vst v15  }
0x3bf: {  	[tilespmem:$0x3040] =	vst v15  }
0x3c0: {  	[tilespmem:$0x3050] =	vst v15  }
0x3c1: {  	[tilespmem:$0x3060] =	vst v15  }
0x3c2: {  	[tilespmem:$0x3070] =	vst v15  }
0x3c3: {  	[tilespmem:$0x3080] =	vst v15  }
0x3c4: {  	[tilespmem:$0x3090] =	vst v15  }
0x3c5: {  	[tilespmem:$0x30A0] =	vst v15  }
0x3c6: {  	[tilespmem:$0x30B0] =	vst v15  }
0x3c7: {  	[tilespmem:$0x30C0] =	vst v15  }
0x3c8: {  	[tilespmem:$0x30D0] =	vst v15  }
0x3c9: {  	[tilespmem:$0x30E0] =	vst v15  }
0x3ca: {  	s9 =	simm.s32 $0x0;
	[tilespmem:$0x30F0] =	vst v15  }
.LBB2_28:
0x3cb: {  	s1 =	sshra.s32 s9, $0x2  }
0x3cc: {  	v17 =	vld [tilespmem:s1+$0x2800];
	_ =	sdelay $0x2  }
0x3cd: {  	v18 =	vld [tilespmem:s1+$0x1800];
	_ =	sdelay $0x1  }
0x3ce: {  	vm0 =	vgt.s32 v17, $0x0  }
0x3cf: {  	v17 =	vld [tilespmem:s1+$0x2000];
	_ =	sdelay $0x4  }
0x3d0: {  	[tilespmem:v18+s30+$0x0] =	vst.idx.add.s32.msk vm0, v17  }
0x3d1: {  	v17 =	vld [tilespmem:s1+$0x2810];
	_ =	sdelay $0x2  }
0x3d2: {  	v18 =	vld [tilespmem:s1+$0x1810];
	_ =	sdelay $0x1  }
0x3d3: {  	vm13 =	vgt.s32 v17, $0x0  }
0x3d4: {  	v17 =	vld [tilespmem:s1+$0x2010];
	_ =	sdelay $0x4  }
0x3d5: {  	[tilespmem:v18+s30+$0x0] =	vst.idx.add.s32.msk vm13, v17  }
0x3d6: {  	v17 =	vld [tilespmem:s1+$0x2820];
	_ =	sdelay $0x2  }
0x3d7: {  	v18 =	vld [tilespmem:s1+$0x1820];
	_ =	sdelay $0x1  }
0x3d8: {  	vm14 =	vgt.s32 v17, $0x0  }
0x3d9: {  	v17 =	vld [tilespmem:s1+$0x2020];
	_ =	sdelay $0x4  }
0x3da: {  	[tilespmem:v18+s30+$0x0] =	vst.idx.add.s32.msk vm14, v17  }
0x3db: {  	v17 =	vld [tilespmem:s1+$0x2830];
	_ =	sdelay $0x2  }
0x3dc: {  	v18 =	vld [tilespmem:s1+$0x1830];
	_ =	sdelay $0x1  }
0x3dd: {  	vm15 =	vgt.s32 v17, $0x0  }
0x3de: {  	p1 =	sne.s32 s9, $0x1F00;
	v17 =	vld [tilespmem:s1+$0x2030]  }
.Ltmp13:
0x3df: {  	_ = 	snop;
	(pc) =	sbr.rel @p1 .LBB2_28-.Ltmp13, $2  }
0x3e0: {  	_ =	sdelay $0x2  }
0x3e1: {  	s9 =	sadd.s32 $0x100, s9;
	[tilespmem:v18+s30+$0x0] =	vst.idx.add.s32.msk vm15, v17  }
0x3e2: {  	[spmem:s17] =	stream.linear.scatter [tilespmem:s30], [sflag:$0x4], $0x100, $0x38;
	[tilespmem:$0x1C300] =	vst v63  }
0x3e3: {  	_ =	swait.ge [sflag:s29], $0x100  }
0x3e4: {  	[sflag:s29] =	ssyncset.done $0x0  }
0x3e5: {  	[sflag:s29] =	ssyncadd.s32 $0xFFFFFF00  }
0x3e6: {  	s1 =	simm.s32 $0x3200;
	[bflag:$0x0] =	sbarrier.arrive $0xFFFF  }
0x3e7: {  	[tilespmem:s1], [sflag:$0x4] =	stream.linear.gather [spmem:s0], $0x1000, $0x38;
	[tilespmem:$0x1C300] =	vst v63  }
0x3e8: {  	_ =	swait.ge [sflag:s29], $0x1000  }
0x3e9: {  	s9 =	simm.s32 $0x0;
	[sflag:s29] =	ssyncset.done $0x0  }
0x3ea: {  	s10 =	sand.u32 $0xF0, s9;
	[sflag:s29] =	ssyncadd.s32 $0xFFFFF000  }
0x3eb: {  	v17 =	vld [tilespmem:s10+$0x3300]  }
0x3ec: {  	v18 =	vld [tilespmem:s1+$0x0]  }
0x3ed: {  	v19 =	vld [tilespmem:s10+$0x3400]  }
0x3ee: {  	v20 =	vld [tilespmem:s10+$0x3500]  }
0x3ef: {  	v21 =	vld [tilespmem:s10+$0x3600]  }
0x3f0: {  	v22 =	vld [tilespmem:s10+$0x3700]  }
0x3f1: {  	v24 =	vld [tilespmem:s10+$0x3800];
	v23 =	vadd.s32 v18, v17  }
0x3f2: {  	v25 =	vld [tilespmem:s10+$0x3900];
	v23 =	vadd.s32 v19, v23  }
0x3f3: {  	v26 =	vld [tilespmem:s10+$0x3A00];
	v23 =	vadd.s32 v20, v23  }
0x3f4: {  	v27 =	vld [tilespmem:s10+$0x3B00];
	v23 =	vadd.s32 v21, v23  }
0x3f5: {  	v28 =	vld [tilespmem:s10+$0x3C00];
	v23 =	vadd.s32 v22, v23  }
0x3f6: {  	v29 =	vld [tilespmem:s10+$0x3D00];
	v18 =	vmul.u32 v0, v18;
	v23 =	vadd.s32 v24, v23  }
0x3f7: {  	v30 =	vld [tilespmem:s10+$0x3E00];
	v17 =	vmul.u32 v1, v17;
	v23 =	vadd.s32 v25, v23  }
0x3f8: {  	v31 =	vld [tilespmem:s10+$0x3F00];
	v19 =	vmul.u32 v2, v19;
	v18 =	vadd.s32 s9, v18;
	v23 =	vadd.s32 v26, v23  }
0x3f9: {  	v59 =	vld [tilespmem:s10+$0x4000];
	v20 =	vmul.u32 v3, v20;
	v17 =	vadd.s32 v17, v18;
	v58 =	vadd.s32 v27, v23  }
0x3fa: {  	v60 =	vld [tilespmem:s10+$0x4100];
	v18 =	vmul.u32 v4, v21;
	v17 =	vadd.s32 v19, v17;
	v21 =	vadd.s32 v28, v58  }
0x3fb: {  	v19 =	vmul.u32 v5, v22;
	v17 =	vadd.s32 v20, v17;
	v21 =	vadd.s32 v29, v21  }
0x3fc: {  	v61 =	vmul.u32 v6, v24;
	v17 =	vadd.s32 v18, v17;
	v21 =	vadd.s32 v30, v21  }
0x3fd: {  	v18 =	vmul.u32 v7, v25;
	v17 =	vadd.s32 v19, v17;
	v21 =	vadd.s32 v31, v21  }
0x3fe: {  	v19 =	vmul.u32 v8, v26;
	v17 =	vadd.s32 v61, v17;
	v21 =	vadd.s32 v59, v21  }
0x3ff: {  	v62 =	vmul.u32 v9, v27;
	v17 =	vadd.s32 v18, v17;
	v21 =	vadd.s32 v60, v21  }
0x400: {  	v18 =	vmul.u32 v10, v28;
	v17 =	vadd.s32 v19, v17;
	(xrf0) =	vadd.scan.msk.s32 $0xffff, v21  }
0x401: {  	v17 =	vadd.s32 v62, v17  }
0x402: {  	v19 =	vmul.u32 v11, v29;
	v17 =	vadd.s32 v18, v17;
	v18 =	vmul.u32 v13, v31  }
0x403: {  	v63 =	vmul.u32 v12, v30  }
0x404: {  	v17 =	vadd.s32 v19, v17  }
0x405: {  	v19 =	vmul.u32 v14, v59;
	v17 =	vadd.s32 v63, v17  }
0x406: {  	v17 =	vadd.s32 v18, v17;
	v18, _, _ =	vpop (xrf0)  }
0x407: {  	v17 =	vadd.s32 v19, v17;
	(v2sf) =	vpush v18, $0xF  }
0x408: {  	v17 =	vsub.s32 v17, v21  }
0x409: {  	s14 =	simm.s32 $0x10;
	s10 =	simm.s32 $0x3100;
	v17 =	vadd.s32 v18, v17  }
0x40a: {  	s14 =	sand.u32 $0xF0, s14;
	[tilespmem:s10+$0x0] =	vst v17  }
0x40b: {  	s13 =	simm.s32 $0x20;
	s12 =	simm.s32 $0x3210;
	s11 =	simm.s32 $0x0;
	v17 =	vld [tilespmem:s14+$0x3300]  }
.LBB2_30:
0x40c: {  	p1 =	sne.s32 s13, $0xF0;
	v18 =	vld [tilespmem:s12+$0x0]  }
0x40d: {  	v19 =	vld [tilespmem:s14+$0x3400]  }
0x40e: {  	v20 =	vld [tilespmem:s14+$0x3500]  }
0x40f: {  	v21 =	vld [tilespmem:s14+$0x3600]  }
0x410: {  	v22 =	vmul.u32 v1, v17;
	v23 =	vld [tilespmem:s14+$0x3700]  }
0x411: {  	v24 =	vmul.u32 v0, v18;
	v17 =	vadd.s32 v18, v17;
	v18 =	vld [tilespmem:s14+$0x3800]  }
0x412: {  	v17 =	vadd.s32 v19, v17;
	v19 =	vmul.u32 v2, v19;
	v25 =	vld [tilespmem:s14+$0x3900]  }
0x413: {  	v17 =	vadd.s32 v20, v17;
	v20 =	vmul.u32 v3, v20;
	v26 =	vld [tilespmem:s14+$0x3A00]  }
0x414: {  	v17 =	vadd.s32 v21, v17;
	v21 =	vmul.u32 v4, v21;
	v27 =	vld [tilespmem:s14+$0x3B00]  }
0x415: {  	v17 =	vadd.s32 v23, v17;
	v23 =	vmul.u32 v5, v23;
	v28 =	vld [tilespmem:s14+$0x3C00]  }
0x416: {  	v17 =	vadd.s32 v18, v17;
	v18 =	vmul.u32 v6, v18;
	v29 =	vld [tilespmem:s14+$0x3D00];
	s1 =	spop (v2sf)  }
0x417: {  	v17 =	vadd.s32 v25, v17;
	v25 =	vmul.u32 v7, v25;
	v30 =	vld [tilespmem:s14+$0x3E00];
	s11 =	sadd.s32 s11, s1  }
0x418: {  	v17 =	vadd.s32 v26, v17;
	v26 =	vmul.u32 v8, v26;
	v31 =	vld [tilespmem:s14+$0x3F00];
	v24 =	vadd.s32 s11, v24  }
0x419: {  	v17 =	vadd.s32 v27, v17;
	v27 =	vmul.u32 v9, v27;
	v32 =	vld [tilespmem:s14+$0x4000];
	v22 =	vadd.s32 v22, v24  }
0x41a: {  	v17 =	vadd.s32 v28, v17;
	v24 =	vmul.u32 v10, v28;
	v28 =	vld [tilespmem:s14+$0x4100];
	v19 =	vadd.s32 v19, v22  }
0x41b: {  	v17 =	vadd.s32 v29, v17;
	v22 =	vmul.u32 v11, v29;
	v19 =	vadd.s32 v20, v19  }
0x41c: {  	v17 =	vadd.s32 v30, v17;
	v20 =	vmul.u32 v12, v30;
	v19 =	vadd.s32 v21, v19  }
0x41d: {  	v17 =	vadd.s32 v31, v17;
	v21 =	vmul.u32 v13, v31;
	v19 =	vadd.s32 v23, v19  }
0x41e: {  	v17 =	vadd.s32 v32, v17;
	v23 =	vmul.u32 v14, v32;
	v18 =	vadd.s32 v18, v19  }
0x41f: {  	v17 =	vadd.s32 v28, v17;
	v18 =	vadd.s32 v25, v18  }
0x420: {  	v18 =	vadd.s32 v26, v18;
	(xrf0) =	vadd.scan.msk.s32 $0xffff, v17  }
0x421: {  	v18 =	vadd.s32 v27, v18  }
0x422: {  	v18 =	vadd.s32 v24, v18  }
0x423: {  	v18 =	vadd.s32 v22, v18  }
0x424: {  	v18 =	vadd.s32 v20, v18  }
0x425: {  	v18 =	vadd.s32 v21, v18  }
0x426: {  	v18 =	vadd.s32 v23, v18;
	v19, _, _ =	vpop (xrf0)  }
.Ltmp14:
0x427: {  	v17 =	vsub.s32 v18, v17;
	(v2sf) =	vpush v19, $0xF;
	(pc) =	sbr.rel @p1 .LBB2_30-.Ltmp14, $4  }
0x428: {  	s10 =	sadd.s32 $0x10, s10;
	v17 =	vadd.s32 v19, v17  }
0x429: {  	[tilespmem:s10+$0x0] =	vst v17  }
0x42a: {  	s14 =	sand.u32 $0xF0, s13  }
0x42b: {  	s12 =	sadd.s32 $0x10, s12;
	s13 =	sadd.s32 $0x10, s13;
	v17 =	vld [tilespmem:s14+$0x3300]  }
0x42c: {  	v18 =	vld [tilespmem:s12+$0x0]  }
0x42d: {  	v19 =	vld [tilespmem:s14+$0x3400]  }
0x42e: {  	v20 =	vld [tilespmem:s14+$0x3500]  }
0x42f: {  	v21 =	vld [tilespmem:s14+$0x3600]  }
0x430: {  	v22 =	vld [tilespmem:s14+$0x3700]  }
0x431: {  	v24 =	vld [tilespmem:s14+$0x3800];
	v23 =	vadd.s32 v18, v17  }
0x432: {  	v25 =	vld [tilespmem:s14+$0x3900];
	v23 =	vadd.s32 v19, v23  }
0x433: {  	v26 =	vld [tilespmem:s14+$0x3A00];
	v23 =	vadd.s32 v20, v23  }
0x434: {  	v27 =	vld [tilespmem:s14+$0x3B00];
	v23 =	vadd.s32 v21, v23  }
0x435: {  	v28 =	vld [tilespmem:s14+$0x3C00];
	v23 =	vadd.s32 v22, v23  }
0x436: {  	v29 =	vld [tilespmem:s14+$0x3D00];
	v23 =	vadd.s32 v24, v23  }
0x437: {  	v30 =	vld [tilespmem:s14+$0x3E00];
	v23 =	vadd.s32 v25, v23  }
0x438: {  	v31 =	vld [tilespmem:s14+$0x3F00];
	v23 =	vadd.s32 v26, v23  }
0x439: {  	v32 =	vld [tilespmem:s14+$0x4000];
	v23 =	vadd.s32 v27, v23  }
0x43a: {  	v33 =	vld [tilespmem:s14+$0x4100];
	v23 =	vadd.s32 v28, v23  }
0x43b: {  	v23 =	vadd.s32 v29, v23  }
0x43c: {  	v23 =	vadd.s32 v30, v23  }
0x43d: {  	v23 =	vadd.s32 v31, v23  }
0x43e: {  	v23 =	vadd.s32 v32, v23  }
0x43f: {  	v23 =	vadd.s32 v33, v23  }
0x440: {  	(xrf0) =	vadd.scan.msk.s32 $0xffff, v23  }
0x441: {  	v18 =	vmul.u32 v0, v18;
	s1 =	spop (v2sf)  }
0x442: {  	s1 =	sadd.s32 s11, s1  }
0x443: {  	v18 =	vadd.s32 s1, v18  }
0x444: {  	v17 =	vmul.u32 v1, v17  }
0x445: {  	v19 =	vmul.u32 v2, v19  }
0x446: {  	v20 =	vmul.u32 v3, v20;
	v17 =	vadd.s32 v17, v18;
	v18, _, _ =	vpop (xrf0)  }
0x447: {  	v21 =	vmul.u32 v4, v21;
	v17 =	vadd.s32 v19, v17;
	(v2sf) =	vpush v18, $0xF  }
0x448: {  	v19 =	vmul.u32 v5, v22;
	v17 =	vadd.s32 v20, v17  }
0x449: {  	v58 =	vmul.u32 v6, v24;
	v17 =	vadd.s32 v21, v17  }
0x44a: {  	v59 =	vmul.u32 v7, v25;
	v17 =	vadd.s32 v19, v17  }
0x44b: {  	v19 =	vmul.u32 v8, v26;
	v17 =	vadd.s32 v58, v17  }
0x44c: {  	v60 =	vmul.u32 v9, v27;
	v17 =	vadd.s32 v59, v17  }
0x44d: {  	v61 =	vmul.u32 v10, v28;
	v17 =	vadd.s32 v19, v17  }
0x44e: {  	v19 =	vmul.u32 v11, v29;
	v17 =	vadd.s32 v60, v17  }
0x44f: {  	v62 =	vmul.u32 v12, v30;
	v17 =	vadd.s32 v61, v17  }
0x450: {  	v63 =	vmul.u32 v13, v31;
	v17 =	vadd.s32 v19, v17  }
0x451: {  	v19 =	vmul.u32 v14, v32;
	v17 =	vadd.s32 v62, v17  }
0x452: {  	v17 =	vadd.s32 v63, v17  }
0x453: {  	v17 =	vadd.s32 v19, v17  }
0x454: {  	v17 =	vsub.s32 v17, v23  }
0x455: {  	s13 =	sadd.s32 $0x10, s10;
	v17 =	vadd.s32 v18, v17  }
0x456: {  	[tilespmem:s13+$0x0] =	vst v17;
	s14 =	spop (v2sf)  }
.LBB2_32:
0x457: {  	s1 =	sshra.s32 s9, $0x2  }
0x458: {  	v17 =	vld [tilespmem:s1+$0x1800];
	_ =	sdelay $0x4  }
0x459: {  	v18 =	vld [tilespmem:s1+$0x2800];
	_ =	sdelay $0x1  }
0x45a: {  	v19 =	vld [tilespmem:s1+$0x2000]  }
0x45b: {  	v20 =	vld.idx.msk [tilespmem:v17+s31+$0x0], $0xffff;
	_ =	sdelay $0x1  }
0x45c: {  	vm0 =	vgt.s32 v18, $0x0;
	_ =	sdelay $0x2  }
0x45d: {  	v18 =	vadd.s32 v19, v20  }
0x45e: {  	v19 =	vadd.s32 $0xFFFFFFFF, v18  }
0x45f: {  	[tilespmem:s1+$0x1000] =	vst v19  }
0x460: {  	[tilespmem:v17+s31+$0x0] =	vst.idx.msk vm0, v18  }
0x461: {  	v17 =	vld [tilespmem:s1+$0x1810];
	_ =	sdelay $0x4  }
0x462: {  	v18 =	vld [tilespmem:s1+$0x2810];
	_ =	sdelay $0x1  }
0x463: {  	v19 =	vld [tilespmem:s1+$0x2010]  }
0x464: {  	v61 =	vld.idx.msk [tilespmem:v17+s31+$0x0], $0xffff;
	_ =	sdelay $0x1  }
0x465: {  	vm13 =	vgt.s32 v18, $0x0;
	_ =	sdelay $0x2  }
0x466: {  	v18 =	vadd.s32 v19, v61  }
0x467: {  	v19 =	vadd.s32 $0xFFFFFFFF, v18  }
0x468: {  	[tilespmem:s1+$0x1010] =	vst v19  }
0x469: {  	[tilespmem:v17+s31+$0x0] =	vst.idx.msk vm13, v18  }
0x46a: {  	v17 =	vld [tilespmem:s1+$0x1820];
	_ =	sdelay $0x4  }
0x46b: {  	v18 =	vld [tilespmem:s1+$0x2820];
	_ =	sdelay $0x1  }
0x46c: {  	v19 =	vld [tilespmem:s1+$0x2020]  }
0x46d: {  	v62 =	vld.idx.msk [tilespmem:v17+s31+$0x0], $0xffff;
	_ =	sdelay $0x1  }
0x46e: {  	vm14 =	vgt.s32 v18, $0x0;
	_ =	sdelay $0x2  }
0x46f: {  	v18 =	vadd.s32 v19, v62  }
0x470: {  	v19 =	vadd.s32 $0xFFFFFFFF, v18  }
0x471: {  	[tilespmem:s1+$0x1020] =	vst v19  }
0x472: {  	[tilespmem:v17+s31+$0x0] =	vst.idx.msk vm14, v18  }
0x473: {  	v17 =	vld [tilespmem:s1+$0x1830];
	_ =	sdelay $0x4  }
0x474: {  	v18 =	vld [tilespmem:s1+$0x2830];
	_ =	sdelay $0x1  }
0x475: {  	v19 =	vld [tilespmem:s1+$0x2030]  }
0x476: {  	v63 =	vld.idx.msk [tilespmem:v17+s31+$0x0], $0xffff;
	_ =	sdelay $0x1  }
0x477: {  	vm15 =	vgt.s32 v18, $0x0  }
0x478: {  	p1 =	sne.s32 s9, $0x1F00  }
.Ltmp15:
0x479: {  	_ = 	snop;
	(pc) =	sbr.rel @p1 .LBB2_32-.Ltmp15, $4  }
0x47a: {  	v18 =	vadd.s32 v19, v63  }
0x47b: {  	v19 =	vadd.s32 $0xFFFFFFFF, v18  }
0x47c: {  	[tilespmem:s1+$0x1030] =	vst v19  }
0x47d: {  	s9 =	sadd.s32 $0x100, s9;
	[tilespmem:v17+s31+$0x0] =	vst.idx.msk vm15, v18  }
0x47e: {  	[spmem:s3] =	stream.indirect.scatter [tilespmem:s5], [sflag:$0x1], $0x1, s4, s5, $0xb8;
	[tilespmem:$0x1C300] =	vst v63  }
0x47f: {  	_ =	swait.ge [sflag:s19], $0x800  }
0x480: {  	[sflag:s19] =	ssyncset.done $0x0  }
0x481: {  	[sflag:s19] =	ssyncadd.s32 $0xFFFFF800  }
0x482: {  	s1 =	simm.s32 $0x14200;
	[bflag:$0x0] =	sbarrier.arrive $0xFFFF  }
0x483: {  	[tilespmem:s1], [sflag:$0x4] =	stream.linear.gather [spmem:s3], $0x2000, $0x38;
	[tilespmem:$0x1C300] =	vst v63  }
0x484: {  	_ =	swait.ge [sflag:s29], $0x2000  }
0x485: {  	[sflag:s29] =	ssyncset.done $0x0  }
0x486: {  	[sflag:s29] =	ssyncadd.s32 $0xFFFFE000  }
0x487: {  	_ =	swait.ge [sflag:s6], $0x8000  }
0x488: {  	[sflag:s6] =	ssyncset.done $0x0  }
0x489: {  	s9 =	simm.s32 $0x0;
	[sflag:s6] =	ssyncadd.s32 $0xFFFF8000  }
0x48a: {  	v17 =	vld [tilespmem:s9+$0x14200];
	_ =	sdelay $0x5  }
0x48b: {  	v18 =	vld [tilespmem:s9+$0x14210];
	_ =	sdelay $0x1  }
0x48c: {  	v17 =	vld.idx.msk [tilespmem:v17+s26+$0x0], $0xffff;
	_ =	sdelay $0x4  }
0x48d: {  	v19 =	vld [tilespmem:s9+$0x14220];
	[tilespmem:s9+$0x16200] =	vst v17  }
0x48e: {  	v17 =	vld.idx.msk [tilespmem:v18+s26+$0x0], $0xffff;
	_ =	sdelay $0x4  }
0x48f: {  	[tilespmem:s9+$0x16210] =	vst v17;
	v17 =	vld [tilespmem:s9+$0x14230];
	_ =	sdelay $0x1  }
0x490: {  	v18 =	vld.idx.msk [tilespmem:v19+s26+$0x0], $0xffff;
	_ =	sdelay $0x3  }
0x491: {  	s11 =	simm.s32 $0x40;
	s10 =	simm.s32 $0x200  }
.LBB2_34:
0x492: {  	p1 =	sne.s32 s10, $0x7F00;
	v19 =	vld [tilespmem:s11+$0x14200];
	[tilespmem:s9+$0x16220] =	vst v18  }
0x493: {  	v17 =	vld.idx.msk [tilespmem:v17+s26+$0x0], $0xffff;
	_ =	sdelay $0x5  }
0x494: {  	v18 =	vld [tilespmem:s11+$0x14210];
	[tilespmem:s9+$0x16230] =	vst v17;
	s9 =	smov.u32 s11  }
0x495: {  	v17 =	vld.idx.msk [tilespmem:v19+s26+$0x0], $0xffff;
	_ =	sdelay $0x5  }
0x496: {  	[tilespmem:s9+$0x16200] =	vst v17;
	v19 =	vld [tilespmem:s9+$0x14220]  }
0x497: {  	v17 =	vld.idx.msk [tilespmem:v18+s26+$0x0], $0xffff;
	_ =	sdelay $0x5  }
0x498: {  	[tilespmem:s9+$0x16210] =	vst v17;
	v17 =	vld [tilespmem:s9+$0x14230]  }
0x499: {  	v18 =	vld.idx.msk [tilespmem:v19+s26+$0x0], $0xffff  }
.Ltmp16:
0x49a: {  	(pc) =	sbr.rel @p1 .LBB2_34-.Ltmp16, $2  }
0x49b: {  	_ =	sdelay $0x2  }
0x49c: {  	s11 =	sshra.s32 s10, $0x2;
	s10 =	sadd.s32 $0x100, s10  }
0x49d: {  	_ =	sdelay $0x1  }
0x49e: {  	v19 =	vld [tilespmem:s11+$0x14200]  }
0x49f: {  	[tilespmem:s9+$0x16220] =	vst v18  }
0x4a0: {  	v17 =	vld.idx.msk [tilespmem:v17+s26+$0x0], $0xffff;
	_ =	sdelay $0x3  }
0x4a1: {  	v18 =	vld [tilespmem:s11+$0x14210]  }
0x4a2: {  	[tilespmem:s9+$0x16230] =	vst v17  }
0x4a3: {  	v17 =	vld.idx.msk [tilespmem:v19+s26+$0x0], $0xffff;
	_ =	sdelay $0x4  }
0x4a4: {  	[tilespmem:s11+$0x16200] =	vst v17;
	v17 =	vld [tilespmem:s11+$0x14220]  }
0x4a5: {  	v18 =	vld.idx.msk [tilespmem:v18+s26+$0x0], $0xffff;
	_ =	sdelay $0x4  }
0x4a6: {  	[tilespmem:s11+$0x16210] =	vst v18;
	v18 =	vld [tilespmem:s11+$0x14230];
	_ =	sdelay $0x1  }
0x4a7: {  	v17 =	vld.idx.msk [tilespmem:v17+s26+$0x0], $0xffff;
	_ =	sdelay $0x4  }
0x4a8: {  	[tilespmem:s11+$0x16220] =	vst v17  }
0x4a9: {  	v17 =	vld.idx.msk [tilespmem:v18+s26+$0x0], $0xffff;
	_ =	sdelay $0x4  }
0x4aa: {  	s1 =	rddreg [dreg:$0xd];
	[tilespmem:s11+$0x16230] =	vst v17  }
0x4ab: {  	[hbm4b:s1+s24] =	stream.strided.scatter [tilespmem:s16], [sflag:$0x3], $0x2000, s25, s24, $0x38;
	[tilespmem:$0x1C300] =	vst v63  }
0x4ac: {  	s14 =	rddreg [dreg:$0xb]  }
0x4ad: {  	[tilespmem:s26], [sflag:$0x2] =	stream.strided.gather [hbm4b:s14+s24], $0x8000, s25, s24, $0x38;
	[tilespmem:$0x1C300] =	vst v63  }
0x4ae: {  	_ =	swait.ge [sflag:s6], $0x8000  }
0x4af: {  	[sflag:s6] =	ssyncset.done $0x0  }
0x4b0: {  	s9 =	simm.s32 $0x0;
	[sflag:s6] =	ssyncadd.s32 $0xFFFF8000  }
0x4b1: {  	v17 =	vld [tilespmem:s9+$0x14200];
	_ =	sdelay $0x5  }
0x4b2: {  	v18 =	vld [tilespmem:s9+$0x14210];
	_ =	sdelay $0x1  }
0x4b3: {  	v17 =	vld.idx.msk [tilespmem:v17+s28+$0x0], $0xffff;
	_ =	sdelay $0x4  }
0x4b4: {  	v19 =	vld [tilespmem:s9+$0x14220];
	[tilespmem:s9+$0x18200] =	vst v17  }
0x4b5: {  	v17 =	vld.idx.msk [tilespmem:v18+s28+$0x0], $0xffff;
	_ =	sdelay $0x4  }
0x4b6: {  	[tilespmem:s9+$0x18210] =	vst v17;
	v17 =	vld [tilespmem:s9+$0x14230];
	_ =	sdelay $0x1  }
0x4b7: {  	v18 =	vld.idx.msk [tilespmem:v19+s28+$0x0], $0xffff;
	_ =	sdelay $0x3  }
0x4b8: {  	s10 =	simm.s32 $0x200;
	s11 =	simm.s32 $0x40  }
.LBB2_36:
0x4b9: {  	p1 =	sne.s32 s10, $0x7F00;
	v19 =	vld [tilespmem:s11+$0x14200];
	[tilespmem:s9+$0x18220] =	vst v18  }
0x4ba: {  	v17 =	vld.idx.msk [tilespmem:v17+s28+$0x0], $0xffff;
	_ =	sdelay $0x5  }
0x4bb: {  	v18 =	vld [tilespmem:s11+$0x14210];
	[tilespmem:s9+$0x18230] =	vst v17;
	s9 =	smov.u32 s11  }
0x4bc: {  	v17 =	vld.idx.msk [tilespmem:v19+s28+$0x0], $0xffff;
	_ =	sdelay $0x5  }
0x4bd: {  	[tilespmem:s9+$0x18200] =	vst v17;
	v19 =	vld [tilespmem:s9+$0x14220]  }
0x4be: {  	v17 =	vld.idx.msk [tilespmem:v18+s28+$0x0], $0xffff;
	_ =	sdelay $0x5  }
0x4bf: {  	[tilespmem:s9+$0x18210] =	vst v17;
	v17 =	vld [tilespmem:s9+$0x14230]  }
0x4c0: {  	v18 =	vld.idx.msk [tilespmem:v19+s28+$0x0], $0xffff  }
.Ltmp17:
0x4c1: {  	(pc) =	sbr.rel @p1 .LBB2_36-.Ltmp17, $2  }
0x4c2: {  	_ =	sdelay $0x2  }
0x4c3: {  	s11 =	sshra.s32 s10, $0x2;
	s10 =	sadd.s32 $0x100, s10  }
0x4c4: {  	_ =	sdelay $0x1  }
0x4c5: {  	v19 =	vld [tilespmem:s11+$0x14200]  }
0x4c6: {  	[tilespmem:s9+$0x18220] =	vst v18  }
0x4c7: {  	v17 =	vld.idx.msk [tilespmem:v17+s28+$0x0], $0xffff;
	_ =	sdelay $0x3  }
0x4c8: {  	v18 =	vld [tilespmem:s11+$0x14210]  }
0x4c9: {  	[tilespmem:s9+$0x18230] =	vst v17  }
0x4ca: {  	v17 =	vld.idx.msk [tilespmem:v19+s28+$0x0], $0xffff;
	_ =	sdelay $0x4  }
0x4cb: {  	[tilespmem:s11+$0x18200] =	vst v17;
	v17 =	vld [tilespmem:s11+$0x14220]  }
0x4cc: {  	v18 =	vld.idx.msk [tilespmem:v18+s28+$0x0], $0xffff;
	_ =	sdelay $0x4  }
0x4cd: {  	[tilespmem:s11+$0x18210] =	vst v18;
	v18 =	vld [tilespmem:s11+$0x14230];
	_ =	sdelay $0x1  }
0x4ce: {  	v17 =	vld.idx.msk [tilespmem:v17+s28+$0x0], $0xffff;
	_ =	sdelay $0x4  }
0x4cf: {  	[tilespmem:s11+$0x18220] =	vst v17  }
0x4d0: {  	v17 =	vld.idx.msk [tilespmem:v18+s28+$0x0], $0xffff;
	_ =	sdelay $0x4  }
0x4d1: {  	s1 =	rddreg [dreg:$0xe];
	[tilespmem:s11+$0x18230] =	vst v17  }
0x4d2: {  	[hbm4b:s1+s24] =	stream.strided.scatter [tilespmem:s18], [sflag:$0x3], $0x2000, s25, s24, $0x38;
	[tilespmem:$0x1C300] =	vst v63  }
0x4d3: {  	s14 =	rddreg [dreg:$0xc]  }
0x4d4: {  	[tilespmem:s28], [sflag:$0x2] =	stream.strided.gather [hbm4b:s14+s24], $0x8000, s25, s24, $0x38;
	[tilespmem:$0x1C300] =	vst v63  }
0x4d5: {  	_ =	swait.ge [sflag:s6], $0x8000  }
0x4d6: {  	[sflag:s6] =	ssyncset.done $0x0  }
0x4d7: {  	[sflag:s6] =	ssyncadd.s32 $0xFFFF8000  }
0x4d8: {  	_ =	swait.ge [sflag:s7], $0x2000  }
0x4d9: {  	[sflag:s7] =	ssyncset.done $0x0  }
0x4da: {  	s9 =	simm.s32 $0x0;
	[sflag:s7] =	ssyncadd.s32 $0xFFFFE000  }
0x4db: {  	v17 =	vld [tilespmem:s9+$0x14200];
	_ =	sdelay $0x5  }
0x4dc: {  	v18 =	vld [tilespmem:s9+$0x14210];
	_ =	sdelay $0x1  }
0x4dd: {  	v17 =	vld.idx.msk [tilespmem:v17+s26+$0x0], $0xffff;
	_ =	sdelay $0x4  }
0x4de: {  	v19 =	vld [tilespmem:s9+$0x14220];
	[tilespmem:s9+$0x16200] =	vst v17  }
0x4df: {  	v17 =	vld.idx.msk [tilespmem:v18+s26+$0x0], $0xffff;
	_ =	sdelay $0x4  }
0x4e0: {  	[tilespmem:s9+$0x16210] =	vst v17;
	v17 =	vld [tilespmem:s9+$0x14230];
	_ =	sdelay $0x1  }
0x4e1: {  	v18 =	vld.idx.msk [tilespmem:v19+s26+$0x0], $0xffff;
	_ =	sdelay $0x3  }
0x4e2: {  	s10 =	simm.s32 $0x200;
	s11 =	simm.s32 $0x40  }
.LBB2_38:
0x4e3: {  	p1 =	sne.s32 s10, $0x7F00;
	v19 =	vld [tilespmem:s11+$0x14200];
	[tilespmem:s9+$0x16220] =	vst v18  }
0x4e4: {  	v17 =	vld.idx.msk [tilespmem:v17+s26+$0x0], $0xffff;
	_ =	sdelay $0x5  }
0x4e5: {  	v18 =	vld [tilespmem:s11+$0x14210];
	[tilespmem:s9+$0x16230] =	vst v17;
	s9 =	smov.u32 s11  }
0x4e6: {  	v17 =	vld.idx.msk [tilespmem:v19+s26+$0x0], $0xffff;
	_ =	sdelay $0x5  }
0x4e7: {  	[tilespmem:s9+$0x16200] =	vst v17;
	v19 =	vld [tilespmem:s9+$0x14220]  }
0x4e8: {  	v17 =	vld.idx.msk [tilespmem:v18+s26+$0x0], $0xffff;
	_ =	sdelay $0x5  }
0x4e9: {  	[tilespmem:s9+$0x16210] =	vst v17;
	v17 =	vld [tilespmem:s9+$0x14230]  }
0x4ea: {  	v18 =	vld.idx.msk [tilespmem:v19+s26+$0x0], $0xffff  }
.Ltmp18:
0x4eb: {  	(pc) =	sbr.rel @p1 .LBB2_38-.Ltmp18, $2  }
0x4ec: {  	_ =	sdelay $0x2  }
0x4ed: {  	s11 =	sshra.s32 s10, $0x2;
	s10 =	sadd.s32 $0x100, s10  }
0x4ee: {  	_ =	sdelay $0x1  }
0x4ef: {  	v19 =	vld [tilespmem:s11+$0x14200]  }
0x4f0: {  	[tilespmem:s9+$0x16220] =	vst v18  }
0x4f1: {  	v17 =	vld.idx.msk [tilespmem:v17+s26+$0x0], $0xffff;
	_ =	sdelay $0x3  }
0x4f2: {  	v18 =	vld [tilespmem:s11+$0x14210]  }
0x4f3: {  	[tilespmem:s9+$0x16230] =	vst v17  }
0x4f4: {  	v17 =	vld.idx.msk [tilespmem:v19+s26+$0x0], $0xffff;
	_ =	sdelay $0x4  }
0x4f5: {  	[tilespmem:s11+$0x16200] =	vst v17;
	v17 =	vld [tilespmem:s11+$0x14220]  }
0x4f6: {  	v18 =	vld.idx.msk [tilespmem:v18+s26+$0x0], $0xffff;
	_ =	sdelay $0x4  }
0x4f7: {  	[tilespmem:s11+$0x16210] =	vst v18;
	v18 =	vld [tilespmem:s11+$0x14230];
	_ =	sdelay $0x1  }
0x4f8: {  	v17 =	vld.idx.msk [tilespmem:v17+s26+$0x0], $0xffff;
	_ =	sdelay $0x4  }
0x4f9: {  	[tilespmem:s11+$0x16220] =	vst v17  }
0x4fa: {  	v17 =	vld.idx.msk [tilespmem:v18+s26+$0x0], $0xffff;
	_ =	sdelay $0x4  }
0x4fb: {  	s1 =	rddreg [dreg:$0xf];
	[tilespmem:s11+$0x16230] =	vst v17  }
0x4fc: {  	[hbm4b:s1+s24] =	stream.strided.scatter [tilespmem:s16], [sflag:$0x3], $0x2000, s25, s24, $0x38;
	[tilespmem:$0x1C300] =	vst v63  }
0x4fd: {  	_ =	swait.ge [sflag:s6], $0x8000  }
0x4fe: {  	[sflag:s6] =	ssyncset.done $0x0  }
0x4ff: {  	[sflag:s6] =	ssyncadd.s32 $0xFFFF8000  }
0x500: {  	_ =	swait.ge [sflag:s7], $0x2000  }
0x501: {  	[sflag:s7] =	ssyncset.done $0x0  }
0x502: {  	s9 =	simm.s32 $0x0;
	[sflag:s7] =	ssyncadd.s32 $0xFFFFE000  }
0x503: {  	v17 =	vld [tilespmem:s9+$0x14200];
	_ =	sdelay $0x5  }
0x504: {  	v18 =	vld [tilespmem:s9+$0x14210];
	_ =	sdelay $0x1  }
0x505: {  	v17 =	vld.idx.msk [tilespmem:v17+s28+$0x0], $0xffff;
	_ =	sdelay $0x4  }
0x506: {  	v19 =	vld [tilespmem:s9+$0x14220];
	[tilespmem:s9+$0x18200] =	vst v17  }
0x507: {  	v17 =	vld.idx.msk [tilespmem:v18+s28+$0x0], $0xffff;
	_ =	sdelay $0x4  }
0x508: {  	[tilespmem:s9+$0x18210] =	vst v17;
	v17 =	vld [tilespmem:s9+$0x14230];
	_ =	sdelay $0x1  }
0x509: {  	v18 =	vld.idx.msk [tilespmem:v19+s28+$0x0], $0xffff;
	_ =	sdelay $0x3  }
0x50a: {  	s10 =	simm.s32 $0x200;
	s11 =	simm.s32 $0x40  }
.LBB2_40:
0x50b: {  	p1 =	sne.s32 s10, $0x7F00;
	v19 =	vld [tilespmem:s11+$0x14200];
	[tilespmem:s9+$0x18220] =	vst v18  }
0x50c: {  	v17 =	vld.idx.msk [tilespmem:v17+s28+$0x0], $0xffff;
	_ =	sdelay $0x5  }
0x50d: {  	v18 =	vld [tilespmem:s11+$0x14210];
	[tilespmem:s9+$0x18230] =	vst v17;
	s9 =	smov.u32 s11  }
0x50e: {  	v17 =	vld.idx.msk [tilespmem:v19+s28+$0x0], $0xffff;
	_ =	sdelay $0x5  }
0x50f: {  	[tilespmem:s9+$0x18200] =	vst v17;
	v19 =	vld [tilespmem:s9+$0x14220]  }
0x510: {  	v17 =	vld.idx.msk [tilespmem:v18+s28+$0x0], $0xffff;
	_ =	sdelay $0x5  }
0x511: {  	[tilespmem:s9+$0x18210] =	vst v17;
	v17 =	vld [tilespmem:s9+$0x14230]  }
0x512: {  	v18 =	vld.idx.msk [tilespmem:v19+s28+$0x0], $0xffff  }
.Ltmp19:
0x513: {  	(pc) =	sbr.rel @p1 .LBB2_40-.Ltmp19, $2  }
0x514: {  	_ =	sdelay $0x2  }
0x515: {  	s11 =	sshra.s32 s10, $0x2;
	s10 =	sadd.s32 $0x100, s10  }
0x516: {  	_ =	sdelay $0x1  }
0x517: {  	v19 =	vld [tilespmem:s11+$0x14200]  }
0x518: {  	[tilespmem:s9+$0x18220] =	vst v18  }
0x519: {  	v17 =	vld.idx.msk [tilespmem:v17+s28+$0x0], $0xffff;
	_ =	sdelay $0x3  }
0x51a: {  	v18 =	vld [tilespmem:s11+$0x14210]  }
0x51b: {  	[tilespmem:s9+$0x18230] =	vst v17  }
0x51c: {  	v17 =	vld.idx.msk [tilespmem:v19+s28+$0x0], $0xffff;
	_ =	sdelay $0x4  }
0x51d: {  	[tilespmem:s11+$0x18200] =	vst v17;
	v17 =	vld [tilespmem:s11+$0x14220]  }
0x51e: {  	v18 =	vld.idx.msk [tilespmem:v18+s28+$0x0], $0xffff;
	_ =	sdelay $0x4  }
0x51f: {  	[tilespmem:s11+$0x18210] =	vst v18;
	v18 =	vld [tilespmem:s11+$0x14230];
	_ =	sdelay $0x1  }
0x520: {  	v17 =	vld.idx.msk [tilespmem:v17+s28+$0x0], $0xffff;
	_ =	sdelay $0x4  }
0x521: {  	[tilespmem:s11+$0x18220] =	vst v17  }
0x522: {  	v17 =	vld.idx.msk [tilespmem:v18+s28+$0x0], $0xffff;
	_ =	sdelay $0x4  }
0x523: {  	s1 =	rddreg [dreg:$0x10];
	[tilespmem:s11+$0x18230] =	vst v17  }
0x524: {  	[hbm4b:s1+s24] =	stream.strided.scatter [tilespmem:s18], [sflag:$0x3], $0x2000, s25, s24, $0x38;
	[tilespmem:$0x1C300] =	vst v63  }
0x525: {  	_ =	swait.ge [sflag:s7], $0x2000  }
0x526: {  	[sflag:s7] =	ssyncset.done $0x0  }
0x527: {  	[sflag:s7] =	ssyncadd.s32 $0xFFFFE000  }
0x528: {  	_ =	swait.ge [sflag:s7], $0x2000  }
0x529: {  	s8 =	sadd.s32 $0x1, s8;
	s14 =	rddreg [dreg:$0x12]  }
0x52a: {  	p1 =	sne.s32 s8, s14  }
.Ltmp20:
0x52b: {  	_ = 	snop;
	(pc) =	sbr.rel @p1 .LBB2_1-.Ltmp20, $3  }
0x52c: {  	_ =	sdelay $0x1  }
0x52d: {  	[sflag:s7] =	ssyncset.done $0x0  }
0x52e: {  	[sflag:s7] =	ssyncadd.s32 $0xFFFFE000  }
0x52f: {  	_ =	sfence.sel $0x180000  }
0x530: {  	[bflag:$0x0] =	sbarrier.arrive $0xFFFF  }
0x531: {  	_ =	strace $0x90000047  }
0x532: {  	[bflag:$0x2] =	sbarrier.arrive $0xFFFF  }
0x533: {  	s0 =	rddreg [dreg:$0x8]  }
0x534: {  	s0 =	sadd.s32 @!p0 $0x100000, s0  }
0x535: {  	[sflag:s0] =	ssyncadd.tile.s32 @!p0 $0x1;
	_ =	shalt  }
.Lfunc_end2:
_tile_overlayer_lowered:
.L_overlay_start_2:
0x536: {  	(tag) =	ssettag $0x2  }
0x537: {  	s0 =	rddreg [dreg:$0x0];
	s2 =	stileid.u32  }
0x538: {  	s1 =	rddreg [dreg:$0x1];
	p0 =	sne.s32 s2, $0x0  }
0x539: {  	s3 =	rddreg [dreg:$0x2];
	[bflag:$0x3] =	sbarrier.arrive $0xFFFF;
	s2 =	simm.s32 @!p0 $0x1C04  }
0x53a: {  	[timem:s3], [sflag:s2] =	dma.local @!p0 [hbm:s0], s1  }
0x53b: {  	s0 =	simm.s32 @!p0 $0x4  }
0x53c: {  	_ =	swait.ge @!p0 [sflag:s0], s1  }
0x53d: {  	s1 =	ssub.s32 @!p0 $0x0, s1;
	[sflag:s0] =	ssyncset.done @!p0 $0x0  }
0x53e: {  	[sflag:s0] =	ssyncadd.s32 @!p0 s1  }
0x53f: {  	[bflag:$0x3] =	sbarrier.arrive $0xFFFF  }
0x540: {  	_ =	shalt  }

</sc_bundles>
